<compile_context>
chip_gen: v7x
topology: tpu7x:2x2x1
jax: 0.10.2.dev20260603
libtpu: 0.0.44.dev20260713+nightly
codegen_flags: <defaults>
</compile_context>

<pallas_src>
import functools

import jax
import jax.numpy as jnp
from jax import lax
from jax.experimental import pallas as pl
from jax.experimental.pallas import tpu as pltpu
from jax.experimental.pallas import tpu_sc as plsc

N = 10000
D = 128
H = 128
C = 64
E = 320000

NC = 2
NS = 16
NW = NC * NS
EPW = E // NW
CHUNK = 80
NCHUNK = EPW // CHUNK
RCH = 80
NRCH = N // RCH
RITER = -(-NRCH // NS)
DEG_W = 128
ACH = 80
ANCH = 128
EPWP = ANCH * ACH
QROWS = N + 16


def _strided_rows(s, fn):

    def body(j, carry):
        idx = s + NS * j

        @pl.when(idx < NRCH)
        def _():
            fn(idx * RCH)

        return carry

    lax.fori_loop(0, RITER, body, 0)

_mesh = plsc.VectorSubcoreMesh(core_axis_name="c", subcore_axis_name="s")


@functools.partial(
    pl.kernel,
    out_type=jax.ShapeDtypeStruct((NC, N, DEG_W), jnp.float32),
    mesh=_mesh,
    scratch_types=[
        pltpu.VMEM((NCHUNK, CHUNK), jnp.int32),
        pltpu.VMEM((CHUNK, DEG_W), jnp.float32),
        pltpu.VMEM_SHARED((N, DEG_W), jnp.float32),
        pltpu.SemaphoreType.DMA,
        pltpu.SemaphoreType.DMA,
    ],
)
def _deg_kernel(dst_hbm, zeros_hbm, ones_hbm, out_hbm, idx_v, ones_v, deg_sh,
                sem_a, sem_b):
    c = lax.axis_index("c")
    s = lax.axis_index("s")
    wid = s * NC + c
    _strided_rows(s, lambda r: pltpu.sync_copy(
        zeros_hbm.at[pl.ds(r, RCH)], deg_sh.at[pl.ds(r, RCH)]))
    pltpu.sync_copy(dst_hbm.at[wid], idx_v)
    pltpu.sync_copy(ones_hbm, ones_v)
    plsc.subcore_barrier()

    def step(i, sem):
        @pl.when(i >= 2)
        def _():
            pltpu.make_async_copy(
                ones_v, deg_sh.at[idx_v.at[i]], sem).wait()

        pltpu.async_copy(ones_v, deg_sh.at[idx_v.at[i]], sem, add=True)

    step(0, sem_a)

    def body(g, carry):
        step(2 * g + 1, sem_b)
        step(2 * g + 2, sem_a)
        return carry

    lax.fori_loop(0, (NCHUNK - 1) // 2, body, 0)
    pltpu.make_async_copy(ones_v, deg_sh.at[idx_v.at[0]], sem_a).wait()
    pltpu.make_async_copy(ones_v, deg_sh.at[idx_v.at[0]], sem_b).wait()
    plsc.subcore_barrier()
    _strided_rows(s, lambda r: pltpu.sync_copy(
        deg_sh.at[pl.ds(r, RCH)], out_hbm.at[c, pl.ds(r, RCH)]))


@functools.partial(
    pl.kernel,
    out_type=jax.ShapeDtypeStruct((NC, N, D), jnp.float32),
    mesh=_mesh,
    scratch_types=[
        pltpu.VMEM((ACH,), jnp.int32),
        pltpu.VMEM((ACH,), jnp.int32),
        pltpu.VMEM((ACH,), jnp.int32),
        pltpu.VMEM((ACH,), jnp.int32),
        pltpu.VMEM((ACH,), jnp.int32),
        pltpu.VMEM((ACH,), jnp.int32),
        pltpu.VMEM((ACH,), jnp.int32),
        pltpu.VMEM((ACH,), jnp.int32),
        pltpu.VMEM((ACH, D), jnp.float32),
        pltpu.VMEM((ACH, D), jnp.float32),
        pltpu.VMEM_SHARED((QROWS, D), jnp.float32),
        pltpu.SemaphoreType.DMA,
        pltpu.SemaphoreType.DMA,
        pltpu.SemaphoreType.DMA,
        pltpu.SemaphoreType.DMA,
        pltpu.SemaphoreType.DMA,
        pltpu.SemaphoreType.DMA,
        pltpu.SemaphoreType.DMA,
        pltpu.SemaphoreType.DMA,
    ],
)
def _agg_kernel(p_hbm, src_hbm, dst_hbm, zeros_hbm, out_hbm,
                sb0, sb1, sb2, sb3, db0, db1, db2, db3,
                rows_a, rows_b, q_sh,
                isem0, isem1, isem2, isem3,
                gsem_a, gsem_b, ssem_a, ssem_b):
    c = lax.axis_index("c")
    s = lax.axis_index("s")
    wid = s * NC + c
    _strided_rows(s, lambda r: pltpu.sync_copy(
        zeros_hbm.at[pl.ds(r, RCH)], q_sh.at[pl.ds(r, RCH)]))
    plsc.subcore_barrier()

    sb = (sb0, sb1, sb2, sb3)
    db = (db0, db1, db2, db3)
    isem = (isem0, isem1, isem2, isem3)
    rows = (rows_a, rows_b)
    gsem = (gsem_a, gsem_b)
    ssem = (ssem_a, ssem_b)

    def fetch(i, r):
        pltpu.async_copy(src_hbm.at[wid, i], sb[r % 4], isem[r % 4])
        pltpu.async_copy(dst_hbm.at[wid, i], db[r % 4], isem[r % 4])

    def fetch_wait(r):
        pltpu.make_async_copy(src_hbm.at[wid, 0], sb[r % 4],
                              isem[r % 4]).wait()
        pltpu.make_async_copy(dst_hbm.at[wid, 0], db[r % 4],
                              isem[r % 4]).wait()

    def step(i, r):
        s_c, s_n = sb[r % 4], sb[(r + 1) % 4]
        d_c = db[r % 4]
        r_c, r_o = rows[r % 2], rows[(r + 1) % 2]
        g_c, g_o = gsem[r % 2], gsem[(r + 1) % 2]
        w_c, w_o = ssem[r % 2], ssem[(r + 1) % 2]

        @pl.when(jnp.logical_and(i >= 1, i + 1 < ANCH))
        def _():
            pltpu.make_async_copy(r_o, q_sh.at[d_c], w_o).wait()

        @pl.when(i + 1 < ANCH)
        def _():
            fetch_wait(r + 1)
            pltpu.async_copy(p_hbm.at[s_n], r_o, g_o)

        pltpu.make_async_copy(p_hbm.at[s_c], r_c, g_c).wait()

        @pl.when(i + 2 < ANCH)
        def _():
            fetch(i + 2, r + 2)

        pltpu.async_copy(r_c, q_sh.at[d_c], w_c, add=True)

    fetch(0, 0)
    fetch(1, 1)
    fetch_wait(0)
    pltpu.async_copy(p_hbm.at[sb0], rows_a, gsem_a)

    def body(g, carry):
        step(4 * g, 0)
        step(4 * g + 1, 1)
        step(4 * g + 2, 2)
        step(4 * g + 3, 3)
        return carry

    lax.fori_loop(0, ANCH // 4, body, 0)
    pltpu.make_async_copy(rows_a, q_sh.at[db0], ssem_a).wait()
    pltpu.make_async_copy(rows_b, q_sh.at[db0], ssem_b).wait()
    plsc.subcore_barrier()
    _strided_rows(s, lambda r: pltpu.sync_copy(
        q_sh.at[pl.ds(r, RCH)], out_hbm.at[c, pl.ds(r, RCH)]))


ROWS = 2000
GRID = N // ROWS


def _dinv(deg_ref):
    d = deg_ref[0, :, 0:1] + deg_ref[1, :, 0:1] + 1.0
    return lax.rsqrt(d)


def _elu(v):
    return jnp.where(v > 0, v, jnp.exp(jnp.minimum(v, 0.0)) - 1.0)


def _prep_body(deg_ref, x_ref, w_ref, p_ref):
    dinv = _dinv(deg_ref)
    u = jnp.dot(x_ref[...], w_ref[...], preferred_element_type=jnp.float32)
    p_ref[...] = u * dinv


def _mid_body(deg_ref, q_ref, p_ref, b_ref, w_ref, out_ref):
    dinv = _dinv(deg_ref)
    h = _elu((q_ref[0] + q_ref[1] + p_ref[...]) * dinv + b_ref[...])
    out_ref[...] = jnp.dot(
        h, w_ref[...], preferred_element_type=jnp.float32) * dinv


def _fin_body(deg_ref, q_ref, p_ref, b_ref, wm_ref, bm_ref, h_ref, s_ref):
    dinv = _dinv(deg_ref)
    h = _elu((q_ref[0] + q_ref[1] + p_ref[...]) * dinv + b_ref[...])
    h_ref[...] = h
    s_ref[...] = _elu(
        jnp.dot(h, wm_ref[...], preferred_element_type=jnp.float32)
        + bm_ref[...])


_deg_spec = pl.BlockSpec((2, ROWS, DEG_W), lambda i: (0, i, 0))
_row_spec = pl.BlockSpec((ROWS, D), lambda i: (i, 0))
_q_spec = pl.BlockSpec((2, ROWS, D), lambda i: (0, i, 0))
_w_spec = pl.BlockSpec((D, H), lambda i: (0, 0))
_b_spec = pl.BlockSpec((1, H), lambda i: (0, 0))

_prep_call = pl.pallas_call(
    _prep_body,
    grid=(GRID,),
    in_specs=[_deg_spec, _row_spec, _w_spec],
    out_specs=_row_spec,
    out_shape=jax.ShapeDtypeStruct((N, H), jnp.float32),
)

_mid_call = pl.pallas_call(
    _mid_body,
    grid=(GRID,),
    in_specs=[_deg_spec, _q_spec, _row_spec, _b_spec, _w_spec],
    out_specs=_row_spec,
    out_shape=jax.ShapeDtypeStruct((N, H), jnp.float32),
)

_fin_call = pl.pallas_call(
    _fin_body,
    grid=(GRID,),
    in_specs=[_deg_spec, _q_spec, _row_spec, _b_spec,
              pl.BlockSpec((H, C), lambda i: (0, 0)),
              pl.BlockSpec((1, C), lambda i: (0, 0))],
    out_specs=[_row_spec, pl.BlockSpec((ROWS, C), lambda i: (i, 0))],
    out_shape=[jax.ShapeDtypeStruct((N, H), jnp.float32),
               jax.ShapeDtypeStruct((N, C), jnp.float32)],
)


def kernel(x, edge_index, W1, b1, W2, b2, W3, b3, W4, b4,
           Wm1, bm1, Wm2, bm2, Wm3, bm3):
    ei = edge_index.astype(jnp.int32)
    dst = ei[1].reshape(NW, NCHUNK, CHUNK)
    srcp = jnp.pad(ei[0].reshape(NW, EPW),
                   ((0, 0), (0, EPWP - EPW))).reshape(NW, ANCH, ACH)
    dstp = jnp.pad(ei[1].reshape(NW, EPW), ((0, 0), (0, EPWP - EPW)),
                   constant_values=N).reshape(NW, ANCH, ACH)
    zeros_d = jnp.zeros((N, D), jnp.float32)
    zeros_w = jnp.zeros((N, DEG_W), jnp.float32)
    ones_w = jnp.ones((CHUNK, DEG_W), jnp.float32)

    deg2 = _deg_kernel(dst, zeros_w, ones_w)
    p = _prep_call(deg2, x, W1)
    for b, Wn in ((b1, W2), (b2, W3), (b3, W4)):
        q = _agg_kernel(p, srcp, dstp, zeros_d)
        p = _mid_call(deg2, q, p, b.reshape(1, H), Wn)
    q = _agg_kernel(p, srcp, dstp, zeros_d)
    h, S = _fin_call(deg2, q, p, b4.reshape(1, H), Wm3, bm3.reshape(1, C))
    return (h, S)

# --- scband reference (transcript-rebuilt; emitter-appended) ---
"""Pipeline reference for scband-deep-pool-net-78975858639084 (READ-ONLY COPY).

The authoritative reference and input builder live on the scoring server;
editing this copy changes nothing except your own understanding.
"""

import jax, jax.numpy as jnp
import numpy as np

N = 10000
D = 128
H = 128
C = 64
E = 320000


def gcn_conv(x, W, b, edge_index, n):
    # Faithful PyG GCNConv: add self-loops, symmetric normalization,
    # linear transform, scatter-add aggregation, then bias.
    src = edge_index[0]
    dst = edge_index[1]
    loop = jnp.arange(n, dtype=edge_index.dtype)
    src = jnp.concatenate([src, loop])
    dst = jnp.concatenate([dst, loop])
    deg = jnp.zeros((n,), dtype=x.dtype).at[dst].add(1.0)
    dinv = jnp.where(deg > 0, deg ** -0.5, 0.0)
    norm = dinv[src] * dinv[dst]
    h = x @ W
    msg = h[src] * norm[:, None]
    out = jnp.zeros_like(h).at[dst].add(msg)
    return out + b


def setup_inputs(seed: int = 0) -> dict:
    key = jax.random.key(seed)
    ks = [jax.random.fold_in(key, i) for i in range(20)]
    inp = {}
    inp['x'] = jax.random.normal(ks[0], (N, D), dtype=jnp.float32)
    inp['edge_index'] = jax.random.randint(ks[1], (2, E), 0, N, dtype=jnp.int64)
    s = 1.0 / np.sqrt(D)
    inp['W1'] = jax.random.uniform(ks[2], (D, H), jnp.float32, -s, s)
    inp['b1'] = jnp.zeros((H,), jnp.float32)
    sh = 1.0 / np.sqrt(H)
    inp['W2'] = jax.random.uniform(ks[3], (H, H), jnp.float32, -sh, sh)
    inp['b2'] = jnp.zeros((H,), jnp.float32)
    inp['W3'] = jax.random.uniform(ks[4], (H, H), jnp.float32, -sh, sh)
    inp['b3'] = jnp.zeros((H,), jnp.float32)
    inp['W4'] = jax.random.uniform(ks[5], (H, H), jnp.float32, -sh, sh)
    inp['b4'] = jnp.zeros((H,), jnp.float32)
    # MLP: hidden_layers=3 -> 2 hidden Linear(H,H) + final Linear(H,C)
    inp['Wm1'] = jax.random.uniform(ks[6], (H, H), jnp.float32, -sh, sh)
    inp['bm1'] = jax.random.uniform(ks[7], (H,), jnp.float32, -sh, sh)
    inp['Wm2'] = jax.random.uniform(ks[8], (H, H), jnp.float32, -sh, sh)
    inp['bm2'] = jax.random.uniform(ks[9], (H,), jnp.float32, -sh, sh)
    inp['Wm3'] = jax.random.uniform(ks[10], (H, C), jnp.float32, -sh, sh)
    inp['bm3'] = jax.random.uniform(ks[11], (C,), jnp.float32, -sh, sh)
    return inp


def reference(x, edge_index, W1, b1, W2, b2, W3, b3, W4, b4, Wm1, bm1, Wm2, bm2, Wm3, bm3):
    n = x.shape[0]
    h = jax.nn.elu(gcn_conv(x, W1, b1, edge_index, n))
    h = jax.nn.elu(gcn_conv(h, W2, b2, edge_index, n))
    h = jax.nn.elu(gcn_conv(h, W3, b3, edge_index, n))
    h = jax.nn.elu(gcn_conv(h, W4, b4, edge_index, n))
    # Faithful to the original forward: s is never updated inside the loop,
    # so S is overwritten each iteration; only the last layer's output survives.
    s = h
    S = jax.nn.elu(s @ Wm1 + bm1)
    S = jax.nn.elu(s @ Wm2 + bm2)
    S = jax.nn.elu(s @ Wm3 + bm3)
    return (h, S)

if __name__ == "__main__":
    import jax
    _d = setup_inputs()
    print(jax.jit(kernel)(*tuple(_d.values())))

</pallas_src>

<mosaic_0001>
#map = affine_map<(d0, d1) -> (0, 0)>
#map1 = affine_map<(d0, d1) -> (0, 0, 0)>
module attributes {stable_mosaic.version = 14 : i64} {
  func.func @_agg_kernel(%arg0: i32, %arg1: i32, %arg2: memref<10000x128xf32, #tpu.memory_space<hbm>>, %arg3: memref<32x128x80xi32, #tpu.memory_space<hbm>>, %arg4: memref<32x128x80xi32, #tpu.memory_space<hbm>>, %arg5: memref<10000x128xf32, #tpu.memory_space<hbm>>, %arg6: memref<2x10000x128xf32, #tpu.memory_space<hbm>>, %arg7: memref<80xi32, #tpu.memory_space<vmem>>, %arg8: memref<80xi32, #tpu.memory_space<vmem>>, %arg9: memref<80xi32, #tpu.memory_space<vmem>>, %arg10: memref<80xi32, #tpu.memory_space<vmem>>, %arg11: memref<80xi32, #tpu.memory_space<vmem>>, %arg12: memref<80xi32, #tpu.memory_space<vmem>>, %arg13: memref<80xi32, #tpu.memory_space<vmem>>, %arg14: memref<80xi32, #tpu.memory_space<vmem>>, %arg15: memref<80x128xf32, #tpu.memory_space<vmem>>, %arg16: memref<80x128xf32, #tpu.memory_space<vmem>>, %arg17: memref<10016x128xf32, #tpu.memory_space<vmem_shared>>, %arg18: memref<!tpu.dma_semaphore, #tpu.memory_space<semaphore_mem>>, %arg19: memref<!tpu.dma_semaphore, #tpu.memory_space<semaphore_mem>>, %arg20: memref<!tpu.dma_semaphore, #tpu.memory_space<semaphore_mem>>, %arg21: memref<!tpu.dma_semaphore, #tpu.memory_space<semaphore_mem>>, %arg22: memref<!tpu.dma_semaphore, #tpu.memory_space<semaphore_mem>>, %arg23: memref<!tpu.dma_semaphore, #tpu.memory_space<semaphore_mem>>, %arg24: memref<!tpu.dma_semaphore, #tpu.memory_space<semaphore_mem>>, %arg25: memref<!tpu.dma_semaphore, #tpu.memory_space<semaphore_mem>>) attributes {dimension_semantics = [#tpu.dimension_semantics<core_parallel>, #tpu.dimension_semantics<subcore_parallel>], iteration_bounds = array<i64: 2, 16>, scalar_prefetch = 0 : i64, scratch_operands = 19 : i64, tpu.core_type = #tpu.core_type<sc_vector_subcore>, window_params = [{transform_indices = #map}, {transform_indices = #map1}, {transform_indices = #map1}, {transform_indices = #map}, {transform_indices = #map1}]} {
    %mul3A = arith.constant 2 : i32
    %mul3A_0 = arith.muli %arg1, %mul3A : i32
    %add3A = arith.addi %mul3A_0, %arg0 : i32
    %scan3A = arith.constant 0 : i32
    %scan3A_1 = arith.constant 0 : i32
    %scan3A_2 = arith.constant 8 : i32
    %scan3A_3 = arith.addi %scan3A_1, %scan3A_2 : i32
    %scan3A_4 = arith.constant 1 : i32
    scf.for %scan3A_68 = %scan3A_1 to %scan3A_3 step %scan3A_4  : i32 {
      %mul3A_69 = arith.constant 16 : i32
      %mul3A_70 = arith.muli %mul3A_69, %scan3A_68 : i32
      %add3A_71 = arith.addi %arg1, %mul3A_70 : i32
      %lt3A = arith.constant 125 : i32
      %lt3A_72 = arith.cmpi slt, %add3A_71, %lt3A : i32
      %convert_element_type3A = arith.extui %lt3A_72 : i1 to i32
      %cond3A = arith.constant 0 : i32
      %cond3A_73 = arith.cmpi ne, %convert_element_type3A, %cond3A : i32
      scf.if %cond3A_73 {
        %mul3A_74 = arith.constant 80 : i32
        %mul3A_75 = arith.muli %add3A_71, %mul3A_74 : i32
        "tpu.region"() ({
          %run_scoped3A = tpu.sem_alloc : memref<!tpu.dma_semaphore, #tpu.memory_space<semaphore_mem>>
          %dma_start3A_76 = arith.constant 0 : i32
          %dma_start3A_77 = tpu.memref_slice %arg17[%mul3A_75, %dma_start3A_76] : memref<10016x128xf32, #tpu.memory_space<vmem_shared>> -> memref<80x128xf32, #tpu.memory_space<vmem_shared>>
          %dma_start3A_78 = arith.constant 0 : i32
          %dma_start3A_79 = tpu.memref_slice %arg5[%mul3A_75, %dma_start3A_78] : memref<10000x128xf32, #tpu.memory_space<hbm>> -> memref<80x128xf32, #tpu.memory_space<hbm>>
          tpu.enqueue_dma source(%dma_start3A_79 : memref<80x128xf32, #tpu.memory_space<hbm>>) target(%dma_start3A_77 : memref<80x128xf32, #tpu.memory_space<vmem_shared>>) target_semaphore(%run_scoped3A : memref<!tpu.dma_semaphore, #tpu.memory_space<semaphore_mem>>)
          %dma_wait3A_80 = arith.constant 0 : i32
          %dma_wait3A_81 = tpu.memref_slice %arg17[%mul3A_75, %dma_wait3A_80] : memref<10016x128xf32, #tpu.memory_space<vmem_shared>> -> memref<80x128xf32, #tpu.memory_space<vmem_shared>>
          %dma_wait3A_82 = arith.constant 0 : i32
          %dma_wait3A_83 = tpu.memref_slice %arg5[%mul3A_75, %dma_wait3A_82] : memref<10000x128xf32, #tpu.memory_space<hbm>> -> memref<80x128xf32, #tpu.memory_space<hbm>>
          tpu.wait_dma2 semaphore(%run_scoped3A : memref<!tpu.dma_semaphore, #tpu.memory_space<semaphore_mem>>) src(%dma_wait3A_83 : memref<80x128xf32, #tpu.memory_space<hbm>>) dst(%dma_wait3A_81 : memref<80x128xf32, #tpu.memory_space<vmem_shared>>)
          tpu.yield
        }) : () -> ()
      } else {
      }
    }
    %scan3A_5 = arith.constant 8 : i32
    %barrier3A = arith.constant 0 : index
    tpu.barrier barrier_id(%barrier3A)
    %dma_start3A = arith.constant 0 : i32
    %dma_start3A_6 = arith.constant 0 : i32
    %dma_start3A_7 = tpu.memref_slice %arg3[%add3A, %dma_start3A, %dma_start3A_6] : memref<32x128x80xi32, #tpu.memory_space<hbm>> -> memref<1x1x80xi32, #tpu.memory_space<hbm>>
    %dma_start3A_8 = tpu.memref_squeeze %dma_start3A_7 : memref<1x1x80xi32, #tpu.memory_space<hbm>> -> memref<80xi32, #tpu.memory_space<hbm>>
    %dma_start3A_9 = arith.constant 0 : i32
    %dma_start3A_10 = tpu.memref_slice %arg3[%add3A, %dma_start3A, %dma_start3A_9] : memref<32x128x80xi32, #tpu.memory_space<hbm>> -> memref<1x1x80xi32, #tpu.memory_space<hbm>>
    %dma_start3A_11 = tpu.memref_squeeze %dma_start3A_10 : memref<1x1x80xi32, #tpu.memory_space<hbm>> -> memref<80xi32, #tpu.memory_space<hbm>>
    tpu.enqueue_dma source(%dma_start3A_11 : memref<80xi32, #tpu.memory_space<hbm>>) target(%arg7 : memref<80xi32, #tpu.memory_space<vmem>>) target_semaphore(%arg18 : memref<!tpu.dma_semaphore, #tpu.memory_space<semaphore_mem>>)
    %dma_start3A_12 = arith.constant 0 : i32
    %dma_start3A_13 = arith.constant 0 : i32
    %dma_start3A_14 = tpu.memref_slice %arg4[%add3A, %dma_start3A_12, %dma_start3A_13] : memref<32x128x80xi32, #tpu.memory_space<hbm>> -> memref<1x1x80xi32, #tpu.memory_space<hbm>>
    %dma_start3A_15 = tpu.memref_squeeze %dma_start3A_14 : memref<1x1x80xi32, #tpu.memory_space<hbm>> -> memref<80xi32, #tpu.memory_space<hbm>>
    %dma_start3A_16 = arith.constant 0 : i32
    %dma_start3A_17 = tpu.memref_slice %arg4[%add3A, %dma_start3A_12, %dma_start3A_16] : memref<32x128x80xi32, #tpu.memory_space<hbm>> -> memref<1x1x80xi32, #tpu.memory_space<hbm>>
    %dma_start3A_18 = tpu.memref_squeeze %dma_start3A_17 : memref<1x1x80xi32, #tpu.memory_space<hbm>> -> memref<80xi32, #tpu.memory_space<hbm>>
    tpu.enqueue_dma source(%dma_start3A_18 : memref<80xi32, #tpu.memory_space<hbm>>) target(%arg11 : memref<80xi32, #tpu.memory_space<vmem>>) target_semaphore(%arg18 : memref<!tpu.dma_semaphore, #tpu.memory_space<semaphore_mem>>)
    %dma_start3A_19 = arith.constant 1 : i32
    %dma_start3A_20 = arith.constant 0 : i32
    %dma_start3A_21 = tpu.memref_slice %arg3[%add3A, %dma_start3A_19, %dma_start3A_20] : memref<32x128x80xi32, #tpu.memory_space<hbm>> -> memref<1x1x80xi32, #tpu.memory_space<hbm>>
    %dma_start3A_22 = tpu.memref_squeeze %dma_start3A_21 : memref<1x1x80xi32, #tpu.memory_space<hbm>> -> memref<80xi32, #tpu.memory_space<hbm>>
    %dma_start3A_23 = arith.constant 0 : i32
    %dma_start3A_24 = tpu.memref_slice %arg3[%add3A, %dma_start3A_19, %dma_start3A_23] : memref<32x128x80xi32, #tpu.memory_space<hbm>> -> memref<1x1x80xi32, #tpu.memory_space<hbm>>
    %dma_start3A_25 = tpu.memref_squeeze %dma_start3A_24 : memref<1x1x80xi32, #tpu.memory_space<hbm>> -> memref<80xi32, #tpu.memory_space<hbm>>
    tpu.enqueue_dma source(%dma_start3A_25 : memref<80xi32, #tpu.memory_space<hbm>>) target(%arg8 : memref<80xi32, #tpu.memory_space<vmem>>) target_semaphore(%arg19 : memref<!tpu.dma_semaphore, #tpu.memory_space<semaphore_mem>>)
    %dma_start3A_26 = arith.constant 1 : i32
    %dma_start3A_27 = arith.constant 0 : i32
    %dma_start3A_28 = tpu.memref_slice %arg4[%add3A, %dma_start3A_26, %dma_start3A_27] : memref<32x128x80xi32, #tpu.memory_space<hbm>> -> memref<1x1x80xi32, #tpu.memory_space<hbm>>
    %dma_start3A_29 = tpu.memref_squeeze %dma_start3A_28 : memref<1x1x80xi32, #tpu.memory_space<hbm>> -> memref<80xi32, #tpu.memory_space<hbm>>
    %dma_start3A_30 = arith.constant 0 : i32
    %dma_start3A_31 = tpu.memref_slice %arg4[%add3A, %dma_start3A_26, %dma_start3A_30] : memref<32x128x80xi32, #tpu.memory_space<hbm>> -> memref<1x1x80xi32, #tpu.memory_space<hbm>>
    %dma_start3A_32 = tpu.memref_squeeze %dma_start3A_31 : memref<1x1x80xi32, #tpu.memory_space<hbm>> -> memref<80xi32, #tpu.memory_space<hbm>>
    tpu.enqueue_dma source(%dma_start3A_32 : memref<80xi32, #tpu.memory_space<hbm>>) target(%arg12 : memref<80xi32, #tpu.memory_space<vmem>>) target_semaphore(%arg19 : memref<!tpu.dma_semaphore, #tpu.memory_space<semaphore_mem>>)
    %dma_wait3A = arith.constant 0 : i32
    %dma_wait3A_33 = arith.constant 0 : i32
    %dma_wait3A_34 = tpu.memref_slice %arg3[%add3A, %dma_wait3A, %dma_wait3A_33] : memref<32x128x80xi32, #tpu.memory_space<hbm>> -> memref<1x1x80xi32, #tpu.memory_space<hbm>>
    %dma_wait3A_35 = tpu.memref_squeeze %dma_wait3A_34 : memref<1x1x80xi32, #tpu.memory_space<hbm>> -> memref<80xi32, #tpu.memory_space<hbm>>
    %dma_wait3A_36 = arith.constant 0 : i32
    %dma_wait3A_37 = tpu.memref_slice %arg3[%add3A, %dma_wait3A, %dma_wait3A_36] : memref<32x128x80xi32, #tpu.memory_space<hbm>> -> memref<1x1x80xi32, #tpu.memory_space<hbm>>
    %dma_wait3A_38 = tpu.memref_squeeze %dma_wait3A_37 : memref<1x1x80xi32, #tpu.memory_space<hbm>> -> memref<80xi32, #tpu.memory_space<hbm>>
    tpu.wait_dma2 semaphore(%arg18 : memref<!tpu.dma_semaphore, #tpu.memory_space<semaphore_mem>>) src(%dma_wait3A_38 : memref<80xi32, #tpu.memory_space<hbm>>) dst(%arg7 : memref<80xi32, #tpu.memory_space<vmem>>)
    %dma_wait3A_39 = arith.constant 0 : i32
    %dma_wait3A_40 = arith.constant 0 : i32
    %dma_wait3A_41 = tpu.memref_slice %arg4[%add3A, %dma_wait3A_39, %dma_wait3A_40] : memref<32x128x80xi32, #tpu.memory_space<hbm>> -> memref<1x1x80xi32, #tpu.memory_space<hbm>>
    %dma_wait3A_42 = tpu.memref_squeeze %dma_wait3A_41 : memref<1x1x80xi32, #tpu.memory_space<hbm>> -> memref<80xi32, #tpu.memory_space<hbm>>
    %dma_wait3A_43 = arith.constant 0 : i32
    %dma_wait3A_44 = tpu.memref_slice %arg4[%add3A, %dma_wait3A_39, %dma_wait3A_43] : memref<32x128x80xi32, #tpu.memory_space<hbm>> -> memref<1x1x80xi32, #tpu.memory_space<hbm>>
    %dma_wait3A_45 = tpu.memref_squeeze %dma_wait3A_44 : memref<1x1x80xi32, #tpu.memory_space<hbm>> -> memref<80xi32, #tpu.memory_space<hbm>>
    tpu.wait_dma2 semaphore(%arg18 : memref<!tpu.dma_semaphore, #tpu.memory_space<semaphore_mem>>) src(%dma_wait3A_45 : memref<80xi32, #tpu.memory_space<hbm>>) dst(%arg11 : memref<80xi32, #tpu.memory_space<vmem>>)
    %dma_start3A_46 = arith.constant 0 : i32
    %dma_start3A_47 = arith.constant 0 : i32
    %dma_start3A_48 = tpu.memref_slice %arg2[%dma_start3A_46, %dma_start3A_47] : memref<10000x128xf32, #tpu.memory_space<hbm>> -> memref<10000x128xf32, #tpu.memory_space<hbm>>
    tpu.enqueue_indirect_dma source(%dma_start3A_48 : memref<10000x128xf32, #tpu.memory_space<hbm>>) target(%arg15 : memref<80x128xf32, #tpu.memory_space<vmem>>) offsets(%arg7 : memref<80xi32, #tpu.memory_space<vmem>>) semaphore(%arg22 : memref<!tpu.dma_semaphore, #tpu.memory_space<semaphore_mem>>)
    %scan3A_49 = arith.constant 0 : i32
    %scan3A_50 = arith.constant 0 : i32
    %scan3A_51 = arith.constant 32 : i32
    %scan3A_52 = arith.addi %scan3A_50, %scan3A_51 : i32
    %scan3A_53 = arith.constant 1 : i32
    scf.for %scan3A_68 = %scan3A_50 to %scan3A_52 step %scan3A_53  : i32 {
      %mul3A_69 = arith.constant 4 : i32
      %mul3A_70 = arith.muli %mul3A_69, %scan3A_68 : i32
      %ge3A = arith.constant 1 : i32
      %ge3A_71 = arith.cmpi sge, %mul3A_70, %ge3A : i32
      %add3A_72 = arith.constant 1 : i32
      %add3A_73 = arith.addi %mul3A_70, %add3A_72 : i32
      %lt3A = arith.constant 128 : i32
      %lt3A_74 = arith.cmpi slt, %add3A_73, %lt3A : i32
      %and3A = arith.andi %ge3A_71, %lt3A_74 : i1
      %convert_element_type3A = arith.extui %and3A : i1 to i32
      %cond3A = arith.constant 0 : i32
      %cond3A_75 = arith.cmpi ne, %convert_element_type3A, %cond3A : i32
      scf.if %cond3A_75 {
        %dma_wait3A_198 = arith.constant 0 : i32
        %dma_wait3A_199 = arith.constant 0 : i32
        %dma_wait3A_200 = tpu.memref_slice %arg17[%dma_wait3A_198, %dma_wait3A_199] : memref<10016x128xf32, #tpu.memory_space<vmem_shared>> -> memref<10016x128xf32, #tpu.memory_space<vmem_shared>>
        tpu.wait_indirect_dma semaphore(%arg25 : memref<!tpu.dma_semaphore, #tpu.memory_space<semaphore_mem>>) src(%arg16 : memref<80x128xf32, #tpu.memory_space<vmem>>) dst(%dma_wait3A_200 : memref<10016x128xf32, #tpu.memory_space<vmem_shared>>)
      } else {
      }
      %add3A_76 = arith.constant 1 : i32
      %add3A_77 = arith.addi %mul3A_70, %add3A_76 : i32
      %lt3A_78 = arith.constant 128 : i32
      %lt3A_79 = arith.cmpi slt, %add3A_77, %lt3A_78 : i32
      %convert_element_type3A_80 = arith.extui %lt3A_79 : i1 to i32
      %cond3A_81 = arith.constant 0 : i32
      %cond3A_82 = arith.cmpi ne, %convert_element_type3A_80, %cond3A_81 : i32
      scf.if %cond3A_82 {
        %dma_wait3A_198 = arith.constant 0 : i32
        %dma_wait3A_199 = arith.constant 0 : i32
        %dma_wait3A_200 = tpu.memref_slice %arg3[%add3A, %dma_wait3A_198, %dma_wait3A_199] : memref<32x128x80xi32, #tpu.memory_space<hbm>> -> memref<1x1x80xi32, #tpu.memory_space<hbm>>
        %dma_wait3A_201 = tpu.memref_squeeze %dma_wait3A_200 : memref<1x1x80xi32, #tpu.memory_space<hbm>> -> memref<80xi32, #tpu.memory_space<hbm>>
        %dma_wait3A_202 = arith.constant 0 : i32
        %dma_wait3A_203 = tpu.memref_slice %arg3[%add3A, %dma_wait3A_198, %dma_wait3A_202] : memref<32x128x80xi32, #tpu.memory_space<hbm>> -> memref<1x1x80xi32, #tpu.memory_space<hbm>>
        %dma_wait3A_204 = tpu.memref_squeeze %dma_wait3A_203 : memref<1x1x80xi32, #tpu.memory_space<hbm>> -> memref<80xi32, #tpu.memory_space<hbm>>
        tpu.wait_dma2 semaphore(%arg19 : memref<!tpu.dma_semaphore, #tpu.memory_space<semaphore_mem>>) src(%dma_wait3A_204 : memref<80xi32, #tpu.memory_space<hbm>>) dst(%arg8 : memref<80xi32, #tpu.memory_space<vmem>>)
        %dma_wait3A_205 = arith.constant 0 : i32
        %dma_wait3A_206 = arith.constant 0 : i32
        %dma_wait3A_207 = tpu.memref_slice %arg4[%add3A, %dma_wait3A_205, %dma_wait3A_206] : memref<32x128x80xi32, #tpu.memory_space<hbm>> -> memref<1x1x80xi32, #tpu.memory_space<hbm>>
        %dma_wait3A_208 = tpu.memref_squeeze %dma_wait3A_207 : memref<1x1x80xi32, #tpu.memory_space<hbm>> -> memref<80xi32, #tpu.memory_space<hbm>>
        %dma_wait3A_209 = arith.constant 0 : i32
        %dma_wait3A_210 = tpu.memref_slice %arg4[%add3A, %dma_wait3A_205, %dma_wait3A_209] : memref<32x128x80xi32, #tpu.memory_space<hbm>> -> memref<1x1x80xi32, #tpu.memory_space<hbm>>
        %dma_wait3A_211 = tpu.memref_squeeze %dma_wait3A_210 : memref<1x1x80xi32, #tpu.memory_space<hbm>> -> memref<80xi32, #tpu.memory_space<hbm>>
        tpu.wait_dma2 semaphore(%arg19 : memref<!tpu.dma_semaphore, #tpu.memory_space<semaphore_mem>>) src(%dma_wait3A_211 : memref<80xi32, #tpu.memory_space<hbm>>) dst(%arg12 : memref<80xi32, #tpu.memory_space<vmem>>)
        %dma_start3A_212 = arith.constant 0 : i32
        %dma_start3A_213 = arith.constant 0 : i32
        %dma_start3A_214 = tpu.memref_slice %arg2[%dma_start3A_212, %dma_start3A_213] : memref<10000x128xf32, #tpu.memory_space<hbm>> -> memref<10000x128xf32, #tpu.memory_space<hbm>>
        tpu.enqueue_indirect_dma source(%dma_start3A_214 : memref<10000x128xf32, #tpu.memory_space<hbm>>) target(%arg16 : memref<80x128xf32, #tpu.memory_space<vmem>>) offsets(%arg8 : memref<80xi32, #tpu.memory_space<vmem>>) semaphore(%arg23 : memref<!tpu.dma_semaphore, #tpu.memory_space<semaphore_mem>>)
      } else {
      }
      %dma_wait3A_83 = arith.constant 0 : i32
      %dma_wait3A_84 = arith.constant 0 : i32
      %dma_wait3A_85 = tpu.memref_slice %arg2[%dma_wait3A_83, %dma_wait3A_84] : memref<10000x128xf32, #tpu.memory_space<hbm>> -> memref<10000x128xf32, #tpu.memory_space<hbm>>
      tpu.wait_indirect_dma semaphore(%arg22 : memref<!tpu.dma_semaphore, #tpu.memory_space<semaphore_mem>>) src(%dma_wait3A_85 : memref<10000x128xf32, #tpu.memory_space<hbm>>) dst(%arg15 : memref<80x128xf32, #tpu.memory_space<vmem>>)
      %add3A_86 = arith.constant 2 : i32
      %add3A_87 = arith.addi %mul3A_70, %add3A_86 : i32
      %lt3A_88 = arith.constant 128 : i32
      %lt3A_89 = arith.cmpi slt, %add3A_87, %lt3A_88 : i32
      %convert_element_type3A_90 = arith.extui %lt3A_89 : i1 to i32
      %cond3A_91 = arith.constant 0 : i32
      %cond3A_92 = arith.cmpi ne, %convert_element_type3A_90, %cond3A_91 : i32
      scf.if %cond3A_92 {
        %add3A_198 = arith.constant 2 : i32
        %add3A_199 = arith.addi %mul3A_70, %add3A_198 : i32
        %dma_start3A_200 = arith.constant 0 : i32
        %dma_start3A_201 = tpu.memref_slice %arg3[%add3A, %add3A_199, %dma_start3A_200] : memref<32x128x80xi32, #tpu.memory_space<hbm>> -> memref<1x1x80xi32, #tpu.memory_space<hbm>>
        %dma_start3A_202 = tpu.memref_squeeze %dma_start3A_201 : memref<1x1x80xi32, #tpu.memory_space<hbm>> -> memref<80xi32, #tpu.memory_space<hbm>>
        %dma_start3A_203 = arith.constant 0 : i32
        %dma_start3A_204 = tpu.memref_slice %arg3[%add3A, %add3A_199, %dma_start3A_203] : memref<32x128x80xi32, #tpu.memory_space<hbm>> -> memref<1x1x80xi32, #tpu.memory_space<hbm>>
        %dma_start3A_205 = tpu.memref_squeeze %dma_start3A_204 : memref<1x1x80xi32, #tpu.memory_space<hbm>> -> memref<80xi32, #tpu.memory_space<hbm>>
        tpu.enqueue_dma source(%dma_start3A_205 : memref<80xi32, #tpu.memory_space<hbm>>) target(%arg9 : memref<80xi32, #tpu.memory_space<vmem>>) target_semaphore(%arg20 : memref<!tpu.dma_semaphore, #tpu.memory_space<semaphore_mem>>)
        %dma_start3A_206 = arith.constant 0 : i32
        %dma_start3A_207 = tpu.memref_slice %arg4[%add3A, %add3A_199, %dma_start3A_206] : memref<32x128x80xi32, #tpu.memory_space<hbm>> -> memref<1x1x80xi32, #tpu.memory_space<hbm>>
        %dma_start3A_208 = tpu.memref_squeeze %dma_start3A_207 : memref<1x1x80xi32, #tpu.memory_space<hbm>> -> memref<80xi32, #tpu.memory_space<hbm>>
        %dma_start3A_209 = arith.constant 0 : i32
        %dma_start3A_210 = tpu.memref_slice %arg4[%add3A, %add3A_199, %dma_start3A_209] : memref<32x128x80xi32, #tpu.memory_space<hbm>> -> memref<1x1x80xi32, #tpu.memory_space<hbm>>
        %dma_start3A_211 = tpu.memref_squeeze %dma_start3A_210 : memref<1x1x80xi32, #tpu.memory_space<hbm>> -> memref<80xi32, #tpu.memory_space<hbm>>
        tpu.enqueue_dma source(%dma_start3A_211 : memref<80xi32, #tpu.memory_space<hbm>>) target(%arg13 : memref<80xi32, #tpu.memory_space<vmem>>) target_semaphore(%arg20 : memref<!tpu.dma_semaphore, #tpu.memory_space<semaphore_mem>>)
      } else {
      }
      %dma_start3A_93 = arith.constant 0 : i32
      %dma_start3A_94 = arith.constant 0 : i32
      %dma_start3A_95 = tpu.memref_slice %arg17[%dma_start3A_93, %dma_start3A_94] : memref<10016x128xf32, #tpu.memory_space<vmem_shared>> -> memref<10016x128xf32, #tpu.memory_space<vmem_shared>>
      tpu.enqueue_indirect_dma source(%arg15 : memref<80x128xf32, #tpu.memory_space<vmem>>) target(%dma_start3A_95 : memref<10016x128xf32, #tpu.memory_space<vmem_shared>>) offsets(%arg11 : memref<80xi32, #tpu.memory_space<vmem>>) semaphore(%arg24 : memref<!tpu.dma_semaphore, #tpu.memory_space<semaphore_mem>>) {add = true}
      %mul3A_96 = arith.constant 4 : i32
      %mul3A_97 = arith.muli %mul3A_96, %scan3A_68 : i32
      %add3A_98 = arith.constant 1 : i32
      %add3A_99 = arith.addi %mul3A_97, %add3A_98 : i32
      %ge3A_100 = arith.constant 1 : i32
      %ge3A_101 = arith.cmpi sge, %add3A_99, %ge3A_100 : i32
      %add3A_102 = arith.constant 1 : i32
      %add3A_103 = arith.addi %add3A_99, %add3A_102 : i32
      %lt3A_104 = arith.constant 128 : i32
      %lt3A_105 = arith.cmpi slt, %add3A_103, %lt3A_104 : i32
      %and3A_106 = arith.andi %ge3A_101, %lt3A_105 : i1
      %convert_element_type3A_107 = arith.extui %and3A_106 : i1 to i32
      %cond3A_108 = arith.constant 0 : i32
      %cond3A_109 = arith.cmpi ne, %convert_element_type3A_107, %cond3A_108 : i32
      scf.if %cond3A_109 {
        %dma_wait3A_198 = arith.constant 0 : i32
        %dma_wait3A_199 = arith.constant 0 : i32
        %dma_wait3A_200 = tpu.memref_slice %arg17[%dma_wait3A_198, %dma_wait3A_199] : memref<10016x128xf32, #tpu.memory_space<vmem_shared>> -> memref<10016x128xf32, #tpu.memory_space<vmem_shared>>
        tpu.wait_indirect_dma semaphore(%arg24 : memref<!tpu.dma_semaphore, #tpu.memory_space<semaphore_mem>>) src(%arg15 : memref<80x128xf32, #tpu.memory_space<vmem>>) dst(%dma_wait3A_200 : memref<10016x128xf32, #tpu.memory_space<vmem_shared>>)
      } else {
      }
      %add3A_110 = arith.constant 1 : i32
      %add3A_111 = arith.addi %add3A_99, %add3A_110 : i32
      %lt3A_112 = arith.constant 128 : i32
      %lt3A_113 = arith.cmpi slt, %add3A_111, %lt3A_112 : i32
      %convert_element_type3A_114 = arith.extui %lt3A_113 : i1 to i32
      %cond3A_115 = arith.constant 0 : i32
      %cond3A_116 = arith.cmpi ne, %convert_element_type3A_114, %cond3A_115 : i32
      scf.if %cond3A_116 {
        %dma_wait3A_198 = arith.constant 0 : i32
        %dma_wait3A_199 = arith.constant 0 : i32
        %dma_wait3A_200 = tpu.memref_slice %arg3[%add3A, %dma_wait3A_198, %dma_wait3A_199] : memref<32x128x80xi32, #tpu.memory_space<hbm>> -> memref<1x1x80xi32, #tpu.memory_space<hbm>>
        %dma_wait3A_201 = tpu.memref_squeeze %dma_wait3A_200 : memref<1x1x80xi32, #tpu.memory_space<hbm>> -> memref<80xi32, #tpu.memory_space<hbm>>
        %dma_wait3A_202 = arith.constant 0 : i32
        %dma_wait3A_203 = tpu.memref_slice %arg3[%add3A, %dma_wait3A_198, %dma_wait3A_202] : memref<32x128x80xi32, #tpu.memory_space<hbm>> -> memref<1x1x80xi32, #tpu.memory_space<hbm>>
        %dma_wait3A_204 = tpu.memref_squeeze %dma_wait3A_203 : memref<1x1x80xi32, #tpu.memory_space<hbm>> -> memref<80xi32, #tpu.memory_space<hbm>>
        tpu.wait_dma2 semaphore(%arg20 : memref<!tpu.dma_semaphore, #tpu.memory_space<semaphore_mem>>) src(%dma_wait3A_204 : memref<80xi32, #tpu.memory_space<hbm>>) dst(%arg9 : memref<80xi32, #tpu.memory_space<vmem>>)
        %dma_wait3A_205 = arith.constant 0 : i32
        %dma_wait3A_206 = arith.constant 0 : i32
        %dma_wait3A_207 = tpu.memref_slice %arg4[%add3A, %dma_wait3A_205, %dma_wait3A_206] : memref<32x128x80xi32, #tpu.memory_space<hbm>> -> memref<1x1x80xi32, #tpu.memory_space<hbm>>
        %dma_wait3A_208 = tpu.memref_squeeze %dma_wait3A_207 : memref<1x1x80xi32, #tpu.memory_space<hbm>> -> memref<80xi32, #tpu.memory_space<hbm>>
        %dma_wait3A_209 = arith.constant 0 : i32
        %dma_wait3A_210 = tpu.memref_slice %arg4[%add3A, %dma_wait3A_205, %dma_wait3A_209] : memref<32x128x80xi32, #tpu.memory_space<hbm>> -> memref<1x1x80xi32, #tpu.memory_space<hbm>>
        %dma_wait3A_211 = tpu.memref_squeeze %dma_wait3A_210 : memref<1x1x80xi32, #tpu.memory_space<hbm>> -> memref<80xi32, #tpu.memory_space<hbm>>
        tpu.wait_dma2 semaphore(%arg20 : memref<!tpu.dma_semaphore, #tpu.memory_space<semaphore_mem>>) src(%dma_wait3A_211 : memref<80xi32, #tpu.memory_space<hbm>>) dst(%arg13 : memref<80xi32, #tpu.memory_space<vmem>>)
        %dma_start3A_212 = arith.constant 0 : i32
        %dma_start3A_213 = arith.constant 0 : i32
        %dma_start3A_214 = tpu.memref_slice %arg2[%dma_start3A_212, %dma_start3A_213] : memref<10000x128xf32, #tpu.memory_space<hbm>> -> memref<10000x128xf32, #tpu.memory_space<hbm>>
        tpu.enqueue_indirect_dma source(%dma_start3A_214 : memref<10000x128xf32, #tpu.memory_space<hbm>>) target(%arg15 : memref<80x128xf32, #tpu.memory_space<vmem>>) offsets(%arg9 : memref<80xi32, #tpu.memory_space<vmem>>) semaphore(%arg22 : memref<!tpu.dma_semaphore, #tpu.memory_space<semaphore_mem>>)
      } else {
      }
      %dma_wait3A_117 = arith.constant 0 : i32
      %dma_wait3A_118 = arith.constant 0 : i32
      %dma_wait3A_119 = tpu.memref_slice %arg2[%dma_wait3A_117, %dma_wait3A_118] : memref<10000x128xf32, #tpu.memory_space<hbm>> -> memref<10000x128xf32, #tpu.memory_space<hbm>>
      tpu.wait_indirect_dma semaphore(%arg23 : memref<!tpu.dma_semaphore, #tpu.memory_space<semaphore_mem>>) src(%dma_wait3A_119 : memref<10000x128xf32, #tpu.memory_space<hbm>>) dst(%arg16 : memref<80x128xf32, #tpu.memory_space<vmem>>)
      %add3A_120 = arith.constant 2 : i32
      %add3A_121 = arith.addi %add3A_99, %add3A_120 : i32
      %lt3A_122 = arith.constant 128 : i32
      %lt3A_123 = arith.cmpi slt, %add3A_121, %lt3A_122 : i32
      %convert_element_type3A_124 = arith.extui %lt3A_123 : i1 to i32
      %cond3A_125 = arith.constant 0 : i32
      %cond3A_126 = arith.cmpi ne, %convert_element_type3A_124, %cond3A_125 : i32
      scf.if %cond3A_126 {
        %add3A_198 = arith.constant 2 : i32
        %add3A_199 = arith.addi %add3A_99, %add3A_198 : i32
        %dma_start3A_200 = arith.constant 0 : i32
        %dma_start3A_201 = tpu.memref_slice %arg3[%add3A, %add3A_199, %dma_start3A_200] : memref<32x128x80xi32, #tpu.memory_space<hbm>> -> memref<1x1x80xi32, #tpu.memory_space<hbm>>
        %dma_start3A_202 = tpu.memref_squeeze %dma_start3A_201 : memref<1x1x80xi32, #tpu.memory_space<hbm>> -> memref<80xi32, #tpu.memory_space<hbm>>
        %dma_start3A_203 = arith.constant 0 : i32
        %dma_start3A_204 = tpu.memref_slice %arg3[%add3A, %add3A_199, %dma_start3A_203] : memref<32x128x80xi32, #tpu.memory_space<hbm>> -> memref<1x1x80xi32, #tpu.memory_space<hbm>>
        %dma_start3A_205 = tpu.memref_squeeze %dma_start3A_204 : memref<1x1x80xi32, #tpu.memory_space<hbm>> -> memref<80xi32, #tpu.memory_space<hbm>>
        tpu.enqueue_dma source(%dma_start3A_205 : memref<80xi32, #tpu.memory_space<hbm>>) target(%arg10 : memref<80xi32, #tpu.memory_space<vmem>>) target_semaphore(%arg21 : memref<!tpu.dma_semaphore, #tpu.memory_space<semaphore_mem>>)
        %dma_start3A_206 = arith.constant 0 : i32
        %dma_start3A_207 = tpu.memref_slice %arg4[%add3A, %add3A_199, %dma_start3A_206] : memref<32x128x80xi32, #tpu.memory_space<hbm>> -> memref<1x1x80xi32, #tpu.memory_space<hbm>>
        %dma_start3A_208 = tpu.memref_squeeze %dma_start3A_207 : memref<1x1x80xi32, #tpu.memory_space<hbm>> -> memref<80xi32, #tpu.memory_space<hbm>>
        %dma_start3A_209 = arith.constant 0 : i32
        %dma_start3A_210 = tpu.memref_slice %arg4[%add3A, %add3A_199, %dma_start3A_209] : memref<32x128x80xi32, #tpu.memory_space<hbm>> -> memref<1x1x80xi32, #tpu.memory_space<hbm>>
        %dma_start3A_211 = tpu.memref_squeeze %dma_start3A_210 : memref<1x1x80xi32, #tpu.memory_space<hbm>> -> memref<80xi32, #tpu.memory_space<hbm>>
        tpu.enqueue_dma source(%dma_start3A_211 : memref<80xi32, #tpu.memory_space<hbm>>) target(%arg14 : memref<80xi32, #tpu.memory_space<vmem>>) target_semaphore(%arg21 : memref<!tpu.dma_semaphore, #tpu.memory_space<semaphore_mem>>)
      } else {
      }
      %dma_start3A_127 = arith.constant 0 : i32
      %dma_start3A_128 = arith.constant 0 : i32
      %dma_start3A_129 = tpu.memref_slice %arg17[%dma_start3A_127, %dma_start3A_128] : memref<10016x128xf32, #tpu.memory_space<vmem_shared>> -> memref<10016x128xf32, #tpu.memory_space<vmem_shared>>
      tpu.enqueue_indirect_dma source(%arg16 : memref<80x128xf32, #tpu.memory_space<vmem>>) target(%dma_start3A_129 : memref<10016x128xf32, #tpu.memory_space<vmem_shared>>) offsets(%arg12 : memref<80xi32, #tpu.memory_space<vmem>>) semaphore(%arg25 : memref<!tpu.dma_semaphore, #tpu.memory_space<semaphore_mem>>) {add = true}
      %mul3A_130 = arith.constant 4 : i32
      %mul3A_131 = arith.muli %mul3A_130, %scan3A_68 : i32
      %add3A_132 = arith.constant 2 : i32
      %add3A_133 = arith.addi %mul3A_131, %add3A_132 : i32
      %ge3A_134 = arith.constant 1 : i32
      %ge3A_135 = arith.cmpi sge, %add3A_133, %ge3A_134 : i32
      %add3A_136 = arith.constant 1 : i32
      %add3A_137 = arith.addi %add3A_133, %add3A_136 : i32
      %lt3A_138 = arith.constant 128 : i32
      %lt3A_139 = arith.cmpi slt, %add3A_137, %lt3A_138 : i32
      %and3A_140 = arith.andi %ge3A_135, %lt3A_139 : i1
      %convert_element_type3A_141 = arith.extui %and3A_140 : i1 to i32
      %cond3A_142 = arith.constant 0 : i32
      %cond3A_143 = arith.cmpi ne, %convert_element_type3A_141, %cond3A_142 : i32
      scf.if %cond3A_143 {
        %dma_wait3A_198 = arith.constant 0 : i32
        %dma_wait3A_199 = arith.constant 0 : i32
        %dma_wait3A_200 = tpu.memref_slice %arg17[%dma_wait3A_198, %dma_wait3A_199] : memref<10016x128xf32, #tpu.memory_space<vmem_shared>> -> memref<10016x128xf32, #tpu.memory_space<vmem_shared>>
        tpu.wait_indirect_dma semaphore(%arg25 : memref<!tpu.dma_semaphore, #tpu.memory_space<semaphore_mem>>) src(%arg16 : memref<80x128xf32, #tpu.memory_space<vmem>>) dst(%dma_wait3A_200 : memref<10016x128xf32, #tpu.memory_space<vmem_shared>>)
      } else {
      }
      %add3A_144 = arith.constant 1 : i32
      %add3A_145 = arith.addi %add3A_133, %add3A_144 : i32
      %lt3A_146 = arith.constant 128 : i32
      %lt3A_147 = arith.cmpi slt, %add3A_145, %lt3A_146 : i32
      %convert_element_type3A_148 = arith.extui %lt3A_147 : i1 to i32
      %cond3A_149 = arith.constant 0 : i32
      %cond3A_150 = arith.cmpi ne, %convert_element_type3A_148, %cond3A_149 : i32
      scf.if %cond3A_150 {
        %dma_wait3A_198 = arith.constant 0 : i32
        %dma_wait3A_199 = arith.constant 0 : i32
        %dma_wait3A_200 = tpu.memref_slice %arg3[%add3A, %dma_wait3A_198, %dma_wait3A_199] : memref<32x128x80xi32, #tpu.memory_space<hbm>> -> memref<1x1x80xi32, #tpu.memory_space<hbm>>
        %dma_wait3A_201 = tpu.memref_squeeze %dma_wait3A_200 : memref<1x1x80xi32, #tpu.memory_space<hbm>> -> memref<80xi32, #tpu.memory_space<hbm>>
        %dma_wait3A_202 = arith.constant 0 : i32
        %dma_wait3A_203 = tpu.memref_slice %arg3[%add3A, %dma_wait3A_198, %dma_wait3A_202] : memref<32x128x80xi32, #tpu.memory_space<hbm>> -> memref<1x1x80xi32, #tpu.memory_space<hbm>>
        %dma_wait3A_204 = tpu.memref_squeeze %dma_wait3A_203 : memref<1x1x80xi32, #tpu.memory_space<hbm>> -> memref<80xi32, #tpu.memory_space<hbm>>
        tpu.wait_dma2 semaphore(%arg21 : memref<!tpu.dma_semaphore, #tpu.memory_space<semaphore_mem>>) src(%dma_wait3A_204 : memref<80xi32, #tpu.memory_space<hbm>>) dst(%arg10 : memref<80xi32, #tpu.memory_space<vmem>>)
        %dma_wait3A_205 = arith.constant 0 : i32
        %dma_wait3A_206 = arith.constant 0 : i32
        %dma_wait3A_207 = tpu.memref_slice %arg4[%add3A, %dma_wait3A_205, %dma_wait3A_206] : memref<32x128x80xi32, #tpu.memory_space<hbm>> -> memref<1x1x80xi32, #tpu.memory_space<hbm>>
        %dma_wait3A_208 = tpu.memref_squeeze %dma_wait3A_207 : memref<1x1x80xi32, #tpu.memory_space<hbm>> -> memref<80xi32, #tpu.memory_space<hbm>>
        %dma_wait3A_209 = arith.constant 0 : i32
        %dma_wait3A_210 = tpu.memref_slice %arg4[%add3A, %dma_wait3A_205, %dma_wait3A_209] : memref<32x128x80xi32, #tpu.memory_space<hbm>> -> memref<1x1x80xi32, #tpu.memory_space<hbm>>
        %dma_wait3A_211 = tpu.memref_squeeze %dma_wait3A_210 : memref<1x1x80xi32, #tpu.memory_space<hbm>> -> memref<80xi32, #tpu.memory_space<hbm>>
        tpu.wait_dma2 semaphore(%arg21 : memref<!tpu.dma_semaphore, #tpu.memory_space<semaphore_mem>>) src(%dma_wait3A_211 : memref<80xi32, #tpu.memory_space<hbm>>) dst(%arg14 : memref<80xi32, #tpu.memory_space<vmem>>)
        %dma_start3A_212 = arith.constant 0 : i32
        %dma_start3A_213 = arith.constant 0 : i32
        %dma_start3A_214 = tpu.memref_slice %arg2[%dma_start3A_212, %dma_start3A_213] : memref<10000x128xf32, #tpu.memory_space<hbm>> -> memref<10000x128xf32, #tpu.memory_space<hbm>>
        tpu.enqueue_indirect_dma source(%dma_start3A_214 : memref<10000x128xf32, #tpu.memory_space<hbm>>) target(%arg16 : memref<80x128xf32, #tpu.memory_space<vmem>>) offsets(%arg10 : memref<80xi32, #tpu.memory_space<vmem>>) semaphore(%arg23 : memref<!tpu.dma_semaphore, #tpu.memory_space<semaphore_mem>>)
      } else {
      }
      %dma_wait3A_151 = arith.constant 0 : i32
      %dma_wait3A_152 = arith.constant 0 : i32
      %dma_wait3A_153 = tpu.memref_slice %arg2[%dma_wait3A_151, %dma_wait3A_152] : memref<10000x128xf32, #tpu.memory_space<hbm>> -> memref<10000x128xf32, #tpu.memory_space<hbm>>
      tpu.wait_indirect_dma semaphore(%arg22 : memref<!tpu.dma_semaphore, #tpu.memory_space<semaphore_mem>>) src(%dma_wait3A_153 : memref<10000x128xf32, #tpu.memory_space<hbm>>) dst(%arg15 : memref<80x128xf32, #tpu.memory_space<vmem>>)
      %add3A_154 = arith.constant 2 : i32
      %add3A_155 = arith.addi %add3A_133, %add3A_154 : i32
      %lt3A_156 = arith.constant 128 : i32
      %lt3A_157 = arith.cmpi slt, %add3A_155, %lt3A_156 : i32
      %convert_element_type3A_158 = arith.extui %lt3A_157 : i1 to i32
      %cond3A_159 = arith.constant 0 : i32
      %cond3A_160 = arith.cmpi ne, %convert_element_type3A_158, %cond3A_159 : i32
      scf.if %cond3A_160 {
        %add3A_198 = arith.constant 2 : i32
        %add3A_199 = arith.addi %add3A_133, %add3A_198 : i32
        %dma_start3A_200 = arith.constant 0 : i32
        %dma_start3A_201 = tpu.memref_slice %arg3[%add3A, %add3A_199, %dma_start3A_200] : memref<32x128x80xi32, #tpu.memory_space<hbm>> -> memref<1x1x80xi32, #tpu.memory_space<hbm>>
        %dma_start3A_202 = tpu.memref_squeeze %dma_start3A_201 : memref<1x1x80xi32, #tpu.memory_space<hbm>> -> memref<80xi32, #tpu.memory_space<hbm>>
        %dma_start3A_203 = arith.constant 0 : i32
        %dma_start3A_204 = tpu.memref_slice %arg3[%add3A, %add3A_199, %dma_start3A_203] : memref<32x128x80xi32, #tpu.memory_space<hbm>> -> memref<1x1x80xi32, #tpu.memory_space<hbm>>
        %dma_start3A_205 = tpu.memref_squeeze %dma_start3A_204 : memref<1x1x80xi32, #tpu.memory_space<hbm>> -> memref<80xi32, #tpu.memory_space<hbm>>
        tpu.enqueue_dma source(%dma_start3A_205 : memref<80xi32, #tpu.memory_space<hbm>>) target(%arg7 : memref<80xi32, #tpu.memory_space<vmem>>) target_semaphore(%arg18 : memref<!tpu.dma_semaphore, #tpu.memory_space<semaphore_mem>>)
        %dma_start3A_206 = arith.constant 0 : i32
        %dma_start3A_207 = tpu.memref_slice %arg4[%add3A, %add3A_199, %dma_start3A_206] : memref<32x128x80xi32, #tpu.memory_space<hbm>> -> memref<1x1x80xi32, #tpu.memory_space<hbm>>
        %dma_start3A_208 = tpu.memref_squeeze %dma_start3A_207 : memref<1x1x80xi32, #tpu.memory_space<hbm>> -> memref<80xi32, #tpu.memory_space<hbm>>
        %dma_start3A_209 = arith.constant 0 : i32
        %dma_start3A_210 = tpu.memref_slice %arg4[%add3A, %add3A_199, %dma_start3A_209] : memref<32x128x80xi32, #tpu.memory_space<hbm>> -> memref<1x1x80xi32, #tpu.memory_space<hbm>>
        %dma_start3A_211 = tpu.memref_squeeze %dma_start3A_210 : memref<1x1x80xi32, #tpu.memory_space<hbm>> -> memref<80xi32, #tpu.memory_space<hbm>>
        tpu.enqueue_dma source(%dma_start3A_211 : memref<80xi32, #tpu.memory_space<hbm>>) target(%arg11 : memref<80xi32, #tpu.memory_space<vmem>>) target_semaphore(%arg18 : memref<!tpu.dma_semaphore, #tpu.memory_space<semaphore_mem>>)
      } else {
      }
      %dma_start3A_161 = arith.constant 0 : i32
      %dma_start3A_162 = arith.constant 0 : i32
      %dma_start3A_163 = tpu.memref_slice %arg17[%dma_start3A_161, %dma_start3A_162] : memref<10016x128xf32, #tpu.memory_space<vmem_shared>> -> memref<10016x128xf32, #tpu.memory_space<vmem_shared>>
      tpu.enqueue_indirect_dma source(%arg15 : memref<80x128xf32, #tpu.memory_space<vmem>>) target(%dma_start3A_163 : memref<10016x128xf32, #tpu.memory_space<vmem_shared>>) offsets(%arg13 : memref<80xi32, #tpu.memory_space<vmem>>) semaphore(%arg24 : memref<!tpu.dma_semaphore, #tpu.memory_space<semaphore_mem>>) {add = true}
      %mul3A_164 = arith.constant 4 : i32
      %mul3A_165 = arith.muli %mul3A_164, %scan3A_68 : i32
      %add3A_166 = arith.constant 3 : i32
      %add3A_167 = arith.addi %mul3A_165, %add3A_166 : i32
      %ge3A_168 = arith.constant 1 : i32
      %ge3A_169 = arith.cmpi sge, %add3A_167, %ge3A_168 : i32
      %add3A_170 = arith.constant 1 : i32
      %add3A_171 = arith.addi %add3A_167, %add3A_170 : i32
      %lt3A_172 = arith.constant 128 : i32
      %lt3A_173 = arith.cmpi slt, %add3A_171, %lt3A_172 : i32
      %and3A_174 = arith.andi %ge3A_169, %lt3A_173 : i1
      %convert_element_type3A_175 = arith.extui %and3A_174 : i1 to i32
      %cond3A_176 = arith.constant 0 : i32
      %cond3A_177 = arith.cmpi ne, %convert_element_type3A_175, %cond3A_176 : i32
      scf.if %cond3A_177 {
        %dma_wait3A_198 = arith.constant 0 : i32
        %dma_wait3A_199 = arith.constant 0 : i32
        %dma_wait3A_200 = tpu.memref_slice %arg17[%dma_wait3A_198, %dma_wait3A_199] : memref<10016x128xf32, #tpu.memory_space<vmem_shared>> -> memref<10016x128xf32, #tpu.memory_space<vmem_shared>>
        tpu.wait_indirect_dma semaphore(%arg24 : memref<!tpu.dma_semaphore, #tpu.memory_space<semaphore_mem>>) src(%arg15 : memref<80x128xf32, #tpu.memory_space<vmem>>) dst(%dma_wait3A_200 : memref<10016x128xf32, #tpu.memory_space<vmem_shared>>)
      } else {
      }
      %add3A_178 = arith.constant 1 : i32
      %add3A_179 = arith.addi %add3A_167, %add3A_178 : i32
      %lt3A_180 = arith.constant 128 : i32
      %lt3A_181 = arith.cmpi slt, %add3A_179, %lt3A_180 : i32
      %convert_element_type3A_182 = arith.extui %lt3A_181 : i1 to i32
      %cond3A_183 = arith.constant 0 : i32
      %cond3A_184 = arith.cmpi ne, %convert_element_type3A_182, %cond3A_183 : i32
      scf.if %cond3A_184 {
        %dma_wait3A_198 = arith.constant 0 : i32
        %dma_wait3A_199 = arith.constant 0 : i32
        %dma_wait3A_200 = tpu.memref_slice %arg3[%add3A, %dma_wait3A_198, %dma_wait3A_199] : memref<32x128x80xi32, #tpu.memory_space<hbm>> -> memref<1x1x80xi32, #tpu.memory_space<hbm>>
        %dma_wait3A_201 = tpu.memref_squeeze %dma_wait3A_200 : memref<1x1x80xi32, #tpu.memory_space<hbm>> -> memref<80xi32, #tpu.memory_space<hbm>>
        %dma_wait3A_202 = arith.constant 0 : i32
        %dma_wait3A_203 = tpu.memref_slice %arg3[%add3A, %dma_wait3A_198, %dma_wait3A_202] : memref<32x128x80xi32, #tpu.memory_space<hbm>> -> memref<1x1x80xi32, #tpu.memory_space<hbm>>
        %dma_wait3A_204 = tpu.memref_squeeze %dma_wait3A_203 : memref<1x1x80xi32, #tpu.memory_space<hbm>> -> memref<80xi32, #tpu.memory_space<hbm>>
        tpu.wait_dma2 semaphore(%arg18 : memref<!tpu.dma_semaphore, #tpu.memory_space<semaphore_mem>>) src(%dma_wait3A_204 : memref<80xi32, #tpu.memory_space<hbm>>) dst(%arg7 : memref<80xi32, #tpu.memory_space<vmem>>)
        %dma_wait3A_205 = arith.constant 0 : i32
        %dma_wait3A_206 = arith.constant 0 : i32
        %dma_wait3A_207 = tpu.memref_slice %arg4[%add3A, %dma_wait3A_205, %dma_wait3A_206] : memref<32x128x80xi32, #tpu.memory_space<hbm>> -> memref<1x1x80xi32, #tpu.memory_space<hbm>>
        %dma_wait3A_208 = tpu.memref_squeeze %dma_wait3A_207 : memref<1x1x80xi32, #tpu.memory_space<hbm>> -> memref<80xi32, #tpu.memory_space<hbm>>
        %dma_wait3A_209 = arith.constant 0 : i32
        %dma_wait3A_210 = tpu.memref_slice %arg4[%add3A, %dma_wait3A_205, %dma_wait3A_209] : memref<32x128x80xi32, #tpu.memory_space<hbm>> -> memref<1x1x80xi32, #tpu.memory_space<hbm>>
        %dma_wait3A_211 = tpu.memref_squeeze %dma_wait3A_210 : memref<1x1x80xi32, #tpu.memory_space<hbm>> -> memref<80xi32, #tpu.memory_space<hbm>>
        tpu.wait_dma2 semaphore(%arg18 : memref<!tpu.dma_semaphore, #tpu.memory_space<semaphore_mem>>) src(%dma_wait3A_211 : memref<80xi32, #tpu.memory_space<hbm>>) dst(%arg11 : memref<80xi32, #tpu.memory_space<vmem>>)
        %dma_start3A_212 = arith.constant 0 : i32
        %dma_start3A_213 = arith.constant 0 : i32
        %dma_start3A_214 = tpu.memref_slice %arg2[%dma_start3A_212, %dma_start3A_213] : memref<10000x128xf32, #tpu.memory_space<hbm>> -> memref<10000x128xf32, #tpu.memory_space<hbm>>
        tpu.enqueue_indirect_dma source(%dma_start3A_214 : memref<10000x128xf32, #tpu.memory_space<hbm>>) target(%arg15 : memref<80x128xf32, #tpu.memory_space<vmem>>) offsets(%arg7 : memref<80xi32, #tpu.memory_space<vmem>>) semaphore(%arg22 : memref<!tpu.dma_semaphore, #tpu.memory_space<semaphore_mem>>)
      } else {
      }
      %dma_wait3A_185 = arith.constant 0 : i32
      %dma_wait3A_186 = arith.constant 0 : i32
      %dma_wait3A_187 = tpu.memref_slice %arg2[%dma_wait3A_185, %dma_wait3A_186] : memref<10000x128xf32, #tpu.memory_space<hbm>> -> memref<10000x128xf32, #tpu.memory_space<hbm>>
      tpu.wait_indirect_dma semaphore(%arg23 : memref<!tpu.dma_semaphore, #tpu.memory_space<semaphore_mem>>) src(%dma_wait3A_187 : memref<10000x128xf32, #tpu.memory_space<hbm>>) dst(%arg16 : memref<80x128xf32, #tpu.memory_space<vmem>>)
      %add3A_188 = arith.constant 2 : i32
      %add3A_189 = arith.addi %add3A_167, %add3A_188 : i32
      %lt3A_190 = arith.constant 128 : i32
      %lt3A_191 = arith.cmpi slt, %add3A_189, %lt3A_190 : i32
      %convert_element_type3A_192 = arith.extui %lt3A_191 : i1 to i32
      %cond3A_193 = arith.constant 0 : i32
      %cond3A_194 = arith.cmpi ne, %convert_element_type3A_192, %cond3A_193 : i32
      scf.if %cond3A_194 {
        %add3A_198 = arith.constant 2 : i32
        %add3A_199 = arith.addi %add3A_167, %add3A_198 : i32
        %dma_start3A_200 = arith.constant 0 : i32
        %dma_start3A_201 = tpu.memref_slice %arg3[%add3A, %add3A_199, %dma_start3A_200] : memref<32x128x80xi32, #tpu.memory_space<hbm>> -> memref<1x1x80xi32, #tpu.memory_space<hbm>>
        %dma_start3A_202 = tpu.memref_squeeze %dma_start3A_201 : memref<1x1x80xi32, #tpu.memory_space<hbm>> -> memref<80xi32, #tpu.memory_space<hbm>>
        %dma_start3A_203 = arith.constant 0 : i32
        %dma_start3A_204 = tpu.memref_slice %arg3[%add3A, %add3A_199, %dma_start3A_203] : memref<32x128x80xi32, #tpu.memory_space<hbm>> -> memref<1x1x80xi32, #tpu.memory_space<hbm>>
        %dma_start3A_205 = tpu.memref_squeeze %dma_start3A_204 : memref<1x1x80xi32, #tpu.memory_space<hbm>> -> memref<80xi32, #tpu.memory_space<hbm>>
        tpu.enqueue_dma source(%dma_start3A_205 : memref<80xi32, #tpu.memory_space<hbm>>) target(%arg8 : memref<80xi32, #tpu.memory_space<vmem>>) target_semaphore(%arg19 : memref<!tpu.dma_semaphore, #tpu.memory_space<semaphore_mem>>)
        %dma_start3A_206 = arith.constant 0 : i32
        %dma_start3A_207 = tpu.memref_slice %arg4[%add3A, %add3A_199, %dma_start3A_206] : memref<32x128x80xi32, #tpu.memory_space<hbm>> -> memref<1x1x80xi32, #tpu.memory_space<hbm>>
        %dma_start3A_208 = tpu.memref_squeeze %dma_start3A_207 : memref<1x1x80xi32, #tpu.memory_space<hbm>> -> memref<80xi32, #tpu.memory_space<hbm>>
        %dma_start3A_209 = arith.constant 0 : i32
        %dma_start3A_210 = tpu.memref_slice %arg4[%add3A, %add3A_199, %dma_start3A_209] : memref<32x128x80xi32, #tpu.memory_space<hbm>> -> memref<1x1x80xi32, #tpu.memory_space<hbm>>
        %dma_start3A_211 = tpu.memref_squeeze %dma_start3A_210 : memref<1x1x80xi32, #tpu.memory_space<hbm>> -> memref<80xi32, #tpu.memory_space<hbm>>
        tpu.enqueue_dma source(%dma_start3A_211 : memref<80xi32, #tpu.memory_space<hbm>>) target(%arg12 : memref<80xi32, #tpu.memory_space<vmem>>) target_semaphore(%arg19 : memref<!tpu.dma_semaphore, #tpu.memory_space<semaphore_mem>>)
      } else {
      }
      %dma_start3A_195 = arith.constant 0 : i32
      %dma_start3A_196 = arith.constant 0 : i32
      %dma_start3A_197 = tpu.memref_slice %arg17[%dma_start3A_195, %dma_start3A_196] : memref<10016x128xf32, #tpu.memory_space<vmem_shared>> -> memref<10016x128xf32, #tpu.memory_space<vmem_shared>>
      tpu.enqueue_indirect_dma source(%arg16 : memref<80x128xf32, #tpu.memory_space<vmem>>) target(%dma_start3A_197 : memref<10016x128xf32, #tpu.memory_space<vmem_shared>>) offsets(%arg14 : memref<80xi32, #tpu.memory_space<vmem>>) semaphore(%arg25 : memref<!tpu.dma_semaphore, #tpu.memory_space<semaphore_mem>>) {add = true}
    }
    %scan3A_54 = arith.constant 32 : i32
    %dma_wait3A_55 = arith.constant 0 : i32
    %dma_wait3A_56 = arith.constant 0 : i32
    %dma_wait3A_57 = tpu.memref_slice %arg17[%dma_wait3A_55, %dma_wait3A_56] : memref<10016x128xf32, #tpu.memory_space<vmem_shared>> -> memref<10016x128xf32, #tpu.memory_space<vmem_shared>>
    tpu.wait_indirect_dma semaphore(%arg24 : memref<!tpu.dma_semaphore, #tpu.memory_space<semaphore_mem>>) src(%arg15 : memref<80x128xf32, #tpu.memory_space<vmem>>) dst(%dma_wait3A_57 : memref<10016x128xf32, #tpu.memory_space<vmem_shared>>)
    %dma_wait3A_58 = arith.constant 0 : i32
    %dma_wait3A_59 = arith.constant 0 : i32
    %dma_wait3A_60 = tpu.memref_slice %arg17[%dma_wait3A_58, %dma_wait3A_59] : memref<10016x128xf32, #tpu.memory_space<vmem_shared>> -> memref<10016x128xf32, #tpu.memory_space<vmem_shared>>
    tpu.wait_indirect_dma semaphore(%arg25 : memref<!tpu.dma_semaphore, #tpu.memory_space<semaphore_mem>>) src(%arg16 : memref<80x128xf32, #tpu.memory_space<vmem>>) dst(%dma_wait3A_60 : memref<10016x128xf32, #tpu.memory_space<vmem_shared>>)
    %barrier3A_61 = arith.constant 0 : index
    tpu.barrier barrier_id(%barrier3A_61)
    %scan3A_62 = arith.constant 0 : i32
    %scan3A_63 = arith.constant 0 : i32
    %scan3A_64 = arith.constant 8 : i32
    %scan3A_65 = arith.addi %scan3A_63, %scan3A_64 : i32
    %scan3A_66 = arith.constant 1 : i32
    scf.for %scan3A_68 = %scan3A_63 to %scan3A_65 step %scan3A_66  : i32 {
      %mul3A_69 = arith.constant 16 : i32
      %mul3A_70 = arith.muli %mul3A_69, %scan3A_68 : i32
      %add3A_71 = arith.addi %arg1, %mul3A_70 : i32
      %lt3A = arith.constant 125 : i32
      %lt3A_72 = arith.cmpi slt, %add3A_71, %lt3A : i32
      %convert_element_type3A = arith.extui %lt3A_72 : i1 to i32
      %cond3A = arith.constant 0 : i32
      %cond3A_73 = arith.cmpi ne, %convert_element_type3A, %cond3A : i32
      scf.if %cond3A_73 {
        %mul3A_74 = arith.constant 80 : i32
        %mul3A_75 = arith.muli %add3A_71, %mul3A_74 : i32
        "tpu.region"() ({
          %run_scoped3A = tpu.sem_alloc : memref<!tpu.dma_semaphore, #tpu.memory_space<semaphore_mem>>
          %dma_start3A_76 = arith.constant 0 : i32
          %dma_start3A_77 = tpu.memref_slice %arg6[%arg0, %mul3A_75, %dma_start3A_76] : memref<2x10000x128xf32, #tpu.memory_space<hbm>> -> memref<1x80x128xf32, #tpu.memory_space<hbm>>
          %dma_start3A_78 = tpu.memref_squeeze %dma_start3A_77 : memref<1x80x128xf32, #tpu.memory_space<hbm>> -> memref<80x128xf32, #tpu.memory_space<hbm>>
          %dma_start3A_79 = arith.constant 0 : i32
          %dma_start3A_80 = tpu.memref_slice %arg17[%mul3A_75, %dma_start3A_79] : memref<10016x128xf32, #tpu.memory_space<vmem_shared>> -> memref<80x128xf32, #tpu.memory_space<vmem_shared>>
          tpu.enqueue_dma source(%dma_start3A_80 : memref<80x128xf32, #tpu.memory_space<vmem_shared>>) target(%dma_start3A_78 : memref<80x128xf32, #tpu.memory_space<hbm>>) target_semaphore(%run_scoped3A : memref<!tpu.dma_semaphore, #tpu.memory_space<semaphore_mem>>)
          %dma_wait3A_81 = arith.constant 0 : i32
          %dma_wait3A_82 = tpu.memref_slice %arg6[%arg0, %mul3A_75, %dma_wait3A_81] : memref<2x10000x128xf32, #tpu.memory_space<hbm>> -> memref<1x80x128xf32, #tpu.memory_space<hbm>>
          %dma_wait3A_83 = tpu.memref_squeeze %dma_wait3A_82 : memref<1x80x128xf32, #tpu.memory_space<hbm>> -> memref<80x128xf32, #tpu.memory_space<hbm>>
          %dma_wait3A_84 = arith.constant 0 : i32
          %dma_wait3A_85 = tpu.memref_slice %arg17[%mul3A_75, %dma_wait3A_84] : memref<10016x128xf32, #tpu.memory_space<vmem_shared>> -> memref<80x128xf32, #tpu.memory_space<vmem_shared>>
          tpu.wait_dma2 semaphore(%run_scoped3A : memref<!tpu.dma_semaphore, #tpu.memory_space<semaphore_mem>>) src(%dma_wait3A_85 : memref<80x128xf32, #tpu.memory_space<vmem_shared>>) dst(%dma_wait3A_83 : memref<80x128xf32, #tpu.memory_space<hbm>>)
          tpu.yield
        }) : () -> ()
      } else {
      }
    }
    %scan3A_67 = arith.constant 8 : i32
    return
  }
}

#map = affine_map<(d0, d1) -> (0, 0, 0)>
#map1 = affine_map<(d0, d1) -> (0, 0)>
module attributes {stable_mosaic.version = 14 : i64} {
  func.func @_deg_kernel(%arg0: i32, %arg1: i32, %arg2: memref<32x125x80xi32, #tpu.memory_space<hbm>>, %arg3: memref<10000x128xf32, #tpu.memory_space<hbm>>, %arg4: memref<80x128xf32, #tpu.memory_space<hbm>>, %arg5: memref<2x10000x128xf32, #tpu.memory_space<hbm>>, %arg6: memref<125x80xi32, #tpu.memory_space<vmem>>, %arg7: memref<80x128xf32, #tpu.memory_space<vmem>>, %arg8: memref<10000x128xf32, #tpu.memory_space<vmem_shared>>, %arg9: memref<!tpu.dma_semaphore, #tpu.memory_space<semaphore_mem>>, %arg10: memref<!tpu.dma_semaphore, #tpu.memory_space<semaphore_mem>>) attributes {dimension_semantics = [#tpu.dimension_semantics<core_parallel>, #tpu.dimension_semantics<subcore_parallel>], iteration_bounds = array<i64: 2, 16>, scalar_prefetch = 0 : i64, scratch_operands = 5 : i64, tpu.core_type = #tpu.core_type<sc_vector_subcore>, window_params = [{transform_indices = #map}, {transform_indices = #map1}, {transform_indices = #map1}, {transform_indices = #map}]} {
    %mul3A = arith.constant 2 : i32
    %mul3A_0 = arith.muli %arg1, %mul3A : i32
    %add3A = arith.addi %mul3A_0, %arg0 : i32
    %scan3A = arith.constant 0 : i32
    %scan3A_1 = arith.constant 0 : i32
    %scan3A_2 = arith.constant 8 : i32
    %scan3A_3 = arith.addi %scan3A_1, %scan3A_2 : i32
    %scan3A_4 = arith.constant 1 : i32
    scf.for %scan3A_38 = %scan3A_1 to %scan3A_3 step %scan3A_4  : i32 {
      %mul3A_39 = arith.constant 16 : i32
      %mul3A_40 = arith.muli %mul3A_39, %scan3A_38 : i32
      %add3A_41 = arith.addi %arg1, %mul3A_40 : i32
      %lt3A = arith.constant 125 : i32
      %lt3A_42 = arith.cmpi slt, %add3A_41, %lt3A : i32
      %convert_element_type3A = arith.extui %lt3A_42 : i1 to i32
      %cond3A = arith.constant 0 : i32
      %cond3A_43 = arith.cmpi ne, %convert_element_type3A, %cond3A : i32
      scf.if %cond3A_43 {
        %mul3A_44 = arith.constant 80 : i32
        %mul3A_45 = arith.muli %add3A_41, %mul3A_44 : i32
        "tpu.region"() ({
          %run_scoped3A = tpu.sem_alloc : memref<!tpu.dma_semaphore, #tpu.memory_space<semaphore_mem>>
          %dma_start3A_46 = arith.constant 0 : i32
          %dma_start3A_47 = tpu.memref_slice %arg8[%mul3A_45, %dma_start3A_46] : memref<10000x128xf32, #tpu.memory_space<vmem_shared>> -> memref<80x128xf32, #tpu.memory_space<vmem_shared>>
          %dma_start3A_48 = arith.constant 0 : i32
          %dma_start3A_49 = tpu.memref_slice %arg3[%mul3A_45, %dma_start3A_48] : memref<10000x128xf32, #tpu.memory_space<hbm>> -> memref<80x128xf32, #tpu.memory_space<hbm>>
          tpu.enqueue_dma source(%dma_start3A_49 : memref<80x128xf32, #tpu.memory_space<hbm>>) target(%dma_start3A_47 : memref<80x128xf32, #tpu.memory_space<vmem_shared>>) target_semaphore(%run_scoped3A : memref<!tpu.dma_semaphore, #tpu.memory_space<semaphore_mem>>)
          %dma_wait3A_50 = arith.constant 0 : i32
          %dma_wait3A_51 = tpu.memref_slice %arg8[%mul3A_45, %dma_wait3A_50] : memref<10000x128xf32, #tpu.memory_space<vmem_shared>> -> memref<80x128xf32, #tpu.memory_space<vmem_shared>>
          %dma_wait3A_52 = arith.constant 0 : i32
          %dma_wait3A_53 = tpu.memref_slice %arg3[%mul3A_45, %dma_wait3A_52] : memref<10000x128xf32, #tpu.memory_space<hbm>> -> memref<80x128xf32, #tpu.memory_space<hbm>>
          tpu.wait_dma2 semaphore(%run_scoped3A : memref<!tpu.dma_semaphore, #tpu.memory_space<semaphore_mem>>) src(%dma_wait3A_53 : memref<80x128xf32, #tpu.memory_space<hbm>>) dst(%dma_wait3A_51 : memref<80x128xf32, #tpu.memory_space<vmem_shared>>)
          tpu.yield
        }) : () -> ()
      } else {
      }
    }
    %scan3A_5 = arith.constant 8 : i32
    "tpu.region"() ({
      %run_scoped3A = tpu.sem_alloc : memref<!tpu.dma_semaphore, #tpu.memory_space<semaphore_mem>>
      %dma_start3A_38 = arith.constant 0 : i32
      %dma_start3A_39 = arith.constant 0 : i32
      %dma_start3A_40 = tpu.memref_slice %arg2[%add3A, %dma_start3A_38, %dma_start3A_39] : memref<32x125x80xi32, #tpu.memory_space<hbm>> -> memref<1x125x80xi32, #tpu.memory_space<hbm>>
      %dma_start3A_41 = tpu.memref_squeeze %dma_start3A_40 : memref<1x125x80xi32, #tpu.memory_space<hbm>> -> memref<125x80xi32, #tpu.memory_space<hbm>>
      %dma_start3A_42 = arith.constant 0 : i32
      %dma_start3A_43 = arith.constant 0 : i32
      %dma_start3A_44 = tpu.memref_slice %arg2[%add3A, %dma_start3A_42, %dma_start3A_43] : memref<32x125x80xi32, #tpu.memory_space<hbm>> -> memref<1x125x80xi32, #tpu.memory_space<hbm>>
      %dma_start3A_45 = tpu.memref_squeeze %dma_start3A_44 : memref<1x125x80xi32, #tpu.memory_space<hbm>> -> memref<125x80xi32, #tpu.memory_space<hbm>>
      tpu.enqueue_dma source(%dma_start3A_45 : memref<125x80xi32, #tpu.memory_space<hbm>>) target(%arg6 : memref<125x80xi32, #tpu.memory_space<vmem>>) target_semaphore(%run_scoped3A : memref<!tpu.dma_semaphore, #tpu.memory_space<semaphore_mem>>)
      %dma_wait3A_46 = arith.constant 0 : i32
      %dma_wait3A_47 = arith.constant 0 : i32
      %dma_wait3A_48 = tpu.memref_slice %arg2[%add3A, %dma_wait3A_46, %dma_wait3A_47] : memref<32x125x80xi32, #tpu.memory_space<hbm>> -> memref<1x125x80xi32, #tpu.memory_space<hbm>>
      %dma_wait3A_49 = tpu.memref_squeeze %dma_wait3A_48 : memref<1x125x80xi32, #tpu.memory_space<hbm>> -> memref<125x80xi32, #tpu.memory_space<hbm>>
      %dma_wait3A_50 = arith.constant 0 : i32
      %dma_wait3A_51 = arith.constant 0 : i32
      %dma_wait3A_52 = tpu.memref_slice %arg2[%add3A, %dma_wait3A_50, %dma_wait3A_51] : memref<32x125x80xi32, #tpu.memory_space<hbm>> -> memref<1x125x80xi32, #tpu.memory_space<hbm>>
      %dma_wait3A_53 = tpu.memref_squeeze %dma_wait3A_52 : memref<1x125x80xi32, #tpu.memory_space<hbm>> -> memref<125x80xi32, #tpu.memory_space<hbm>>
      tpu.wait_dma2 semaphore(%run_scoped3A : memref<!tpu.dma_semaphore, #tpu.memory_space<semaphore_mem>>) src(%dma_wait3A_53 : memref<125x80xi32, #tpu.memory_space<hbm>>) dst(%arg6 : memref<125x80xi32, #tpu.memory_space<vmem>>)
      tpu.yield
    }) : () -> ()
    "tpu.region"() ({
      %run_scoped3A = tpu.sem_alloc : memref<!tpu.dma_semaphore, #tpu.memory_space<semaphore_mem>>
      tpu.enqueue_dma source(%arg4 : memref<80x128xf32, #tpu.memory_space<hbm>>) target(%arg7 : memref<80x128xf32, #tpu.memory_space<vmem>>) target_semaphore(%run_scoped3A : memref<!tpu.dma_semaphore, #tpu.memory_space<semaphore_mem>>)
      tpu.wait_dma2 semaphore(%run_scoped3A : memref<!tpu.dma_semaphore, #tpu.memory_space<semaphore_mem>>) src(%arg4 : memref<80x128xf32, #tpu.memory_space<hbm>>) dst(%arg7 : memref<80x128xf32, #tpu.memory_space<vmem>>)
      tpu.yield
    }) : () -> ()
    %barrier3A = arith.constant 0 : index
    tpu.barrier barrier_id(%barrier3A)
    %dma_start3A = arith.constant 0 : i32
    %dma_start3A_6 = arith.constant 0 : i32
    %dma_start3A_7 = tpu.memref_slice %arg6[%dma_start3A, %dma_start3A_6] : memref<125x80xi32, #tpu.memory_space<vmem>> -> memref<1x80xi32, #tpu.memory_space<vmem>>
    %dma_start3A_8 = tpu.memref_squeeze %dma_start3A_7 : memref<1x80xi32, #tpu.memory_space<vmem>> -> memref<80xi32, #tpu.memory_space<vmem>>
    %dma_start3A_9 = arith.constant 0 : i32
    %dma_start3A_10 = arith.constant 0 : i32
    %dma_start3A_11 = tpu.memref_slice %arg8[%dma_start3A_9, %dma_start3A_10] : memref<10000x128xf32, #tpu.memory_space<vmem_shared>> -> memref<10000x128xf32, #tpu.memory_space<vmem_shared>>
    tpu.enqueue_indirect_dma source(%arg7 : memref<80x128xf32, #tpu.memory_space<vmem>>) target(%dma_start3A_11 : memref<10000x128xf32, #tpu.memory_space<vmem_shared>>) offsets(%dma_start3A_8 : memref<80xi32, #tpu.memory_space<vmem>>) semaphore(%arg9 : memref<!tpu.dma_semaphore, #tpu.memory_space<semaphore_mem>>) {add = true}
    %scan3A_12 = arith.constant 0 : i32
    %scan3A_13 = arith.constant 0 : i32
    %scan3A_14 = arith.constant 62 : i32
    %scan3A_15 = arith.addi %scan3A_13, %scan3A_14 : i32
    %scan3A_16 = arith.constant 1 : i32
    scf.for %scan3A_38 = %scan3A_13 to %scan3A_15 step %scan3A_16  : i32 {
      %mul3A_39 = arith.constant 2 : i32
      %mul3A_40 = arith.muli %mul3A_39, %scan3A_38 : i32
      %add3A_41 = arith.constant 1 : i32
      %add3A_42 = arith.addi %mul3A_40, %add3A_41 : i32
      %ge3A = arith.constant 2 : i32
      %ge3A_43 = arith.cmpi sge, %add3A_42, %ge3A : i32
      %convert_element_type3A = arith.extui %ge3A_43 : i1 to i32
      %cond3A = arith.constant 0 : i32
      %cond3A_44 = arith.cmpi ne, %convert_element_type3A, %cond3A : i32
      scf.if %cond3A_44 {
        %dma_wait3A_66 = arith.constant 0 : i32
        %dma_wait3A_67 = tpu.memref_slice %arg6[%add3A_42, %dma_wait3A_66] : memref<125x80xi32, #tpu.memory_space<vmem>> -> memref<1x80xi32, #tpu.memory_space<vmem>>
        %dma_wait3A_68 = tpu.memref_squeeze %dma_wait3A_67 : memref<1x80xi32, #tpu.memory_space<vmem>> -> memref<80xi32, #tpu.memory_space<vmem>>
        %dma_wait3A_69 = arith.constant 0 : i32
        %dma_wait3A_70 = arith.constant 0 : i32
        %dma_wait3A_71 = tpu.memref_slice %arg8[%dma_wait3A_69, %dma_wait3A_70] : memref<10000x128xf32, #tpu.memory_space<vmem_shared>> -> memref<10000x128xf32, #tpu.memory_space<vmem_shared>>
        tpu.wait_indirect_dma semaphore(%arg10 : memref<!tpu.dma_semaphore, #tpu.memory_space<semaphore_mem>>) src(%arg7 : memref<80x128xf32, #tpu.memory_space<vmem>>) dst(%dma_wait3A_71 : memref<10000x128xf32, #tpu.memory_space<vmem_shared>>)
      } else {
      }
      %dma_start3A_45 = arith.constant 0 : i32
      %dma_start3A_46 = tpu.memref_slice %arg6[%add3A_42, %dma_start3A_45] : memref<125x80xi32, #tpu.memory_space<vmem>> -> memref<1x80xi32, #tpu.memory_space<vmem>>
      %dma_start3A_47 = tpu.memref_squeeze %dma_start3A_46 : memref<1x80xi32, #tpu.memory_space<vmem>> -> memref<80xi32, #tpu.memory_space<vmem>>
      %dma_start3A_48 = arith.constant 0 : i32
      %dma_start3A_49 = arith.constant 0 : i32
      %dma_start3A_50 = tpu.memref_slice %arg8[%dma_start3A_48, %dma_start3A_49] : memref<10000x128xf32, #tpu.memory_space<vmem_shared>> -> memref<10000x128xf32, #tpu.memory_space<vmem_shared>>
      tpu.enqueue_indirect_dma source(%arg7 : memref<80x128xf32, #tpu.memory_space<vmem>>) target(%dma_start3A_50 : memref<10000x128xf32, #tpu.memory_space<vmem_shared>>) offsets(%dma_start3A_47 : memref<80xi32, #tpu.memory_space<vmem>>) semaphore(%arg10 : memref<!tpu.dma_semaphore, #tpu.memory_space<semaphore_mem>>) {add = true}
      %mul3A_51 = arith.constant 2 : i32
      %mul3A_52 = arith.muli %mul3A_51, %scan3A_38 : i32
      %add3A_53 = arith.constant 2 : i32
      %add3A_54 = arith.addi %mul3A_52, %add3A_53 : i32
      %ge3A_55 = arith.constant 2 : i32
      %ge3A_56 = arith.cmpi sge, %add3A_54, %ge3A_55 : i32
      %convert_element_type3A_57 = arith.extui %ge3A_56 : i1 to i32
      %cond3A_58 = arith.constant 0 : i32
      %cond3A_59 = arith.cmpi ne, %convert_element_type3A_57, %cond3A_58 : i32
      scf.if %cond3A_59 {
        %dma_wait3A_66 = arith.constant 0 : i32
        %dma_wait3A_67 = tpu.memref_slice %arg6[%add3A_54, %dma_wait3A_66] : memref<125x80xi32, #tpu.memory_space<vmem>> -> memref<1x80xi32, #tpu.memory_space<vmem>>
        %dma_wait3A_68 = tpu.memref_squeeze %dma_wait3A_67 : memref<1x80xi32, #tpu.memory_space<vmem>> -> memref<80xi32, #tpu.memory_space<vmem>>
        %dma_wait3A_69 = arith.constant 0 : i32
        %dma_wait3A_70 = arith.constant 0 : i32
        %dma_wait3A_71 = tpu.memref_slice %arg8[%dma_wait3A_69, %dma_wait3A_70] : memref<10000x128xf32, #tpu.memory_space<vmem_shared>> -> memref<10000x128xf32, #tpu.memory_space<vmem_shared>>
        tpu.wait_indirect_dma semaphore(%arg9 : memref<!tpu.dma_semaphore, #tpu.memory_space<semaphore_mem>>) src(%arg7 : memref<80x128xf32, #tpu.memory_space<vmem>>) dst(%dma_wait3A_71 : memref<10000x128xf32, #tpu.memory_space<vmem_shared>>)
      } else {
      }
      %dma_start3A_60 = arith.constant 0 : i32
      %dma_start3A_61 = tpu.memref_slice %arg6[%add3A_54, %dma_start3A_60] : memref<125x80xi32, #tpu.memory_space<vmem>> -> memref<1x80xi32, #tpu.memory_space<vmem>>
      %dma_start3A_62 = tpu.memref_squeeze %dma_start3A_61 : memref<1x80xi32, #tpu.memory_space<vmem>> -> memref<80xi32, #tpu.memory_space<vmem>>
      %dma_start3A_63 = arith.constant 0 : i32
      %dma_start3A_64 = arith.constant 0 : i32
      %dma_start3A_65 = tpu.memref_slice %arg8[%dma_start3A_63, %dma_start3A_64] : memref<10000x128xf32, #tpu.memory_space<vmem_shared>> -> memref<10000x128xf32, #tpu.memory_space<vmem_shared>>
      tpu.enqueue_indirect_dma source(%arg7 : memref<80x128xf32, #tpu.memory_space<vmem>>) target(%dma_start3A_65 : memref<10000x128xf32, #tpu.memory_space<vmem_shared>>) offsets(%dma_start3A_62 : memref<80xi32, #tpu.memory_space<vmem>>) semaphore(%arg9 : memref<!tpu.dma_semaphore, #tpu.memory_space<semaphore_mem>>) {add = true}
    }
    %scan3A_17 = arith.constant 62 : i32
    %dma_wait3A = arith.constant 0 : i32
    %dma_wait3A_18 = arith.constant 0 : i32
    %dma_wait3A_19 = tpu.memref_slice %arg6[%dma_wait3A, %dma_wait3A_18] : memref<125x80xi32, #tpu.memory_space<vmem>> -> memref<1x80xi32, #tpu.memory_space<vmem>>
    %dma_wait3A_20 = tpu.memref_squeeze %dma_wait3A_19 : memref<1x80xi32, #tpu.memory_space<vmem>> -> memref<80xi32, #tpu.memory_space<vmem>>
    %dma_wait3A_21 = arith.constant 0 : i32
    %dma_wait3A_22 = arith.constant 0 : i32
    %dma_wait3A_23 = tpu.memref_slice %arg8[%dma_wait3A_21, %dma_wait3A_22] : memref<10000x128xf32, #tpu.memory_space<vmem_shared>> -> memref<10000x128xf32, #tpu.memory_space<vmem_shared>>
    tpu.wait_indirect_dma semaphore(%arg9 : memref<!tpu.dma_semaphore, #tpu.memory_space<semaphore_mem>>) src(%arg7 : memref<80x128xf32, #tpu.memory_space<vmem>>) dst(%dma_wait3A_23 : memref<10000x128xf32, #tpu.memory_space<vmem_shared>>)
    %dma_wait3A_24 = arith.constant 0 : i32
    %dma_wait3A_25 = arith.constant 0 : i32
    %dma_wait3A_26 = tpu.memref_slice %arg6[%dma_wait3A_24, %dma_wait3A_25] : memref<125x80xi32, #tpu.memory_space<vmem>> -> memref<1x80xi32, #tpu.memory_space<vmem>>
    %dma_wait3A_27 = tpu.memref_squeeze %dma_wait3A_26 : memref<1x80xi32, #tpu.memory_space<vmem>> -> memref<80xi32, #tpu.memory_space<vmem>>
    %dma_wait3A_28 = arith.constant 0 : i32
    %dma_wait3A_29 = arith.constant 0 : i32
    %dma_wait3A_30 = tpu.memref_slice %arg8[%dma_wait3A_28, %dma_wait3A_29] : memref<10000x128xf32, #tpu.memory_space<vmem_shared>> -> memref<10000x128xf32, #tpu.memory_space<vmem_shared>>
    tpu.wait_indirect_dma semaphore(%arg10 : memref<!tpu.dma_semaphore, #tpu.memory_space<semaphore_mem>>) src(%arg7 : memref<80x128xf32, #tpu.memory_space<vmem>>) dst(%dma_wait3A_30 : memref<10000x128xf32, #tpu.memory_space<vmem_shared>>)
    %barrier3A_31 = arith.constant 0 : index
    tpu.barrier barrier_id(%barrier3A_31)
    %scan3A_32 = arith.constant 0 : i32
    %scan3A_33 = arith.constant 0 : i32
    %scan3A_34 = arith.constant 8 : i32
    %scan3A_35 = arith.addi %scan3A_33, %scan3A_34 : i32
    %scan3A_36 = arith.constant 1 : i32
    scf.for %scan3A_38 = %scan3A_33 to %scan3A_35 step %scan3A_36  : i32 {
      %mul3A_39 = arith.constant 16 : i32
      %mul3A_40 = arith.muli %mul3A_39, %scan3A_38 : i32
      %add3A_41 = arith.addi %arg1, %mul3A_40 : i32
      %lt3A = arith.constant 125 : i32
      %lt3A_42 = arith.cmpi slt, %add3A_41, %lt3A : i32
      %convert_element_type3A = arith.extui %lt3A_42 : i1 to i32
      %cond3A = arith.constant 0 : i32
      %cond3A_43 = arith.cmpi ne, %convert_element_type3A, %cond3A : i32
      scf.if %cond3A_43 {
        %mul3A_44 = arith.constant 80 : i32
        %mul3A_45 = arith.muli %add3A_41, %mul3A_44 : i32
        "tpu.region"() ({
          %run_scoped3A = tpu.sem_alloc : memref<!tpu.dma_semaphore, #tpu.memory_space<semaphore_mem>>
          %dma_start3A_46 = arith.constant 0 : i32
          %dma_start3A_47 = tpu.memref_slice %arg5[%arg0, %mul3A_45, %dma_start3A_46] : memref<2x10000x128xf32, #tpu.memory_space<hbm>> -> memref<1x80x128xf32, #tpu.memory_space<hbm>>
          %dma_start3A_48 = tpu.memref_squeeze %dma_start3A_47 : memref<1x80x128xf32, #tpu.memory_space<hbm>> -> memref<80x128xf32, #tpu.memory_space<hbm>>
          %dma_start3A_49 = arith.constant 0 : i32
          %dma_start3A_50 = tpu.memref_slice %arg8[%mul3A_45, %dma_start3A_49] : memref<10000x128xf32, #tpu.memory_space<vmem_shared>> -> memref<80x128xf32, #tpu.memory_space<vmem_shared>>
          tpu.enqueue_dma source(%dma_start3A_50 : memref<80x128xf32, #tpu.memory_space<vmem_shared>>) target(%dma_start3A_48 : memref<80x128xf32, #tpu.memory_space<hbm>>) target_semaphore(%run_scoped3A : memref<!tpu.dma_semaphore, #tpu.memory_space<semaphore_mem>>)
          %dma_wait3A_51 = arith.constant 0 : i32
          %dma_wait3A_52 = tpu.memref_slice %arg5[%arg0, %mul3A_45, %dma_wait3A_51] : memref<2x10000x128xf32, #tpu.memory_space<hbm>> -> memref<1x80x128xf32, #tpu.memory_space<hbm>>
          %dma_wait3A_53 = tpu.memref_squeeze %dma_wait3A_52 : memref<1x80x128xf32, #tpu.memory_space<hbm>> -> memref<80x128xf32, #tpu.memory_space<hbm>>
          %dma_wait3A_54 = arith.constant 0 : i32
          %dma_wait3A_55 = tpu.memref_slice %arg8[%mul3A_45, %dma_wait3A_54] : memref<10000x128xf32, #tpu.memory_space<vmem_shared>> -> memref<80x128xf32, #tpu.memory_space<vmem_shared>>
          tpu.wait_dma2 semaphore(%run_scoped3A : memref<!tpu.dma_semaphore, #tpu.memory_space<semaphore_mem>>) src(%dma_wait3A_55 : memref<80x128xf32, #tpu.memory_space<vmem_shared>>) dst(%dma_wait3A_53 : memref<80x128xf32, #tpu.memory_space<hbm>>)
          tpu.yield
        }) : () -> ()
      } else {
      }
    }
    %scan3A_37 = arith.constant 8 : i32
    return
  }
}

#map = affine_map<(d0, d1) -> (0, 0)>
#map1 = affine_map<(d0, d1) -> (0, 0, 0)>
module attributes {stable_mosaic.version = 14 : i64} {
  func.func @_agg_kernel(%arg0: i32, %arg1: i32, %arg2: memref<10000x128xf32, #tpu.memory_space<hbm>>, %arg3: memref<32x128x80xi32, #tpu.memory_space<hbm>>, %arg4: memref<32x128x80xi32, #tpu.memory_space<hbm>>, %arg5: memref<10000x128xf32, #tpu.memory_space<hbm>>, %arg6: memref<2x10000x128xf32, #tpu.memory_space<hbm>>, %arg7: memref<80xi32, #tpu.memory_space<vmem>>, %arg8: memref<80xi32, #tpu.memory_space<vmem>>, %arg9: memref<80xi32, #tpu.memory_space<vmem>>, %arg10: memref<80xi32, #tpu.memory_space<vmem>>, %arg11: memref<80xi32, #tpu.memory_space<vmem>>, %arg12: memref<80xi32, #tpu.memory_space<vmem>>, %arg13: memref<80xi32, #tpu.memory_space<vmem>>, %arg14: memref<80xi32, #tpu.memory_space<vmem>>, %arg15: memref<80x128xf32, #tpu.memory_space<vmem>>, %arg16: memref<80x128xf32, #tpu.memory_space<vmem>>, %arg17: memref<10016x128xf32, #tpu.memory_space<vmem_shared>>, %arg18: memref<!tpu.dma_semaphore, #tpu.memory_space<semaphore_mem>>, %arg19: memref<!tpu.dma_semaphore, #tpu.memory_space<semaphore_mem>>, %arg20: memref<!tpu.dma_semaphore, #tpu.memory_space<semaphore_mem>>, %arg21: memref<!tpu.dma_semaphore, #tpu.memory_space<semaphore_mem>>, %arg22: memref<!tpu.dma_semaphore, #tpu.memory_space<semaphore_mem>>, %arg23: memref<!tpu.dma_semaphore, #tpu.memory_space<semaphore_mem>>, %arg24: memref<!tpu.dma_semaphore, #tpu.memory_space<semaphore_mem>>, %arg25: memref<!tpu.dma_semaphore, #tpu.memory_space<semaphore_mem>>) attributes {dimension_semantics = [#tpu.dimension_semantics<core_parallel>, #tpu.dimension_semantics<subcore_parallel>], iteration_bounds = array<i64: 2, 16>, scalar_prefetch = 0 : i64, scratch_operands = 19 : i64, tpu.core_type = #tpu.core_type<sc_vector_subcore>, window_params = [{transform_indices = #map}, {transform_indices = #map1}, {transform_indices = #map1}, {transform_indices = #map}, {transform_indices = #map1}]} {
    %mul3A = arith.constant 2 : i32
    %mul3A_0 = arith.muli %arg1, %mul3A : i32
    %add3A = arith.addi %mul3A_0, %arg0 : i32
    %scan3A = arith.constant 0 : i32
    %scan3A_1 = arith.constant 0 : i32
    %scan3A_2 = arith.constant 8 : i32
    %scan3A_3 = arith.addi %scan3A_1, %scan3A_2 : i32
    %scan3A_4 = arith.constant 1 : i32
    scf.for %scan3A_68 = %scan3A_1 to %scan3A_3 step %scan3A_4  : i32 {
      %mul3A_69 = arith.constant 16 : i32
      %mul3A_70 = arith.muli %mul3A_69, %scan3A_68 : i32
      %add3A_71 = arith.addi %arg1, %mul3A_70 : i32
      %lt3A = arith.constant 125 : i32
      %lt3A_72 = arith.cmpi slt, %add3A_71, %lt3A : i32
      %convert_element_type3A = arith.extui %lt3A_72 : i1 to i32
      %cond3A = arith.constant 0 : i32
      %cond3A_73 = arith.cmpi ne, %convert_element_type3A, %cond3A : i32
      scf.if %cond3A_73 {
        %mul3A_74 = arith.constant 80 : i32
        %mul3A_75 = arith.muli %add3A_71, %mul3A_74 : i32
        "tpu.region"() ({
          %run_scoped3A = tpu.sem_alloc : memref<!tpu.dma_semaphore, #tpu.memory_space<semaphore_mem>>
          %dma_start3A_76 = arith.constant 0 : i32
          %dma_start3A_77 = tpu.memref_slice %arg17[%mul3A_75, %dma_start3A_76] : memref<10016x128xf32, #tpu.memory_space<vmem_shared>> -> memref<80x128xf32, #tpu.memory_space<vmem_shared>>
          %dma_start3A_78 = arith.constant 0 : i32
          %dma_start3A_79 = tpu.memref_slice %arg5[%mul3A_75, %dma_start3A_78] : memref<10000x128xf32, #tpu.memory_space<hbm>> -> memref<80x128xf32, #tpu.memory_space<hbm>>
          tpu.enqueue_dma source(%dma_start3A_79 : memref<80x128xf32, #tpu.memory_space<hbm>>) target(%dma_start3A_77 : memref<80x128xf32, #tpu.memory_space<vmem_shared>>) target_semaphore(%run_scoped3A : memref<!tpu.dma_semaphore, #tpu.memory_space<semaphore_mem>>)
          %dma_wait3A_80 = arith.constant 0 : i32
          %dma_wait3A_81 = tpu.memref_slice %arg17[%mul3A_75, %dma_wait3A_80] : memref<10016x128xf32, #tpu.memory_space<vmem_shared>> -> memref<80x128xf32, #tpu.memory_space<vmem_shared>>
          %dma_wait3A_82 = arith.constant 0 : i32
          %dma_wait3A_83 = tpu.memref_slice %arg5[%mul3A_75, %dma_wait3A_82] : memref<10000x128xf32, #tpu.memory_space<hbm>> -> memref<80x128xf32, #tpu.memory_space<hbm>>
          tpu.wait_dma2 semaphore(%run_scoped3A : memref<!tpu.dma_semaphore, #tpu.memory_space<semaphore_mem>>) src(%dma_wait3A_83 : memref<80x128xf32, #tpu.memory_space<hbm>>) dst(%dma_wait3A_81 : memref<80x128xf32, #tpu.memory_space<vmem_shared>>)
          tpu.yield
        }) : () -> ()
      } else {
      }
    }
    %scan3A_5 = arith.constant 8 : i32
    %barrier3A = arith.constant 0 : index
    tpu.barrier barrier_id(%barrier3A)
    %dma_start3A = arith.constant 0 : i32
    %dma_start3A_6 = arith.constant 0 : i32
    %dma_start3A_7 = tpu.memref_slice %arg3[%add3A, %dma_start3A, %dma_start3A_6] : memref<32x128x80xi32, #tpu.memory_space<hbm>> -> memref<1x1x80xi32, #tpu.memory_space<hbm>>
    %dma_start3A_8 = tpu.memref_squeeze %dma_start3A_7 : memref<1x1x80xi32, #tpu.memory_space<hbm>> -> memref<80xi32, #tpu.memory_space<hbm>>
    %dma_start3A_9 = arith.constant 0 : i32
    %dma_start3A_10 = tpu.memref_slice %arg3[%add3A, %dma_start3A, %dma_start3A_9] : memref<32x128x80xi32, #tpu.memory_space<hbm>> -> memref<1x1x80xi32, #tpu.memory_space<hbm>>
    %dma_start3A_11 = tpu.memref_squeeze %dma_start3A_10 : memref<1x1x80xi32, #tpu.memory_space<hbm>> -> memref<80xi32, #tpu.memory_space<hbm>>
    tpu.enqueue_dma source(%dma_start3A_11 : memref<80xi32, #tpu.memory_space<hbm>>) target(%arg7 : memref<80xi32, #tpu.memory_space<vmem>>) target_semaphore(%arg18 : memref<!tpu.dma_semaphore, #tpu.memory_space<semaphore_mem>>)
    %dma_start3A_12 = arith.constant 0 : i32
    %dma_start3A_13 = arith.constant 0 : i32
    %dma_start3A_14 = tpu.memref_slice %arg4[%add3A, %dma_start3A_12, %dma_start3A_13] : memref<32x128x80xi32, #tpu.memory_space<hbm>> -> memref<1x1x80xi32, #tpu.memory_space<hbm>>
    %dma_start3A_15 = tpu.memref_squeeze %dma_start3A_14 : memref<1x1x80xi32, #tpu.memory_space<hbm>> -> memref<80xi32, #tpu.memory_space<hbm>>
    %dma_start3A_16 = arith.constant 0 : i32
    %dma_start3A_17 = tpu.memref_slice %arg4[%add3A, %dma_start3A_12, %dma_start3A_16] : memref<32x128x80xi32, #tpu.memory_space<hbm>> -> memref<1x1x80xi32, #tpu.memory_space<hbm>>
    %dma_start3A_18 = tpu.memref_squeeze %dma_start3A_17 : memref<1x1x80xi32, #tpu.memory_space<hbm>> -> memref<80xi32, #tpu.memory_space<hbm>>
    tpu.enqueue_dma source(%dma_start3A_18 : memref<80xi32, #tpu.memory_space<hbm>>) target(%arg11 : memref<80xi32, #tpu.memory_space<vmem>>) target_semaphore(%arg18 : memref<!tpu.dma_semaphore, #tpu.memory_space<semaphore_mem>>)
    %dma_start3A_19 = arith.constant 1 : i32
    %dma_start3A_20 = arith.constant 0 : i32
    %dma_start3A_21 = tpu.memref_slice %arg3[%add3A, %dma_start3A_19, %dma_start3A_20] : memref<32x128x80xi32, #tpu.memory_space<hbm>> -> memref<1x1x80xi32, #tpu.memory_space<hbm>>
    %dma_start3A_22 = tpu.memref_squeeze %dma_start3A_21 : memref<1x1x80xi32, #tpu.memory_space<hbm>> -> memref<80xi32, #tpu.memory_space<hbm>>
    %dma_start3A_23 = arith.constant 0 : i32
    %dma_start3A_24 = tpu.memref_slice %arg3[%add3A, %dma_start3A_19, %dma_start3A_23] : memref<32x128x80xi32, #tpu.memory_space<hbm>> -> memref<1x1x80xi32, #tpu.memory_space<hbm>>
    %dma_start3A_25 = tpu.memref_squeeze %dma_start3A_24 : memref<1x1x80xi32, #tpu.memory_space<hbm>> -> memref<80xi32, #tpu.memory_space<hbm>>
    tpu.enqueue_dma source(%dma_start3A_25 : memref<80xi32, #tpu.memory_space<hbm>>) target(%arg8 : memref<80xi32, #tpu.memory_space<vmem>>) target_semaphore(%arg19 : memref<!tpu.dma_semaphore, #tpu.memory_space<semaphore_mem>>)
    %dma_start3A_26 = arith.constant 1 : i32
    %dma_start3A_27 = arith.constant 0 : i32
    %dma_start3A_28 = tpu.memref_slice %arg4[%add3A, %dma_start3A_26, %dma_start3A_27] : memref<32x128x80xi32, #tpu.memory_space<hbm>> -> memref<1x1x80xi32, #tpu.memory_space<hbm>>
    %dma_start3A_29 = tpu.memref_squeeze %dma_start3A_28 : memref<1x1x80xi32, #tpu.memory_space<hbm>> -> memref<80xi32, #tpu.memory_space<hbm>>
    %dma_start3A_30 = arith.constant 0 : i32
    %dma_start3A_31 = tpu.memref_slice %arg4[%add3A, %dma_start3A_26, %dma_start3A_30] : memref<32x128x80xi32, #tpu.memory_space<hbm>> -> memref<1x1x80xi32, #tpu.memory_space<hbm>>
    %dma_start3A_32 = tpu.memref_squeeze %dma_start3A_31 : memref<1x1x80xi32, #tpu.memory_space<hbm>> -> memref<80xi32, #tpu.memory_space<hbm>>
    tpu.enqueue_dma source(%dma_start3A_32 : memref<80xi32, #tpu.memory_space<hbm>>) target(%arg12 : memref<80xi32, #tpu.memory_space<vmem>>) target_semaphore(%arg19 : memref<!tpu.dma_semaphore, #tpu.memory_space<semaphore_mem>>)
    %dma_wait3A = arith.constant 0 : i32
    %dma_wait3A_33 = arith.constant 0 : i32
    %dma_wait3A_34 = tpu.memref_slice %arg3[%add3A, %dma_wait3A, %dma_wait3A_33] : memref<32x128x80xi32, #tpu.memory_space<hbm>> -> memref<1x1x80xi32, #tpu.memory_space<hbm>>
    %dma_wait3A_35 = tpu.memref_squeeze %dma_wait3A_34 : memref<1x1x80xi32, #tpu.memory_space<hbm>> -> memref<80xi32, #tpu.memory_space<hbm>>
    %dma_wait3A_36 = arith.constant 0 : i32
    %dma_wait3A_37 = tpu.memref_slice %arg3[%add3A, %dma_wait3A, %dma_wait3A_36] : memref<32x128x80xi32, #tpu.memory_space<hbm>> -> memref<1x1x80xi32, #tpu.memory_space<hbm>>
    %dma_wait3A_38 = tpu.memref_squeeze %dma_wait3A_37 : memref<1x1x80xi32, #tpu.memory_space<hbm>> -> memref<80xi32, #tpu.memory_space<hbm>>
    tpu.wait_dma2 semaphore(%arg18 : memref<!tpu.dma_semaphore, #tpu.memory_space<semaphore_mem>>) src(%dma_wait3A_38 : memref<80xi32, #tpu.memory_space<hbm>>) dst(%arg7 : memref<80xi32, #tpu.memory_space<vmem>>)
    %dma_wait3A_39 = arith.constant 0 : i32
    %dma_wait3A_40 = arith.constant 0 : i32
    %dma_wait3A_41 = tpu.memref_slice %arg4[%add3A, %dma_wait3A_39, %dma_wait3A_40] : memref<32x128x80xi32, #tpu.memory_space<hbm>> -> memref<1x1x80xi32, #tpu.memory_space<hbm>>
    %dma_wait3A_42 = tpu.memref_squeeze %dma_wait3A_41 : memref<1x1x80xi32, #tpu.memory_space<hbm>> -> memref<80xi32, #tpu.memory_space<hbm>>
    %dma_wait3A_43 = arith.constant 0 : i32
    %dma_wait3A_44 = tpu.memref_slice %arg4[%add3A, %dma_wait3A_39, %dma_wait3A_43] : memref<32x128x80xi32, #tpu.memory_space<hbm>> -> memref<1x1x80xi32, #tpu.memory_space<hbm>>
    %dma_wait3A_45 = tpu.memref_squeeze %dma_wait3A_44 : memref<1x1x80xi32, #tpu.memory_space<hbm>> -> memref<80xi32, #tpu.memory_space<hbm>>
    tpu.wait_dma2 semaphore(%arg18 : memref<!tpu.dma_semaphore, #tpu.memory_space<semaphore_mem>>) src(%dma_wait3A_45 : memref<80xi32, #tpu.memory_space<hbm>>) dst(%arg11 : memref<80xi32, #tpu.memory_space<vmem>>)
    %dma_start3A_46 = arith.constant 0 : i32
    %dma_start3A_47 = arith.constant 0 : i32
    %dma_start3A_48 = tpu.memref_slice %arg2[%dma_start3A_46, %dma_start3A_47] : memref<10000x128xf32, #tpu.memory_space<hbm>> -> memref<10000x128xf32, #tpu.memory_space<hbm>>
    tpu.enqueue_indirect_dma source(%dma_start3A_48 : memref<10000x128xf32, #tpu.memory_space<hbm>>) target(%arg15 : memref<80x128xf32, #tpu.memory_space<vmem>>) offsets(%arg7 : memref<80xi32, #tpu.memory_space<vmem>>) semaphore(%arg22 : memref<!tpu.dma_semaphore, #tpu.memory_space<semaphore_mem>>)
    %scan3A_49 = arith.constant 0 : i32
    %scan3A_50 = arith.constant 0 : i32
    %scan3A_51 = arith.constant 32 : i32
    %scan3A_52 = arith.addi %scan3A_50, %scan3A_51 : i32
    %scan3A_53 = arith.constant 1 : i32
    scf.for %scan3A_68 = %scan3A_50 to %scan3A_52 step %scan3A_53  : i32 {
      %mul3A_69 = arith.constant 4 : i32
      %mul3A_70 = arith.muli %mul3A_69, %scan3A_68 : i32
      %ge3A = arith.constant 1 : i32
      %ge3A_71 = arith.cmpi sge, %mul3A_70, %ge3A : i32
      %add3A_72 = arith.constant 1 : i32
      %add3A_73 = arith.addi %mul3A_70, %add3A_72 : i32
      %lt3A = arith.constant 128 : i32
      %lt3A_74 = arith.cmpi slt, %add3A_73, %lt3A : i32
      %and3A = arith.andi %ge3A_71, %lt3A_74 : i1
      %convert_element_type3A = arith.extui %and3A : i1 to i32
      %cond3A = arith.constant 0 : i32
      %cond3A_75 = arith.cmpi ne, %convert_element_type3A, %cond3A : i32
      scf.if %cond3A_75 {
        %dma_wait3A_198 = arith.constant 0 : i32
        %dma_wait3A_199 = arith.constant 0 : i32
        %dma_wait3A_200 = tpu.memref_slice %arg17[%dma_wait3A_198, %dma_wait3A_199] : memref<10016x128xf32, #tpu.memory_space<vmem_shared>> -> memref<10016x128xf32, #tpu.memory_space<vmem_shared>>
        tpu.wait_indirect_dma semaphore(%arg25 : memref<!tpu.dma_semaphore, #tpu.memory_space<semaphore_mem>>) src(%arg16 : memref<80x128xf32, #tpu.memory_space<vmem>>) dst(%dma_wait3A_200 : memref<10016x128xf32, #tpu.memory_space<vmem_shared>>)
      } else {
      }
      %add3A_76 = arith.constant 1 : i32
      %add3A_77 = arith.addi %mul3A_70, %add3A_76 : i32
      %lt3A_78 = arith.constant 128 : i32
      %lt3A_79 = arith.cmpi slt, %add3A_77, %lt3A_78 : i32
      %convert_element_type3A_80 = arith.extui %lt3A_79 : i1 to i32
      %cond3A_81 = arith.constant 0 : i32
      %cond3A_82 = arith.cmpi ne, %convert_element_type3A_80, %cond3A_81 : i32
      scf.if %cond3A_82 {
        %dma_wait3A_198 = arith.constant 0 : i32
        %dma_wait3A_199 = arith.constant 0 : i32
        %dma_wait3A_200 = tpu.memref_slice %arg3[%add3A, %dma_wait3A_198, %dma_wait3A_199] : memref<32x128x80xi32, #tpu.memory_space<hbm>> -> memref<1x1x80xi32, #tpu.memory_space<hbm>>
        %dma_wait3A_201 = tpu.memref_squeeze %dma_wait3A_200 : memref<1x1x80xi32, #tpu.memory_space<hbm>> -> memref<80xi32, #tpu.memory_space<hbm>>
        %dma_wait3A_202 = arith.constant 0 : i32
        %dma_wait3A_203 = tpu.memref_slice %arg3[%add3A, %dma_wait3A_198, %dma_wait3A_202] : memref<32x128x80xi32, #tpu.memory_space<hbm>> -> memref<1x1x80xi32, #tpu.memory_space<hbm>>
        %dma_wait3A_204 = tpu.memref_squeeze %dma_wait3A_203 : memref<1x1x80xi32, #tpu.memory_space<hbm>> -> memref<80xi32, #tpu.memory_space<hbm>>
        tpu.wait_dma2 semaphore(%arg19 : memref<!tpu.dma_semaphore, #tpu.memory_space<semaphore_mem>>) src(%dma_wait3A_204 : memref<80xi32, #tpu.memory_space<hbm>>) dst(%arg8 : memref<80xi32, #tpu.memory_space<vmem>>)
        %dma_wait3A_205 = arith.constant 0 : i32
        %dma_wait3A_206 = arith.constant 0 : i32
        %dma_wait3A_207 = tpu.memref_slice %arg4[%add3A, %dma_wait3A_205, %dma_wait3A_206] : memref<32x128x80xi32, #tpu.memory_space<hbm>> -> memref<1x1x80xi32, #tpu.memory_space<hbm>>
        %dma_wait3A_208 = tpu.memref_squeeze %dma_wait3A_207 : memref<1x1x80xi32, #tpu.memory_space<hbm>> -> memref<80xi32, #tpu.memory_space<hbm>>
        %dma_wait3A_209 = arith.constant 0 : i32
        %dma_wait3A_210 = tpu.memref_slice %arg4[%add3A, %dma_wait3A_205, %dma_wait3A_209] : memref<32x128x80xi32, #tpu.memory_space<hbm>> -> memref<1x1x80xi32, #tpu.memory_space<hbm>>
        %dma_wait3A_211 = tpu.memref_squeeze %dma_wait3A_210 : memref<1x1x80xi32, #tpu.memory_space<hbm>> -> memref<80xi32, #tpu.memory_space<hbm>>
        tpu.wait_dma2 semaphore(%arg19 : memref<!tpu.dma_semaphore, #tpu.memory_space<semaphore_mem>>) src(%dma_wait3A_211 : memref<80xi32, #tpu.memory_space<hbm>>) dst(%arg12 : memref<80xi32, #tpu.memory_space<vmem>>)
        %dma_start3A_212 = arith.constant 0 : i32
        %dma_start3A_213 = arith.constant 0 : i32
        %dma_start3A_214 = tpu.memref_slice %arg2[%dma_start3A_212, %dma_start3A_213] : memref<10000x128xf32, #tpu.memory_space<hbm>> -> memref<10000x128xf32, #tpu.memory_space<hbm>>
        tpu.enqueue_indirect_dma source(%dma_start3A_214 : memref<10000x128xf32, #tpu.memory_space<hbm>>) target(%arg16 : memref<80x128xf32, #tpu.memory_space<vmem>>) offsets(%arg8 : memref<80xi32, #tpu.memory_space<vmem>>) semaphore(%arg23 : memref<!tpu.dma_semaphore, #tpu.memory_space<semaphore_mem>>)
      } else {
      }
      %dma_wait3A_83 = arith.constant 0 : i32
      %dma_wait3A_84 = arith.constant 0 : i32
      %dma_wait3A_85 = tpu.memref_slice %arg2[%dma_wait3A_83, %dma_wait3A_84] : memref<10000x128xf32, #tpu.memory_space<hbm>> -> memref<10000x128xf32, #tpu.memory_space<hbm>>
      tpu.wait_indirect_dma semaphore(%arg22 : memref<!tpu.dma_semaphore, #tpu.memory_space<semaphore_mem>>) src(%dma_wait3A_85 : memref<10000x128xf32, #tpu.memory_space<hbm>>) dst(%arg15 : memref<80x128xf32, #tpu.memory_space<vmem>>)
      %add3A_86 = arith.constant 2 : i32
      %add3A_87 = arith.addi %mul3A_70, %add3A_86 : i32
      %lt3A_88 = arith.constant 128 : i32
      %lt3A_89 = arith.cmpi slt, %add3A_87, %lt3A_88 : i32
      %convert_element_type3A_90 = arith.extui %lt3A_89 : i1 to i32
      %cond3A_91 = arith.constant 0 : i32
      %cond3A_92 = arith.cmpi ne, %convert_element_type3A_90, %cond3A_91 : i32
      scf.if %cond3A_92 {
        %add3A_198 = arith.constant 2 : i32
        %add3A_199 = arith.addi %mul3A_70, %add3A_198 : i32
        %dma_start3A_200 = arith.constant 0 : i32
        %dma_start3A_201 = tpu.memref_slice %arg3[%add3A, %add3A_199, %dma_start3A_200] : memref<32x128x80xi32, #tpu.memory_space<hbm>> -> memref<1x1x80xi32, #tpu.memory_space<hbm>>
        %dma_start3A_202 = tpu.memref_squeeze %dma_start3A_201 : memref<1x1x80xi32, #tpu.memory_space<hbm>> -> memref<80xi32, #tpu.memory_space<hbm>>
        %dma_start3A_203 = arith.constant 0 : i32
        %dma_start3A_204 = tpu.memref_slice %arg3[%add3A, %add3A_199, %dma_start3A_203] : memref<32x128x80xi32, #tpu.memory_space<hbm>> -> memref<1x1x80xi32, #tpu.memory_space<hbm>>
        %dma_start3A_205 = tpu.memref_squeeze %dma_start3A_204 : memref<1x1x80xi32, #tpu.memory_space<hbm>> -> memref<80xi32, #tpu.memory_space<hbm>>
        tpu.enqueue_dma source(%dma_start3A_205 : memref<80xi32, #tpu.memory_space<hbm>>) target(%arg9 : memref<80xi32, #tpu.memory_space<vmem>>) target_semaphore(%arg20 : memref<!tpu.dma_semaphore, #tpu.memory_space<semaphore_mem>>)
        %dma_start3A_206 = arith.constant 0 : i32
        %dma_start3A_207 = tpu.memref_slice %arg4[%add3A, %add3A_199, %dma_start3A_206] : memref<32x128x80xi32, #tpu.memory_space<hbm>> -> memref<1x1x80xi32, #tpu.memory_space<hbm>>
        %dma_start3A_208 = tpu.memref_squeeze %dma_start3A_207 : memref<1x1x80xi32, #tpu.memory_space<hbm>> -> memref<80xi32, #tpu.memory_space<hbm>>
        %dma_start3A_209 = arith.constant 0 : i32
        %dma_start3A_210 = tpu.memref_slice %arg4[%add3A, %add3A_199, %dma_start3A_209] : memref<32x128x80xi32, #tpu.memory_space<hbm>> -> memref<1x1x80xi32, #tpu.memory_space<hbm>>
        %dma_start3A_211 = tpu.memref_squeeze %dma_start3A_210 : memref<1x1x80xi32, #tpu.memory_space<hbm>> -> memref<80xi32, #tpu.memory_space<hbm>>
        tpu.enqueue_dma source(%dma_start3A_211 : memref<80xi32, #tpu.memory_space<hbm>>) target(%arg13 : memref<80xi32, #tpu.memory_space<vmem>>) target_semaphore(%arg20 : memref<!tpu.dma_semaphore, #tpu.memory_space<semaphore_mem>>)
      } else {
      }
      %dma_start3A_93 = arith.constant 0 : i32
      %dma_start3A_94 = arith.constant 0 : i32
      %dma_start3A_95 = tpu.memref_slice %arg17[%dma_start3A_93, %dma_start3A_94] : memref<10016x128xf32, #tpu.memory_space<vmem_shared>> -> memref<10016x128xf32, #tpu.memory_space<vmem_shared>>
      tpu.enqueue_indirect_dma source(%arg15 : memref<80x128xf32, #tpu.memory_space<vmem>>) target(%dma_start3A_95 : memref<10016x128xf32, #tpu.memory_space<vmem_shared>>) offsets(%arg11 : memref<80xi32, #tpu.memory_space<vmem>>) semaphore(%arg24 : memref<!tpu.dma_semaphore, #tpu.memory_space<semaphore_mem>>) {add = true}
      %mul3A_96 = arith.constant 4 : i32
      %mul3A_97 = arith.muli %mul3A_96, %scan3A_68 : i32
      %add3A_98 = arith.constant 1 : i32
      %add3A_99 = arith.addi %mul3A_97, %add3A_98 : i32
      %ge3A_100 = arith.constant 1 : i32
      %ge3A_101 = arith.cmpi sge, %add3A_99, %ge3A_100 : i32
      %add3A_102 = arith.constant 1 : i32
      %add3A_103 = arith.addi %add3A_99, %add3A_102 : i32
      %lt3A_104 = arith.constant 128 : i32
      %lt3A_105 = arith.cmpi slt, %add3A_103, %lt3A_104 : i32
      %and3A_106 = arith.andi %ge3A_101, %lt3A_105 : i1
      %convert_element_type3A_107 = arith.extui %and3A_106 : i1 to i32
      %cond3A_108 = arith.constant 0 : i32
      %cond3A_109 = arith.cmpi ne, %convert_element_type3A_107, %cond3A_108 : i32
      scf.if %cond3A_109 {
        %dma_wait3A_198 = arith.constant 0 : i32
        %dma_wait3A_199 = arith.constant 0 : i32
        %dma_wait3A_200 = tpu.memref_slice %arg17[%dma_wait3A_198, %dma_wait3A_199] : memref<10016x128xf32, #tpu.memory_space<vmem_shared>> -> memref<10016x128xf32, #tpu.memory_space<vmem_shared>>
        tpu.wait_indirect_dma semaphore(%arg24 : memref<!tpu.dma_semaphore, #tpu.memory_space<semaphore_mem>>) src(%arg15 : memref<80x128xf32, #tpu.memory_space<vmem>>) dst(%dma_wait3A_200 : memref<10016x128xf32, #tpu.memory_space<vmem_shared>>)
      } else {
      }
      %add3A_110 = arith.constant 1 : i32
      %add3A_111 = arith.addi %add3A_99, %add3A_110 : i32
      %lt3A_112 = arith.constant 128 : i32
      %lt3A_113 = arith.cmpi slt, %add3A_111, %lt3A_112 : i32
      %convert_element_type3A_114 = arith.extui %lt3A_113 : i1 to i32
      %cond3A_115 = arith.constant 0 : i32
      %cond3A_116 = arith.cmpi ne, %convert_element_type3A_114, %cond3A_115 : i32
      scf.if %cond3A_116 {
        %dma_wait3A_198 = arith.constant 0 : i32
        %dma_wait3A_199 = arith.constant 0 : i32
        %dma_wait3A_200 = tpu.memref_slice %arg3[%add3A, %dma_wait3A_198, %dma_wait3A_199] : memref<32x128x80xi32, #tpu.memory_space<hbm>> -> memref<1x1x80xi32, #tpu.memory_space<hbm>>
        %dma_wait3A_201 = tpu.memref_squeeze %dma_wait3A_200 : memref<1x1x80xi32, #tpu.memory_space<hbm>> -> memref<80xi32, #tpu.memory_space<hbm>>
        %dma_wait3A_202 = arith.constant 0 : i32
        %dma_wait3A_203 = tpu.memref_slice %arg3[%add3A, %dma_wait3A_198, %dma_wait3A_202] : memref<32x128x80xi32, #tpu.memory_space<hbm>> -> memref<1x1x80xi32, #tpu.memory_space<hbm>>
        %dma_wait3A_204 = tpu.memref_squeeze %dma_wait3A_203 : memref<1x1x80xi32, #tpu.memory_space<hbm>> -> memref<80xi32, #tpu.memory_space<hbm>>
        tpu.wait_dma2 semaphore(%arg20 : memref<!tpu.dma_semaphore, #tpu.memory_space<semaphore_mem>>) src(%dma_wait3A_204 : memref<80xi32, #tpu.memory_space<hbm>>) dst(%arg9 : memref<80xi32, #tpu.memory_space<vmem>>)
        %dma_wait3A_205 = arith.constant 0 : i32
        %dma_wait3A_206 = arith.constant 0 : i32
        %dma_wait3A_207 = tpu.memref_slice %arg4[%add3A, %dma_wait3A_205, %dma_wait3A_206] : memref<32x128x80xi32, #tpu.memory_space<hbm>> -> memref<1x1x80xi32, #tpu.memory_space<hbm>>
        %dma_wait3A_208 = tpu.memref_squeeze %dma_wait3A_207 : memref<1x1x80xi32, #tpu.memory_space<hbm>> -> memref<80xi32, #tpu.memory_space<hbm>>
        %dma_wait3A_209 = arith.constant 0 : i32
        %dma_wait3A_210 = tpu.memref_slice %arg4[%add3A, %dma_wait3A_205, %dma_wait3A_209] : memref<32x128x80xi32, #tpu.memory_space<hbm>> -> memref<1x1x80xi32, #tpu.memory_space<hbm>>
        %dma_wait3A_211 = tpu.memref_squeeze %dma_wait3A_210 : memref<1x1x80xi32, #tpu.memory_space<hbm>> -> memref<80xi32, #tpu.memory_space<hbm>>
        tpu.wait_dma2 semaphore(%arg20 : memref<!tpu.dma_semaphore, #tpu.memory_space<semaphore_mem>>) src(%dma_wait3A_211 : memref<80xi32, #tpu.memory_space<hbm>>) dst(%arg13 : memref<80xi32, #tpu.memory_space<vmem>>)
        %dma_start3A_212 = arith.constant 0 : i32
        %dma_start3A_213 = arith.constant 0 : i32
        %dma_start3A_214 = tpu.memref_slice %arg2[%dma_start3A_212, %dma_start3A_213] : memref<10000x128xf32, #tpu.memory_space<hbm>> -> memref<10000x128xf32, #tpu.memory_space<hbm>>
        tpu.enqueue_indirect_dma source(%dma_start3A_214 : memref<10000x128xf32, #tpu.memory_space<hbm>>) target(%arg15 : memref<80x128xf32, #tpu.memory_space<vmem>>) offsets(%arg9 : memref<80xi32, #tpu.memory_space<vmem>>) semaphore(%arg22 : memref<!tpu.dma_semaphore, #tpu.memory_space<semaphore_mem>>)
      } else {
      }
      %dma_wait3A_117 = arith.constant 0 : i32
      %dma_wait3A_118 = arith.constant 0 : i32
      %dma_wait3A_119 = tpu.memref_slice %arg2[%dma_wait3A_117, %dma_wait3A_118] : memref<10000x128xf32, #tpu.memory_space<hbm>> -> memref<10000x128xf32, #tpu.memory_space<hbm>>
      tpu.wait_indirect_dma semaphore(%arg23 : memref<!tpu.dma_semaphore, #tpu.memory_space<semaphore_mem>>) src(%dma_wait3A_119 : memref<10000x128xf32, #tpu.memory_space<hbm>>) dst(%arg16 : memref<80x128xf32, #tpu.memory_space<vmem>>)
      %add3A_120 = arith.constant 2 : i32
      %add3A_121 = arith.addi %add3A_99, %add3A_120 : i32
      %lt3A_122 = arith.constant 128 : i32
      %lt3A_123 = arith.cmpi slt, %add3A_121, %lt3A_122 : i32
      %convert_element_type3A_124 = arith.extui %lt3A_123 : i1 to i32
      %cond3A_125 = arith.constant 0 : i32
      %cond3A_126 = arith.cmpi ne, %convert_element_type3A_124, %cond3A_125 : i32
      scf.if %cond3A_126 {
        %add3A_198 = arith.constant 2 : i32
        %add3A_199 = arith.addi %add3A_99, %add3A_198 : i32
        %dma_start3A_200 = arith.constant 0 : i32
        %dma_start3A_201 = tpu.memref_slice %arg3[%add3A, %add3A_199, %dma_start3A_200] : memref<32x128x80xi32, #tpu.memory_space<hbm>> -> memref<1x1x80xi32, #tpu.memory_space<hbm>>
        %dma_start3A_202 = tpu.memref_squeeze %dma_start3A_201 : memref<1x1x80xi32, #tpu.memory_space<hbm>> -> memref<80xi32, #tpu.memory_space<hbm>>
        %dma_start3A_203 = arith.constant 0 : i32
        %dma_start3A_204 = tpu.memref_slice %arg3[%add3A, %add3A_199, %dma_start3A_203] : memref<32x128x80xi32, #tpu.memory_space<hbm>> -> memref<1x1x80xi32, #tpu.memory_space<hbm>>
        %dma_start3A_205 = tpu.memref_squeeze %dma_start3A_204 : memref<1x1x80xi32, #tpu.memory_space<hbm>> -> memref<80xi32, #tpu.memory_space<hbm>>
        tpu.enqueue_dma source(%dma_start3A_205 : memref<80xi32, #tpu.memory_space<hbm>>) target(%arg10 : memref<80xi32, #tpu.memory_space<vmem>>) target_semaphore(%arg21 : memref<!tpu.dma_semaphore, #tpu.memory_space<semaphore_mem>>)
        %dma_start3A_206 = arith.constant 0 : i32
        %dma_start3A_207 = tpu.memref_slice %arg4[%add3A, %add3A_199, %dma_start3A_206] : memref<32x128x80xi32, #tpu.memory_space<hbm>> -> memref<1x1x80xi32, #tpu.memory_space<hbm>>
        %dma_start3A_208 = tpu.memref_squeeze %dma_start3A_207 : memref<1x1x80xi32, #tpu.memory_space<hbm>> -> memref<80xi32, #tpu.memory_space<hbm>>
        %dma_start3A_209 = arith.constant 0 : i32
        %dma_start3A_210 = tpu.memref_slice %arg4[%add3A, %add3A_199, %dma_start3A_209] : memref<32x128x80xi32, #tpu.memory_space<hbm>> -> memref<1x1x80xi32, #tpu.memory_space<hbm>>
        %dma_start3A_211 = tpu.memref_squeeze %dma_start3A_210 : memref<1x1x80xi32, #tpu.memory_space<hbm>> -> memref<80xi32, #tpu.memory_space<hbm>>
        tpu.enqueue_dma source(%dma_start3A_211 : memref<80xi32, #tpu.memory_space<hbm>>) target(%arg14 : memref<80xi32, #tpu.memory_space<vmem>>) target_semaphore(%arg21 : memref<!tpu.dma_semaphore, #tpu.memory_space<semaphore_mem>>)
      } else {
      }
      %dma_start3A_127 = arith.constant 0 : i32
      %dma_start3A_128 = arith.constant 0 : i32
      %dma_start3A_129 = tpu.memref_slice %arg17[%dma_start3A_127, %dma_start3A_128] : memref<10016x128xf32, #tpu.memory_space<vmem_shared>> -> memref<10016x128xf32, #tpu.memory_space<vmem_shared>>
      tpu.enqueue_indirect_dma source(%arg16 : memref<80x128xf32, #tpu.memory_space<vmem>>) target(%dma_start3A_129 : memref<10016x128xf32, #tpu.memory_space<vmem_shared>>) offsets(%arg12 : memref<80xi32, #tpu.memory_space<vmem>>) semaphore(%arg25 : memref<!tpu.dma_semaphore, #tpu.memory_space<semaphore_mem>>) {add = true}
      %mul3A_130 = arith.constant 4 : i32
      %mul3A_131 = arith.muli %mul3A_130, %scan3A_68 : i32
      %add3A_132 = arith.constant 2 : i32
      %add3A_133 = arith.addi %mul3A_131, %add3A_132 : i32
      %ge3A_134 = arith.constant 1 : i32
      %ge3A_135 = arith.cmpi sge, %add3A_133, %ge3A_134 : i32
      %add3A_136 = arith.constant 1 : i32
      %add3A_137 = arith.addi %add3A_133, %add3A_136 : i32
      %lt3A_138 = arith.constant 128 : i32
      %lt3A_139 = arith.cmpi slt, %add3A_137, %lt3A_138 : i32
      %and3A_140 = arith.andi %ge3A_135, %lt3A_139 : i1
      %convert_element_type3A_141 = arith.extui %and3A_140 : i1 to i32
      %cond3A_142 = arith.constant 0 : i32
      %cond3A_143 = arith.cmpi ne, %convert_element_type3A_141, %cond3A_142 : i32
      scf.if %cond3A_143 {
        %dma_wait3A_198 = arith.constant 0 : i32
        %dma_wait3A_199 = arith.constant 0 : i32
        %dma_wait3A_200 = tpu.memref_slice %arg17[%dma_wait3A_198, %dma_wait3A_199] : memref<10016x128xf32, #tpu.memory_space<vmem_shared>> -> memref<10016x128xf32, #tpu.memory_space<vmem_shared>>
        tpu.wait_indirect_dma semaphore(%arg25 : memref<!tpu.dma_semaphore, #tpu.memory_space<semaphore_mem>>) src(%arg16 : memref<80x128xf32, #tpu.memory_space<vmem>>) dst(%dma_wait3A_200 : memref<10016x128xf32, #tpu.memory_space<vmem_shared>>)
      } else {
      }
      %add3A_144 = arith.constant 1 : i32
      %add3A_145 = arith.addi %add3A_133, %add3A_144 : i32
      %lt3A_146 = arith.constant 128 : i32
      %lt3A_147 = arith.cmpi slt, %add3A_145, %lt3A_146 : i32
      %convert_element_type3A_148 = arith.extui %lt3A_147 : i1 to i32
      %cond3A_149 = arith.constant 0 : i32
      %cond3A_150 = arith.cmpi ne, %convert_element_type3A_148, %cond3A_149 : i32
      scf.if %cond3A_150 {
        %dma_wait3A_198 = arith.constant 0 : i32
        %dma_wait3A_199 = arith.constant 0 : i32
        %dma_wait3A_200 = tpu.memref_slice %arg3[%add3A, %dma_wait3A_198, %dma_wait3A_199] : memref<32x128x80xi32, #tpu.memory_space<hbm>> -> memref<1x1x80xi32, #tpu.memory_space<hbm>>
        %dma_wait3A_201 = tpu.memref_squeeze %dma_wait3A_200 : memref<1x1x80xi32, #tpu.memory_space<hbm>> -> memref<80xi32, #tpu.memory_space<hbm>>
        %dma_wait3A_202 = arith.constant 0 : i32
        %dma_wait3A_203 = tpu.memref_slice %arg3[%add3A, %dma_wait3A_198, %dma_wait3A_202] : memref<32x128x80xi32, #tpu.memory_space<hbm>> -> memref<1x1x80xi32, #tpu.memory_space<hbm>>
        %dma_wait3A_204 = tpu.memref_squeeze %dma_wait3A_203 : memref<1x1x80xi32, #tpu.memory_space<hbm>> -> memref<80xi32, #tpu.memory_space<hbm>>
        tpu.wait_dma2 semaphore(%arg21 : memref<!tpu.dma_semaphore, #tpu.memory_space<semaphore_mem>>) src(%dma_wait3A_204 : memref<80xi32, #tpu.memory_space<hbm>>) dst(%arg10 : memref<80xi32, #tpu.memory_space<vmem>>)
        %dma_wait3A_205 = arith.constant 0 : i32
        %dma_wait3A_206 = arith.constant 0 : i32
        %dma_wait3A_207 = tpu.memref_slice %arg4[%add3A, %dma_wait3A_205, %dma_wait3A_206] : memref<32x128x80xi32, #tpu.memory_space<hbm>> -> memref<1x1x80xi32, #tpu.memory_space<hbm>>
        %dma_wait3A_208 = tpu.memref_squeeze %dma_wait3A_207 : memref<1x1x80xi32, #tpu.memory_space<hbm>> -> memref<80xi32, #tpu.memory_space<hbm>>
        %dma_wait3A_209 = arith.constant 0 : i32
        %dma_wait3A_210 = tpu.memref_slice %arg4[%add3A, %dma_wait3A_205, %dma_wait3A_209] : memref<32x128x80xi32, #tpu.memory_space<hbm>> -> memref<1x1x80xi32, #tpu.memory_space<hbm>>
        %dma_wait3A_211 = tpu.memref_squeeze %dma_wait3A_210 : memref<1x1x80xi32, #tpu.memory_space<hbm>> -> memref<80xi32, #tpu.memory_space<hbm>>
        tpu.wait_dma2 semaphore(%arg21 : memref<!tpu.dma_semaphore, #tpu.memory_space<semaphore_mem>>) src(%dma_wait3A_211 : memref<80xi32, #tpu.memory_space<hbm>>) dst(%arg14 : memref<80xi32, #tpu.memory_space<vmem>>)
        %dma_start3A_212 = arith.constant 0 : i32
        %dma_start3A_213 = arith.constant 0 : i32
        %dma_start3A_214 = tpu.memref_slice %arg2[%dma_start3A_212, %dma_start3A_213] : memref<10000x128xf32, #tpu.memory_space<hbm>> -> memref<10000x128xf32, #tpu.memory_space<hbm>>
        tpu.enqueue_indirect_dma source(%dma_start3A_214 : memref<10000x128xf32, #tpu.memory_space<hbm>>) target(%arg16 : memref<80x128xf32, #tpu.memory_space<vmem>>) offsets(%arg10 : memref<80xi32, #tpu.memory_space<vmem>>) semaphore(%arg23 : memref<!tpu.dma_semaphore, #tpu.memory_space<semaphore_mem>>)
      } else {
      }
      %dma_wait3A_151 = arith.constant 0 : i32
      %dma_wait3A_152 = arith.constant 0 : i32
      %dma_wait3A_153 = tpu.memref_slice %arg2[%dma_wait3A_151, %dma_wait3A_152] : memref<10000x128xf32, #tpu.memory_space<hbm>> -> memref<10000x128xf32, #tpu.memory_space<hbm>>
      tpu.wait_indirect_dma semaphore(%arg22 : memref<!tpu.dma_semaphore, #tpu.memory_space<semaphore_mem>>) src(%dma_wait3A_153 : memref<10000x128xf32, #tpu.memory_space<hbm>>) dst(%arg15 : memref<80x128xf32, #tpu.memory_space<vmem>>)
      %add3A_154 = arith.constant 2 : i32
      %add3A_155 = arith.addi %add3A_133, %add3A_154 : i32
      %lt3A_156 = arith.constant 128 : i32
      %lt3A_157 = arith.cmpi slt, %add3A_155, %lt3A_156 : i32
      %convert_element_type3A_158 = arith.extui %lt3A_157 : i1 to i32
      %cond3A_159 = arith.constant 0 : i32
      %cond3A_160 = arith.cmpi ne, %convert_element_type3A_158, %cond3A_159 : i32
      scf.if %cond3A_160 {
        %add3A_198 = arith.constant 2 : i32
        %add3A_199 = arith.addi %add3A_133, %add3A_198 : i32
        %dma_start3A_200 = arith.constant 0 : i32
        %dma_start3A_201 = tpu.memref_slice %arg3[%add3A, %add3A_199, %dma_start3A_200] : memref<32x128x80xi32, #tpu.memory_space<hbm>> -> memref<1x1x80xi32, #tpu.memory_space<hbm>>
        %dma_start3A_202 = tpu.memref_squeeze %dma_start3A_201 : memref<1x1x80xi32, #tpu.memory_space<hbm>> -> memref<80xi32, #tpu.memory_space<hbm>>
        %dma_start3A_203 = arith.constant 0 : i32
        %dma_start3A_204 = tpu.memref_slice %arg3[%add3A, %add3A_199, %dma_start3A_203] : memref<32x128x80xi32, #tpu.memory_space<hbm>> -> memref<1x1x80xi32, #tpu.memory_space<hbm>>
        %dma_start3A_205 = tpu.memref_squeeze %dma_start3A_204 : memref<1x1x80xi32, #tpu.memory_space<hbm>> -> memref<80xi32, #tpu.memory_space<hbm>>
        tpu.enqueue_dma source(%dma_start3A_205 : memref<80xi32, #tpu.memory_space<hbm>>) target(%arg7 : memref<80xi32, #tpu.memory_space<vmem>>) target_semaphore(%arg18 : memref<!tpu.dma_semaphore, #tpu.memory_space<semaphore_mem>>)
        %dma_start3A_206 = arith.constant 0 : i32
        %dma_start3A_207 = tpu.memref_slice %arg4[%add3A, %add3A_199, %dma_start3A_206] : memref<32x128x80xi32, #tpu.memory_space<hbm>> -> memref<1x1x80xi32, #tpu.memory_space<hbm>>
        %dma_start3A_208 = tpu.memref_squeeze %dma_start3A_207 : memref<1x1x80xi32, #tpu.memory_space<hbm>> -> memref<80xi32, #tpu.memory_space<hbm>>
        %dma_start3A_209 = arith.constant 0 : i32
        %dma_start3A_210 = tpu.memref_slice %arg4[%add3A, %add3A_199, %dma_start3A_209] : memref<32x128x80xi32, #tpu.memory_space<hbm>> -> memref<1x1x80xi32, #tpu.memory_space<hbm>>
        %dma_start3A_211 = tpu.memref_squeeze %dma_start3A_210 : memref<1x1x80xi32, #tpu.memory_space<hbm>> -> memref<80xi32, #tpu.memory_space<hbm>>
        tpu.enqueue_dma source(%dma_start3A_211 : memref<80xi32, #tpu.memory_space<hbm>>) target(%arg11 : memref<80xi32, #tpu.memory_space<vmem>>) target_semaphore(%arg18 : memref<!tpu.dma_semaphore, #tpu.memory_space<semaphore_mem>>)
      } else {
      }
      %dma_start3A_161 = arith.constant 0 : i32
      %dma_start3A_162 = arith.constant 0 : i32
      %dma_start3A_163 = tpu.memref_slice %arg17[%dma_start3A_161, %dma_start3A_162] : memref<10016x128xf32, #tpu.memory_space<vmem_shared>> -> memref<10016x128xf32, #tpu.memory_space<vmem_shared>>
      tpu.enqueue_indirect_dma source(%arg15 : memref<80x128xf32, #tpu.memory_space<vmem>>) target(%dma_start3A_163 : memref<10016x128xf32, #tpu.memory_space<vmem_shared>>) offsets(%arg13 : memref<80xi32, #tpu.memory_space<vmem>>) semaphore(%arg24 : memref<!tpu.dma_semaphore, #tpu.memory_space<semaphore_mem>>) {add = true}
      %mul3A_164 = arith.constant 4 : i32
      %mul3A_165 = arith.muli %mul3A_164, %scan3A_68 : i32
      %add3A_166 = arith.constant 3 : i32
      %add3A_167 = arith.addi %mul3A_165, %add3A_166 : i32
      %ge3A_168 = arith.constant 1 : i32
      %ge3A_169 = arith.cmpi sge, %add3A_167, %ge3A_168 : i32
      %add3A_170 = arith.constant 1 : i32
      %add3A_171 = arith.addi %add3A_167, %add3A_170 : i32
      %lt3A_172 = arith.constant 128 : i32
      %lt3A_173 = arith.cmpi slt, %add3A_171, %lt3A_172 : i32
      %and3A_174 = arith.andi %ge3A_169, %lt3A_173 : i1
      %convert_element_type3A_175 = arith.extui %and3A_174 : i1 to i32
      %cond3A_176 = arith.constant 0 : i32
      %cond3A_177 = arith.cmpi ne, %convert_element_type3A_175, %cond3A_176 : i32
      scf.if %cond3A_177 {
        %dma_wait3A_198 = arith.constant 0 : i32
        %dma_wait3A_199 = arith.constant 0 : i32
        %dma_wait3A_200 = tpu.memref_slice %arg17[%dma_wait3A_198, %dma_wait3A_199] : memref<10016x128xf32, #tpu.memory_space<vmem_shared>> -> memref<10016x128xf32, #tpu.memory_space<vmem_shared>>
        tpu.wait_indirect_dma semaphore(%arg24 : memref<!tpu.dma_semaphore, #tpu.memory_space<semaphore_mem>>) src(%arg15 : memref<80x128xf32, #tpu.memory_space<vmem>>) dst(%dma_wait3A_200 : memref<10016x128xf32, #tpu.memory_space<vmem_shared>>)
      } else {
      }
      %add3A_178 = arith.constant 1 : i32
      %add3A_179 = arith.addi %add3A_167, %add3A_178 : i32
      %lt3A_180 = arith.constant 128 : i32
      %lt3A_181 = arith.cmpi slt, %add3A_179, %lt3A_180 : i32
      %convert_element_type3A_182 = arith.extui %lt3A_181 : i1 to i32
      %cond3A_183 = arith.constant 0 : i32
      %cond3A_184 = arith.cmpi ne, %convert_element_type3A_182, %cond3A_183 : i32
      scf.if %cond3A_184 {
        %dma_wait3A_198 = arith.constant 0 : i32
        %dma_wait3A_199 = arith.constant 0 : i32
        %dma_wait3A_200 = tpu.memref_slice %arg3[%add3A, %dma_wait3A_198, %dma_wait3A_199] : memref<32x128x80xi32, #tpu.memory_space<hbm>> -> memref<1x1x80xi32, #tpu.memory_space<hbm>>
        %dma_wait3A_201 = tpu.memref_squeeze %dma_wait3A_200 : memref<1x1x80xi32, #tpu.memory_space<hbm>> -> memref<80xi32, #tpu.memory_space<hbm>>
        %dma_wait3A_202 = arith.constant 0 : i32
        %dma_wait3A_203 = tpu.memref_slice %arg3[%add3A, %dma_wait3A_198, %dma_wait3A_202] : memref<32x128x80xi32, #tpu.memory_space<hbm>> -> memref<1x1x80xi32, #tpu.memory_space<hbm>>
        %dma_wait3A_204 = tpu.memref_squeeze %dma_wait3A_203 : memref<1x1x80xi32, #tpu.memory_space<hbm>> -> memref<80xi32, #tpu.memory_space<hbm>>
        tpu.wait_dma2 semaphore(%arg18 : memref<!tpu.dma_semaphore, #tpu.memory_space<semaphore_mem>>) src(%dma_wait3A_204 : memref<80xi32, #tpu.memory_space<hbm>>) dst(%arg7 : memref<80xi32, #tpu.memory_space<vmem>>)
        %dma_wait3A_205 = arith.constant 0 : i32
        %dma_wait3A_206 = arith.constant 0 : i32
        %dma_wait3A_207 = tpu.memref_slice %arg4[%add3A, %dma_wait3A_205, %dma_wait3A_206] : memref<32x128x80xi32, #tpu.memory_space<hbm>> -> memref<1x1x80xi32, #tpu.memory_space<hbm>>
        %dma_wait3A_208 = tpu.memref_squeeze %dma_wait3A_207 : memref<1x1x80xi32, #tpu.memory_space<hbm>> -> memref<80xi32, #tpu.memory_space<hbm>>
        %dma_wait3A_209 = arith.constant 0 : i32
        %dma_wait3A_210 = tpu.memref_slice %arg4[%add3A, %dma_wait3A_205, %dma_wait3A_209] : memref<32x128x80xi32, #tpu.memory_space<hbm>> -> memref<1x1x80xi32, #tpu.memory_space<hbm>>
        %dma_wait3A_211 = tpu.memref_squeeze %dma_wait3A_210 : memref<1x1x80xi32, #tpu.memory_space<hbm>> -> memref<80xi32, #tpu.memory_space<hbm>>
        tpu.wait_dma2 semaphore(%arg18 : memref<!tpu.dma_semaphore, #tpu.memory_space<semaphore_mem>>) src(%dma_wait3A_211 : memref<80xi32, #tpu.memory_space<hbm>>) dst(%arg11 : memref<80xi32, #tpu.memory_space<vmem>>)
        %dma_start3A_212 = arith.constant 0 : i32
        %dma_start3A_213 = arith.constant 0 : i32
        %dma_start3A_214 = tpu.memref_slice %arg2[%dma_start3A_212, %dma_start3A_213] : memref<10000x128xf32, #tpu.memory_space<hbm>> -> memref<10000x128xf32, #tpu.memory_space<hbm>>
        tpu.enqueue_indirect_dma source(%dma_start3A_214 : memref<10000x128xf32, #tpu.memory_space<hbm>>) target(%arg15 : memref<80x128xf32, #tpu.memory_space<vmem>>) offsets(%arg7 : memref<80xi32, #tpu.memory_space<vmem>>) semaphore(%arg22 : memref<!tpu.dma_semaphore, #tpu.memory_space<semaphore_mem>>)
      } else {
      }
      %dma_wait3A_185 = arith.constant 0 : i32
      %dma_wait3A_186 = arith.constant 0 : i32
      %dma_wait3A_187 = tpu.memref_slice %arg2[%dma_wait3A_185, %dma_wait3A_186] : memref<10000x128xf32, #tpu.memory_space<hbm>> -> memref<10000x128xf32, #tpu.memory_space<hbm>>
      tpu.wait_indirect_dma semaphore(%arg23 : memref<!tpu.dma_semaphore, #tpu.memory_space<semaphore_mem>>) src(%dma_wait3A_187 : memref<10000x128xf32, #tpu.memory_space<hbm>>) dst(%arg16 : memref<80x128xf32, #tpu.memory_space<vmem>>)
      %add3A_188 = arith.constant 2 : i32
      %add3A_189 = arith.addi %add3A_167, %add3A_188 : i32
      %lt3A_190 = arith.constant 128 : i32
      %lt3A_191 = arith.cmpi slt, %add3A_189, %lt3A_190 : i32
      %convert_element_type3A_192 = arith.extui %lt3A_191 : i1 to i32
      %cond3A_193 = arith.constant 0 : i32
      %cond3A_194 = arith.cmpi ne, %convert_element_type3A_192, %cond3A_193 : i32
      scf.if %cond3A_194 {
        %add3A_198 = arith.constant 2 : i32
        %add3A_199 = arith.addi %add3A_167, %add3A_198 : i32
        %dma_start3A_200 = arith.constant 0 : i32
        %dma_start3A_201 = tpu.memref_slice %arg3[%add3A, %add3A_199, %dma_start3A_200] : memref<32x128x80xi32, #tpu.memory_space<hbm>> -> memref<1x1x80xi32, #tpu.memory_space<hbm>>
        %dma_start3A_202 = tpu.memref_squeeze %dma_start3A_201 : memref<1x1x80xi32, #tpu.memory_space<hbm>> -> memref<80xi32, #tpu.memory_space<hbm>>
        %dma_start3A_203 = arith.constant 0 : i32
        %dma_start3A_204 = tpu.memref_slice %arg3[%add3A, %add3A_199, %dma_start3A_203] : memref<32x128x80xi32, #tpu.memory_space<hbm>> -> memref<1x1x80xi32, #tpu.memory_space<hbm>>
        %dma_start3A_205 = tpu.memref_squeeze %dma_start3A_204 : memref<1x1x80xi32, #tpu.memory_space<hbm>> -> memref<80xi32, #tpu.memory_space<hbm>>
        tpu.enqueue_dma source(%dma_start3A_205 : memref<80xi32, #tpu.memory_space<hbm>>) target(%arg8 : memref<80xi32, #tpu.memory_space<vmem>>) target_semaphore(%arg19 : memref<!tpu.dma_semaphore, #tpu.memory_space<semaphore_mem>>)
        %dma_start3A_206 = arith.constant 0 : i32
        %dma_start3A_207 = tpu.memref_slice %arg4[%add3A, %add3A_199, %dma_start3A_206] : memref<32x128x80xi32, #tpu.memory_space<hbm>> -> memref<1x1x80xi32, #tpu.memory_space<hbm>>
        %dma_start3A_208 = tpu.memref_squeeze %dma_start3A_207 : memref<1x1x80xi32, #tpu.memory_space<hbm>> -> memref<80xi32, #tpu.memory_space<hbm>>
        %dma_start3A_209 = arith.constant 0 : i32
        %dma_start3A_210 = tpu.memref_slice %arg4[%add3A, %add3A_199, %dma_start3A_209] : memref<32x128x80xi32, #tpu.memory_space<hbm>> -> memref<1x1x80xi32, #tpu.memory_space<hbm>>
        %dma_start3A_211 = tpu.memref_squeeze %dma_start3A_210 : memref<1x1x80xi32, #tpu.memory_space<hbm>> -> memref<80xi32, #tpu.memory_space<hbm>>
        tpu.enqueue_dma source(%dma_start3A_211 : memref<80xi32, #tpu.memory_space<hbm>>) target(%arg12 : memref<80xi32, #tpu.memory_space<vmem>>) target_semaphore(%arg19 : memref<!tpu.dma_semaphore, #tpu.memory_space<semaphore_mem>>)
      } else {
      }
      %dma_start3A_195 = arith.constant 0 : i32
      %dma_start3A_196 = arith.constant 0 : i32
      %dma_start3A_197 = tpu.memref_slice %arg17[%dma_start3A_195, %dma_start3A_196] : memref<10016x128xf32, #tpu.memory_space<vmem_shared>> -> memref<10016x128xf32, #tpu.memory_space<vmem_shared>>
      tpu.enqueue_indirect_dma source(%arg16 : memref<80x128xf32, #tpu.memory_space<vmem>>) target(%dma_start3A_197 : memref<10016x128xf32, #tpu.memory_space<vmem_shared>>) offsets(%arg14 : memref<80xi32, #tpu.memory_space<vmem>>) semaphore(%arg25 : memref<!tpu.dma_semaphore, #tpu.memory_space<semaphore_mem>>) {add = true}
    }
    %scan3A_54 = arith.constant 32 : i32
    %dma_wait3A_55 = arith.constant 0 : i32
    %dma_wait3A_56 = arith.constant 0 : i32
    %dma_wait3A_57 = tpu.memref_slice %arg17[%dma_wait3A_55, %dma_wait3A_56] : memref<10016x128xf32, #tpu.memory_space<vmem_shared>> -> memref<10016x128xf32, #tpu.memory_space<vmem_shared>>
    tpu.wait_indirect_dma semaphore(%arg24 : memref<!tpu.dma_semaphore, #tpu.memory_space<semaphore_mem>>) src(%arg15 : memref<80x128xf32, #tpu.memory_space<vmem>>) dst(%dma_wait3A_57 : memref<10016x128xf32, #tpu.memory_space<vmem_shared>>)
    %dma_wait3A_58 = arith.constant 0 : i32
    %dma_wait3A_59 = arith.constant 0 : i32
    %dma_wait3A_60 = tpu.memref_slice %arg17[%dma_wait3A_58, %dma_wait3A_59] : memref<10016x128xf32, #tpu.memory_space<vmem_shared>> -> memref<10016x128xf32, #tpu.memory_space<vmem_shared>>
    tpu.wait_indirect_dma semaphore(%arg25 : memref<!tpu.dma_semaphore, #tpu.memory_space<semaphore_mem>>) src(%arg16 : memref<80x128xf32, #tpu.memory_space<vmem>>) dst(%dma_wait3A_60 : memref<10016x128xf32, #tpu.memory_space<vmem_shared>>)
    %barrier3A_61 = arith.constant 0 : index
    tpu.barrier barrier_id(%barrier3A_61)
    %scan3A_62 = arith.constant 0 : i32
    %scan3A_63 = arith.constant 0 : i32
    %scan3A_64 = arith.constant 8 : i32
    %scan3A_65 = arith.addi %scan3A_63, %scan3A_64 : i32
    %scan3A_66 = arith.constant 1 : i32
    scf.for %scan3A_68 = %scan3A_63 to %scan3A_65 step %scan3A_66  : i32 {
      %mul3A_69 = arith.constant 16 : i32
      %mul3A_70 = arith.muli %mul3A_69, %scan3A_68 : i32
      %add3A_71 = arith.addi %arg1, %mul3A_70 : i32
      %lt3A = arith.constant 125 : i32
      %lt3A_72 = arith.cmpi slt, %add3A_71, %lt3A : i32
      %convert_element_type3A = arith.extui %lt3A_72 : i1 to i32
      %cond3A = arith.constant 0 : i32
      %cond3A_73 = arith.cmpi ne, %convert_element_type3A, %cond3A : i32
      scf.if %cond3A_73 {
        %mul3A_74 = arith.constant 80 : i32
        %mul3A_75 = arith.muli %add3A_71, %mul3A_74 : i32
        "tpu.region"() ({
          %run_scoped3A = tpu.sem_alloc : memref<!tpu.dma_semaphore, #tpu.memory_space<semaphore_mem>>
          %dma_start3A_76 = arith.constant 0 : i32
          %dma_start3A_77 = tpu.memref_slice %arg6[%arg0, %mul3A_75, %dma_start3A_76] : memref<2x10000x128xf32, #tpu.memory_space<hbm>> -> memref<1x80x128xf32, #tpu.memory_space<hbm>>
          %dma_start3A_78 = tpu.memref_squeeze %dma_start3A_77 : memref<1x80x128xf32, #tpu.memory_space<hbm>> -> memref<80x128xf32, #tpu.memory_space<hbm>>
          %dma_start3A_79 = arith.constant 0 : i32
          %dma_start3A_80 = tpu.memref_slice %arg17[%mul3A_75, %dma_start3A_79] : memref<10016x128xf32, #tpu.memory_space<vmem_shared>> -> memref<80x128xf32, #tpu.memory_space<vmem_shared>>
          tpu.enqueue_dma source(%dma_start3A_80 : memref<80x128xf32, #tpu.memory_space<vmem_shared>>) target(%dma_start3A_78 : memref<80x128xf32, #tpu.memory_space<hbm>>) target_semaphore(%run_scoped3A : memref<!tpu.dma_semaphore, #tpu.memory_space<semaphore_mem>>)
          %dma_wait3A_81 = arith.constant 0 : i32
          %dma_wait3A_82 = tpu.memref_slice %arg6[%arg0, %mul3A_75, %dma_wait3A_81] : memref<2x10000x128xf32, #tpu.memory_space<hbm>> -> memref<1x80x128xf32, #tpu.memory_space<hbm>>
          %dma_wait3A_83 = tpu.memref_squeeze %dma_wait3A_82 : memref<1x80x128xf32, #tpu.memory_space<hbm>> -> memref<80x128xf32, #tpu.memory_space<hbm>>
          %dma_wait3A_84 = arith.constant 0 : i32
          %dma_wait3A_85 = tpu.memref_slice %arg17[%mul3A_75, %dma_wait3A_84] : memref<10016x128xf32, #tpu.memory_space<vmem_shared>> -> memref<80x128xf32, #tpu.memory_space<vmem_shared>>
          tpu.wait_dma2 semaphore(%run_scoped3A : memref<!tpu.dma_semaphore, #tpu.memory_space<semaphore_mem>>) src(%dma_wait3A_85 : memref<80x128xf32, #tpu.memory_space<vmem_shared>>) dst(%dma_wait3A_83 : memref<80x128xf32, #tpu.memory_space<hbm>>)
          tpu.yield
        }) : () -> ()
      } else {
      }
    }
    %scan3A_67 = arith.constant 8 : i32
    return
  }
}

#map = affine_map<(d0, d1) -> (0, 0)>
#map1 = affine_map<(d0, d1) -> (0, 0, 0)>
module attributes {stable_mosaic.version = 14 : i64} {
  func.func @_agg_kernel(%arg0: i32, %arg1: i32, %arg2: memref<10000x128xf32, #tpu.memory_space<hbm>>, %arg3: memref<32x128x80xi32, #tpu.memory_space<hbm>>, %arg4: memref<32x128x80xi32, #tpu.memory_space<hbm>>, %arg5: memref<10000x128xf32, #tpu.memory_space<hbm>>, %arg6: memref<2x10000x128xf32, #tpu.memory_space<hbm>>, %arg7: memref<80xi32, #tpu.memory_space<vmem>>, %arg8: memref<80xi32, #tpu.memory_space<vmem>>, %arg9: memref<80xi32, #tpu.memory_space<vmem>>, %arg10: memref<80xi32, #tpu.memory_space<vmem>>, %arg11: memref<80xi32, #tpu.memory_space<vmem>>, %arg12: memref<80xi32, #tpu.memory_space<vmem>>, %arg13: memref<80xi32, #tpu.memory_space<vmem>>, %arg14: memref<80xi32, #tpu.memory_space<vmem>>, %arg15: memref<80x128xf32, #tpu.memory_space<vmem>>, %arg16: memref<80x128xf32, #tpu.memory_space<vmem>>, %arg17: memref<10016x128xf32, #tpu.memory_space<vmem_shared>>, %arg18: memref<!tpu.dma_semaphore, #tpu.memory_space<semaphore_mem>>, %arg19: memref<!tpu.dma_semaphore, #tpu.memory_space<semaphore_mem>>, %arg20: memref<!tpu.dma_semaphore, #tpu.memory_space<semaphore_mem>>, %arg21: memref<!tpu.dma_semaphore, #tpu.memory_space<semaphore_mem>>, %arg22: memref<!tpu.dma_semaphore, #tpu.memory_space<semaphore_mem>>, %arg23: memref<!tpu.dma_semaphore, #tpu.memory_space<semaphore_mem>>, %arg24: memref<!tpu.dma_semaphore, #tpu.memory_space<semaphore_mem>>, %arg25: memref<!tpu.dma_semaphore, #tpu.memory_space<semaphore_mem>>) attributes {dimension_semantics = [#tpu.dimension_semantics<core_parallel>, #tpu.dimension_semantics<subcore_parallel>], iteration_bounds = array<i64: 2, 16>, scalar_prefetch = 0 : i64, scratch_operands = 19 : i64, tpu.core_type = #tpu.core_type<sc_vector_subcore>, window_params = [{transform_indices = #map}, {transform_indices = #map1}, {transform_indices = #map1}, {transform_indices = #map}, {transform_indices = #map1}]} {
    %mul3A = arith.constant 2 : i32
    %mul3A_0 = arith.muli %arg1, %mul3A : i32
    %add3A = arith.addi %mul3A_0, %arg0 : i32
    %scan3A = arith.constant 0 : i32
    %scan3A_1 = arith.constant 0 : i32
    %scan3A_2 = arith.constant 8 : i32
    %scan3A_3 = arith.addi %scan3A_1, %scan3A_2 : i32
    %scan3A_4 = arith.constant 1 : i32
    scf.for %scan3A_68 = %scan3A_1 to %scan3A_3 step %scan3A_4  : i32 {
      %mul3A_69 = arith.constant 16 : i32
      %mul3A_70 = arith.muli %mul3A_69, %scan3A_68 : i32
      %add3A_71 = arith.addi %arg1, %mul3A_70 : i32
      %lt3A = arith.constant 125 : i32
      %lt3A_72 = arith.cmpi slt, %add3A_71, %lt3A : i32
      %convert_element_type3A = arith.extui %lt3A_72 : i1 to i32
      %cond3A = arith.constant 0 : i32
      %cond3A_73 = arith.cmpi ne, %convert_element_type3A, %cond3A : i32
      scf.if %cond3A_73 {
        %mul3A_74 = arith.constant 80 : i32
        %mul3A_75 = arith.muli %add3A_71, %mul3A_74 : i32
        "tpu.region"() ({
          %run_scoped3A = tpu.sem_alloc : memref<!tpu.dma_semaphore, #tpu.memory_space<semaphore_mem>>
          %dma_start3A_76 = arith.constant 0 : i32
          %dma_start3A_77 = tpu.memref_slice %arg17[%mul3A_75, %dma_start3A_76] : memref<10016x128xf32, #tpu.memory_space<vmem_shared>> -> memref<80x128xf32, #tpu.memory_space<vmem_shared>>
          %dma_start3A_78 = arith.constant 0 : i32
          %dma_start3A_79 = tpu.memref_slice %arg5[%mul3A_75, %dma_start3A_78] : memref<10000x128xf32, #tpu.memory_space<hbm>> -> memref<80x128xf32, #tpu.memory_space<hbm>>
          tpu.enqueue_dma source(%dma_start3A_79 : memref<80x128xf32, #tpu.memory_space<hbm>>) target(%dma_start3A_77 : memref<80x128xf32, #tpu.memory_space<vmem_shared>>) target_semaphore(%run_scoped3A : memref<!tpu.dma_semaphore, #tpu.memory_space<semaphore_mem>>)
          %dma_wait3A_80 = arith.constant 0 : i32
          %dma_wait3A_81 = tpu.memref_slice %arg17[%mul3A_75, %dma_wait3A_80] : memref<10016x128xf32, #tpu.memory_space<vmem_shared>> -> memref<80x128xf32, #tpu.memory_space<vmem_shared>>
          %dma_wait3A_82 = arith.constant 0 : i32
          %dma_wait3A_83 = tpu.memref_slice %arg5[%mul3A_75, %dma_wait3A_82] : memref<10000x128xf32, #tpu.memory_space<hbm>> -> memref<80x128xf32, #tpu.memory_space<hbm>>
          tpu.wait_dma2 semaphore(%run_scoped3A : memref<!tpu.dma_semaphore, #tpu.memory_space<semaphore_mem>>) src(%dma_wait3A_83 : memref<80x128xf32, #tpu.memory_space<hbm>>) dst(%dma_wait3A_81 : memref<80x128xf32, #tpu.memory_space<vmem_shared>>)
          tpu.yield
        }) : () -> ()
      } else {
      }
    }
    %scan3A_5 = arith.constant 8 : i32
    %barrier3A = arith.constant 0 : index
    tpu.barrier barrier_id(%barrier3A)
    %dma_start3A = arith.constant 0 : i32
    %dma_start3A_6 = arith.constant 0 : i32
    %dma_start3A_7 = tpu.memref_slice %arg3[%add3A, %dma_start3A, %dma_start3A_6] : memref<32x128x80xi32, #tpu.memory_space<hbm>> -> memref<1x1x80xi32, #tpu.memory_space<hbm>>
    %dma_start3A_8 = tpu.memref_squeeze %dma_start3A_7 : memref<1x1x80xi32, #tpu.memory_space<hbm>> -> memref<80xi32, #tpu.memory_space<hbm>>
    %dma_start3A_9 = arith.constant 0 : i32
    %dma_start3A_10 = tpu.memref_slice %arg3[%add3A, %dma_start3A, %dma_start3A_9] : memref<32x128x80xi32, #tpu.memory_space<hbm>> -> memref<1x1x80xi32, #tpu.memory_space<hbm>>
    %dma_start3A_11 = tpu.memref_squeeze %dma_start3A_10 : memref<1x1x80xi32, #tpu.memory_space<hbm>> -> memref<80xi32, #tpu.memory_space<hbm>>
    tpu.enqueue_dma source(%dma_start3A_11 : memref<80xi32, #tpu.memory_space<hbm>>) target(%arg7 : memref<80xi32, #tpu.memory_space<vmem>>) target_semaphore(%arg18 : memref<!tpu.dma_semaphore, #tpu.memory_space<semaphore_mem>>)
    %dma_start3A_12 = arith.constant 0 : i32
    %dma_start3A_13 = arith.constant 0 : i32
    %dma_start3A_14 = tpu.memref_slice %arg4[%add3A, %dma_start3A_12, %dma_start3A_13] : memref<32x128x80xi32, #tpu.memory_space<hbm>> -> memref<1x1x80xi32, #tpu.memory_space<hbm>>
    %dma_start3A_15 = tpu.memref_squeeze %dma_start3A_14 : memref<1x1x80xi32, #tpu.memory_space<hbm>> -> memref<80xi32, #tpu.memory_space<hbm>>
    %dma_start3A_16 = arith.constant 0 : i32
    %dma_start3A_17 = tpu.memref_slice %arg4[%add3A, %dma_start3A_12, %dma_start3A_16] : memref<32x128x80xi32, #tpu.memory_space<hbm>> -> memref<1x1x80xi32, #tpu.memory_space<hbm>>
    %dma_start3A_18 = tpu.memref_squeeze %dma_start3A_17 : memref<1x1x80xi32, #tpu.memory_space<hbm>> -> memref<80xi32, #tpu.memory_space<hbm>>
    tpu.enqueue_dma source(%dma_start3A_18 : memref<80xi32, #tpu.memory_space<hbm>>) target(%arg11 : memref<80xi32, #tpu.memory_space<vmem>>) target_semaphore(%arg18 : memref<!tpu.dma_semaphore, #tpu.memory_space<semaphore_mem>>)
    %dma_start3A_19 = arith.constant 1 : i32
    %dma_start3A_20 = arith.constant 0 : i32
    %dma_start3A_21 = tpu.memref_slice %arg3[%add3A, %dma_start3A_19, %dma_start3A_20] : memref<32x128x80xi32, #tpu.memory_space<hbm>> -> memref<1x1x80xi32, #tpu.memory_space<hbm>>
    %dma_start3A_22 = tpu.memref_squeeze %dma_start3A_21 : memref<1x1x80xi32, #tpu.memory_space<hbm>> -> memref<80xi32, #tpu.memory_space<hbm>>
    %dma_start3A_23 = arith.constant 0 : i32
    %dma_start3A_24 = tpu.memref_slice %arg3[%add3A, %dma_start3A_19, %dma_start3A_23] : memref<32x128x80xi32, #tpu.memory_space<hbm>> -> memref<1x1x80xi32, #tpu.memory_space<hbm>>
    %dma_start3A_25 = tpu.memref_squeeze %dma_start3A_24 : memref<1x1x80xi32, #tpu.memory_space<hbm>> -> memref<80xi32, #tpu.memory_space<hbm>>
    tpu.enqueue_dma source(%dma_start3A_25 : memref<80xi32, #tpu.memory_space<hbm>>) target(%arg8 : memref<80xi32, #tpu.memory_space<vmem>>) target_semaphore(%arg19 : memref<!tpu.dma_semaphore, #tpu.memory_space<semaphore_mem>>)
    %dma_start3A_26 = arith.constant 1 : i32
    %dma_start3A_27 = arith.constant 0 : i32
    %dma_start3A_28 = tpu.memref_slice %arg4[%add3A, %dma_start3A_26, %dma_start3A_27] : memref<32x128x80xi32, #tpu.memory_space<hbm>> -> memref<1x1x80xi32, #tpu.memory_space<hbm>>
    %dma_start3A_29 = tpu.memref_squeeze %dma_start3A_28 : memref<1x1x80xi32, #tpu.memory_space<hbm>> -> memref<80xi32, #tpu.memory_space<hbm>>
    %dma_start3A_30 = arith.constant 0 : i32
    %dma_start3A_31 = tpu.memref_slice %arg4[%add3A, %dma_start3A_26, %dma_start3A_30] : memref<32x128x80xi32, #tpu.memory_space<hbm>> -> memref<1x1x80xi32, #tpu.memory_space<hbm>>
    %dma_start3A_32 = tpu.memref_squeeze %dma_start3A_31 : memref<1x1x80xi32, #tpu.memory_space<hbm>> -> memref<80xi32, #tpu.memory_space<hbm>>
    tpu.enqueue_dma source(%dma_start3A_32 : memref<80xi32, #tpu.memory_space<hbm>>) target(%arg12 : memref<80xi32, #tpu.memory_space<vmem>>) target_semaphore(%arg19 : memref<!tpu.dma_semaphore, #tpu.memory_space<semaphore_mem>>)
    %dma_wait3A = arith.constant 0 : i32
    %dma_wait3A_33 = arith.constant 0 : i32
    %dma_wait3A_34 = tpu.memref_slice %arg3[%add3A, %dma_wait3A, %dma_wait3A_33] : memref<32x128x80xi32, #tpu.memory_space<hbm>> -> memref<1x1x80xi32, #tpu.memory_space<hbm>>
    %dma_wait3A_35 = tpu.memref_squeeze %dma_wait3A_34 : memref<1x1x80xi32, #tpu.memory_space<hbm>> -> memref<80xi32, #tpu.memory_space<hbm>>
    %dma_wait3A_36 = arith.constant 0 : i32
    %dma_wait3A_37 = tpu.memref_slice %arg3[%add3A, %dma_wait3A, %dma_wait3A_36] : memref<32x128x80xi32, #tpu.memory_space<hbm>> -> memref<1x1x80xi32, #tpu.memory_space<hbm>>
    %dma_wait3A_38 = tpu.memref_squeeze %dma_wait3A_37 : memref<1x1x80xi32, #tpu.memory_space<hbm>> -> memref<80xi32, #tpu.memory_space<hbm>>
    tpu.wait_dma2 semaphore(%arg18 : memref<!tpu.dma_semaphore, #tpu.memory_space<semaphore_mem>>) src(%dma_wait3A_38 : memref<80xi32, #tpu.memory_space<hbm>>) dst(%arg7 : memref<80xi32, #tpu.memory_space<vmem>>)
    %dma_wait3A_39 = arith.constant 0 : i32
    %dma_wait3A_40 = arith.constant 0 : i32
    %dma_wait3A_41 = tpu.memref_slice %arg4[%add3A, %dma_wait3A_39, %dma_wait3A_40] : memref<32x128x80xi32, #tpu.memory_space<hbm>> -> memref<1x1x80xi32, #tpu.memory_space<hbm>>
    %dma_wait3A_42 = tpu.memref_squeeze %dma_wait3A_41 : memref<1x1x80xi32, #tpu.memory_space<hbm>> -> memref<80xi32, #tpu.memory_space<hbm>>
    %dma_wait3A_43 = arith.constant 0 : i32
    %dma_wait3A_44 = tpu.memref_slice %arg4[%add3A, %dma_wait3A_39, %dma_wait3A_43] : memref<32x128x80xi32, #tpu.memory_space<hbm>> -> memref<1x1x80xi32, #tpu.memory_space<hbm>>
    %dma_wait3A_45 = tpu.memref_squeeze %dma_wait3A_44 : memref<1x1x80xi32, #tpu.memory_space<hbm>> -> memref<80xi32, #tpu.memory_space<hbm>>
    tpu.wait_dma2 semaphore(%arg18 : memref<!tpu.dma_semaphore, #tpu.memory_space<semaphore_mem>>) src(%dma_wait3A_45 : memref<80xi32, #tpu.memory_space<hbm>>) dst(%arg11 : memref<80xi32, #tpu.memory_space<vmem>>)
    %dma_start3A_46 = arith.constant 0 : i32
    %dma_start3A_47 = arith.constant 0 : i32
    %dma_start3A_48 = tpu.memref_slice %arg2[%dma_start3A_46, %dma_start3A_47] : memref<10000x128xf32, #tpu.memory_space<hbm>> -> memref<10000x128xf32, #tpu.memory_space<hbm>>
    tpu.enqueue_indirect_dma source(%dma_start3A_48 : memref<10000x128xf32, #tpu.memory_space<hbm>>) target(%arg15 : memref<80x128xf32, #tpu.memory_space<vmem>>) offsets(%arg7 : memref<80xi32, #tpu.memory_space<vmem>>) semaphore(%arg22 : memref<!tpu.dma_semaphore, #tpu.memory_space<semaphore_mem>>)
    %scan3A_49 = arith.constant 0 : i32
    %scan3A_50 = arith.constant 0 : i32
    %scan3A_51 = arith.constant 32 : i32
    %scan3A_52 = arith.addi %scan3A_50, %scan3A_51 : i32
    %scan3A_53 = arith.constant 1 : i32
    scf.for %scan3A_68 = %scan3A_50 to %scan3A_52 step %scan3A_53  : i32 {
      %mul3A_69 = arith.constant 4 : i32
      %mul3A_70 = arith.muli %mul3A_69, %scan3A_68 : i32
      %ge3A = arith.constant 1 : i32
      %ge3A_71 = arith.cmpi sge, %mul3A_70, %ge3A : i32
      %add3A_72 = arith.constant 1 : i32
      %add3A_73 = arith.addi %mul3A_70, %add3A_72 : i32
      %lt3A = arith.constant 128 : i32
      %lt3A_74 = arith.cmpi slt, %add3A_73, %lt3A : i32
      %and3A = arith.andi %ge3A_71, %lt3A_74 : i1
      %convert_element_type3A = arith.extui %and3A : i1 to i32
      %cond3A = arith.constant 0 : i32
      %cond3A_75 = arith.cmpi ne, %convert_element_type3A, %cond3A : i32
      scf.if %cond3A_75 {
        %dma_wait3A_198 = arith.constant 0 : i32
        %dma_wait3A_199 = arith.constant 0 : i32
        %dma_wait3A_200 = tpu.memref_slice %arg17[%dma_wait3A_198, %dma_wait3A_199] : memref<10016x128xf32, #tpu.memory_space<vmem_shared>> -> memref<10016x128xf32, #tpu.memory_space<vmem_shared>>
        tpu.wait_indirect_dma semaphore(%arg25 : memref<!tpu.dma_semaphore, #tpu.memory_space<semaphore_mem>>) src(%arg16 : memref<80x128xf32, #tpu.memory_space<vmem>>) dst(%dma_wait3A_200 : memref<10016x128xf32, #tpu.memory_space<vmem_shared>>)
      } else {
      }
      %add3A_76 = arith.constant 1 : i32
      %add3A_77 = arith.addi %mul3A_70, %add3A_76 : i32
      %lt3A_78 = arith.constant 128 : i32
      %lt3A_79 = arith.cmpi slt, %add3A_77, %lt3A_78 : i32
      %convert_element_type3A_80 = arith.extui %lt3A_79 : i1 to i32
      %cond3A_81 = arith.constant 0 : i32
      %cond3A_82 = arith.cmpi ne, %convert_element_type3A_80, %cond3A_81 : i32
      scf.if %cond3A_82 {
        %dma_wait3A_198 = arith.constant 0 : i32
        %dma_wait3A_199 = arith.constant 0 : i32
        %dma_wait3A_200 = tpu.memref_slice %arg3[%add3A, %dma_wait3A_198, %dma_wait3A_199] : memref<32x128x80xi32, #tpu.memory_space<hbm>> -> memref<1x1x80xi32, #tpu.memory_space<hbm>>
        %dma_wait3A_201 = tpu.memref_squeeze %dma_wait3A_200 : memref<1x1x80xi32, #tpu.memory_space<hbm>> -> memref<80xi32, #tpu.memory_space<hbm>>
        %dma_wait3A_202 = arith.constant 0 : i32
        %dma_wait3A_203 = tpu.memref_slice %arg3[%add3A, %dma_wait3A_198, %dma_wait3A_202] : memref<32x128x80xi32, #tpu.memory_space<hbm>> -> memref<1x1x80xi32, #tpu.memory_space<hbm>>
        %dma_wait3A_204 = tpu.memref_squeeze %dma_wait3A_203 : memref<1x1x80xi32, #tpu.memory_space<hbm>> -> memref<80xi32, #tpu.memory_space<hbm>>
        tpu.wait_dma2 semaphore(%arg19 : memref<!tpu.dma_semaphore, #tpu.memory_space<semaphore_mem>>) src(%dma_wait3A_204 : memref<80xi32, #tpu.memory_space<hbm>>) dst(%arg8 : memref<80xi32, #tpu.memory_space<vmem>>)
        %dma_wait3A_205 = arith.constant 0 : i32
        %dma_wait3A_206 = arith.constant 0 : i32
        %dma_wait3A_207 = tpu.memref_slice %arg4[%add3A, %dma_wait3A_205, %dma_wait3A_206] : memref<32x128x80xi32, #tpu.memory_space<hbm>> -> memref<1x1x80xi32, #tpu.memory_space<hbm>>
        %dma_wait3A_208 = tpu.memref_squeeze %dma_wait3A_207 : memref<1x1x80xi32, #tpu.memory_space<hbm>> -> memref<80xi32, #tpu.memory_space<hbm>>
        %dma_wait3A_209 = arith.constant 0 : i32
        %dma_wait3A_210 = tpu.memref_slice %arg4[%add3A, %dma_wait3A_205, %dma_wait3A_209] : memref<32x128x80xi32, #tpu.memory_space<hbm>> -> memref<1x1x80xi32, #tpu.memory_space<hbm>>
        %dma_wait3A_211 = tpu.memref_squeeze %dma_wait3A_210 : memref<1x1x80xi32, #tpu.memory_space<hbm>> -> memref<80xi32, #tpu.memory_space<hbm>>
        tpu.wait_dma2 semaphore(%arg19 : memref<!tpu.dma_semaphore, #tpu.memory_space<semaphore_mem>>) src(%dma_wait3A_211 : memref<80xi32, #tpu.memory_space<hbm>>) dst(%arg12 : memref<80xi32, #tpu.memory_space<vmem>>)
        %dma_start3A_212 = arith.constant 0 : i32
        %dma_start3A_213 = arith.constant 0 : i32
        %dma_start3A_214 = tpu.memref_slice %arg2[%dma_start3A_212, %dma_start3A_213] : memref<10000x128xf32, #tpu.memory_space<hbm>> -> memref<10000x128xf32, #tpu.memory_space<hbm>>
        tpu.enqueue_indirect_dma source(%dma_start3A_214 : memref<10000x128xf32, #tpu.memory_space<hbm>>) target(%arg16 : memref<80x128xf32, #tpu.memory_space<vmem>>) offsets(%arg8 : memref<80xi32, #tpu.memory_space<vmem>>) semaphore(%arg23 : memref<!tpu.dma_semaphore, #tpu.memory_space<semaphore_mem>>)
      } else {
      }
      %dma_wait3A_83 = arith.constant 0 : i32
      %dma_wait3A_84 = arith.constant 0 : i32
      %dma_wait3A_85 = tpu.memref_slice %arg2[%dma_wait3A_83, %dma_wait3A_84] : memref<10000x128xf32, #tpu.memory_space<hbm>> -> memref<10000x128xf32, #tpu.memory_space<hbm>>
      tpu.wait_indirect_dma semaphore(%arg22 : memref<!tpu.dma_semaphore, #tpu.memory_space<semaphore_mem>>) src(%dma_wait3A_85 : memref<10000x128xf32, #tpu.memory_space<hbm>>) dst(%arg15 : memref<80x128xf32, #tpu.memory_space<vmem>>)
      %add3A_86 = arith.constant 2 : i32
      %add3A_87 = arith.addi %mul3A_70, %add3A_86 : i32
      %lt3A_88 = arith.constant 128 : i32
      %lt3A_89 = arith.cmpi slt, %add3A_87, %lt3A_88 : i32
      %convert_element_type3A_90 = arith.extui %lt3A_89 : i1 to i32
      %cond3A_91 = arith.constant 0 : i32
      %cond3A_92 = arith.cmpi ne, %convert_element_type3A_90, %cond3A_91 : i32
      scf.if %cond3A_92 {
        %add3A_198 = arith.constant 2 : i32
        %add3A_199 = arith.addi %mul3A_70, %add3A_198 : i32
        %dma_start3A_200 = arith.constant 0 : i32
        %dma_start3A_201 = tpu.memref_slice %arg3[%add3A, %add3A_199, %dma_start3A_200] : memref<32x128x80xi32, #tpu.memory_space<hbm>> -> memref<1x1x80xi32, #tpu.memory_space<hbm>>
        %dma_start3A_202 = tpu.memref_squeeze %dma_start3A_201 : memref<1x1x80xi32, #tpu.memory_space<hbm>> -> memref<80xi32, #tpu.memory_space<hbm>>
        %dma_start3A_203 = arith.constant 0 : i32
        %dma_start3A_204 = tpu.memref_slice %arg3[%add3A, %add3A_199, %dma_start3A_203] : memref<32x128x80xi32, #tpu.memory_space<hbm>> -> memref<1x1x80xi32, #tpu.memory_space<hbm>>
        %dma_start3A_205 = tpu.memref_squeeze %dma_start3A_204 : memref<1x1x80xi32, #tpu.memory_space<hbm>> -> memref<80xi32, #tpu.memory_space<hbm>>
        tpu.enqueue_dma source(%dma_start3A_205 : memref<80xi32, #tpu.memory_space<hbm>>) target(%arg9 : memref<80xi32, #tpu.memory_space<vmem>>) target_semaphore(%arg20 : memref<!tpu.dma_semaphore, #tpu.memory_space<semaphore_mem>>)
        %dma_start3A_206 = arith.constant 0 : i32
        %dma_start3A_207 = tpu.memref_slice %arg4[%add3A, %add3A_199, %dma_start3A_206] : memref<32x128x80xi32, #tpu.memory_space<hbm>> -> memref<1x1x80xi32, #tpu.memory_space<hbm>>
        %dma_start3A_208 = tpu.memref_squeeze %dma_start3A_207 : memref<1x1x80xi32, #tpu.memory_space<hbm>> -> memref<80xi32, #tpu.memory_space<hbm>>
        %dma_start3A_209 = arith.constant 0 : i32
        %dma_start3A_210 = tpu.memref_slice %arg4[%add3A, %add3A_199, %dma_start3A_209] : memref<32x128x80xi32, #tpu.memory_space<hbm>> -> memref<1x1x80xi32, #tpu.memory_space<hbm>>
        %dma_start3A_211 = tpu.memref_squeeze %dma_start3A_210 : memref<1x1x80xi32, #tpu.memory_space<hbm>> -> memref<80xi32, #tpu.memory_space<hbm>>
        tpu.enqueue_dma source(%dma_start3A_211 : memref<80xi32, #tpu.memory_space<hbm>>) target(%arg13 : memref<80xi32, #tpu.memory_space<vmem>>) target_semaphore(%arg20 : memref<!tpu.dma_semaphore, #tpu.memory_space<semaphore_mem>>)
      } else {
      }
      %dma_start3A_93 = arith.constant 0 : i32
      %dma_start3A_94 = arith.constant 0 : i32
      %dma_start3A_95 = tpu.memref_slice %arg17[%dma_start3A_93, %dma_start3A_94] : memref<10016x128xf32, #tpu.memory_space<vmem_shared>> -> memref<10016x128xf32, #tpu.memory_space<vmem_shared>>
      tpu.enqueue_indirect_dma source(%arg15 : memref<80x128xf32, #tpu.memory_space<vmem>>) target(%dma_start3A_95 : memref<10016x128xf32, #tpu.memory_space<vmem_shared>>) offsets(%arg11 : memref<80xi32, #tpu.memory_space<vmem>>) semaphore(%arg24 : memref<!tpu.dma_semaphore, #tpu.memory_space<semaphore_mem>>) {add = true}
      %mul3A_96 = arith.constant 4 : i32
      %mul3A_97 = arith.muli %mul3A_96, %scan3A_68 : i32
      %add3A_98 = arith.constant 1 : i32
      %add3A_99 = arith.addi %mul3A_97, %add3A_98 : i32
      %ge3A_100 = arith.constant 1 : i32
      %ge3A_101 = arith.cmpi sge, %add3A_99, %ge3A_100 : i32
      %add3A_102 = arith.constant 1 : i32
      %add3A_103 = arith.addi %add3A_99, %add3A_102 : i32
      %lt3A_104 = arith.constant 128 : i32
      %lt3A_105 = arith.cmpi slt, %add3A_103, %lt3A_104 : i32
      %and3A_106 = arith.andi %ge3A_101, %lt3A_105 : i1
      %convert_element_type3A_107 = arith.extui %and3A_106 : i1 to i32
      %cond3A_108 = arith.constant 0 : i32
      %cond3A_109 = arith.cmpi ne, %convert_element_type3A_107, %cond3A_108 : i32
      scf.if %cond3A_109 {
        %dma_wait3A_198 = arith.constant 0 : i32
        %dma_wait3A_199 = arith.constant 0 : i32
        %dma_wait3A_200 = tpu.memref_slice %arg17[%dma_wait3A_198, %dma_wait3A_199] : memref<10016x128xf32, #tpu.memory_space<vmem_shared>> -> memref<10016x128xf32, #tpu.memory_space<vmem_shared>>
        tpu.wait_indirect_dma semaphore(%arg24 : memref<!tpu.dma_semaphore, #tpu.memory_space<semaphore_mem>>) src(%arg15 : memref<80x128xf32, #tpu.memory_space<vmem>>) dst(%dma_wait3A_200 : memref<10016x128xf32, #tpu.memory_space<vmem_shared>>)
      } else {
      }
      %add3A_110 = arith.constant 1 : i32
      %add3A_111 = arith.addi %add3A_99, %add3A_110 : i32
      %lt3A_112 = arith.constant 128 : i32
      %lt3A_113 = arith.cmpi slt, %add3A_111, %lt3A_112 : i32
      %convert_element_type3A_114 = arith.extui %lt3A_113 : i1 to i32
      %cond3A_115 = arith.constant 0 : i32
      %cond3A_116 = arith.cmpi ne, %convert_element_type3A_114, %cond3A_115 : i32
      scf.if %cond3A_116 {
        %dma_wait3A_198 = arith.constant 0 : i32
        %dma_wait3A_199 = arith.constant 0 : i32
        %dma_wait3A_200 = tpu.memref_slice %arg3[%add3A, %dma_wait3A_198, %dma_wait3A_199] : memref<32x128x80xi32, #tpu.memory_space<hbm>> -> memref<1x1x80xi32, #tpu.memory_space<hbm>>
        %dma_wait3A_201 = tpu.memref_squeeze %dma_wait3A_200 : memref<1x1x80xi32, #tpu.memory_space<hbm>> -> memref<80xi32, #tpu.memory_space<hbm>>
        %dma_wait3A_202 = arith.constant 0 : i32
        %dma_wait3A_203 = tpu.memref_slice %arg3[%add3A, %dma_wait3A_198, %dma_wait3A_202] : memref<32x128x80xi32, #tpu.memory_space<hbm>> -> memref<1x1x80xi32, #tpu.memory_space<hbm>>
        %dma_wait3A_204 = tpu.memref_squeeze %dma_wait3A_203 : memref<1x1x80xi32, #tpu.memory_space<hbm>> -> memref<80xi32, #tpu.memory_space<hbm>>
        tpu.wait_dma2 semaphore(%arg20 : memref<!tpu.dma_semaphore, #tpu.memory_space<semaphore_mem>>) src(%dma_wait3A_204 : memref<80xi32, #tpu.memory_space<hbm>>) dst(%arg9 : memref<80xi32, #tpu.memory_space<vmem>>)
        %dma_wait3A_205 = arith.constant 0 : i32
        %dma_wait3A_206 = arith.constant 0 : i32
        %dma_wait3A_207 = tpu.memref_slice %arg4[%add3A, %dma_wait3A_205, %dma_wait3A_206] : memref<32x128x80xi32, #tpu.memory_space<hbm>> -> memref<1x1x80xi32, #tpu.memory_space<hbm>>
        %dma_wait3A_208 = tpu.memref_squeeze %dma_wait3A_207 : memref<1x1x80xi32, #tpu.memory_space<hbm>> -> memref<80xi32, #tpu.memory_space<hbm>>
        %dma_wait3A_209 = arith.constant 0 : i32
        %dma_wait3A_210 = tpu.memref_slice %arg4[%add3A, %dma_wait3A_205, %dma_wait3A_209] : memref<32x128x80xi32, #tpu.memory_space<hbm>> -> memref<1x1x80xi32, #tpu.memory_space<hbm>>
        %dma_wait3A_211 = tpu.memref_squeeze %dma_wait3A_210 : memref<1x1x80xi32, #tpu.memory_space<hbm>> -> memref<80xi32, #tpu.memory_space<hbm>>
        tpu.wait_dma2 semaphore(%arg20 : memref<!tpu.dma_semaphore, #tpu.memory_space<semaphore_mem>>) src(%dma_wait3A_211 : memref<80xi32, #tpu.memory_space<hbm>>) dst(%arg13 : memref<80xi32, #tpu.memory_space<vmem>>)
        %dma_start3A_212 = arith.constant 0 : i32
        %dma_start3A_213 = arith.constant 0 : i32
        %dma_start3A_214 = tpu.memref_slice %arg2[%dma_start3A_212, %dma_start3A_213] : memref<10000x128xf32, #tpu.memory_space<hbm>> -> memref<10000x128xf32, #tpu.memory_space<hbm>>
        tpu.enqueue_indirect_dma source(%dma_start3A_214 : memref<10000x128xf32, #tpu.memory_space<hbm>>) target(%arg15 : memref<80x128xf32, #tpu.memory_space<vmem>>) offsets(%arg9 : memref<80xi32, #tpu.memory_space<vmem>>) semaphore(%arg22 : memref<!tpu.dma_semaphore, #tpu.memory_space<semaphore_mem>>)
      } else {
      }
      %dma_wait3A_117 = arith.constant 0 : i32
      %dma_wait3A_118 = arith.constant 0 : i32
      %dma_wait3A_119 = tpu.memref_slice %arg2[%dma_wait3A_117, %dma_wait3A_118] : memref<10000x128xf32, #tpu.memory_space<hbm>> -> memref<10000x128xf32, #tpu.memory_space<hbm>>
      tpu.wait_indirect_dma semaphore(%arg23 : memref<!tpu.dma_semaphore, #tpu.memory_space<semaphore_mem>>) src(%dma_wait3A_119 : memref<10000x128xf32, #tpu.memory_space<hbm>>) dst(%arg16 : memref<80x128xf32, #tpu.memory_space<vmem>>)
      %add3A_120 = arith.constant 2 : i32
      %add3A_121 = arith.addi %add3A_99, %add3A_120 : i32
      %lt3A_122 = arith.constant 128 : i32
      %lt3A_123 = arith.cmpi slt, %add3A_121, %lt3A_122 : i32
      %convert_element_type3A_124 = arith.extui %lt3A_123 : i1 to i32
      %cond3A_125 = arith.constant 0 : i32
      %cond3A_126 = arith.cmpi ne, %convert_element_type3A_124, %cond3A_125 : i32
      scf.if %cond3A_126 {
        %add3A_198 = arith.constant 2 : i32
        %add3A_199 = arith.addi %add3A_99, %add3A_198 : i32
        %dma_start3A_200 = arith.constant 0 : i32
        %dma_start3A_201 = tpu.memref_slice %arg3[%add3A, %add3A_199, %dma_start3A_200] : memref<32x128x80xi32, #tpu.memory_space<hbm>> -> memref<1x1x80xi32, #tpu.memory_space<hbm>>
        %dma_start3A_202 = tpu.memref_squeeze %dma_start3A_201 : memref<1x1x80xi32, #tpu.memory_space<hbm>> -> memref<80xi32, #tpu.memory_space<hbm>>
        %dma_start3A_203 = arith.constant 0 : i32
        %dma_start3A_204 = tpu.memref_slice %arg3[%add3A, %add3A_199, %dma_start3A_203] : memref<32x128x80xi32, #tpu.memory_space<hbm>> -> memref<1x1x80xi32, #tpu.memory_space<hbm>>
        %dma_start3A_205 = tpu.memref_squeeze %dma_start3A_204 : memref<1x1x80xi32, #tpu.memory_space<hbm>> -> memref<80xi32, #tpu.memory_space<hbm>>
        tpu.enqueue_dma source(%dma_start3A_205 : memref<80xi32, #tpu.memory_space<hbm>>) target(%arg10 : memref<80xi32, #tpu.memory_space<vmem>>) target_semaphore(%arg21 : memref<!tpu.dma_semaphore, #tpu.memory_space<semaphore_mem>>)
        %dma_start3A_206 = arith.constant 0 : i32
        %dma_start3A_207 = tpu.memref_slice %arg4[%add3A, %add3A_199, %dma_start3A_206] : memref<32x128x80xi32, #tpu.memory_space<hbm>> -> memref<1x1x80xi32, #tpu.memory_space<hbm>>
        %dma_start3A_208 = tpu.memref_squeeze %dma_start3A_207 : memref<1x1x80xi32, #tpu.memory_space<hbm>> -> memref<80xi32, #tpu.memory_space<hbm>>
        %dma_start3A_209 = arith.constant 0 : i32
        %dma_start3A_210 = tpu.memref_slice %arg4[%add3A, %add3A_199, %dma_start3A_209] : memref<32x128x80xi32, #tpu.memory_space<hbm>> -> memref<1x1x80xi32, #tpu.memory_space<hbm>>
        %dma_start3A_211 = tpu.memref_squeeze %dma_start3A_210 : memref<1x1x80xi32, #tpu.memory_space<hbm>> -> memref<80xi32, #tpu.memory_space<hbm>>
        tpu.enqueue_dma source(%dma_start3A_211 : memref<80xi32, #tpu.memory_space<hbm>>) target(%arg14 : memref<80xi32, #tpu.memory_space<vmem>>) target_semaphore(%arg21 : memref<!tpu.dma_semaphore, #tpu.memory_space<semaphore_mem>>)
      } else {
      }
      %dma_start3A_127 = arith.constant 0 : i32
      %dma_start3A_128 = arith.constant 0 : i32
      %dma_start3A_129 = tpu.memref_slice %arg17[%dma_start3A_127, %dma_start3A_128] : memref<10016x128xf32, #tpu.memory_space<vmem_shared>> -> memref<10016x128xf32, #tpu.memory_space<vmem_shared>>
      tpu.enqueue_indirect_dma source(%arg16 : memref<80x128xf32, #tpu.memory_space<vmem>>) target(%dma_start3A_129 : memref<10016x128xf32, #tpu.memory_space<vmem_shared>>) offsets(%arg12 : memref<80xi32, #tpu.memory_space<vmem>>) semaphore(%arg25 : memref<!tpu.dma_semaphore, #tpu.memory_space<semaphore_mem>>) {add = true}
      %mul3A_130 = arith.constant 4 : i32
      %mul3A_131 = arith.muli %mul3A_130, %scan3A_68 : i32
      %add3A_132 = arith.constant 2 : i32
      %add3A_133 = arith.addi %mul3A_131, %add3A_132 : i32
      %ge3A_134 = arith.constant 1 : i32
      %ge3A_135 = arith.cmpi sge, %add3A_133, %ge3A_134 : i32
      %add3A_136 = arith.constant 1 : i32
      %add3A_137 = arith.addi %add3A_133, %add3A_136 : i32
      %lt3A_138 = arith.constant 128 : i32
      %lt3A_139 = arith.cmpi slt, %add3A_137, %lt3A_138 : i32
      %and3A_140 = arith.andi %ge3A_135, %lt3A_139 : i1
      %convert_element_type3A_141 = arith.extui %and3A_140 : i1 to i32
      %cond3A_142 = arith.constant 0 : i32
      %cond3A_143 = arith.cmpi ne, %convert_element_type3A_141, %cond3A_142 : i32
      scf.if %cond3A_143 {
        %dma_wait3A_198 = arith.constant 0 : i32
        %dma_wait3A_199 = arith.constant 0 : i32
        %dma_wait3A_200 = tpu.memref_slice %arg17[%dma_wait3A_198, %dma_wait3A_199] : memref<10016x128xf32, #tpu.memory_space<vmem_shared>> -> memref<10016x128xf32, #tpu.memory_space<vmem_shared>>
        tpu.wait_indirect_dma semaphore(%arg25 : memref<!tpu.dma_semaphore, #tpu.memory_space<semaphore_mem>>) src(%arg16 : memref<80x128xf32, #tpu.memory_space<vmem>>) dst(%dma_wait3A_200 : memref<10016x128xf32, #tpu.memory_space<vmem_shared>>)
      } else {
      }
      %add3A_144 = arith.constant 1 : i32
      %add3A_145 = arith.addi %add3A_133, %add3A_144 : i32
      %lt3A_146 = arith.constant 128 : i32
      %lt3A_147 = arith.cmpi slt, %add3A_145, %lt3A_146 : i32
      %convert_element_type3A_148 = arith.extui %lt3A_147 : i1 to i32
      %cond3A_149 = arith.constant 0 : i32
      %cond3A_150 = arith.cmpi ne, %convert_element_type3A_148, %cond3A_149 : i32
      scf.if %cond3A_150 {
        %dma_wait3A_198 = arith.constant 0 : i32
        %dma_wait3A_199 = arith.constant 0 : i32
        %dma_wait3A_200 = tpu.memref_slice %arg3[%add3A, %dma_wait3A_198, %dma_wait3A_199] : memref<32x128x80xi32, #tpu.memory_space<hbm>> -> memref<1x1x80xi32, #tpu.memory_space<hbm>>
        %dma_wait3A_201 = tpu.memref_squeeze %dma_wait3A_200 : memref<1x1x80xi32, #tpu.memory_space<hbm>> -> memref<80xi32, #tpu.memory_space<hbm>>
        %dma_wait3A_202 = arith.constant 0 : i32
        %dma_wait3A_203 = tpu.memref_slice %arg3[%add3A, %dma_wait3A_198, %dma_wait3A_202] : memref<32x128x80xi32, #tpu.memory_space<hbm>> -> memref<1x1x80xi32, #tpu.memory_space<hbm>>
        %dma_wait3A_204 = tpu.memref_squeeze %dma_wait3A_203 : memref<1x1x80xi32, #tpu.memory_space<hbm>> -> memref<80xi32, #tpu.memory_space<hbm>>
        tpu.wait_dma2 semaphore(%arg21 : memref<!tpu.dma_semaphore, #tpu.memory_space<semaphore_mem>>) src(%dma_wait3A_204 : memref<80xi32, #tpu.memory_space<hbm>>) dst(%arg10 : memref<80xi32, #tpu.memory_space<vmem>>)
        %dma_wait3A_205 = arith.constant 0 : i32
        %dma_wait3A_206 = arith.constant 0 : i32
        %dma_wait3A_207 = tpu.memref_slice %arg4[%add3A, %dma_wait3A_205, %dma_wait3A_206] : memref<32x128x80xi32, #tpu.memory_space<hbm>> -> memref<1x1x80xi32, #tpu.memory_space<hbm>>
        %dma_wait3A_208 = tpu.memref_squeeze %dma_wait3A_207 : memref<1x1x80xi32, #tpu.memory_space<hbm>> -> memref<80xi32, #tpu.memory_space<hbm>>
        %dma_wait3A_209 = arith.constant 0 : i32
        %dma_wait3A_210 = tpu.memref_slice %arg4[%add3A, %dma_wait3A_205, %dma_wait3A_209] : memref<32x128x80xi32, #tpu.memory_space<hbm>> -> memref<1x1x80xi32, #tpu.memory_space<hbm>>
        %dma_wait3A_211 = tpu.memref_squeeze %dma_wait3A_210 : memref<1x1x80xi32, #tpu.memory_space<hbm>> -> memref<80xi32, #tpu.memory_space<hbm>>
        tpu.wait_dma2 semaphore(%arg21 : memref<!tpu.dma_semaphore, #tpu.memory_space<semaphore_mem>>) src(%dma_wait3A_211 : memref<80xi32, #tpu.memory_space<hbm>>) dst(%arg14 : memref<80xi32, #tpu.memory_space<vmem>>)
        %dma_start3A_212 = arith.constant 0 : i32
        %dma_start3A_213 = arith.constant 0 : i32
        %dma_start3A_214 = tpu.memref_slice %arg2[%dma_start3A_212, %dma_start3A_213] : memref<10000x128xf32, #tpu.memory_space<hbm>> -> memref<10000x128xf32, #tpu.memory_space<hbm>>
        tpu.enqueue_indirect_dma source(%dma_start3A_214 : memref<10000x128xf32, #tpu.memory_space<hbm>>) target(%arg16 : memref<80x128xf32, #tpu.memory_space<vmem>>) offsets(%arg10 : memref<80xi32, #tpu.memory_space<vmem>>) semaphore(%arg23 : memref<!tpu.dma_semaphore, #tpu.memory_space<semaphore_mem>>)
      } else {
      }
      %dma_wait3A_151 = arith.constant 0 : i32
      %dma_wait3A_152 = arith.constant 0 : i32
      %dma_wait3A_153 = tpu.memref_slice %arg2[%dma_wait3A_151, %dma_wait3A_152] : memref<10000x128xf32, #tpu.memory_space<hbm>> -> memref<10000x128xf32, #tpu.memory_space<hbm>>
      tpu.wait_indirect_dma semaphore(%arg22 : memref<!tpu.dma_semaphore, #tpu.memory_space<semaphore_mem>>) src(%dma_wait3A_153 : memref<10000x128xf32, #tpu.memory_space<hbm>>) dst(%arg15 : memref<80x128xf32, #tpu.memory_space<vmem>>)
      %add3A_154 = arith.constant 2 : i32
      %add3A_155 = arith.addi %add3A_133, %add3A_154 : i32
      %lt3A_156 = arith.constant 128 : i32
      %lt3A_157 = arith.cmpi slt, %add3A_155, %lt3A_156 : i32
      %convert_element_type3A_158 = arith.extui %lt3A_157 : i1 to i32
      %cond3A_159 = arith.constant 0 : i32
      %cond3A_160 = arith.cmpi ne, %convert_element_type3A_158, %cond3A_159 : i32
      scf.if %cond3A_160 {
        %add3A_198 = arith.constant 2 : i32
        %add3A_199 = arith.addi %add3A_133, %add3A_198 : i32
        %dma_start3A_200 = arith.constant 0 : i32
        %dma_start3A_201 = tpu.memref_slice %arg3[%add3A, %add3A_199, %dma_start3A_200] : memref<32x128x80xi32, #tpu.memory_space<hbm>> -> memref<1x1x80xi32, #tpu.memory_space<hbm>>
        %dma_start3A_202 = tpu.memref_squeeze %dma_start3A_201 : memref<1x1x80xi32, #tpu.memory_space<hbm>> -> memref<80xi32, #tpu.memory_space<hbm>>
        %dma_start3A_203 = arith.constant 0 : i32
        %dma_start3A_204 = tpu.memref_slice %arg3[%add3A, %add3A_199, %dma_start3A_203] : memref<32x128x80xi32, #tpu.memory_space<hbm>> -> memref<1x1x80xi32, #tpu.memory_space<hbm>>
        %dma_start3A_205 = tpu.memref_squeeze %dma_start3A_204 : memref<1x1x80xi32, #tpu.memory_space<hbm>> -> memref<80xi32, #tpu.memory_space<hbm>>
        tpu.enqueue_dma source(%dma_start3A_205 : memref<80xi32, #tpu.memory_space<hbm>>) target(%arg7 : memref<80xi32, #tpu.memory_space<vmem>>) target_semaphore(%arg18 : memref<!tpu.dma_semaphore, #tpu.memory_space<semaphore_mem>>)
        %dma_start3A_206 = arith.constant 0 : i32
        %dma_start3A_207 = tpu.memref_slice %arg4[%add3A, %add3A_199, %dma_start3A_206] : memref<32x128x80xi32, #tpu.memory_space<hbm>> -> memref<1x1x80xi32, #tpu.memory_space<hbm>>
        %dma_start3A_208 = tpu.memref_squeeze %dma_start3A_207 : memref<1x1x80xi32, #tpu.memory_space<hbm>> -> memref<80xi32, #tpu.memory_space<hbm>>
        %dma_start3A_209 = arith.constant 0 : i32
        %dma_start3A_210 = tpu.memref_slice %arg4[%add3A, %add3A_199, %dma_start3A_209] : memref<32x128x80xi32, #tpu.memory_space<hbm>> -> memref<1x1x80xi32, #tpu.memory_space<hbm>>
        %dma_start3A_211 = tpu.memref_squeeze %dma_start3A_210 : memref<1x1x80xi32, #tpu.memory_space<hbm>> -> memref<80xi32, #tpu.memory_space<hbm>>
        tpu.enqueue_dma source(%dma_start3A_211 : memref<80xi32, #tpu.memory_space<hbm>>) target(%arg11 : memref<80xi32, #tpu.memory_space<vmem>>) target_semaphore(%arg18 : memref<!tpu.dma_semaphore, #tpu.memory_space<semaphore_mem>>)
      } else {
      }
      %dma_start3A_161 = arith.constant 0 : i32
      %dma_start3A_162 = arith.constant 0 : i32
      %dma_start3A_163 = tpu.memref_slice %arg17[%dma_start3A_161, %dma_start3A_162] : memref<10016x128xf32, #tpu.memory_space<vmem_shared>> -> memref<10016x128xf32, #tpu.memory_space<vmem_shared>>
      tpu.enqueue_indirect_dma source(%arg15 : memref<80x128xf32, #tpu.memory_space<vmem>>) target(%dma_start3A_163 : memref<10016x128xf32, #tpu.memory_space<vmem_shared>>) offsets(%arg13 : memref<80xi32, #tpu.memory_space<vmem>>) semaphore(%arg24 : memref<!tpu.dma_semaphore, #tpu.memory_space<semaphore_mem>>) {add = true}
      %mul3A_164 = arith.constant 4 : i32
      %mul3A_165 = arith.muli %mul3A_164, %scan3A_68 : i32
      %add3A_166 = arith.constant 3 : i32
      %add3A_167 = arith.addi %mul3A_165, %add3A_166 : i32
      %ge3A_168 = arith.constant 1 : i32
      %ge3A_169 = arith.cmpi sge, %add3A_167, %ge3A_168 : i32
      %add3A_170 = arith.constant 1 : i32
      %add3A_171 = arith.addi %add3A_167, %add3A_170 : i32
      %lt3A_172 = arith.constant 128 : i32
      %lt3A_173 = arith.cmpi slt, %add3A_171, %lt3A_172 : i32
      %and3A_174 = arith.andi %ge3A_169, %lt3A_173 : i1
      %convert_element_type3A_175 = arith.extui %and3A_174 : i1 to i32
      %cond3A_176 = arith.constant 0 : i32
      %cond3A_177 = arith.cmpi ne, %convert_element_type3A_175, %cond3A_176 : i32
      scf.if %cond3A_177 {
        %dma_wait3A_198 = arith.constant 0 : i32
        %dma_wait3A_199 = arith.constant 0 : i32
        %dma_wait3A_200 = tpu.memref_slice %arg17[%dma_wait3A_198, %dma_wait3A_199] : memref<10016x128xf32, #tpu.memory_space<vmem_shared>> -> memref<10016x128xf32, #tpu.memory_space<vmem_shared>>
        tpu.wait_indirect_dma semaphore(%arg24 : memref<!tpu.dma_semaphore, #tpu.memory_space<semaphore_mem>>) src(%arg15 : memref<80x128xf32, #tpu.memory_space<vmem>>) dst(%dma_wait3A_200 : memref<10016x128xf32, #tpu.memory_space<vmem_shared>>)
      } else {
      }
      %add3A_178 = arith.constant 1 : i32
      %add3A_179 = arith.addi %add3A_167, %add3A_178 : i32
      %lt3A_180 = arith.constant 128 : i32
      %lt3A_181 = arith.cmpi slt, %add3A_179, %lt3A_180 : i32
      %convert_element_type3A_182 = arith.extui %lt3A_181 : i1 to i32
      %cond3A_183 = arith.constant 0 : i32
      %cond3A_184 = arith.cmpi ne, %convert_element_type3A_182, %cond3A_183 : i32
      scf.if %cond3A_184 {
        %dma_wait3A_198 = arith.constant 0 : i32
        %dma_wait3A_199 = arith.constant 0 : i32
        %dma_wait3A_200 = tpu.memref_slice %arg3[%add3A, %dma_wait3A_198, %dma_wait3A_199] : memref<32x128x80xi32, #tpu.memory_space<hbm>> -> memref<1x1x80xi32, #tpu.memory_space<hbm>>
        %dma_wait3A_201 = tpu.memref_squeeze %dma_wait3A_200 : memref<1x1x80xi32, #tpu.memory_space<hbm>> -> memref<80xi32, #tpu.memory_space<hbm>>
        %dma_wait3A_202 = arith.constant 0 : i32
        %dma_wait3A_203 = tpu.memref_slice %arg3[%add3A, %dma_wait3A_198, %dma_wait3A_202] : memref<32x128x80xi32, #tpu.memory_space<hbm>> -> memref<1x1x80xi32, #tpu.memory_space<hbm>>
        %dma_wait3A_204 = tpu.memref_squeeze %dma_wait3A_203 : memref<1x1x80xi32, #tpu.memory_space<hbm>> -> memref<80xi32, #tpu.memory_space<hbm>>
        tpu.wait_dma2 semaphore(%arg18 : memref<!tpu.dma_semaphore, #tpu.memory_space<semaphore_mem>>) src(%dma_wait3A_204 : memref<80xi32, #tpu.memory_space<hbm>>) dst(%arg7 : memref<80xi32, #tpu.memory_space<vmem>>)
        %dma_wait3A_205 = arith.constant 0 : i32
        %dma_wait3A_206 = arith.constant 0 : i32
        %dma_wait3A_207 = tpu.memref_slice %arg4[%add3A, %dma_wait3A_205, %dma_wait3A_206] : memref<32x128x80xi32, #tpu.memory_space<hbm>> -> memref<1x1x80xi32, #tpu.memory_space<hbm>>
        %dma_wait3A_208 = tpu.memref_squeeze %dma_wait3A_207 : memref<1x1x80xi32, #tpu.memory_space<hbm>> -> memref<80xi32, #tpu.memory_space<hbm>>
        %dma_wait3A_209 = arith.constant 0 : i32
        %dma_wait3A_210 = tpu.memref_slice %arg4[%add3A, %dma_wait3A_205, %dma_wait3A_209] : memref<32x128x80xi32, #tpu.memory_space<hbm>> -> memref<1x1x80xi32, #tpu.memory_space<hbm>>
        %dma_wait3A_211 = tpu.memref_squeeze %dma_wait3A_210 : memref<1x1x80xi32, #tpu.memory_space<hbm>> -> memref<80xi32, #tpu.memory_space<hbm>>
        tpu.wait_dma2 semaphore(%arg18 : memref<!tpu.dma_semaphore, #tpu.memory_space<semaphore_mem>>) src(%dma_wait3A_211 : memref<80xi32, #tpu.memory_space<hbm>>) dst(%arg11 : memref<80xi32, #tpu.memory_space<vmem>>)
        %dma_start3A_212 = arith.constant 0 : i32
        %dma_start3A_213 = arith.constant 0 : i32
        %dma_start3A_214 = tpu.memref_slice %arg2[%dma_start3A_212, %dma_start3A_213] : memref<10000x128xf32, #tpu.memory_space<hbm>> -> memref<10000x128xf32, #tpu.memory_space<hbm>>
        tpu.enqueue_indirect_dma source(%dma_start3A_214 : memref<10000x128xf32, #tpu.memory_space<hbm>>) target(%arg15 : memref<80x128xf32, #tpu.memory_space<vmem>>) offsets(%arg7 : memref<80xi32, #tpu.memory_space<vmem>>) semaphore(%arg22 : memref<!tpu.dma_semaphore, #tpu.memory_space<semaphore_mem>>)
      } else {
      }
      %dma_wait3A_185 = arith.constant 0 : i32
      %dma_wait3A_186 = arith.constant 0 : i32
      %dma_wait3A_187 = tpu.memref_slice %arg2[%dma_wait3A_185, %dma_wait3A_186] : memref<10000x128xf32, #tpu.memory_space<hbm>> -> memref<10000x128xf32, #tpu.memory_space<hbm>>
      tpu.wait_indirect_dma semaphore(%arg23 : memref<!tpu.dma_semaphore, #tpu.memory_space<semaphore_mem>>) src(%dma_wait3A_187 : memref<10000x128xf32, #tpu.memory_space<hbm>>) dst(%arg16 : memref<80x128xf32, #tpu.memory_space<vmem>>)
      %add3A_188 = arith.constant 2 : i32
      %add3A_189 = arith.addi %add3A_167, %add3A_188 : i32
      %lt3A_190 = arith.constant 128 : i32
      %lt3A_191 = arith.cmpi slt, %add3A_189, %lt3A_190 : i32
      %convert_element_type3A_192 = arith.extui %lt3A_191 : i1 to i32
      %cond3A_193 = arith.constant 0 : i32
      %cond3A_194 = arith.cmpi ne, %convert_element_type3A_192, %cond3A_193 : i32
      scf.if %cond3A_194 {
        %add3A_198 = arith.constant 2 : i32
        %add3A_199 = arith.addi %add3A_167, %add3A_198 : i32
        %dma_start3A_200 = arith.constant 0 : i32
        %dma_start3A_201 = tpu.memref_slice %arg3[%add3A, %add3A_199, %dma_start3A_200] : memref<32x128x80xi32, #tpu.memory_space<hbm>> -> memref<1x1x80xi32, #tpu.memory_space<hbm>>
        %dma_start3A_202 = tpu.memref_squeeze %dma_start3A_201 : memref<1x1x80xi32, #tpu.memory_space<hbm>> -> memref<80xi32, #tpu.memory_space<hbm>>
        %dma_start3A_203 = arith.constant 0 : i32
        %dma_start3A_204 = tpu.memref_slice %arg3[%add3A, %add3A_199, %dma_start3A_203] : memref<32x128x80xi32, #tpu.memory_space<hbm>> -> memref<1x1x80xi32, #tpu.memory_space<hbm>>
        %dma_start3A_205 = tpu.memref_squeeze %dma_start3A_204 : memref<1x1x80xi32, #tpu.memory_space<hbm>> -> memref<80xi32, #tpu.memory_space<hbm>>
        tpu.enqueue_dma source(%dma_start3A_205 : memref<80xi32, #tpu.memory_space<hbm>>) target(%arg8 : memref<80xi32, #tpu.memory_space<vmem>>) target_semaphore(%arg19 : memref<!tpu.dma_semaphore, #tpu.memory_space<semaphore_mem>>)
        %dma_start3A_206 = arith.constant 0 : i32
        %dma_start3A_207 = tpu.memref_slice %arg4[%add3A, %add3A_199, %dma_start3A_206] : memref<32x128x80xi32, #tpu.memory_space<hbm>> -> memref<1x1x80xi32, #tpu.memory_space<hbm>>
        %dma_start3A_208 = tpu.memref_squeeze %dma_start3A_207 : memref<1x1x80xi32, #tpu.memory_space<hbm>> -> memref<80xi32, #tpu.memory_space<hbm>>
        %dma_start3A_209 = arith.constant 0 : i32
        %dma_start3A_210 = tpu.memref_slice %arg4[%add3A, %add3A_199, %dma_start3A_209] : memref<32x128x80xi32, #tpu.memory_space<hbm>> -> memref<1x1x80xi32, #tpu.memory_space<hbm>>
        %dma_start3A_211 = tpu.memref_squeeze %dma_start3A_210 : memref<1x1x80xi32, #tpu.memory_space<hbm>> -> memref<80xi32, #tpu.memory_space<hbm>>
        tpu.enqueue_dma source(%dma_start3A_211 : memref<80xi32, #tpu.memory_space<hbm>>) target(%arg12 : memref<80xi32, #tpu.memory_space<vmem>>) target_semaphore(%arg19 : memref<!tpu.dma_semaphore, #tpu.memory_space<semaphore_mem>>)
      } else {
      }
      %dma_start3A_195 = arith.constant 0 : i32
      %dma_start3A_196 = arith.constant 0 : i32
      %dma_start3A_197 = tpu.memref_slice %arg17[%dma_start3A_195, %dma_start3A_196] : memref<10016x128xf32, #tpu.memory_space<vmem_shared>> -> memref<10016x128xf32, #tpu.memory_space<vmem_shared>>
      tpu.enqueue_indirect_dma source(%arg16 : memref<80x128xf32, #tpu.memory_space<vmem>>) target(%dma_start3A_197 : memref<10016x128xf32, #tpu.memory_space<vmem_shared>>) offsets(%arg14 : memref<80xi32, #tpu.memory_space<vmem>>) semaphore(%arg25 : memref<!tpu.dma_semaphore, #tpu.memory_space<semaphore_mem>>) {add = true}
    }
    %scan3A_54 = arith.constant 32 : i32
    %dma_wait3A_55 = arith.constant 0 : i32
    %dma_wait3A_56 = arith.constant 0 : i32
    %dma_wait3A_57 = tpu.memref_slice %arg17[%dma_wait3A_55, %dma_wait3A_56] : memref<10016x128xf32, #tpu.memory_space<vmem_shared>> -> memref<10016x128xf32, #tpu.memory_space<vmem_shared>>
    tpu.wait_indirect_dma semaphore(%arg24 : memref<!tpu.dma_semaphore, #tpu.memory_space<semaphore_mem>>) src(%arg15 : memref<80x128xf32, #tpu.memory_space<vmem>>) dst(%dma_wait3A_57 : memref<10016x128xf32, #tpu.memory_space<vmem_shared>>)
    %dma_wait3A_58 = arith.constant 0 : i32
    %dma_wait3A_59 = arith.constant 0 : i32
    %dma_wait3A_60 = tpu.memref_slice %arg17[%dma_wait3A_58, %dma_wait3A_59] : memref<10016x128xf32, #tpu.memory_space<vmem_shared>> -> memref<10016x128xf32, #tpu.memory_space<vmem_shared>>
    tpu.wait_indirect_dma semaphore(%arg25 : memref<!tpu.dma_semaphore, #tpu.memory_space<semaphore_mem>>) src(%arg16 : memref<80x128xf32, #tpu.memory_space<vmem>>) dst(%dma_wait3A_60 : memref<10016x128xf32, #tpu.memory_space<vmem_shared>>)
    %barrier3A_61 = arith.constant 0 : index
    tpu.barrier barrier_id(%barrier3A_61)
    %scan3A_62 = arith.constant 0 : i32
    %scan3A_63 = arith.constant 0 : i32
    %scan3A_64 = arith.constant 8 : i32
    %scan3A_65 = arith.addi %scan3A_63, %scan3A_64 : i32
    %scan3A_66 = arith.constant 1 : i32
    scf.for %scan3A_68 = %scan3A_63 to %scan3A_65 step %scan3A_66  : i32 {
      %mul3A_69 = arith.constant 16 : i32
      %mul3A_70 = arith.muli %mul3A_69, %scan3A_68 : i32
      %add3A_71 = arith.addi %arg1, %mul3A_70 : i32
      %lt3A = arith.constant 125 : i32
      %lt3A_72 = arith.cmpi slt, %add3A_71, %lt3A : i32
      %convert_element_type3A = arith.extui %lt3A_72 : i1 to i32
      %cond3A = arith.constant 0 : i32
      %cond3A_73 = arith.cmpi ne, %convert_element_type3A, %cond3A : i32
      scf.if %cond3A_73 {
        %mul3A_74 = arith.constant 80 : i32
        %mul3A_75 = arith.muli %add3A_71, %mul3A_74 : i32
        "tpu.region"() ({
          %run_scoped3A = tpu.sem_alloc : memref<!tpu.dma_semaphore, #tpu.memory_space<semaphore_mem>>
          %dma_start3A_76 = arith.constant 0 : i32
          %dma_start3A_77 = tpu.memref_slice %arg6[%arg0, %mul3A_75, %dma_start3A_76] : memref<2x10000x128xf32, #tpu.memory_space<hbm>> -> memref<1x80x128xf32, #tpu.memory_space<hbm>>
          %dma_start3A_78 = tpu.memref_squeeze %dma_start3A_77 : memref<1x80x128xf32, #tpu.memory_space<hbm>> -> memref<80x128xf32, #tpu.memory_space<hbm>>
          %dma_start3A_79 = arith.constant 0 : i32
          %dma_start3A_80 = tpu.memref_slice %arg17[%mul3A_75, %dma_start3A_79] : memref<10016x128xf32, #tpu.memory_space<vmem_shared>> -> memref<80x128xf32, #tpu.memory_space<vmem_shared>>
          tpu.enqueue_dma source(%dma_start3A_80 : memref<80x128xf32, #tpu.memory_space<vmem_shared>>) target(%dma_start3A_78 : memref<80x128xf32, #tpu.memory_space<hbm>>) target_semaphore(%run_scoped3A : memref<!tpu.dma_semaphore, #tpu.memory_space<semaphore_mem>>)
          %dma_wait3A_81 = arith.constant 0 : i32
          %dma_wait3A_82 = tpu.memref_slice %arg6[%arg0, %mul3A_75, %dma_wait3A_81] : memref<2x10000x128xf32, #tpu.memory_space<hbm>> -> memref<1x80x128xf32, #tpu.memory_space<hbm>>
          %dma_wait3A_83 = tpu.memref_squeeze %dma_wait3A_82 : memref<1x80x128xf32, #tpu.memory_space<hbm>> -> memref<80x128xf32, #tpu.memory_space<hbm>>
          %dma_wait3A_84 = arith.constant 0 : i32
          %dma_wait3A_85 = tpu.memref_slice %arg17[%mul3A_75, %dma_wait3A_84] : memref<10016x128xf32, #tpu.memory_space<vmem_shared>> -> memref<80x128xf32, #tpu.memory_space<vmem_shared>>
          tpu.wait_dma2 semaphore(%run_scoped3A : memref<!tpu.dma_semaphore, #tpu.memory_space<semaphore_mem>>) src(%dma_wait3A_85 : memref<80x128xf32, #tpu.memory_space<vmem_shared>>) dst(%dma_wait3A_83 : memref<80x128xf32, #tpu.memory_space<hbm>>)
          tpu.yield
        }) : () -> ()
      } else {
      }
    }
    %scan3A_67 = arith.constant 8 : i32
    return
  }
}

#map = affine_map<(d0, d1) -> (0, 0)>
#map1 = affine_map<(d0, d1) -> (0, 0, 0)>
module attributes {stable_mosaic.version = 14 : i64} {
  func.func @_agg_kernel(%arg0: i32, %arg1: i32, %arg2: memref<10000x128xf32, #tpu.memory_space<hbm>>, %arg3: memref<32x128x80xi32, #tpu.memory_space<hbm>>, %arg4: memref<32x128x80xi32, #tpu.memory_space<hbm>>, %arg5: memref<10000x128xf32, #tpu.memory_space<hbm>>, %arg6: memref<2x10000x128xf32, #tpu.memory_space<hbm>>, %arg7: memref<80xi32, #tpu.memory_space<vmem>>, %arg8: memref<80xi32, #tpu.memory_space<vmem>>, %arg9: memref<80xi32, #tpu.memory_space<vmem>>, %arg10: memref<80xi32, #tpu.memory_space<vmem>>, %arg11: memref<80xi32, #tpu.memory_space<vmem>>, %arg12: memref<80xi32, #tpu.memory_space<vmem>>, %arg13: memref<80xi32, #tpu.memory_space<vmem>>, %arg14: memref<80xi32, #tpu.memory_space<vmem>>, %arg15: memref<80x128xf32, #tpu.memory_space<vmem>>, %arg16: memref<80x128xf32, #tpu.memory_space<vmem>>, %arg17: memref<10016x128xf32, #tpu.memory_space<vmem_shared>>, %arg18: memref<!tpu.dma_semaphore, #tpu.memory_space<semaphore_mem>>, %arg19: memref<!tpu.dma_semaphore, #tpu.memory_space<semaphore_mem>>, %arg20: memref<!tpu.dma_semaphore, #tpu.memory_space<semaphore_mem>>, %arg21: memref<!tpu.dma_semaphore, #tpu.memory_space<semaphore_mem>>, %arg22: memref<!tpu.dma_semaphore, #tpu.memory_space<semaphore_mem>>, %arg23: memref<!tpu.dma_semaphore, #tpu.memory_space<semaphore_mem>>, %arg24: memref<!tpu.dma_semaphore, #tpu.memory_space<semaphore_mem>>, %arg25: memref<!tpu.dma_semaphore, #tpu.memory_space<semaphore_mem>>) attributes {dimension_semantics = [#tpu.dimension_semantics<core_parallel>, #tpu.dimension_semantics<subcore_parallel>], iteration_bounds = array<i64: 2, 16>, scalar_prefetch = 0 : i64, scratch_operands = 19 : i64, tpu.core_type = #tpu.core_type<sc_vector_subcore>, window_params = [{transform_indices = #map}, {transform_indices = #map1}, {transform_indices = #map1}, {transform_indices = #map}, {transform_indices = #map1}]} {
    %mul3A = arith.constant 2 : i32
    %mul3A_0 = arith.muli %arg1, %mul3A : i32
    %add3A = arith.addi %mul3A_0, %arg0 : i32
    %scan3A = arith.constant 0 : i32
    %scan3A_1 = arith.constant 0 : i32
    %scan3A_2 = arith.constant 8 : i32
    %scan3A_3 = arith.addi %scan3A_1, %scan3A_2 : i32
    %scan3A_4 = arith.constant 1 : i32
    scf.for %scan3A_68 = %scan3A_1 to %scan3A_3 step %scan3A_4  : i32 {
      %mul3A_69 = arith.constant 16 : i32
      %mul3A_70 = arith.muli %mul3A_69, %scan3A_68 : i32
      %add3A_71 = arith.addi %arg1, %mul3A_70 : i32
      %lt3A = arith.constant 125 : i32
      %lt3A_72 = arith.cmpi slt, %add3A_71, %lt3A : i32
      %convert_element_type3A = arith.extui %lt3A_72 : i1 to i32
      %cond3A = arith.constant 0 : i32
      %cond3A_73 = arith.cmpi ne, %convert_element_type3A, %cond3A : i32
      scf.if %cond3A_73 {
        %mul3A_74 = arith.constant 80 : i32
        %mul3A_75 = arith.muli %add3A_71, %mul3A_74 : i32
        "tpu.region"() ({
          %run_scoped3A = tpu.sem_alloc : memref<!tpu.dma_semaphore, #tpu.memory_space<semaphore_mem>>
          %dma_start3A_76 = arith.constant 0 : i32
          %dma_start3A_77 = tpu.memref_slice %arg17[%mul3A_75, %dma_start3A_76] : memref<10016x128xf32, #tpu.memory_space<vmem_shared>> -> memref<80x128xf32, #tpu.memory_space<vmem_shared>>
          %dma_start3A_78 = arith.constant 0 : i32
          %dma_start3A_79 = tpu.memref_slice %arg5[%mul3A_75, %dma_start3A_78] : memref<10000x128xf32, #tpu.memory_space<hbm>> -> memref<80x128xf32, #tpu.memory_space<hbm>>
          tpu.enqueue_dma source(%dma_start3A_79 : memref<80x128xf32, #tpu.memory_space<hbm>>) target(%dma_start3A_77 : memref<80x128xf32, #tpu.memory_space<vmem_shared>>) target_semaphore(%run_scoped3A : memref<!tpu.dma_semaphore, #tpu.memory_space<semaphore_mem>>)
          %dma_wait3A_80 = arith.constant 0 : i32
          %dma_wait3A_81 = tpu.memref_slice %arg17[%mul3A_75, %dma_wait3A_80] : memref<10016x128xf32, #tpu.memory_space<vmem_shared>> -> memref<80x128xf32, #tpu.memory_space<vmem_shared>>
          %dma_wait3A_82 = arith.constant 0 : i32
          %dma_wait3A_83 = tpu.memref_slice %arg5[%mul3A_75, %dma_wait3A_82] : memref<10000x128xf32, #tpu.memory_space<hbm>> -> memref<80x128xf32, #tpu.memory_space<hbm>>
          tpu.wait_dma2 semaphore(%run_scoped3A : memref<!tpu.dma_semaphore, #tpu.memory_space<semaphore_mem>>) src(%dma_wait3A_83 : memref<80x128xf32, #tpu.memory_space<hbm>>) dst(%dma_wait3A_81 : memref<80x128xf32, #tpu.memory_space<vmem_shared>>)
          tpu.yield
        }) : () -> ()
      } else {
      }
    }
    %scan3A_5 = arith.constant 8 : i32
    %barrier3A = arith.constant 0 : index
    tpu.barrier barrier_id(%barrier3A)
    %dma_start3A = arith.constant 0 : i32
    %dma_start3A_6 = arith.constant 0 : i32
    %dma_start3A_7 = tpu.memref_slice %arg3[%add3A, %dma_start3A, %dma_start3A_6] : memref<32x128x80xi32, #tpu.memory_space<hbm>> -> memref<1x1x80xi32, #tpu.memory_space<hbm>>
    %dma_start3A_8 = tpu.memref_squeeze %dma_start3A_7 : memref<1x1x80xi32, #tpu.memory_space<hbm>> -> memref<80xi32, #tpu.memory_space<hbm>>
    %dma_start3A_9 = arith.constant 0 : i32
    %dma_start3A_10 = tpu.memref_slice %arg3[%add3A, %dma_start3A, %dma_start3A_9] : memref<32x128x80xi32, #tpu.memory_space<hbm>> -> memref<1x1x80xi32, #tpu.memory_space<hbm>>
    %dma_start3A_11 = tpu.memref_squeeze %dma_start3A_10 : memref<1x1x80xi32, #tpu.memory_space<hbm>> -> memref<80xi32, #tpu.memory_space<hbm>>
    tpu.enqueue_dma source(%dma_start3A_11 : memref<80xi32, #tpu.memory_space<hbm>>) target(%arg7 : memref<80xi32, #tpu.memory_space<vmem>>) target_semaphore(%arg18 : memref<!tpu.dma_semaphore, #tpu.memory_space<semaphore_mem>>)
    %dma_start3A_12 = arith.constant 0 : i32
    %dma_start3A_13 = arith.constant 0 : i32
    %dma_start3A_14 = tpu.memref_slice %arg4[%add3A, %dma_start3A_12, %dma_start3A_13] : memref<32x128x80xi32, #tpu.memory_space<hbm>> -> memref<1x1x80xi32, #tpu.memory_space<hbm>>
    %dma_start3A_15 = tpu.memref_squeeze %dma_start3A_14 : memref<1x1x80xi32, #tpu.memory_space<hbm>> -> memref<80xi32, #tpu.memory_space<hbm>>
    %dma_start3A_16 = arith.constant 0 : i32
    %dma_start3A_17 = tpu.memref_slice %arg4[%add3A, %dma_start3A_12, %dma_start3A_16] : memref<32x128x80xi32, #tpu.memory_space<hbm>> -> memref<1x1x80xi32, #tpu.memory_space<hbm>>
    %dma_start3A_18 = tpu.memref_squeeze %dma_start3A_17 : memref<1x1x80xi32, #tpu.memory_space<hbm>> -> memref<80xi32, #tpu.memory_space<hbm>>
    tpu.enqueue_dma source(%dma_start3A_18 : memref<80xi32, #tpu.memory_space<hbm>>) target(%arg11 : memref<80xi32, #tpu.memory_space<vmem>>) target_semaphore(%arg18 : memref<!tpu.dma_semaphore, #tpu.memory_space<semaphore_mem>>)
    %dma_start3A_19 = arith.constant 1 : i32
    %dma_start3A_20 = arith.constant 0 : i32
    %dma_start3A_21 = tpu.memref_slice %arg3[%add3A, %dma_start3A_19, %dma_start3A_20] : memref<32x128x80xi32, #tpu.memory_space<hbm>> -> memref<1x1x80xi32, #tpu.memory_space<hbm>>
    %dma_start3A_22 = tpu.memref_squeeze %dma_start3A_21 : memref<1x1x80xi32, #tpu.memory_space<hbm>> -> memref<80xi32, #tpu.memory_space<hbm>>
    %dma_start3A_23 = arith.constant 0 : i32
    %dma_start3A_24 = tpu.memref_slice %arg3[%add3A, %dma_start3A_19, %dma_start3A_23] : memref<32x128x80xi32, #tpu.memory_space<hbm>> -> memref<1x1x80xi32, #tpu.memory_space<hbm>>
    %dma_start3A_25 = tpu.memref_squeeze %dma_start3A_24 : memref<1x1x80xi32, #tpu.memory_space<hbm>> -> memref<80xi32, #tpu.memory_space<hbm>>
    tpu.enqueue_dma source(%dma_start3A_25 : memref<80xi32, #tpu.memory_space<hbm>>) target(%arg8 : memref<80xi32, #tpu.memory_space<vmem>>) target_semaphore(%arg19 : memref<!tpu.dma_semaphore, #tpu.memory_space<semaphore_mem>>)
    %dma_start3A_26 = arith.constant 1 : i32
    %dma_start3A_27 = arith.constant 0 : i32
    %dma_start3A_28 = tpu.memref_slice %arg4[%add3A, %dma_start3A_26, %dma_start3A_27] : memref<32x128x80xi32, #tpu.memory_space<hbm>> -> memref<1x1x80xi32, #tpu.memory_space<hbm>>
    %dma_start3A_29 = tpu.memref_squeeze %dma_start3A_28 : memref<1x1x80xi32, #tpu.memory_space<hbm>> -> memref<80xi32, #tpu.memory_space<hbm>>
    %dma_start3A_30 = arith.constant 0 : i32
    %dma_start3A_31 = tpu.memref_slice %arg4[%add3A, %dma_start3A_26, %dma_start3A_30] : memref<32x128x80xi32, #tpu.memory_space<hbm>> -> memref<1x1x80xi32, #tpu.memory_space<hbm>>
    %dma_start3A_32 = tpu.memref_squeeze %dma_start3A_31 : memref<1x1x80xi32, #tpu.memory_space<hbm>> -> memref<80xi32, #tpu.memory_space<hbm>>
    tpu.enqueue_dma source(%dma_start3A_32 : memref<80xi32, #tpu.memory_space<hbm>>) target(%arg12 : memref<80xi32, #tpu.memory_space<vmem>>) target_semaphore(%arg19 : memref<!tpu.dma_semaphore, #tpu.memory_space<semaphore_mem>>)
    %dma_wait3A = arith.constant 0 : i32
    %dma_wait3A_33 = arith.constant 0 : i32
    %dma_wait3A_34 = tpu.memref_slice %arg3[%add3A, %dma_wait3A, %dma_wait3A_33] : memref<32x128x80xi32, #tpu.memory_space<hbm>> -> memref<1x1x80xi32, #tpu.memory_space<hbm>>
    %dma_wait3A_35 = tpu.memref_squeeze %dma_wait3A_34 : memref<1x1x80xi32, #tpu.memory_space<hbm>> -> memref<80xi32, #tpu.memory_space<hbm>>
    %dma_wait3A_36 = arith.constant 0 : i32
    %dma_wait3A_37 = tpu.memref_slice %arg3[%add3A, %dma_wait3A, %dma_wait3A_36] : memref<32x128x80xi32, #tpu.memory_space<hbm>> -> memref<1x1x80xi32, #tpu.memory_space<hbm>>
    %dma_wait3A_38 = tpu.memref_squeeze %dma_wait3A_37 : memref<1x1x80xi32, #tpu.memory_space<hbm>> -> memref<80xi32, #tpu.memory_space<hbm>>
    tpu.wait_dma2 semaphore(%arg18 : memref<!tpu.dma_semaphore, #tpu.memory_space<semaphore_mem>>) src(%dma_wait3A_38 : memref<80xi32, #tpu.memory_space<hbm>>) dst(%arg7 : memref<80xi32, #tpu.memory_space<vmem>>)
    %dma_wait3A_39 = arith.constant 0 : i32
    %dma_wait3A_40 = arith.constant 0 : i32
    %dma_wait3A_41 = tpu.memref_slice %arg4[%add3A, %dma_wait3A_39, %dma_wait3A_40] : memref<32x128x80xi32, #tpu.memory_space<hbm>> -> memref<1x1x80xi32, #tpu.memory_space<hbm>>
    %dma_wait3A_42 = tpu.memref_squeeze %dma_wait3A_41 : memref<1x1x80xi32, #tpu.memory_space<hbm>> -> memref<80xi32, #tpu.memory_space<hbm>>
    %dma_wait3A_43 = arith.constant 0 : i32
    %dma_wait3A_44 = tpu.memref_slice %arg4[%add3A, %dma_wait3A_39, %dma_wait3A_43] : memref<32x128x80xi32, #tpu.memory_space<hbm>> -> memref<1x1x80xi32, #tpu.memory_space<hbm>>
    %dma_wait3A_45 = tpu.memref_squeeze %dma_wait3A_44 : memref<1x1x80xi32, #tpu.memory_space<hbm>> -> memref<80xi32, #tpu.memory_space<hbm>>
    tpu.wait_dma2 semaphore(%arg18 : memref<!tpu.dma_semaphore, #tpu.memory_space<semaphore_mem>>) src(%dma_wait3A_45 : memref<80xi32, #tpu.memory_space<hbm>>) dst(%arg11 : memref<80xi32, #tpu.memory_space<vmem>>)
    %dma_start3A_46 = arith.constant 0 : i32
    %dma_start3A_47 = arith.constant 0 : i32
    %dma_start3A_48 = tpu.memref_slice %arg2[%dma_start3A_46, %dma_start3A_47] : memref<10000x128xf32, #tpu.memory_space<hbm>> -> memref<10000x128xf32, #tpu.memory_space<hbm>>
    tpu.enqueue_indirect_dma source(%dma_start3A_48 : memref<10000x128xf32, #tpu.memory_space<hbm>>) target(%arg15 : memref<80x128xf32, #tpu.memory_space<vmem>>) offsets(%arg7 : memref<80xi32, #tpu.memory_space<vmem>>) semaphore(%arg22 : memref<!tpu.dma_semaphore, #tpu.memory_space<semaphore_mem>>)
    %scan3A_49 = arith.constant 0 : i32
    %scan3A_50 = arith.constant 0 : i32
    %scan3A_51 = arith.constant 32 : i32
    %scan3A_52 = arith.addi %scan3A_50, %scan3A_51 : i32
    %scan3A_53 = arith.constant 1 : i32
    scf.for %scan3A_68 = %scan3A_50 to %scan3A_52 step %scan3A_53  : i32 {
      %mul3A_69 = arith.constant 4 : i32
      %mul3A_70 = arith.muli %mul3A_69, %scan3A_68 : i32
      %ge3A = arith.constant 1 : i32
      %ge3A_71 = arith.cmpi sge, %mul3A_70, %ge3A : i32
      %add3A_72 = arith.constant 1 : i32
      %add3A_73 = arith.addi %mul3A_70, %add3A_72 : i32
      %lt3A = arith.constant 128 : i32
      %lt3A_74 = arith.cmpi slt, %add3A_73, %lt3A : i32
      %and3A = arith.andi %ge3A_71, %lt3A_74 : i1
      %convert_element_type3A = arith.extui %and3A : i1 to i32
      %cond3A = arith.constant 0 : i32
      %cond3A_75 = arith.cmpi ne, %convert_element_type3A, %cond3A : i32
      scf.if %cond3A_75 {
        %dma_wait3A_198 = arith.constant 0 : i32
        %dma_wait3A_199 = arith.constant 0 : i32
        %dma_wait3A_200 = tpu.memref_slice %arg17[%dma_wait3A_198, %dma_wait3A_199] : memref<10016x128xf32, #tpu.memory_space<vmem_shared>> -> memref<10016x128xf32, #tpu.memory_space<vmem_shared>>
        tpu.wait_indirect_dma semaphore(%arg25 : memref<!tpu.dma_semaphore, #tpu.memory_space<semaphore_mem>>) src(%arg16 : memref<80x128xf32, #tpu.memory_space<vmem>>) dst(%dma_wait3A_200 : memref<10016x128xf32, #tpu.memory_space<vmem_shared>>)
      } else {
      }
      %add3A_76 = arith.constant 1 : i32
      %add3A_77 = arith.addi %mul3A_70, %add3A_76 : i32
      %lt3A_78 = arith.constant 128 : i32
      %lt3A_79 = arith.cmpi slt, %add3A_77, %lt3A_78 : i32
      %convert_element_type3A_80 = arith.extui %lt3A_79 : i1 to i32
      %cond3A_81 = arith.constant 0 : i32
      %cond3A_82 = arith.cmpi ne, %convert_element_type3A_80, %cond3A_81 : i32
      scf.if %cond3A_82 {
        %dma_wait3A_198 = arith.constant 0 : i32
        %dma_wait3A_199 = arith.constant 0 : i32
        %dma_wait3A_200 = tpu.memref_slice %arg3[%add3A, %dma_wait3A_198, %dma_wait3A_199] : memref<32x128x80xi32, #tpu.memory_space<hbm>> -> memref<1x1x80xi32, #tpu.memory_space<hbm>>
        %dma_wait3A_201 = tpu.memref_squeeze %dma_wait3A_200 : memref<1x1x80xi32, #tpu.memory_space<hbm>> -> memref<80xi32, #tpu.memory_space<hbm>>
        %dma_wait3A_202 = arith.constant 0 : i32
        %dma_wait3A_203 = tpu.memref_slice %arg3[%add3A, %dma_wait3A_198, %dma_wait3A_202] : memref<32x128x80xi32, #tpu.memory_space<hbm>> -> memref<1x1x80xi32, #tpu.memory_space<hbm>>
        %dma_wait3A_204 = tpu.memref_squeeze %dma_wait3A_203 : memref<1x1x80xi32, #tpu.memory_space<hbm>> -> memref<80xi32, #tpu.memory_space<hbm>>
        tpu.wait_dma2 semaphore(%arg19 : memref<!tpu.dma_semaphore, #tpu.memory_space<semaphore_mem>>) src(%dma_wait3A_204 : memref<80xi32, #tpu.memory_space<hbm>>) dst(%arg8 : memref<80xi32, #tpu.memory_space<vmem>>)
        %dma_wait3A_205 = arith.constant 0 : i32
        %dma_wait3A_206 = arith.constant 0 : i32
        %dma_wait3A_207 = tpu.memref_slice %arg4[%add3A, %dma_wait3A_205, %dma_wait3A_206] : memref<32x128x80xi32, #tpu.memory_space<hbm>> -> memref<1x1x80xi32, #tpu.memory_space<hbm>>
        %dma_wait3A_208 = tpu.memref_squeeze %dma_wait3A_207 : memref<1x1x80xi32, #tpu.memory_space<hbm>> -> memref<80xi32, #tpu.memory_space<hbm>>
        %dma_wait3A_209 = arith.constant 0 : i32
        %dma_wait3A_210 = tpu.memref_slice %arg4[%add3A, %dma_wait3A_205, %dma_wait3A_209] : memref<32x128x80xi32, #tpu.memory_space<hbm>> -> memref<1x1x80xi32, #tpu.memory_space<hbm>>
        %dma_wait3A_211 = tpu.memref_squeeze %dma_wait3A_210 : memref<1x1x80xi32, #tpu.memory_space<hbm>> -> memref<80xi32, #tpu.memory_space<hbm>>
        tpu.wait_dma2 semaphore(%arg19 : memref<!tpu.dma_semaphore, #tpu.memory_space<semaphore_mem>>) src(%dma_wait3A_211 : memref<80xi32, #tpu.memory_space<hbm>>) dst(%arg12 : memref<80xi32, #tpu.memory_space<vmem>>)
        %dma_start3A_212 = arith.constant 0 : i32
        %dma_start3A_213 = arith.constant 0 : i32
        %dma_start3A_214 = tpu.memref_slice %arg2[%dma_start3A_212, %dma_start3A_213] : memref<10000x128xf32, #tpu.memory_space<hbm>> -> memref<10000x128xf32, #tpu.memory_space<hbm>>
        tpu.enqueue_indirect_dma source(%dma_start3A_214 : memref<10000x128xf32, #tpu.memory_space<hbm>>) target(%arg16 : memref<80x128xf32, #tpu.memory_space<vmem>>) offsets(%arg8 : memref<80xi32, #tpu.memory_space<vmem>>) semaphore(%arg23 : memref<!tpu.dma_semaphore, #tpu.memory_space<semaphore_mem>>)
      } else {
      }
      %dma_wait3A_83 = arith.constant 0 : i32
      %dma_wait3A_84 = arith.constant 0 : i32
      %dma_wait3A_85 = tpu.memref_slice %arg2[%dma_wait3A_83, %dma_wait3A_84] : memref<10000x128xf32, #tpu.memory_space<hbm>> -> memref<10000x128xf32, #tpu.memory_space<hbm>>
      tpu.wait_indirect_dma semaphore(%arg22 : memref<!tpu.dma_semaphore, #tpu.memory_space<semaphore_mem>>) src(%dma_wait3A_85 : memref<10000x128xf32, #tpu.memory_space<hbm>>) dst(%arg15 : memref<80x128xf32, #tpu.memory_space<vmem>>)
      %add3A_86 = arith.constant 2 : i32
      %add3A_87 = arith.addi %mul3A_70, %add3A_86 : i32
      %lt3A_88 = arith.constant 128 : i32
      %lt3A_89 = arith.cmpi slt, %add3A_87, %lt3A_88 : i32
      %convert_element_type3A_90 = arith.extui %lt3A_89 : i1 to i32
      %cond3A_91 = arith.constant 0 : i32
      %cond3A_92 = arith.cmpi ne, %convert_element_type3A_90, %cond3A_91 : i32
      scf.if %cond3A_92 {
        %add3A_198 = arith.constant 2 : i32
        %add3A_199 = arith.addi %mul3A_70, %add3A_198 : i32
        %dma_start3A_200 = arith.constant 0 : i32
        %dma_start3A_201 = tpu.memref_slice %arg3[%add3A, %add3A_199, %dma_start3A_200] : memref<32x128x80xi32, #tpu.memory_space<hbm>> -> memref<1x1x80xi32, #tpu.memory_space<hbm>>
        %dma_start3A_202 = tpu.memref_squeeze %dma_start3A_201 : memref<1x1x80xi32, #tpu.memory_space<hbm>> -> memref<80xi32, #tpu.memory_space<hbm>>
        %dma_start3A_203 = arith.constant 0 : i32
        %dma_start3A_204 = tpu.memref_slice %arg3[%add3A, %add3A_199, %dma_start3A_203] : memref<32x128x80xi32, #tpu.memory_space<hbm>> -> memref<1x1x80xi32, #tpu.memory_space<hbm>>
        %dma_start3A_205 = tpu.memref_squeeze %dma_start3A_204 : memref<1x1x80xi32, #tpu.memory_space<hbm>> -> memref<80xi32, #tpu.memory_space<hbm>>
        tpu.enqueue_dma source(%dma_start3A_205 : memref<80xi32, #tpu.memory_space<hbm>>) target(%arg9 : memref<80xi32, #tpu.memory_space<vmem>>) target_semaphore(%arg20 : memref<!tpu.dma_semaphore, #tpu.memory_space<semaphore_mem>>)
        %dma_start3A_206 = arith.constant 0 : i32
        %dma_start3A_207 = tpu.memref_slice %arg4[%add3A, %add3A_199, %dma_start3A_206] : memref<32x128x80xi32, #tpu.memory_space<hbm>> -> memref<1x1x80xi32, #tpu.memory_space<hbm>>
        %dma_start3A_208 = tpu.memref_squeeze %dma_start3A_207 : memref<1x1x80xi32, #tpu.memory_space<hbm>> -> memref<80xi32, #tpu.memory_space<hbm>>
        %dma_start3A_209 = arith.constant 0 : i32
        %dma_start3A_210 = tpu.memref_slice %arg4[%add3A, %add3A_199, %dma_start3A_209] : memref<32x128x80xi32, #tpu.memory_space<hbm>> -> memref<1x1x80xi32, #tpu.memory_space<hbm>>
        %dma_start3A_211 = tpu.memref_squeeze %dma_start3A_210 : memref<1x1x80xi32, #tpu.memory_space<hbm>> -> memref<80xi32, #tpu.memory_space<hbm>>
        tpu.enqueue_dma source(%dma_start3A_211 : memref<80xi32, #tpu.memory_space<hbm>>) target(%arg13 : memref<80xi32, #tpu.memory_space<vmem>>) target_semaphore(%arg20 : memref<!tpu.dma_semaphore, #tpu.memory_space<semaphore_mem>>)
      } else {
      }
      %dma_start3A_93 = arith.constant 0 : i32
      %dma_start3A_94 = arith.constant 0 : i32
      %dma_start3A_95 = tpu.memref_slice %arg17[%dma_start3A_93, %dma_start3A_94] : memref<10016x128xf32, #tpu.memory_space<vmem_shared>> -> memref<10016x128xf32, #tpu.memory_space<vmem_shared>>
      tpu.enqueue_indirect_dma source(%arg15 : memref<80x128xf32, #tpu.memory_space<vmem>>) target(%dma_start3A_95 : memref<10016x128xf32, #tpu.memory_space<vmem_shared>>) offsets(%arg11 : memref<80xi32, #tpu.memory_space<vmem>>) semaphore(%arg24 : memref<!tpu.dma_semaphore, #tpu.memory_space<semaphore_mem>>) {add = true}
      %mul3A_96 = arith.constant 4 : i32
      %mul3A_97 = arith.muli %mul3A_96, %scan3A_68 : i32
      %add3A_98 = arith.constant 1 : i32
      %add3A_99 = arith.addi %mul3A_97, %add3A_98 : i32
      %ge3A_100 = arith.constant 1 : i32
      %ge3A_101 = arith.cmpi sge, %add3A_99, %ge3A_100 : i32
      %add3A_102 = arith.constant 1 : i32
      %add3A_103 = arith.addi %add3A_99, %add3A_102 : i32
      %lt3A_104 = arith.constant 128 : i32
      %lt3A_105 = arith.cmpi slt, %add3A_103, %lt3A_104 : i32
      %and3A_106 = arith.andi %ge3A_101, %lt3A_105 : i1
      %convert_element_type3A_107 = arith.extui %and3A_106 : i1 to i32
      %cond3A_108 = arith.constant 0 : i32
      %cond3A_109 = arith.cmpi ne, %convert_element_type3A_107, %cond3A_108 : i32
      scf.if %cond3A_109 {
        %dma_wait3A_198 = arith.constant 0 : i32
        %dma_wait3A_199 = arith.constant 0 : i32
        %dma_wait3A_200 = tpu.memref_slice %arg17[%dma_wait3A_198, %dma_wait3A_199] : memref<10016x128xf32, #tpu.memory_space<vmem_shared>> -> memref<10016x128xf32, #tpu.memory_space<vmem_shared>>
        tpu.wait_indirect_dma semaphore(%arg24 : memref<!tpu.dma_semaphore, #tpu.memory_space<semaphore_mem>>) src(%arg15 : memref<80x128xf32, #tpu.memory_space<vmem>>) dst(%dma_wait3A_200 : memref<10016x128xf32, #tpu.memory_space<vmem_shared>>)
      } else {
      }
      %add3A_110 = arith.constant 1 : i32
      %add3A_111 = arith.addi %add3A_99, %add3A_110 : i32
      %lt3A_112 = arith.constant 128 : i32
      %lt3A_113 = arith.cmpi slt, %add3A_111, %lt3A_112 : i32
      %convert_element_type3A_114 = arith.extui %lt3A_113 : i1 to i32
      %cond3A_115 = arith.constant 0 : i32
      %cond3A_116 = arith.cmpi ne, %convert_element_type3A_114, %cond3A_115 : i32
      scf.if %cond3A_116 {
        %dma_wait3A_198 = arith.constant 0 : i32
        %dma_wait3A_199 = arith.constant 0 : i32
        %dma_wait3A_200 = tpu.memref_slice %arg3[%add3A, %dma_wait3A_198, %dma_wait3A_199] : memref<32x128x80xi32, #tpu.memory_space<hbm>> -> memref<1x1x80xi32, #tpu.memory_space<hbm>>
        %dma_wait3A_201 = tpu.memref_squeeze %dma_wait3A_200 : memref<1x1x80xi32, #tpu.memory_space<hbm>> -> memref<80xi32, #tpu.memory_space<hbm>>
        %dma_wait3A_202 = arith.constant 0 : i32
        %dma_wait3A_203 = tpu.memref_slice %arg3[%add3A, %dma_wait3A_198, %dma_wait3A_202] : memref<32x128x80xi32, #tpu.memory_space<hbm>> -> memref<1x1x80xi32, #tpu.memory_space<hbm>>
        %dma_wait3A_204 = tpu.memref_squeeze %dma_wait3A_203 : memref<1x1x80xi32, #tpu.memory_space<hbm>> -> memref<80xi32, #tpu.memory_space<hbm>>
        tpu.wait_dma2 semaphore(%arg20 : memref<!tpu.dma_semaphore, #tpu.memory_space<semaphore_mem>>) src(%dma_wait3A_204 : memref<80xi32, #tpu.memory_space<hbm>>) dst(%arg9 : memref<80xi32, #tpu.memory_space<vmem>>)
        %dma_wait3A_205 = arith.constant 0 : i32
        %dma_wait3A_206 = arith.constant 0 : i32
        %dma_wait3A_207 = tpu.memref_slice %arg4[%add3A, %dma_wait3A_205, %dma_wait3A_206] : memref<32x128x80xi32, #tpu.memory_space<hbm>> -> memref<1x1x80xi32, #tpu.memory_space<hbm>>
        %dma_wait3A_208 = tpu.memref_squeeze %dma_wait3A_207 : memref<1x1x80xi32, #tpu.memory_space<hbm>> -> memref<80xi32, #tpu.memory_space<hbm>>
        %dma_wait3A_209 = arith.constant 0 : i32
        %dma_wait3A_210 = tpu.memref_slice %arg4[%add3A, %dma_wait3A_205, %dma_wait3A_209] : memref<32x128x80xi32, #tpu.memory_space<hbm>> -> memref<1x1x80xi32, #tpu.memory_space<hbm>>
        %dma_wait3A_211 = tpu.memref_squeeze %dma_wait3A_210 : memref<1x1x80xi32, #tpu.memory_space<hbm>> -> memref<80xi32, #tpu.memory_space<hbm>>
        tpu.wait_dma2 semaphore(%arg20 : memref<!tpu.dma_semaphore, #tpu.memory_space<semaphore_mem>>) src(%dma_wait3A_211 : memref<80xi32, #tpu.memory_space<hbm>>) dst(%arg13 : memref<80xi32, #tpu.memory_space<vmem>>)
        %dma_start3A_212 = arith.constant 0 : i32
        %dma_start3A_213 = arith.constant 0 : i32
        %dma_start3A_214 = tpu.memref_slice %arg2[%dma_start3A_212, %dma_start3A_213] : memref<10000x128xf32, #tpu.memory_space<hbm>> -> memref<10000x128xf32, #tpu.memory_space<hbm>>
        tpu.enqueue_indirect_dma source(%dma_start3A_214 : memref<10000x128xf32, #tpu.memory_space<hbm>>) target(%arg15 : memref<80x128xf32, #tpu.memory_space<vmem>>) offsets(%arg9 : memref<80xi32, #tpu.memory_space<vmem>>) semaphore(%arg22 : memref<!tpu.dma_semaphore, #tpu.memory_space<semaphore_mem>>)
      } else {
      }
      %dma_wait3A_117 = arith.constant 0 : i32
      %dma_wait3A_118 = arith.constant 0 : i32
      %dma_wait3A_119 = tpu.memref_slice %arg2[%dma_wait3A_117, %dma_wait3A_118] : memref<10000x128xf32, #tpu.memory_space<hbm>> -> memref<10000x128xf32, #tpu.memory_space<hbm>>
      tpu.wait_indirect_dma semaphore(%arg23 : memref<!tpu.dma_semaphore, #tpu.memory_space<semaphore_mem>>) src(%dma_wait3A_119 : memref<10000x128xf32, #tpu.memory_space<hbm>>) dst(%arg16 : memref<80x128xf32, #tpu.memory_space<vmem>>)
      %add3A_120 = arith.constant 2 : i32
      %add3A_121 = arith.addi %add3A_99, %add3A_120 : i32
      %lt3A_122 = arith.constant 128 : i32
      %lt3A_123 = arith.cmpi slt, %add3A_121, %lt3A_122 : i32
      %convert_element_type3A_124 = arith.extui %lt3A_123 : i1 to i32
      %cond3A_125 = arith.constant 0 : i32
      %cond3A_126 = arith.cmpi ne, %convert_element_type3A_124, %cond3A_125 : i32
      scf.if %cond3A_126 {
        %add3A_198 = arith.constant 2 : i32
        %add3A_199 = arith.addi %add3A_99, %add3A_198 : i32
        %dma_start3A_200 = arith.constant 0 : i32
        %dma_start3A_201 = tpu.memref_slice %arg3[%add3A, %add3A_199, %dma_start3A_200] : memref<32x128x80xi32, #tpu.memory_space<hbm>> -> memref<1x1x80xi32, #tpu.memory_space<hbm>>
        %dma_start3A_202 = tpu.memref_squeeze %dma_start3A_201 : memref<1x1x80xi32, #tpu.memory_space<hbm>> -> memref<80xi32, #tpu.memory_space<hbm>>
        %dma_start3A_203 = arith.constant 0 : i32
        %dma_start3A_204 = tpu.memref_slice %arg3[%add3A, %add3A_199, %dma_start3A_203] : memref<32x128x80xi32, #tpu.memory_space<hbm>> -> memref<1x1x80xi32, #tpu.memory_space<hbm>>
        %dma_start3A_205 = tpu.memref_squeeze %dma_start3A_204 : memref<1x1x80xi32, #tpu.memory_space<hbm>> -> memref<80xi32, #tpu.memory_space<hbm>>
        tpu.enqueue_dma source(%dma_start3A_205 : memref<80xi32, #tpu.memory_space<hbm>>) target(%arg10 : memref<80xi32, #tpu.memory_space<vmem>>) target_semaphore(%arg21 : memref<!tpu.dma_semaphore, #tpu.memory_space<semaphore_mem>>)
        %dma_start3A_206 = arith.constant 0 : i32
        %dma_start3A_207 = tpu.memref_slice %arg4[%add3A, %add3A_199, %dma_start3A_206] : memref<32x128x80xi32, #tpu.memory_space<hbm>> -> memref<1x1x80xi32, #tpu.memory_space<hbm>>
        %dma_start3A_208 = tpu.memref_squeeze %dma_start3A_207 : memref<1x1x80xi32, #tpu.memory_space<hbm>> -> memref<80xi32, #tpu.memory_space<hbm>>
        %dma_start3A_209 = arith.constant 0 : i32
        %dma_start3A_210 = tpu.memref_slice %arg4[%add3A, %add3A_199, %dma_start3A_209] : memref<32x128x80xi32, #tpu.memory_space<hbm>> -> memref<1x1x80xi32, #tpu.memory_space<hbm>>
        %dma_start3A_211 = tpu.memref_squeeze %dma_start3A_210 : memref<1x1x80xi32, #tpu.memory_space<hbm>> -> memref<80xi32, #tpu.memory_space<hbm>>
        tpu.enqueue_dma source(%dma_start3A_211 : memref<80xi32, #tpu.memory_space<hbm>>) target(%arg14 : memref<80xi32, #tpu.memory_space<vmem>>) target_semaphore(%arg21 : memref<!tpu.dma_semaphore, #tpu.memory_space<semaphore_mem>>)
      } else {
      }
      %dma_start3A_127 = arith.constant 0 : i32
      %dma_start3A_128 = arith.constant 0 : i32
      %dma_start3A_129 = tpu.memref_slice %arg17[%dma_start3A_127, %dma_start3A_128] : memref<10016x128xf32, #tpu.memory_space<vmem_shared>> -> memref<10016x128xf32, #tpu.memory_space<vmem_shared>>
      tpu.enqueue_indirect_dma source(%arg16 : memref<80x128xf32, #tpu.memory_space<vmem>>) target(%dma_start3A_129 : memref<10016x128xf32, #tpu.memory_space<vmem_shared>>) offsets(%arg12 : memref<80xi32, #tpu.memory_space<vmem>>) semaphore(%arg25 : memref<!tpu.dma_semaphore, #tpu.memory_space<semaphore_mem>>) {add = true}
      %mul3A_130 = arith.constant 4 : i32
      %mul3A_131 = arith.muli %mul3A_130, %scan3A_68 : i32
      %add3A_132 = arith.constant 2 : i32
      %add3A_133 = arith.addi %mul3A_131, %add3A_132 : i32
      %ge3A_134 = arith.constant 1 : i32
      %ge3A_135 = arith.cmpi sge, %add3A_133, %ge3A_134 : i32
      %add3A_136 = arith.constant 1 : i32
      %add3A_137 = arith.addi %add3A_133, %add3A_136 : i32
      %lt3A_138 = arith.constant 128 : i32
      %lt3A_139 = arith.cmpi slt, %add3A_137, %lt3A_138 : i32
      %and3A_140 = arith.andi %ge3A_135, %lt3A_139 : i1
      %convert_element_type3A_141 = arith.extui %and3A_140 : i1 to i32
      %cond3A_142 = arith.constant 0 : i32
      %cond3A_143 = arith.cmpi ne, %convert_element_type3A_141, %cond3A_142 : i32
      scf.if %cond3A_143 {
        %dma_wait3A_198 = arith.constant 0 : i32
        %dma_wait3A_199 = arith.constant 0 : i32
        %dma_wait3A_200 = tpu.memref_slice %arg17[%dma_wait3A_198, %dma_wait3A_199] : memref<10016x128xf32, #tpu.memory_space<vmem_shared>> -> memref<10016x128xf32, #tpu.memory_space<vmem_shared>>
        tpu.wait_indirect_dma semaphore(%arg25 : memref<!tpu.dma_semaphore, #tpu.memory_space<semaphore_mem>>) src(%arg16 : memref<80x128xf32, #tpu.memory_space<vmem>>) dst(%dma_wait3A_200 : memref<10016x128xf32, #tpu.memory_space<vmem_shared>>)
      } else {
      }
      %add3A_144 = arith.constant 1 : i32
      %add3A_145 = arith.addi %add3A_133, %add3A_144 : i32
      %lt3A_146 = arith.constant 128 : i32
      %lt3A_147 = arith.cmpi slt, %add3A_145, %lt3A_146 : i32
      %convert_element_type3A_148 = arith.extui %lt3A_147 : i1 to i32
      %cond3A_149 = arith.constant 0 : i32
      %cond3A_150 = arith.cmpi ne, %convert_element_type3A_148, %cond3A_149 : i32
      scf.if %cond3A_150 {
        %dma_wait3A_198 = arith.constant 0 : i32
        %dma_wait3A_199 = arith.constant 0 : i32
        %dma_wait3A_200 = tpu.memref_slice %arg3[%add3A, %dma_wait3A_198, %dma_wait3A_199] : memref<32x128x80xi32, #tpu.memory_space<hbm>> -> memref<1x1x80xi32, #tpu.memory_space<hbm>>
        %dma_wait3A_201 = tpu.memref_squeeze %dma_wait3A_200 : memref<1x1x80xi32, #tpu.memory_space<hbm>> -> memref<80xi32, #tpu.memory_space<hbm>>
        %dma_wait3A_202 = arith.constant 0 : i32
        %dma_wait3A_203 = tpu.memref_slice %arg3[%add3A, %dma_wait3A_198, %dma_wait3A_202] : memref<32x128x80xi32, #tpu.memory_space<hbm>> -> memref<1x1x80xi32, #tpu.memory_space<hbm>>
        %dma_wait3A_204 = tpu.memref_squeeze %dma_wait3A_203 : memref<1x1x80xi32, #tpu.memory_space<hbm>> -> memref<80xi32, #tpu.memory_space<hbm>>
        tpu.wait_dma2 semaphore(%arg21 : memref<!tpu.dma_semaphore, #tpu.memory_space<semaphore_mem>>) src(%dma_wait3A_204 : memref<80xi32, #tpu.memory_space<hbm>>) dst(%arg10 : memref<80xi32, #tpu.memory_space<vmem>>)
        %dma_wait3A_205 = arith.constant 0 : i32
        %dma_wait3A_206 = arith.constant 0 : i32
        %dma_wait3A_207 = tpu.memref_slice %arg4[%add3A, %dma_wait3A_205, %dma_wait3A_206] : memref<32x128x80xi32, #tpu.memory_space<hbm>> -> memref<1x1x80xi32, #tpu.memory_space<hbm>>
        %dma_wait3A_208 = tpu.memref_squeeze %dma_wait3A_207 : memref<1x1x80xi32, #tpu.memory_space<hbm>> -> memref<80xi32, #tpu.memory_space<hbm>>
        %dma_wait3A_209 = arith.constant 0 : i32
        %dma_wait3A_210 = tpu.memref_slice %arg4[%add3A, %dma_wait3A_205, %dma_wait3A_209] : memref<32x128x80xi32, #tpu.memory_space<hbm>> -> memref<1x1x80xi32, #tpu.memory_space<hbm>>
        %dma_wait3A_211 = tpu.memref_squeeze %dma_wait3A_210 : memref<1x1x80xi32, #tpu.memory_space<hbm>> -> memref<80xi32, #tpu.memory_space<hbm>>
        tpu.wait_dma2 semaphore(%arg21 : memref<!tpu.dma_semaphore, #tpu.memory_space<semaphore_mem>>) src(%dma_wait3A_211 : memref<80xi32, #tpu.memory_space<hbm>>) dst(%arg14 : memref<80xi32, #tpu.memory_space<vmem>>)
        %dma_start3A_212 = arith.constant 0 : i32
        %dma_start3A_213 = arith.constant 0 : i32
        %dma_start3A_214 = tpu.memref_slice %arg2[%dma_start3A_212, %dma_start3A_213] : memref<10000x128xf32, #tpu.memory_space<hbm>> -> memref<10000x128xf32, #tpu.memory_space<hbm>>
        tpu.enqueue_indirect_dma source(%dma_start3A_214 : memref<10000x128xf32, #tpu.memory_space<hbm>>) target(%arg16 : memref<80x128xf32, #tpu.memory_space<vmem>>) offsets(%arg10 : memref<80xi32, #tpu.memory_space<vmem>>) semaphore(%arg23 : memref<!tpu.dma_semaphore, #tpu.memory_space<semaphore_mem>>)
      } else {
      }
      %dma_wait3A_151 = arith.constant 0 : i32
      %dma_wait3A_152 = arith.constant 0 : i32
      %dma_wait3A_153 = tpu.memref_slice %arg2[%dma_wait3A_151, %dma_wait3A_152] : memref<10000x128xf32, #tpu.memory_space<hbm>> -> memref<10000x128xf32, #tpu.memory_space<hbm>>
      tpu.wait_indirect_dma semaphore(%arg22 : memref<!tpu.dma_semaphore, #tpu.memory_space<semaphore_mem>>) src(%dma_wait3A_153 : memref<10000x128xf32, #tpu.memory_space<hbm>>) dst(%arg15 : memref<80x128xf32, #tpu.memory_space<vmem>>)
      %add3A_154 = arith.constant 2 : i32
      %add3A_155 = arith.addi %add3A_133, %add3A_154 : i32
      %lt3A_156 = arith.constant 128 : i32
      %lt3A_157 = arith.cmpi slt, %add3A_155, %lt3A_156 : i32
      %convert_element_type3A_158 = arith.extui %lt3A_157 : i1 to i32
      %cond3A_159 = arith.constant 0 : i32
      %cond3A_160 = arith.cmpi ne, %convert_element_type3A_158, %cond3A_159 : i32
      scf.if %cond3A_160 {
        %add3A_198 = arith.constant 2 : i32
        %add3A_199 = arith.addi %add3A_133, %add3A_198 : i32
        %dma_start3A_200 = arith.constant 0 : i32
        %dma_start3A_201 = tpu.memref_slice %arg3[%add3A, %add3A_199, %dma_start3A_200] : memref<32x128x80xi32, #tpu.memory_space<hbm>> -> memref<1x1x80xi32, #tpu.memory_space<hbm>>
        %dma_start3A_202 = tpu.memref_squeeze %dma_start3A_201 : memref<1x1x80xi32, #tpu.memory_space<hbm>> -> memref<80xi32, #tpu.memory_space<hbm>>
        %dma_start3A_203 = arith.constant 0 : i32
        %dma_start3A_204 = tpu.memref_slice %arg3[%add3A, %add3A_199, %dma_start3A_203] : memref<32x128x80xi32, #tpu.memory_space<hbm>> -> memref<1x1x80xi32, #tpu.memory_space<hbm>>
        %dma_start3A_205 = tpu.memref_squeeze %dma_start3A_204 : memref<1x1x80xi32, #tpu.memory_space<hbm>> -> memref<80xi32, #tpu.memory_space<hbm>>
        tpu.enqueue_dma source(%dma_start3A_205 : memref<80xi32, #tpu.memory_space<hbm>>) target(%arg7 : memref<80xi32, #tpu.memory_space<vmem>>) target_semaphore(%arg18 : memref<!tpu.dma_semaphore, #tpu.memory_space<semaphore_mem>>)
        %dma_start3A_206 = arith.constant 0 : i32
        %dma_start3A_207 = tpu.memref_slice %arg4[%add3A, %add3A_199, %dma_start3A_206] : memref<32x128x80xi32, #tpu.memory_space<hbm>> -> memref<1x1x80xi32, #tpu.memory_space<hbm>>
        %dma_start3A_208 = tpu.memref_squeeze %dma_start3A_207 : memref<1x1x80xi32, #tpu.memory_space<hbm>> -> memref<80xi32, #tpu.memory_space<hbm>>
        %dma_start3A_209 = arith.constant 0 : i32
        %dma_start3A_210 = tpu.memref_slice %arg4[%add3A, %add3A_199, %dma_start3A_209] : memref<32x128x80xi32, #tpu.memory_space<hbm>> -> memref<1x1x80xi32, #tpu.memory_space<hbm>>
        %dma_start3A_211 = tpu.memref_squeeze %dma_start3A_210 : memref<1x1x80xi32, #tpu.memory_space<hbm>> -> memref<80xi32, #tpu.memory_space<hbm>>
        tpu.enqueue_dma source(%dma_start3A_211 : memref<80xi32, #tpu.memory_space<hbm>>) target(%arg11 : memref<80xi32, #tpu.memory_space<vmem>>) target_semaphore(%arg18 : memref<!tpu.dma_semaphore, #tpu.memory_space<semaphore_mem>>)
      } else {
      }
      %dma_start3A_161 = arith.constant 0 : i32
      %dma_start3A_162 = arith.constant 0 : i32
      %dma_start3A_163 = tpu.memref_slice %arg17[%dma_start3A_161, %dma_start3A_162] : memref<10016x128xf32, #tpu.memory_space<vmem_shared>> -> memref<10016x128xf32, #tpu.memory_space<vmem_shared>>
      tpu.enqueue_indirect_dma source(%arg15 : memref<80x128xf32, #tpu.memory_space<vmem>>) target(%dma_start3A_163 : memref<10016x128xf32, #tpu.memory_space<vmem_shared>>) offsets(%arg13 : memref<80xi32, #tpu.memory_space<vmem>>) semaphore(%arg24 : memref<!tpu.dma_semaphore, #tpu.memory_space<semaphore_mem>>) {add = true}
      %mul3A_164 = arith.constant 4 : i32
      %mul3A_165 = arith.muli %mul3A_164, %scan3A_68 : i32
      %add3A_166 = arith.constant 3 : i32
      %add3A_167 = arith.addi %mul3A_165, %add3A_166 : i32
      %ge3A_168 = arith.constant 1 : i32
      %ge3A_169 = arith.cmpi sge, %add3A_167, %ge3A_168 : i32
      %add3A_170 = arith.constant 1 : i32
      %add3A_171 = arith.addi %add3A_167, %add3A_170 : i32
      %lt3A_172 = arith.constant 128 : i32
      %lt3A_173 = arith.cmpi slt, %add3A_171, %lt3A_172 : i32
      %and3A_174 = arith.andi %ge3A_169, %lt3A_173 : i1
      %convert_element_type3A_175 = arith.extui %and3A_174 : i1 to i32
      %cond3A_176 = arith.constant 0 : i32
      %cond3A_177 = arith.cmpi ne, %convert_element_type3A_175, %cond3A_176 : i32
      scf.if %cond3A_177 {
        %dma_wait3A_198 = arith.constant 0 : i32
        %dma_wait3A_199 = arith.constant 0 : i32
        %dma_wait3A_200 = tpu.memref_slice %arg17[%dma_wait3A_198, %dma_wait3A_199] : memref<10016x128xf32, #tpu.memory_space<vmem_shared>> -> memref<10016x128xf32, #tpu.memory_space<vmem_shared>>
        tpu.wait_indirect_dma semaphore(%arg24 : memref<!tpu.dma_semaphore, #tpu.memory_space<semaphore_mem>>) src(%arg15 : memref<80x128xf32, #tpu.memory_space<vmem>>) dst(%dma_wait3A_200 : memref<10016x128xf32, #tpu.memory_space<vmem_shared>>)
      } else {
      }
      %add3A_178 = arith.constant 1 : i32
      %add3A_179 = arith.addi %add3A_167, %add3A_178 : i32
      %lt3A_180 = arith.constant 128 : i32
      %lt3A_181 = arith.cmpi slt, %add3A_179, %lt3A_180 : i32
      %convert_element_type3A_182 = arith.extui %lt3A_181 : i1 to i32
      %cond3A_183 = arith.constant 0 : i32
      %cond3A_184 = arith.cmpi ne, %convert_element_type3A_182, %cond3A_183 : i32
      scf.if %cond3A_184 {
        %dma_wait3A_198 = arith.constant 0 : i32
        %dma_wait3A_199 = arith.constant 0 : i32
        %dma_wait3A_200 = tpu.memref_slice %arg3[%add3A, %dma_wait3A_198, %dma_wait3A_199] : memref<32x128x80xi32, #tpu.memory_space<hbm>> -> memref<1x1x80xi32, #tpu.memory_space<hbm>>
        %dma_wait3A_201 = tpu.memref_squeeze %dma_wait3A_200 : memref<1x1x80xi32, #tpu.memory_space<hbm>> -> memref<80xi32, #tpu.memory_space<hbm>>
        %dma_wait3A_202 = arith.constant 0 : i32
        %dma_wait3A_203 = tpu.memref_slice %arg3[%add3A, %dma_wait3A_198, %dma_wait3A_202] : memref<32x128x80xi32, #tpu.memory_space<hbm>> -> memref<1x1x80xi32, #tpu.memory_space<hbm>>
        %dma_wait3A_204 = tpu.memref_squeeze %dma_wait3A_203 : memref<1x1x80xi32, #tpu.memory_space<hbm>> -> memref<80xi32, #tpu.memory_space<hbm>>
        tpu.wait_dma2 semaphore(%arg18 : memref<!tpu.dma_semaphore, #tpu.memory_space<semaphore_mem>>) src(%dma_wait3A_204 : memref<80xi32, #tpu.memory_space<hbm>>) dst(%arg7 : memref<80xi32, #tpu.memory_space<vmem>>)
        %dma_wait3A_205 = arith.constant 0 : i32
        %dma_wait3A_206 = arith.constant 0 : i32
        %dma_wait3A_207 = tpu.memref_slice %arg4[%add3A, %dma_wait3A_205, %dma_wait3A_206] : memref<32x128x80xi32, #tpu.memory_space<hbm>> -> memref<1x1x80xi32, #tpu.memory_space<hbm>>
        %dma_wait3A_208 = tpu.memref_squeeze %dma_wait3A_207 : memref<1x1x80xi32, #tpu.memory_space<hbm>> -> memref<80xi32, #tpu.memory_space<hbm>>
        %dma_wait3A_209 = arith.constant 0 : i32
        %dma_wait3A_210 = tpu.memref_slice %arg4[%add3A, %dma_wait3A_205, %dma_wait3A_209] : memref<32x128x80xi32, #tpu.memory_space<hbm>> -> memref<1x1x80xi32, #tpu.memory_space<hbm>>
        %dma_wait3A_211 = tpu.memref_squeeze %dma_wait3A_210 : memref<1x1x80xi32, #tpu.memory_space<hbm>> -> memref<80xi32, #tpu.memory_space<hbm>>
        tpu.wait_dma2 semaphore(%arg18 : memref<!tpu.dma_semaphore, #tpu.memory_space<semaphore_mem>>) src(%dma_wait3A_211 : memref<80xi32, #tpu.memory_space<hbm>>) dst(%arg11 : memref<80xi32, #tpu.memory_space<vmem>>)
        %dma_start3A_212 = arith.constant 0 : i32
        %dma_start3A_213 = arith.constant 0 : i32
        %dma_start3A_214 = tpu.memref_slice %arg2[%dma_start3A_212, %dma_start3A_213] : memref<10000x128xf32, #tpu.memory_space<hbm>> -> memref<10000x128xf32, #tpu.memory_space<hbm>>
        tpu.enqueue_indirect_dma source(%dma_start3A_214 : memref<10000x128xf32, #tpu.memory_space<hbm>>) target(%arg15 : memref<80x128xf32, #tpu.memory_space<vmem>>) offsets(%arg7 : memref<80xi32, #tpu.memory_space<vmem>>) semaphore(%arg22 : memref<!tpu.dma_semaphore, #tpu.memory_space<semaphore_mem>>)
      } else {
      }
      %dma_wait3A_185 = arith.constant 0 : i32
      %dma_wait3A_186 = arith.constant 0 : i32
      %dma_wait3A_187 = tpu.memref_slice %arg2[%dma_wait3A_185, %dma_wait3A_186] : memref<10000x128xf32, #tpu.memory_space<hbm>> -> memref<10000x128xf32, #tpu.memory_space<hbm>>
      tpu.wait_indirect_dma semaphore(%arg23 : memref<!tpu.dma_semaphore, #tpu.memory_space<semaphore_mem>>) src(%dma_wait3A_187 : memref<10000x128xf32, #tpu.memory_space<hbm>>) dst(%arg16 : memref<80x128xf32, #tpu.memory_space<vmem>>)
      %add3A_188 = arith.constant 2 : i32
      %add3A_189 = arith.addi %add3A_167, %add3A_188 : i32
      %lt3A_190 = arith.constant 128 : i32
      %lt3A_191 = arith.cmpi slt, %add3A_189, %lt3A_190 : i32
      %convert_element_type3A_192 = arith.extui %lt3A_191 : i1 to i32
      %cond3A_193 = arith.constant 0 : i32
      %cond3A_194 = arith.cmpi ne, %convert_element_type3A_192, %cond3A_193 : i32
      scf.if %cond3A_194 {
        %add3A_198 = arith.constant 2 : i32
        %add3A_199 = arith.addi %add3A_167, %add3A_198 : i32
        %dma_start3A_200 = arith.constant 0 : i32
        %dma_start3A_201 = tpu.memref_slice %arg3[%add3A, %add3A_199, %dma_start3A_200] : memref<32x128x80xi32, #tpu.memory_space<hbm>> -> memref<1x1x80xi32, #tpu.memory_space<hbm>>
        %dma_start3A_202 = tpu.memref_squeeze %dma_start3A_201 : memref<1x1x80xi32, #tpu.memory_space<hbm>> -> memref<80xi32, #tpu.memory_space<hbm>>
        %dma_start3A_203 = arith.constant 0 : i32
        %dma_start3A_204 = tpu.memref_slice %arg3[%add3A, %add3A_199, %dma_start3A_203] : memref<32x128x80xi32, #tpu.memory_space<hbm>> -> memref<1x1x80xi32, #tpu.memory_space<hbm>>
        %dma_start3A_205 = tpu.memref_squeeze %dma_start3A_204 : memref<1x1x80xi32, #tpu.memory_space<hbm>> -> memref<80xi32, #tpu.memory_space<hbm>>
        tpu.enqueue_dma source(%dma_start3A_205 : memref<80xi32, #tpu.memory_space<hbm>>) target(%arg8 : memref<80xi32, #tpu.memory_space<vmem>>) target_semaphore(%arg19 : memref<!tpu.dma_semaphore, #tpu.memory_space<semaphore_mem>>)
        %dma_start3A_206 = arith.constant 0 : i32
        %dma_start3A_207 = tpu.memref_slice %arg4[%add3A, %add3A_199, %dma_start3A_206] : memref<32x128x80xi32, #tpu.memory_space<hbm>> -> memref<1x1x80xi32, #tpu.memory_space<hbm>>
        %dma_start3A_208 = tpu.memref_squeeze %dma_start3A_207 : memref<1x1x80xi32, #tpu.memory_space<hbm>> -> memref<80xi32, #tpu.memory_space<hbm>>
        %dma_start3A_209 = arith.constant 0 : i32
        %dma_start3A_210 = tpu.memref_slice %arg4[%add3A, %add3A_199, %dma_start3A_209] : memref<32x128x80xi32, #tpu.memory_space<hbm>> -> memref<1x1x80xi32, #tpu.memory_space<hbm>>
        %dma_start3A_211 = tpu.memref_squeeze %dma_start3A_210 : memref<1x1x80xi32, #tpu.memory_space<hbm>> -> memref<80xi32, #tpu.memory_space<hbm>>
        tpu.enqueue_dma source(%dma_start3A_211 : memref<80xi32, #tpu.memory_space<hbm>>) target(%arg12 : memref<80xi32, #tpu.memory_space<vmem>>) target_semaphore(%arg19 : memref<!tpu.dma_semaphore, #tpu.memory_space<semaphore_mem>>)
      } else {
      }
      %dma_start3A_195 = arith.constant 0 : i32
      %dma_start3A_196 = arith.constant 0 : i32
      %dma_start3A_197 = tpu.memref_slice %arg17[%dma_start3A_195, %dma_start3A_196] : memref<10016x128xf32, #tpu.memory_space<vmem_shared>> -> memref<10016x128xf32, #tpu.memory_space<vmem_shared>>
      tpu.enqueue_indirect_dma source(%arg16 : memref<80x128xf32, #tpu.memory_space<vmem>>) target(%dma_start3A_197 : memref<10016x128xf32, #tpu.memory_space<vmem_shared>>) offsets(%arg14 : memref<80xi32, #tpu.memory_space<vmem>>) semaphore(%arg25 : memref<!tpu.dma_semaphore, #tpu.memory_space<semaphore_mem>>) {add = true}
    }
    %scan3A_54 = arith.constant 32 : i32
    %dma_wait3A_55 = arith.constant 0 : i32
    %dma_wait3A_56 = arith.constant 0 : i32
    %dma_wait3A_57 = tpu.memref_slice %arg17[%dma_wait3A_55, %dma_wait3A_56] : memref<10016x128xf32, #tpu.memory_space<vmem_shared>> -> memref<10016x128xf32, #tpu.memory_space<vmem_shared>>
    tpu.wait_indirect_dma semaphore(%arg24 : memref<!tpu.dma_semaphore, #tpu.memory_space<semaphore_mem>>) src(%arg15 : memref<80x128xf32, #tpu.memory_space<vmem>>) dst(%dma_wait3A_57 : memref<10016x128xf32, #tpu.memory_space<vmem_shared>>)
    %dma_wait3A_58 = arith.constant 0 : i32
    %dma_wait3A_59 = arith.constant 0 : i32
    %dma_wait3A_60 = tpu.memref_slice %arg17[%dma_wait3A_58, %dma_wait3A_59] : memref<10016x128xf32, #tpu.memory_space<vmem_shared>> -> memref<10016x128xf32, #tpu.memory_space<vmem_shared>>
    tpu.wait_indirect_dma semaphore(%arg25 : memref<!tpu.dma_semaphore, #tpu.memory_space<semaphore_mem>>) src(%arg16 : memref<80x128xf32, #tpu.memory_space<vmem>>) dst(%dma_wait3A_60 : memref<10016x128xf32, #tpu.memory_space<vmem_shared>>)
    %barrier3A_61 = arith.constant 0 : index
    tpu.barrier barrier_id(%barrier3A_61)
    %scan3A_62 = arith.constant 0 : i32
    %scan3A_63 = arith.constant 0 : i32
    %scan3A_64 = arith.constant 8 : i32
    %scan3A_65 = arith.addi %scan3A_63, %scan3A_64 : i32
    %scan3A_66 = arith.constant 1 : i32
    scf.for %scan3A_68 = %scan3A_63 to %scan3A_65 step %scan3A_66  : i32 {
      %mul3A_69 = arith.constant 16 : i32
      %mul3A_70 = arith.muli %mul3A_69, %scan3A_68 : i32
      %add3A_71 = arith.addi %arg1, %mul3A_70 : i32
      %lt3A = arith.constant 125 : i32
      %lt3A_72 = arith.cmpi slt, %add3A_71, %lt3A : i32
      %convert_element_type3A = arith.extui %lt3A_72 : i1 to i32
      %cond3A = arith.constant 0 : i32
      %cond3A_73 = arith.cmpi ne, %convert_element_type3A, %cond3A : i32
      scf.if %cond3A_73 {
        %mul3A_74 = arith.constant 80 : i32
        %mul3A_75 = arith.muli %add3A_71, %mul3A_74 : i32
        "tpu.region"() ({
          %run_scoped3A = tpu.sem_alloc : memref<!tpu.dma_semaphore, #tpu.memory_space<semaphore_mem>>
          %dma_start3A_76 = arith.constant 0 : i32
          %dma_start3A_77 = tpu.memref_slice %arg6[%arg0, %mul3A_75, %dma_start3A_76] : memref<2x10000x128xf32, #tpu.memory_space<hbm>> -> memref<1x80x128xf32, #tpu.memory_space<hbm>>
          %dma_start3A_78 = tpu.memref_squeeze %dma_start3A_77 : memref<1x80x128xf32, #tpu.memory_space<hbm>> -> memref<80x128xf32, #tpu.memory_space<hbm>>
          %dma_start3A_79 = arith.constant 0 : i32
          %dma_start3A_80 = tpu.memref_slice %arg17[%mul3A_75, %dma_start3A_79] : memref<10016x128xf32, #tpu.memory_space<vmem_shared>> -> memref<80x128xf32, #tpu.memory_space<vmem_shared>>
          tpu.enqueue_dma source(%dma_start3A_80 : memref<80x128xf32, #tpu.memory_space<vmem_shared>>) target(%dma_start3A_78 : memref<80x128xf32, #tpu.memory_space<hbm>>) target_semaphore(%run_scoped3A : memref<!tpu.dma_semaphore, #tpu.memory_space<semaphore_mem>>)
          %dma_wait3A_81 = arith.constant 0 : i32
          %dma_wait3A_82 = tpu.memref_slice %arg6[%arg0, %mul3A_75, %dma_wait3A_81] : memref<2x10000x128xf32, #tpu.memory_space<hbm>> -> memref<1x80x128xf32, #tpu.memory_space<hbm>>
          %dma_wait3A_83 = tpu.memref_squeeze %dma_wait3A_82 : memref<1x80x128xf32, #tpu.memory_space<hbm>> -> memref<80x128xf32, #tpu.memory_space<hbm>>
          %dma_wait3A_84 = arith.constant 0 : i32
          %dma_wait3A_85 = tpu.memref_slice %arg17[%mul3A_75, %dma_wait3A_84] : memref<10016x128xf32, #tpu.memory_space<vmem_shared>> -> memref<80x128xf32, #tpu.memory_space<vmem_shared>>
          tpu.wait_dma2 semaphore(%run_scoped3A : memref<!tpu.dma_semaphore, #tpu.memory_space<semaphore_mem>>) src(%dma_wait3A_85 : memref<80x128xf32, #tpu.memory_space<vmem_shared>>) dst(%dma_wait3A_83 : memref<80x128xf32, #tpu.memory_space<hbm>>)
          tpu.yield
        }) : () -> ()
      } else {
      }
    }
    %scan3A_67 = arith.constant 8 : i32
    return
  }
}

module attributes {stable_mosaic.version = 14 : i64} {
  func.func @_prep_body(%arg0: i32, %arg1: memref<2x2000x128xf32, #tpu.memory_space<vmem>>, %arg2: memref<2000x128xf32, #tpu.memory_space<vmem>>, %arg3: memref<128x128xf32, #tpu.memory_space<vmem>>, %arg4: memref<2000x128xf32, #tpu.memory_space<vmem>>) attributes {dimension_semantics = [#tpu.dimension_semantics<arbitrary>], iteration_bounds = array<i64: 5>, scalar_prefetch = 0 : i64, scratch_operands = 0 : i64, tpu.core_type = #tpu.core_type<tc>, window_params = [{transform_indices = @transform_0, window_bounds = array<i64: 2, 2000, 128>}, {transform_indices = @transform_1, window_bounds = array<i64: 2000, 128>}, {pipeline_mode = #tpu.pipeline_mode<synchronous>, transform_indices = @transform_2, window_bounds = array<i64: 128, 128>}, {transform_indices = @transform_3, window_bounds = array<i64: 2000, 128>}]} {
    %get3A = arith.constant 0 : index
    %get3A_0 = arith.constant 0 : index
    %get3A_1 = arith.constant 0 : index
    %get3A_2 = vector.load %arg1[%get3A, %get3A_0, %get3A_1] : memref<2x2000x128xf32, #tpu.memory_space<vmem>>, vector<1x2000x1xf32>
    %get3A_3 = vector.shape_cast %get3A_2 : vector<1x2000x1xf32> to vector<2000x1xf32>
    %get3A_4 = arith.constant 1 : index
    %get3A_5 = arith.constant 0 : index
    %get3A_6 = arith.constant 0 : index
    %get3A_7 = vector.load %arg1[%get3A_4, %get3A_5, %get3A_6] : memref<2x2000x128xf32, #tpu.memory_space<vmem>>, vector<1x2000x1xf32>
    %get3A_8 = vector.shape_cast %get3A_7 : vector<1x2000x1xf32> to vector<2000x1xf32>
    %add3A = arith.addf %get3A_3, %get3A_8 : vector<2000x1xf32>
    %add3A_9 = arith.constant 1.000000e+00 : f32
    %add3A_10 = vector.broadcast %add3A_9 : f32 to vector<2000x1xf32>
    %add3A_11 = arith.addf %add3A, %add3A_10 : vector<2000x1xf32>
    %rsqrt3A = math.rsqrt %add3A_11 : vector<2000x1xf32>
    %get3A_12 = arith.constant 0 : index
    %get3A_13 = arith.constant 0 : index
    %get3A_14 = vector.load %arg2[%get3A_12, %get3A_13] : memref<2000x128xf32, #tpu.memory_space<vmem>>, vector<2000x128xf32>
    %get3A_15 = arith.constant 0 : index
    %get3A_16 = arith.constant 0 : index
    %get3A_17 = vector.load %arg3[%get3A_15, %get3A_16] : memref<128x128xf32, #tpu.memory_space<vmem>>, vector<128x128xf32>
    %dot_general3A = arith.constant dense<0.000000e+00> : vector<2000x128xf32>
    %dot_general3A_18 = tpu.matmul %get3A_14, %get3A_17, %dot_general3A {dimension_numbers = #tpu.dot_dimension_numbers<[1], [0], [0], [1], [0, 0, 1, 1], [], []>, transpose_lhs_hint = false} : vector<2000x128xf32>, vector<128x128xf32>, vector<2000x128xf32> -> vector<2000x128xf32>
    %mul3A = vector.broadcast %rsqrt3A : vector<2000x1xf32> to vector<2000x128xf32>
    %mul3A_19 = arith.mulf %dot_general3A_18, %mul3A : vector<2000x128xf32>
    %swap3A = arith.constant 0 : index
    %swap3A_20 = arith.constant 0 : index
    %swap3A_21 = vector.load %arg4[%swap3A, %swap3A_20] : memref<2000x128xf32, #tpu.memory_space<vmem>>, vector<2000x128xf32>
    tpu.vector_store %arg4[%swap3A, %swap3A_20], %mul3A_19 {strides = array<i32>} : memref<2000x128xf32, #tpu.memory_space<vmem>>, vector<2000x128xf32>,
    return
  }
  func.func @transform_0(%arg0: i32) -> (i32, i32, i32) {
    %c0_i32 = arith.constant 0 : i32
    %c0_i32_0 = arith.constant 0 : i32
    %c0_i32_1 = arith.constant 0 : i32
    return %c0_i32, %arg0, %c0_i32_0 : i32, i32, i32
  }
  func.func @transform_1(%arg0: i32) -> (i32, i32) {
    %c0_i32 = arith.constant 0 : i32
    %c0_i32_0 = arith.constant 0 : i32
    return %arg0, %c0_i32 : i32, i32
  }
  func.func @transform_2(%arg0: i32) -> (i32, i32) {
    %c0_i32 = arith.constant 0 : i32
    %c0_i32_0 = arith.constant 0 : i32
    %c0_i32_1 = arith.constant 0 : i32
    return %c0_i32, %c0_i32_0 : i32, i32
  }
  func.func @transform_3(%arg0: i32) -> (i32, i32) {
    %c0_i32 = arith.constant 0 : i32
    %c0_i32_0 = arith.constant 0 : i32
    return %arg0, %c0_i32 : i32, i32
  }
}

module attributes {stable_mosaic.version = 14 : i64} {
  func.func @_mid_body(%arg0: i32, %arg1: memref<2x2000x128xf32, #tpu.memory_space<vmem>>, %arg2: memref<2x2000x128xf32, #tpu.memory_space<vmem>>, %arg3: memref<2000x128xf32, #tpu.memory_space<vmem>>, %arg4: memref<1x128xf32, #tpu.memory_space<vmem>>, %arg5: memref<128x128xf32, #tpu.memory_space<vmem>>, %arg6: memref<2000x128xf32, #tpu.memory_space<vmem>>) attributes {dimension_semantics = [#tpu.dimension_semantics<arbitrary>], iteration_bounds = array<i64: 5>, scalar_prefetch = 0 : i64, scratch_operands = 0 : i64, tpu.core_type = #tpu.core_type<tc>, window_params = [{transform_indices = @transform_0, window_bounds = array<i64: 2, 2000, 128>}, {transform_indices = @transform_1, window_bounds = array<i64: 2, 2000, 128>}, {transform_indices = @transform_2, window_bounds = array<i64: 2000, 128>}, {pipeline_mode = #tpu.pipeline_mode<synchronous>, transform_indices = @transform_3, window_bounds = array<i64: 1, 128>}, {pipeline_mode = #tpu.pipeline_mode<synchronous>, transform_indices = @transform_4, window_bounds = array<i64: 128, 128>}, {transform_indices = @transform_5, window_bounds = array<i64: 2000, 128>}]} {
    %get3A = arith.constant 0 : index
    %get3A_0 = arith.constant 0 : index
    %get3A_1 = arith.constant 0 : index
    %get3A_2 = vector.load %arg1[%get3A, %get3A_0, %get3A_1] : memref<2x2000x128xf32, #tpu.memory_space<vmem>>, vector<1x2000x1xf32>
    %get3A_3 = vector.shape_cast %get3A_2 : vector<1x2000x1xf32> to vector<2000x1xf32>
    %get3A_4 = arith.constant 1 : index
    %get3A_5 = arith.constant 0 : index
    %get3A_6 = arith.constant 0 : index
    %get3A_7 = vector.load %arg1[%get3A_4, %get3A_5, %get3A_6] : memref<2x2000x128xf32, #tpu.memory_space<vmem>>, vector<1x2000x1xf32>
    %get3A_8 = vector.shape_cast %get3A_7 : vector<1x2000x1xf32> to vector<2000x1xf32>
    %add3A = arith.addf %get3A_3, %get3A_8 : vector<2000x1xf32>
    %add3A_9 = arith.constant 1.000000e+00 : f32
    %add3A_10 = vector.broadcast %add3A_9 : f32 to vector<2000x1xf32>
    %add3A_11 = arith.addf %add3A, %add3A_10 : vector<2000x1xf32>
    %rsqrt3A = math.rsqrt %add3A_11 : vector<2000x1xf32>
    %get3A_12 = arith.constant 0 : index
    %get3A_13 = arith.constant 0 : index
    %get3A_14 = arith.constant 0 : index
    %get3A_15 = vector.load %arg2[%get3A_12, %get3A_13, %get3A_14] : memref<2x2000x128xf32, #tpu.memory_space<vmem>>, vector<1x2000x128xf32>
    %get3A_16 = vector.shape_cast %get3A_15 : vector<1x2000x128xf32> to vector<2000x128xf32>
    %get3A_17 = arith.constant 1 : index
    %get3A_18 = arith.constant 0 : index
    %get3A_19 = arith.constant 0 : index
    %get3A_20 = vector.load %arg2[%get3A_17, %get3A_18, %get3A_19] : memref<2x2000x128xf32, #tpu.memory_space<vmem>>, vector<1x2000x128xf32>
    %get3A_21 = vector.shape_cast %get3A_20 : vector<1x2000x128xf32> to vector<2000x128xf32>
    %add3A_22 = arith.addf %get3A_16, %get3A_21 : vector<2000x128xf32>
    %get3A_23 = arith.constant 0 : index
    %get3A_24 = arith.constant 0 : index
    %get3A_25 = vector.load %arg3[%get3A_23, %get3A_24] : memref<2000x128xf32, #tpu.memory_space<vmem>>, vector<2000x128xf32>
    %add3A_26 = arith.addf %add3A_22, %get3A_25 : vector<2000x128xf32>
    %mul3A = vector.broadcast %rsqrt3A : vector<2000x1xf32> to vector<2000x128xf32>
    %mul3A_27 = arith.mulf %add3A_26, %mul3A : vector<2000x128xf32>
    %get3A_28 = arith.constant 0 : index
    %get3A_29 = arith.constant 0 : index
    %get3A_30 = vector.load %arg4[%get3A_28, %get3A_29] : memref<1x128xf32, #tpu.memory_space<vmem>>, vector<1x128xf32>
    %add3A_31 = vector.broadcast %get3A_30 : vector<1x128xf32> to vector<2000x128xf32>
    %add3A_32 = arith.addf %mul3A_27, %add3A_31 : vector<2000x128xf32>
    %gt3A = arith.constant 0.000000e+00 : f32
    %gt3A_33 = vector.broadcast %gt3A : f32 to vector<2000x128xf32>
    %gt3A_34 = arith.cmpf ogt, %add3A_32, %gt3A_33 : vector<2000x128xf32>
    %min3A = arith.constant 0.000000e+00 : f32
    %min3A_35 = vector.broadcast %min3A : f32 to vector<2000x128xf32>
    %min3A_36 = arith.minimumf %add3A_32, %min3A_35 : vector<2000x128xf32>
    %exp3A = math.exp %min3A_36 : vector<2000x128xf32>
    %sub3A = arith.constant 1.000000e+00 : f32
    %sub3A_37 = vector.broadcast %sub3A : f32 to vector<2000x128xf32>
    %sub3A_38 = arith.subf %exp3A, %sub3A_37 : vector<2000x128xf32>
    %select_n3A = arith.select %gt3A_34, %add3A_32, %sub3A_38 : vector<2000x128xi1>, vector<2000x128xf32>
    %get3A_39 = arith.constant 0 : index
    %get3A_40 = arith.constant 0 : index
    %get3A_41 = vector.load %arg5[%get3A_39, %get3A_40] : memref<128x128xf32, #tpu.memory_space<vmem>>, vector<128x128xf32>
    %dot_general3A = arith.constant dense<0.000000e+00> : vector<2000x128xf32>
    %dot_general3A_42 = tpu.matmul %select_n3A, %get3A_41, %dot_general3A {dimension_numbers = #tpu.dot_dimension_numbers<[1], [0], [0], [1], [0, 0, 1, 1], [], []>, transpose_lhs_hint = false} : vector<2000x128xf32>, vector<128x128xf32>, vector<2000x128xf32> -> vector<2000x128xf32>
    %mul3A_43 = vector.broadcast %rsqrt3A : vector<2000x1xf32> to vector<2000x128xf32>
    %mul3A_44 = arith.mulf %dot_general3A_42, %mul3A_43 : vector<2000x128xf32>
    %swap3A = arith.constant 0 : index
    %swap3A_45 = arith.constant 0 : index
    %swap3A_46 = vector.load %arg6[%swap3A, %swap3A_45] : memref<2000x128xf32, #tpu.memory_space<vmem>>, vector<2000x128xf32>
    tpu.vector_store %arg6[%swap3A, %swap3A_45], %mul3A_44 {strides = array<i32>} : memref<2000x128xf32, #tpu.memory_space<vmem>>, vector<2000x128xf32>,
    return
  }
  func.func @transform_0(%arg0: i32) -> (i32, i32, i32) {
    %c0_i32 = arith.constant 0 : i32
    %c0_i32_0 = arith.constant 0 : i32
    %c0_i32_1 = arith.constant 0 : i32
    return %c0_i32, %arg0, %c0_i32_0 : i32, i32, i32
  }
  func.func @transform_1(%arg0: i32) -> (i32, i32, i32) {
    %c0_i32 = arith.constant 0 : i32
    %c0_i32_0 = arith.constant 0 : i32
    %c0_i32_1 = arith.constant 0 : i32
    return %c0_i32, %arg0, %c0_i32_0 : i32, i32, i32
  }
  func.func @transform_2(%arg0: i32) -> (i32, i32) {
    %c0_i32 = arith.constant 0 : i32
    %c0_i32_0 = arith.constant 0 : i32
    return %arg0, %c0_i32 : i32, i32
  }
  func.func @transform_3(%arg0: i32) -> (i32, i32) {
    %c0_i32 = arith.constant 0 : i32
    %c0_i32_0 = arith.constant 0 : i32
    %c0_i32_1 = arith.constant 0 : i32
    return %c0_i32, %c0_i32_0 : i32, i32
  }
  func.func @transform_4(%arg0: i32) -> (i32, i32) {
    %c0_i32 = arith.constant 0 : i32
    %c0_i32_0 = arith.constant 0 : i32
    %c0_i32_1 = arith.constant 0 : i32
    return %c0_i32, %c0_i32_0 : i32, i32
  }
  func.func @transform_5(%arg0: i32) -> (i32, i32) {
    %c0_i32 = arith.constant 0 : i32
    %c0_i32_0 = arith.constant 0 : i32
    return %arg0, %c0_i32 : i32, i32
  }
}

module attributes {stable_mosaic.version = 14 : i64} {
  func.func @_fin_body(%arg0: i32, %arg1: memref<2x2000x128xf32, #tpu.memory_space<vmem>>, %arg2: memref<2x2000x128xf32, #tpu.memory_space<vmem>>, %arg3: memref<2000x128xf32, #tpu.memory_space<vmem>>, %arg4: memref<1x128xf32, #tpu.memory_space<vmem>>, %arg5: memref<128x64xf32, #tpu.memory_space<vmem>>, %arg6: memref<1x64xf32, #tpu.memory_space<vmem>>, %arg7: memref<2000x128xf32, #tpu.memory_space<vmem>>, %arg8: memref<2000x64xf32, #tpu.memory_space<vmem>>) attributes {dimension_semantics = [#tpu.dimension_semantics<arbitrary>], iteration_bounds = array<i64: 5>, scalar_prefetch = 0 : i64, scratch_operands = 0 : i64, tpu.core_type = #tpu.core_type<tc>, window_params = [{transform_indices = @transform_0, window_bounds = array<i64: 2, 2000, 128>}, {transform_indices = @transform_1, window_bounds = array<i64: 2, 2000, 128>}, {transform_indices = @transform_2, window_bounds = array<i64: 2000, 128>}, {pipeline_mode = #tpu.pipeline_mode<synchronous>, transform_indices = @transform_3, window_bounds = array<i64: 1, 128>}, {pipeline_mode = #tpu.pipeline_mode<synchronous>, transform_indices = @transform_4, window_bounds = array<i64: 128, 64>}, {pipeline_mode = #tpu.pipeline_mode<synchronous>, transform_indices = @transform_5, window_bounds = array<i64: 1, 64>}, {transform_indices = @transform_6, window_bounds = array<i64: 2000, 128>}, {transform_indices = @transform_7, window_bounds = array<i64: 2000, 64>}]} {
    %get3A = arith.constant 0 : index
    %get3A_0 = arith.constant 0 : index
    %get3A_1 = arith.constant 0 : index
    %get3A_2 = vector.load %arg1[%get3A, %get3A_0, %get3A_1] : memref<2x2000x128xf32, #tpu.memory_space<vmem>>, vector<1x2000x1xf32>
    %get3A_3 = vector.shape_cast %get3A_2 : vector<1x2000x1xf32> to vector<2000x1xf32>
    %get3A_4 = arith.constant 1 : index
    %get3A_5 = arith.constant 0 : index
    %get3A_6 = arith.constant 0 : index
    %get3A_7 = vector.load %arg1[%get3A_4, %get3A_5, %get3A_6] : memref<2x2000x128xf32, #tpu.memory_space<vmem>>, vector<1x2000x1xf32>
    %get3A_8 = vector.shape_cast %get3A_7 : vector<1x2000x1xf32> to vector<2000x1xf32>
    %add3A = arith.addf %get3A_3, %get3A_8 : vector<2000x1xf32>
    %add3A_9 = arith.constant 1.000000e+00 : f32
    %add3A_10 = vector.broadcast %add3A_9 : f32 to vector<2000x1xf32>
    %add3A_11 = arith.addf %add3A, %add3A_10 : vector<2000x1xf32>
    %rsqrt3A = math.rsqrt %add3A_11 : vector<2000x1xf32>
    %get3A_12 = arith.constant 0 : index
    %get3A_13 = arith.constant 0 : index
    %get3A_14 = arith.constant 0 : index
    %get3A_15 = vector.load %arg2[%get3A_12, %get3A_13, %get3A_14] : memref<2x2000x128xf32, #tpu.memory_space<vmem>>, vector<1x2000x128xf32>
    %get3A_16 = vector.shape_cast %get3A_15 : vector<1x2000x128xf32> to vector<2000x128xf32>
    %get3A_17 = arith.constant 1 : index
    %get3A_18 = arith.constant 0 : index
    %get3A_19 = arith.constant 0 : index
    %get3A_20 = vector.load %arg2[%get3A_17, %get3A_18, %get3A_19] : memref<2x2000x128xf32, #tpu.memory_space<vmem>>, vector<1x2000x128xf32>
    %get3A_21 = vector.shape_cast %get3A_20 : vector<1x2000x128xf32> to vector<2000x128xf32>
    %add3A_22 = arith.addf %get3A_16, %get3A_21 : vector<2000x128xf32>
    %get3A_23 = arith.constant 0 : index
    %get3A_24 = arith.constant 0 : index
    %get3A_25 = vector.load %arg3[%get3A_23, %get3A_24] : memref<2000x128xf32, #tpu.memory_space<vmem>>, vector<2000x128xf32>
    %add3A_26 = arith.addf %add3A_22, %get3A_25 : vector<2000x128xf32>
    %mul3A = vector.broadcast %rsqrt3A : vector<2000x1xf32> to vector<2000x128xf32>
    %mul3A_27 = arith.mulf %add3A_26, %mul3A : vector<2000x128xf32>
    %get3A_28 = arith.constant 0 : index
    %get3A_29 = arith.constant 0 : index
    %get3A_30 = vector.load %arg4[%get3A_28, %get3A_29] : memref<1x128xf32, #tpu.memory_space<vmem>>, vector<1x128xf32>
    %add3A_31 = vector.broadcast %get3A_30 : vector<1x128xf32> to vector<2000x128xf32>
    %add3A_32 = arith.addf %mul3A_27, %add3A_31 : vector<2000x128xf32>
    %gt3A = arith.constant 0.000000e+00 : f32
    %gt3A_33 = vector.broadcast %gt3A : f32 to vector<2000x128xf32>
    %gt3A_34 = arith.cmpf ogt, %add3A_32, %gt3A_33 : vector<2000x128xf32>
    %min3A = arith.constant 0.000000e+00 : f32
    %min3A_35 = vector.broadcast %min3A : f32 to vector<2000x128xf32>
    %min3A_36 = arith.minimumf %add3A_32, %min3A_35 : vector<2000x128xf32>
    %exp3A = math.exp %min3A_36 : vector<2000x128xf32>
    %sub3A = arith.constant 1.000000e+00 : f32
    %sub3A_37 = vector.broadcast %sub3A : f32 to vector<2000x128xf32>
    %sub3A_38 = arith.subf %exp3A, %sub3A_37 : vector<2000x128xf32>
    %select_n3A = arith.select %gt3A_34, %add3A_32, %sub3A_38 : vector<2000x128xi1>, vector<2000x128xf32>
    %swap3A = arith.constant 0 : index
    %swap3A_39 = arith.constant 0 : index
    %swap3A_40 = vector.load %arg7[%swap3A, %swap3A_39] : memref<2000x128xf32, #tpu.memory_space<vmem>>, vector<2000x128xf32>
    tpu.vector_store %arg7[%swap3A, %swap3A_39], %select_n3A {strides = array<i32>} : memref<2000x128xf32, #tpu.memory_space<vmem>>, vector<2000x128xf32>,
    %get3A_41 = arith.constant 0 : index
    %get3A_42 = arith.constant 0 : index
    %get3A_43 = vector.load %arg5[%get3A_41, %get3A_42] : memref<128x64xf32, #tpu.memory_space<vmem>>, vector<128x64xf32>
    %dot_general3A = arith.constant dense<0.000000e+00> : vector<2000x64xf32>
    %dot_general3A_44 = tpu.matmul %select_n3A, %get3A_43, %dot_general3A {dimension_numbers = #tpu.dot_dimension_numbers<[1], [0], [0], [1], [0, 0, 1, 1], [], []>, transpose_lhs_hint = false} : vector<2000x128xf32>, vector<128x64xf32>, vector<2000x64xf32> -> vector<2000x64xf32>
    %get3A_45 = arith.constant 0 : index
    %get3A_46 = arith.constant 0 : index
    %get3A_47 = vector.load %arg6[%get3A_45, %get3A_46] : memref<1x64xf32, #tpu.memory_space<vmem>>, vector<1x64xf32>
    %add3A_48 = vector.broadcast %get3A_47 : vector<1x64xf32> to vector<2000x64xf32>
    %add3A_49 = arith.addf %dot_general3A_44, %add3A_48 : vector<2000x64xf32>
    %gt3A_50 = arith.constant 0.000000e+00 : f32
    %gt3A_51 = vector.broadcast %gt3A_50 : f32 to vector<2000x64xf32>
    %gt3A_52 = arith.cmpf ogt, %add3A_49, %gt3A_51 : vector<2000x64xf32>
    %min3A_53 = arith.constant 0.000000e+00 : f32
    %min3A_54 = vector.broadcast %min3A_53 : f32 to vector<2000x64xf32>
    %min3A_55 = arith.minimumf %add3A_49, %min3A_54 : vector<2000x64xf32>
    %exp3A_56 = math.exp %min3A_55 : vector<2000x64xf32>
    %sub3A_57 = arith.constant 1.000000e+00 : f32
    %sub3A_58 = vector.broadcast %sub3A_57 : f32 to vector<2000x64xf32>
    %sub3A_59 = arith.subf %exp3A_56, %sub3A_58 : vector<2000x64xf32>
    %select_n3A_60 = arith.select %gt3A_52, %add3A_49, %sub3A_59 : vector<2000x64xi1>, vector<2000x64xf32>
    %swap3A_61 = arith.constant 0 : index
    %swap3A_62 = arith.constant 0 : index
    %swap3A_63 = vector.load %arg8[%swap3A_61, %swap3A_62] : memref<2000x64xf32, #tpu.memory_space<vmem>>, vector<2000x64xf32>
    tpu.vector_store %arg8[%swap3A_61, %swap3A_62], %select_n3A_60 {strides = array<i32>} : memref<2000x64xf32, #tpu.memory_space<vmem>>, vector<2000x64xf32>,
    return
  }
  func.func @transform_0(%arg0: i32) -> (i32, i32, i32) {
    %c0_i32 = arith.constant 0 : i32
    %c0_i32_0 = arith.constant 0 : i32
    %c0_i32_1 = arith.constant 0 : i32
    return %c0_i32, %arg0, %c0_i32_0 : i32, i32, i32
  }
  func.func @transform_1(%arg0: i32) -> (i32, i32, i32) {
    %c0_i32 = arith.constant 0 : i32
    %c0_i32_0 = arith.constant 0 : i32
    %c0_i32_1 = arith.constant 0 : i32
    return %c0_i32, %arg0, %c0_i32_0 : i32, i32, i32
  }
  func.func @transform_2(%arg0: i32) -> (i32, i32) {
    %c0_i32 = arith.constant 0 : i32
    %c0_i32_0 = arith.constant 0 : i32
    return %arg0, %c0_i32 : i32, i32
  }
  func.func @transform_3(%arg0: i32) -> (i32, i32) {
    %c0_i32 = arith.constant 0 : i32
    %c0_i32_0 = arith.constant 0 : i32
    %c0_i32_1 = arith.constant 0 : i32
    return %c0_i32, %c0_i32_0 : i32, i32
  }
  func.func @transform_4(%arg0: i32) -> (i32, i32) {
    %c0_i32 = arith.constant 0 : i32
    %c0_i32_0 = arith.constant 0 : i32
    %c0_i32_1 = arith.constant 0 : i32
    return %c0_i32, %c0_i32_0 : i32, i32
  }
  func.func @transform_5(%arg0: i32) -> (i32, i32) {
    %c0_i32 = arith.constant 0 : i32
    %c0_i32_0 = arith.constant 0 : i32
    %c0_i32_1 = arith.constant 0 : i32
    return %c0_i32, %c0_i32_0 : i32, i32
  }
  func.func @transform_6(%arg0: i32) -> (i32, i32) {
    %c0_i32 = arith.constant 0 : i32
    %c0_i32_0 = arith.constant 0 : i32
    return %arg0, %c0_i32 : i32, i32
  }
  func.func @transform_7(%arg0: i32) -> (i32, i32) {
    %c0_i32 = arith.constant 0 : i32
    %c0_i32_0 = arith.constant 0 : i32
    return %arg0, %c0_i32 : i32, i32
  }
}

</mosaic_0001>

<sc_bundles>
// kernel: kernel.12.cloned.1.call-start
scs
__scs_entry_jumppad:
0x0: {  	(pc) =	sbr.rel $0x88, $3  }
0x1: {  	(tag) =	ssettag $0x0;
	lr =	simm.s32 $0x1  }
0x2: {  	[smem:$0x3F95] =	sst lr;
	_ =	strace $0xD0000000  }
0x3: {  	_ = 	snop  }
0x4: {  	_ = 	snop  }
0x5: {  	_ = 	snop  }
0x6: {  	_ = 	snop  }
0x7: {  	_ = 	snop  }
__scs_overlays_trampoline_lowered:
0x8: {  	[smem:$0x3FA4] =	sst s0  }
0x9: {  	[smem:$0x3FA5] =	sst s1  }
0xa: {  	[smem:$0x3FA6] =	sst s2  }
0xb: {  	[smem:$0x3FA7] =	sst s3  }
0xc: {  	[smem:$0x3FA8] =	sst s4  }
0xd: {  	[smem:$0x3FA9] =	sst s5  }
0xe: {  	[smem:$0x3FAA] =	sst s6  }
0xf: {  	[smem:$0x3FAB] =	sst s7  }
0x10: {  	[smem:$0x3FAC] =	sst s8  }
0x11: {  	[smem:$0x3FAD] =	sst s9;
	s0 =	simm.s32 @!p0 $0x0  }
0x12: {  	s1 =	sld [smem:$0x3F93];
	s0 =	simm.s32 @p0 $0x1  }
0x13: {  	[smem:$0x3FAE] =	sst s0;
	s0 =	simm.s32 @!p1 $0x0  }
0x14: {  	s2 =	sld [smem:$0x3F92];
	s0 =	simm.s32 @p1 $0x1  }
0x15: {  	[smem:$0x3FAF] =	sst s0;
	s0 =	simm.s32 @!p2 $0x0  }
0x16: {  	s3 =	sld [smem:$0x3FDB];
	s0 =	simm.s32 @p2 $0x1  }
0x17: {  	s4 =	simm.s32 $0x1BF5;
	[smem:$0x3FB1] =	sst s0  }
0x18: {  	s0 =	sld [smem:$0x3F94];
	_ =	swait.ge [sflag:s4], $0x0  }
0x19: {  	s7 =	sld [smem:$0x3F95]  }
0x1a: {  	s8 =	sadd.s32 $0xFFFFE003, lr  }
0x1b: {  	s9 =	sadd.s32 $0xFFFFFEF7, lr;
	s5 =	simm.s32 $0xFFFFFFFF;
	p2 =	slt.u32 s8, $0xFFFFF086  }
0x1c: {  	p1 =	slt.u32 s9, $0xF7A;
	s5 =	simm.s32 @!p2 $0x0  }
0x1d: {  	s5 =	simm.s32 @p1 $0x1;
	p0 =	seq.s32 s7, s2  }
0x1e: {  	s7 =	smul.u32 @!p0 $0xF7A, s2;
	p2 =	seq.s32 @!p0 s5, $0x0  }
0x1f: {  	s9 =	smul.u32 $0xF7A, s1;
	s8 =	simm.s32 @!p0 $0x1BF5;
	p2 =	por !p2, p0  }
0x20: {  	[sflag:s8] =	ssyncset.s32 @!p0 $0xFFFFF086;
	s6 =	sadd.s32 @!p0 s3, s7;
	s7 =	simm.s32 @!p0 $0x108  }
0x21: {  	s3 =	sadd.s32 s3, s9;
	s6 =	sadd.s32 @!p0 $0x88, s6;
	s7 =	simm.s32 @p2 $0x1082  }
0x22: {  	[simem:s7], [sflag:s8] =	dma.local @!p0 [hbm:s6], $0xF7A  }
0x23: {  	s9 =	sor.u32 $0xD0000000, s2;
	s6 =	simm.s32 $0x108;
	_ =	swait.ge @!p0 [sflag:s8], $0x0  }
0x24: {  	s3 =	sadd.s32 $0x88, s3;
	s6 =	simm.s32 @!p1 $0x1082;
	[sflag:s4] =	ssyncset.s32 $0xFFFFF086  }
0x25: {  	[simem:s6], [sflag:s4] =	dma.local [hbm:s3], $0xF7A  }
0x26: {  	[smem:$0x3F95] =	sst s1;
	(tag) =	ssettag s2;
	_ =	strace s9  }
0x27: {  	s1 =	sld [smem:$0x3FA5]  }
0x28: {  	s2 =	sld [smem:$0x3FA6]  }
0x29: {  	s4 =	sld [smem:$0x3FA8]  }
0x2a: {  	p0 =	seq.s32 s5, $0x0;
	s5 =	sld [smem:$0x3FA9]  }
0x2b: {  	s6 =	sld [smem:$0x3FAA]  }
0x2c: {  	s7 =	sld [smem:$0x3FAB]  }
0x2d: {  	s3 =	simm.s32 $0x108;
	s8 =	sld [smem:$0x3FAC]  }
0x2e: {  	s3 =	simm.s32 @!p0 $0x1082;
	s9 =	sld [smem:$0x3FAD]  }
0x2f: {  	lr =	sadd.s32 s0, s3;
	s0 =	sld [smem:$0x3FA4]  }
0x30: {  	s3 =	sld [smem:$0x3FA7]  }
0x31: {  	[smem:$0x3FB0] =	sst s10  }
0x32: {  	s10 =	sld [smem:$0x3FAE];
	_ =	sdelay $0x3  }
0x33: {  	p0 =	seq.s32 s10, $0x1;
	s10 =	sld [smem:$0x3FB0];
	_ =	sdelay $0x3  }
0x34: {  	[smem:$0x3FB0] =	sst s10  }
0x35: {  	s10 =	sld [smem:$0x3FAF];
	_ =	sdelay $0x3  }
0x36: {  	p1 =	seq.s32 s10, $0x1;
	s10 =	sld [smem:$0x3FB0];
	_ =	sdelay $0x3  }
0x37: {  	[smem:$0x3FB0] =	sst s10  }
0x38: {  	s10 =	sld [smem:$0x3FB1]  }
0x39: {  	_ = 	snop;
	(pc) =	sbr.ind lr, $3  }
0x3a: {  	_ = 	snop  }
0x3b: {  	_ = 	snop  }
0x3c: {  	p2 =	seq.s32 s10, $0x1;
	s10 =	sld [smem:$0x3FB0]  }
0x3d: {  	_ =	shalt  }
0x3e: {  	_ =	shalt  }
0x3f: {  	_ =	shalt  }
0x40: {  	_ =	shalt  }
0x41: {  	_ =	shalt  }
0x42: {  	_ =	shalt  }
0x43: {  	_ =	shalt  }
0x44: {  	_ =	shalt  }
0x45: {  	_ =	shalt  }
0x46: {  	_ =	shalt  }
0x47: {  	_ =	shalt  }
0x48: {  	_ =	shalt  }
0x49: {  	_ =	shalt  }
0x4a: {  	_ =	shalt  }
0x4b: {  	_ =	shalt  }
0x4c: {  	_ =	shalt  }
0x4d: {  	_ =	shalt  }
0x4e: {  	_ =	shalt  }
0x4f: {  	_ =	shalt  }
0x50: {  	_ =	shalt  }
0x51: {  	_ =	shalt  }
0x52: {  	_ =	shalt  }
0x53: {  	_ =	shalt  }
0x54: {  	_ =	shalt  }
0x55: {  	_ =	shalt  }
0x56: {  	_ =	shalt  }
0x57: {  	_ =	shalt  }
0x58: {  	_ =	shalt  }
0x59: {  	_ =	shalt  }
0x5a: {  	_ =	shalt  }
0x5b: {  	_ =	shalt  }
0x5c: {  	_ =	shalt  }
0x5d: {  	_ =	shalt  }
0x5e: {  	_ =	shalt  }
0x5f: {  	_ =	shalt  }
0x60: {  	_ =	shalt  }
0x61: {  	_ =	shalt  }
0x62: {  	_ =	shalt  }
0x63: {  	_ =	shalt  }
0x64: {  	_ =	shalt  }
0x65: {  	_ =	shalt  }
0x66: {  	_ =	shalt  }
0x67: {  	_ =	shalt  }
0x68: {  	_ =	shalt  }
0x69: {  	_ =	shalt  }
0x6a: {  	_ =	shalt  }
0x6b: {  	_ =	shalt  }
0x6c: {  	_ =	shalt  }
0x6d: {  	_ =	shalt  }
0x6e: {  	_ =	shalt  }
0x6f: {  	_ =	shalt  }
0x70: {  	_ =	shalt  }
0x71: {  	_ =	shalt  }
0x72: {  	_ =	shalt  }
0x73: {  	_ =	shalt  }
0x74: {  	_ =	shalt  }
0x75: {  	_ =	shalt  }
0x76: {  	_ =	shalt  }
0x77: {  	_ =	shalt  }
0x78: {  	_ =	shalt  }
0x79: {  	_ =	shalt  }
0x7a: {  	_ =	shalt  }
0x7b: {  	_ =	shalt  }
0x7c: {  	_ =	shalt  }
0x7d: {  	_ =	shalt  }
0x7e: {  	_ =	shalt  }
0x7f: {  	_ =	shalt  }
0x80: {  	_ =	shalt  }
0x81: {  	_ =	shalt  }
0x82: {  	_ =	shalt  }
0x83: {  	_ =	shalt  }
0x84: {  	_ =	shalt  }
0x85: {  	_ =	shalt  }
0x86: {  	_ =	shalt  }
0x87: {  	_ =	shalt  }
.Lfunc_end0:
.L_simem_size_0:
called_computation_lowered:
.L_overlay_start_0:
0x88: {  	s2 =	sld [smem:$0x3FD9]  }
0x89: {  	s3 =	sld [smem:$0x3FFE];
	_ =	sdelay $0x1  }
0x8a: {  	s1 =	srdreg.scid  }
0x8b: {  	s0 =	sand.u32 $0x1, s1  }
0x8c: {  	s14 =	sshll.u32 s0, $0xA;
	s2 =	sadd.s32 s3, s2  }
0x8d: {  	s2 =	sadd.s32 s2, s14  }
0x8e: {  	[smem:$0x3FBC] =	sst s2  }
0x8f: {  	_ = 	snop  }
0x90: {  	s2 =	sld [smem:$0x3FD0];
	_ =	sdelay $0x2  }
0x91: {  	s15 =	simm.s32 $0xA;
	s4 =	simm.s32 $0x10  }
0x92: {  	[smem:s4], [sflag:s15] =	dma.local [hbm:s2], $0x1  }
0x93: {  	_ =	swait.eq [sflag:s15], $0x1  }
0x94: {  	[sflag:s15] =	ssyncset.done $0x0  }
0x95: {  	s16 =	sld [smem:$0x10];
	[sflag:s15] =	ssyncadd.s32 $0xFFFFFFFF  }
0x96: {  	s17 =	sld [smem:$0x11];
	(tm) =	ssettm $0x1  }
0x97: {  	s18 =	sld [smem:$0x3FFB];
	_ =	sdelay $0x3  }
0x98: {  	_ =	strace s18  }
0x99: {  	s4 =	sld [smem:$0x3FFC];
	_ =	sdelay $0x3  }
0x9a: {  	_ =	strace s4  }
0x9b: {  	s4 =	sld [smem:$0x3FFD];
	_ =	sdelay $0x3  }
0x9c: {  	_ =	strace s4  }
0x9d: {  	_ =	strace $0x8FFFFFFF  }
0x9e: {  	s19 =	sld [smem:$0x3FDB];
	_ =	sdelay $0x1  }
0x9f: {  	s5 =	simm.s32 $_scs_section_size  }
0xa0: {  	s6 =	simm.s32 $_size__tile_overlayer_lowered;
	s7 =	simm.s32 $_tile_overlayer_lowered  }
0xa1: {  	s22 =	simm.s32 $0x1BFF;
	s21 =	sshll.u32 s7, $0x1;
	s4 =	sadd.s32 s5, s19  }
0xa2: {  	s8 =	simm.s32 $0x0;
	s20 =	sshll.u32 s6, $0x1;
	s6 =	sadd.s32 s21, s4  }
0xa3: {  	[timem:s8], [sflag:s22] =	dma.local [hbm:s6], s20  }
0xa4: {  	_ =	swait.ge [sflag:s22], s20  }
0xa5: {  	s5 =	ssub.s32 $0x0, s20;
	[sflag:s22] =	ssyncset.done $0x0  }
0xa6: {  	[sflag:s22] =	ssyncadd.s32 s5;
	_ =	sdelay $0x1  }
0xa7: {  	s23 =	simm.s32 $0x1B8B  }
0xa8: {  	_ =	swait.ge [sflag:s23], $0x1  }
0xa9: {  	[sflag:s23] =	ssyncset.done $0x0  }
0xaa: {  	s25 =	simm.s32 $0x1B8E;
	s24 =	sld [smem:$0x3FFE];
	[sflag:s23] =	ssyncadd.s32 $0xFFFFFFFF  }
0xab: {  	s26 =	simm.s32 $execute0_lowered;
	[smem:$0x3FD2] =	sst s25  }
0xac: {  	s6 =	sshll.u32 s26, $0x1;
	_ =	strace $0x80000046;
	[dreg:$0x1] =	wrdreg $0xFFFFFFFF  }
0xad: {  	s28 =	simm.s32 $_size_execute0_lowered;
	s4 =	sadd.s32 s4, s6;
	[dreg:$0x0] =	wrdreg $0x0  }
0xae: {  	s6 =	sshll.u32 s28, $0x1;
	[dreg:$0x2] =	wrdreg s4  }
0xaf: {  	[dreg:$0x3] =	wrdreg s6  }
0xb0: {  	[dreg:$0x4] =	wrdreg $0xC0  }
0xb1: {  	_ =	task [dreg:s8], $0x5FFFF  }
0xb2: {  	[dreg:$0x1] =	wrdreg $0xFFFFFFFF  }
0xb3: {  	[dreg:$0x0] =	wrdreg $0x60  }
0xb4: {  	[dreg:$0x2] =	wrdreg s17  }
0xb5: {  	[dreg:$0x3] =	wrdreg s16  }
0xb6: {  	[dreg:$0x4] =	wrdreg s24  }
0xb7: {  	[dreg:$0x5] =	wrdreg $0x68000  }
0xb8: {  	[dreg:$0x6] =	wrdreg $0x9  }
0xb9: {  	_ =	task.clear_ibuf [dreg:s8], $0x7FFFF;
	_ =	strace $0x90000046  }
0xba: {  	s29 =	simm.s32 $0x9;
	_ =	strace $0x80000048  }
0xbb: {  	_ =	swait.ge [sflag:s29], $0x1  }
0xbc: {  	[sflag:s29] =	ssyncadd.s32 $0xFFFFFFFF  }
0xbd: {  	_ =	strace $0x90000048  }
0xbe: {  	_ =	sfence  }
0xbf: {  	s30 =	sld [smem:$0x0];
	_ =	sdelay $0x2  }
0xc0: {  	s31 =	sshll.u32 s1, $0xD;
	s1 =	sshrl.u32 s1, $0x2  }
0xc1: {  	s3 =	sand.u32 $0x4000, s31;
	s1 =	sadd.s32 s1, s30  }
0xc2: {  	s0 =	sor.u32 s3, s0;
	s1 =	sshll.u32 s1, $0x11  }
0xc3: {  	s0 =	sor.u32 s1, s0  }
0xc4: {  	s0 =	sadd.s32 $0x8F2B, s0  }
0xc5: {  	[sflag:s0] =	ssyncadd.remote.s32 $0x1  }
0xc6: {  	_ =	sfence.sel $0xFFFF  }
0xc7: {  	[dreg:$0x0] =	wrdreg $0xFFFFFFFF;
	(pc) =	sbr.abs _section_cstart, $3  }
0xc8: {  	[dreg:$0x1] =	wrdreg $0xFFFFFFFF  }
0xc9: {  	_ =	task.clear_ibuf [dreg:s8], $0x2FFFF;
	_ =	strace $0x9FFFFFFF  }
0xca: {  	(tm) =	ssettm $0x7FFFFFFF  }
0xcb: {  	_ =	shalt  }
tec
execute0_lowered:
.L_overlay_start_1:
0x0: {  	(tag) =	ssettag $0x1  }
0x1: {  	s0 =	srdreg.scid;
	s24 =	stileid.u32  }
0x2: {  	s8 =	sand.u32 $0x1, s0;
	s10 =	smul.u32 $0x500, s24  }
0x3: {  	s7 =	sor.u32 $0x10, s24;
	s9 =	smul.u32 $0x138800, s8  }
0x4: {  	s5 =	sor.u32 $0x20, s24;
	s11 =	smul.u32 $0x500, s7  }
0x5: {  	s6 =	sor.u32 $0x30, s24;
	s12 =	smul.u32 $0x500, s5  }
0x6: {  	s2 =	sor.u32 $0x40, s24;
	s14 =	smul.u32 $0x500, s6  }
0x7: {  	s13 =	rddreg [dreg:$0x0];
	s3 =	sor.u32 $0x50, s24;
	s16 =	smul.u32 $0x500, s2  }
0x8: {  	s15 =	rddreg [dreg:$0x1];
	s4 =	sor.u32 $0x60, s24;
	s17 =	smul.u32 $0x500, s3  }
0x9: {  	s1 =	simm.s32 $0x0;
	s0 =	sor.u32 $0x70, s24;
	s19 =	smul.u32 $0x500, s4  }
0xa: {  	s22 =	sshll.u32 s24, $0xC;
	[smem:$0x7FF] =	sst s1;
	s21 =	smul.u32 $0x500, s0  }
0xb: {  	s18 =	ssub.s32 $0x2, s8;
	s8 =	sshll.u32 s8, $0xB;
	s25 =	smul.u32 $0x2800, s2  }
0xc: {  	s2 =	smul.u32 $0xA000, s2;
	s20 =	sshrl.u32 s18, $0x1;
	s8 =	sadd.s32 s13, s8  }
0xd: {  	s13 =	smul.u32 $0x2800, s24;
	s10 =	sadd.s32 s15, s10;
	s23 =	ssub.s32 s18, s20  }
0xe: {  	s8 =	sadd.s32 s22, s8;
	[dreg:$0x6] =	wrdreg s10;
	s10 =	smul.u32 $0x2800, s5  }
0xf: {  	s20 =	sadd.s32 s15, s16;
	s22 =	sadd.s32 s15, s17;
	s16 =	smul.u32 $0x2800, s3  }
0x10: {  	s26 =	sadd.s32 s15, s19;
	s17 =	smul.u32 $0x2800, s4;
	s19 =	rddreg [dreg:$0x2]  }
0x11: {  	s11 =	sadd.s32 s15, s11;
	s5 =	smul.u32 $0xA000, s5;
	[dreg:$0x5] =	wrdreg s8  }
0x12: {  	s12 =	sadd.s32 s15, s12;
	s3 =	smul.u32 $0xA000, s3;
	[dreg:$0x7] =	wrdreg s11  }
0x13: {  	s18 =	sadd.s32 s15, s14;
	s4 =	smul.u32 $0xA000, s4;
	[dreg:$0x8] =	wrdreg s12  }
0x14: {  	s8 =	smul.u32 $0x2800, s7;
	[dreg:$0x9] =	wrdreg s18  }
0x15: {  	p0 =	sgt.u32 s0, $0x7C;
	s11 =	smul.u32 $0x2800, s6;
	[dreg:$0xa] =	wrdreg s20  }
0x16: {  	s15 =	sadd.s32 s15, s21;
	[dreg:$0xb] =	wrdreg s22;
	s18 =	smul.u32 $0x2800, s0  }
0x17: {  	s2 =	sshrl.u32 s2, $0x2;
	[dreg:$0xc] =	wrdreg s26;
	s7 =	smul.u32 $0xA000, s7  }
0x18: {  	[dreg:$0xd] =	wrdreg s15;
	s13 =	sadd.s32 s9, s13;
	s6 =	smul.u32 $0xA000, s6  }
0x19: {  	s12 =	sadd.s32 s9, s25;
	s21 =	sadd.s32 $0x4200, s19;
	s0 =	smul.u32 $0xA000, s0  }
0x1a: {  	s10 =	sadd.s32 s9, s10;
	s14 =	sadd.s32 s9, s16;
	s15 =	sadd.s32 s9, s17  }
0x1b: {  	s13 =	sshrl.u32 s13, $0x3;
	s26 =	sshrl.u32 s12, $0x3;
	s16 =	sshll.u32 s24, $0x6  }
0x1c: {  	s5 =	sshrl.u32 s5, $0x2;
	s17 =	sshrl.u32 s3, $0x2;
	s3 =	simm.s32 $0x50  }
0x1d: {  	s8 =	sadd.s32 s9, s8;
	s11 =	sadd.s32 s9, s11;
	s9 =	sadd.s32 s9, s18  }
0x1e: {  	s13 =	sadd.s32 s21, s13;
	s22 =	sshrl.u32 s10, $0x3;
	s12 =	sshrl.u32 s14, $0x3  }
0x1f: {  	s18 =	rddreg [dreg:$0x3];
	s14 =	smul.u32 $0xA000, s24;
	s7 =	sshrl.u32 s7, $0x2  }
0x20: {  	s24 =	sor.u32 $0x1C03, s16;
	s6 =	sshrl.u32 s6, $0x2;
	s0 =	sshrl.u32 s0, $0x2  }
0x21: {  	s8 =	sshrl.u32 s8, $0x3;
	[dreg:$0xe] =	wrdreg s13;
	s25 =	sshrl.u32 s11, $0x3  }
0x22: {  	s11 =	sadd.s32 s21, s26;
	s13 =	sshrl.u32 s15, $0x3;
	s9 =	sshrl.u32 s9, $0x3  }
0x23: {  	s26 =	sadd.s32 s5, s18;
	s28 =	sadd.s32 s6, s18;
	s29 =	sadd.s32 s2, s18  }
0x24: {  	s30 =	sadd.s32 s17, s18;
	s2 =	simm.s32 $0x4000;
	s5 =	simm.s32 $0x2  }
0x25: {  	s6 =	simm.s32 $0x0;
	s8 =	sadd.s32 s21, s8;
	[dreg:$0x12] =	wrdreg s11  }
0x26: {  	s20 =	sadd.s32 s21, s9;
	s15 =	sshrl.u32 s14, $0x2;
	[dreg:$0xf] =	wrdreg s8  }
0x27: {  	s8 =	sadd.s32 s21, s22;
	s22 =	smax.u32 s23, $0x1;
	s23 =	sadd.s32 s15, s18  }
0x28: {  	s15 =	sadd.s32 s0, s18;
	[dreg:$0x10] =	wrdreg s8;
	s8 =	sadd.s32 s21, s25  }
0x29: {  	s0 =	simm.s32 $0x3;
	[dreg:$0x11] =	wrdreg s8;
	s8 =	sadd.s32 s21, s12  }
0x2a: {  	s25 =	sadd.s32 s7, s18;
	[dreg:$0x13] =	wrdreg s8;
	s8 =	sadd.s32 s21, s13  }
0x2b: {  	s21 =	sadd.s32 $0x3C00, s19;
	s19 =	sshrl.u32 s4, $0x2;
	[dreg:$0x14] =	wrdreg s8  }
0x2c: {  	s4 =	simm.s32 $0x1;
	s31 =	sadd.s32 s19, s18;
	_ =	strace $0x80000047  }
.LBB2_1:
0x2d: {  	s7 =	sshrl.u32 s23, $0x3;
	s8 =	rddreg [dreg:$0x6]  }
0x2e: {  	[spmem:s7], [sflag:s24] =	dma.local [hbm:s8], $0x500  }
0x2f: {  	_ =	swait.ge [sflag:s0], $0x500  }
0x30: {  	[sflag:s0] =	ssyncset.done $0x0  }
0x31: {  	s8 =	sshrl.u32 s25, $0x3;
	s9 =	rddreg [dreg:$0x7];
	[sflag:s0] =	ssyncadd.s32 $0xFFFFFB00  }
0x32: {  	[spmem:s8], [sflag:s24] =	dma.local [hbm:s9], $0x500  }
0x33: {  	_ =	swait.ge [sflag:s0], $0x500  }
0x34: {  	[sflag:s0] =	ssyncset.done $0x0  }
0x35: {  	s9 =	sshrl.u32 s26, $0x3;
	s10 =	rddreg [dreg:$0x8];
	[sflag:s0] =	ssyncadd.s32 $0xFFFFFB00  }
0x36: {  	[spmem:s9], [sflag:s24] =	dma.local [hbm:s10], $0x500  }
0x37: {  	_ =	swait.ge [sflag:s0], $0x500  }
0x38: {  	[sflag:s0] =	ssyncset.done $0x0  }
0x39: {  	s10 =	sshrl.u32 s28, $0x3;
	s11 =	rddreg [dreg:$0x9];
	[sflag:s0] =	ssyncadd.s32 $0xFFFFFB00  }
0x3a: {  	[spmem:s10], [sflag:s24] =	dma.local [hbm:s11], $0x500  }
0x3b: {  	_ =	swait.ge [sflag:s0], $0x500  }
0x3c: {  	[sflag:s0] =	ssyncset.done $0x0  }
0x3d: {  	s11 =	sshrl.u32 s29, $0x3;
	s12 =	rddreg [dreg:$0xa];
	[sflag:s0] =	ssyncadd.s32 $0xFFFFFB00  }
0x3e: {  	[spmem:s11], [sflag:s24] =	dma.local [hbm:s12], $0x500  }
0x3f: {  	_ =	swait.ge [sflag:s0], $0x500  }
0x40: {  	[sflag:s0] =	ssyncset.done $0x0  }
0x41: {  	s12 =	sshrl.u32 s30, $0x3;
	s13 =	rddreg [dreg:$0xb];
	[sflag:s0] =	ssyncadd.s32 $0xFFFFFB00  }
0x42: {  	[spmem:s12], [sflag:s24] =	dma.local [hbm:s13], $0x500  }
0x43: {  	_ =	swait.ge [sflag:s0], $0x500  }
0x44: {  	[sflag:s0] =	ssyncset.done $0x0  }
0x45: {  	s13 =	sshrl.u32 s31, $0x3;
	s14 =	rddreg [dreg:$0xc];
	[sflag:s0] =	ssyncadd.s32 $0xFFFFFB00  }
0x46: {  	[spmem:s13], [sflag:s24] =	dma.local [hbm:s14], $0x500  }
0x47: {  	_ =	swait.ge [sflag:s0], $0x500  }
0x48: {  	[sflag:s0] =	ssyncset.done $0x0  }
0x49: {  	s14 =	sshrl.u32 @!p0 s15, $0x3;
	s16 =	rddreg [dreg:$0xd];
	[sflag:s0] =	ssyncadd.s32 $0xFFFFFB00  }
0x4a: {  	[spmem:s14], [sflag:s24] =	dma.local @!p0 [hbm:s16], $0x500  }
0x4b: {  	s16 =	simm.s32 @!p0 $0x3  }
0x4c: {  	_ =	swait.ge @!p0 [sflag:s16], $0x500  }
0x4d: {  	[sflag:s16] =	ssyncset.done @!p0 $0x0  }
0x4e: {  	s17 =	rddreg [dreg:$0x5];
	[sflag:s16] =	ssyncadd.s32 @!p0 $0xFFFFFB00  }
0x4f: {  	[tilespmem:s1], [sflag:$0x3] =	stream.linear.gather [hbm4b:s17+s1], $0x3E80, $0x38;
	[tilespmem:$0x1A080] =	vst v63  }
0x50: {  	_ =	swait.ge [sflag:s0], $0x3E80  }
0x51: {  	[sflag:s0] =	ssyncset.done $0x0  }
0x52: {  	[sflag:s0] =	ssyncadd.s32 $0xFFFFC180  }
0x53: {  	[tilespmem:s2], [sflag:$0x3] =	stream.linear.gather [hbm4b:s21+s1], $0x2800, $0x38;
	[tilespmem:$0x1A080] =	vst v63  }
0x54: {  	_ =	swait.ge [sflag:s0], $0x2800  }
0x55: {  	[sflag:s0] =	ssyncset.done $0x0  }
0x56: {  	[sflag:s0] =	ssyncadd.s32 $0xFFFFD800  }
0x57: {  	[bflag:$0x0] =	sbarrier.arrive $0xFFFF  }
0x58: {  	[spmem:s18] =	stream.indirect.scatter.add.f32 [tilespmem:s2], [sflag:$0x1], $0x80, s1, s3, $0xb8;
	[tilespmem:$0x1A080] =	vst v63  }
0x59: {  	s19 =	simm.s32 $0x80  }
0x5a: {  	[spmem:s18] =	stream.indirect.scatter.add.f32 [tilespmem:s2], [sflag:$0x2], $0x80, s19, s3, $0xb8;
	[tilespmem:$0x1A080] =	vst v63  }
0x5b: {  	_ =	swait.ge [sflag:s4], $0x2800  }
0x5c: {  	[sflag:s4] =	ssyncset.done $0x0  }
0x5d: {  	s17 =	simm.s32 $0x100;
	[sflag:s4] =	ssyncadd.s32 $0xFFFFD800  }
0x5e: {  	[spmem:s18] =	stream.indirect.scatter.add.f32 [tilespmem:s2], [sflag:$0x1], $0x80, s17, s3, $0xb8;
	[tilespmem:$0x1A080] =	vst v63  }
0x5f: {  	_ =	swait.ge [sflag:s5], $0x2800  }
0x60: {  	[sflag:s5] =	ssyncset.done $0x0  }
0x61: {  	s19 =	simm.s32 $0x180;
	[sflag:s5] =	ssyncadd.s32 $0xFFFFD800  }
0x62: {  	[spmem:s18] =	stream.indirect.scatter.add.f32 [tilespmem:s2], [sflag:$0x2], $0x80, s19, s3, $0xb8;
	[tilespmem:$0x1A080] =	vst v63  }
0x63: {  	_ =	swait.ge [sflag:s4], $0x2800  }
0x64: {  	[sflag:s4] =	ssyncset.done $0x0  }
0x65: {  	s16 =	simm.s32 $0xFFFF1000;
	s17 =	simm.s32 $0x200;
	[sflag:s4] =	ssyncadd.s32 $0xFFFFD800  }
.LBB2_2:
0x66: {  	[spmem:s18] =	stream.indirect.scatter.add.f32 [tilespmem:s2], [sflag:$0x1], $0x80, s17, s3, $0xb8;
	[tilespmem:$0x1A080] =	vst v63  }
0x67: {  	s17 =	smov.u32 s16  }
0x68: {  	p1 =	sne.s32 s16, $0xFFFFFC00;
	s16 =	sadd.s32 $0x400, s16;
	_ =	swait.ge [sflag:s5], $0x2800  }
0x69: {  	s17 =	sshra.s32 s17, $0x2;
	[sflag:s5] =	ssyncset.done $0x0  }
.Ltmp0:
0x6a: {  	s19 =	sadd.s32 $0x3E80, s17;
	[sflag:s5] =	ssyncadd.s32 $0xFFFFD800;
	(pc) =	sbr.rel @p1 .LBB2_2-.Ltmp0, $4  }
0x6b: {  	[spmem:s18] =	stream.indirect.scatter.add.f32 [tilespmem:s2], [sflag:$0x2], $0x80, s19, s3, $0xb8;
	[tilespmem:$0x1A080] =	vst v63  }
0x6c: {  	_ =	swait.ge [sflag:s4], $0x2800  }
0x6d: {  	[sflag:s4] =	ssyncset.done $0x0  }
0x6e: {  	s17 =	sadd.s32 $0x3F00, s17;
	[sflag:s4] =	ssyncadd.s32 $0xFFFFD800  }
0x6f: {  	[spmem:s18] =	stream.indirect.scatter.add.f32 [tilespmem:s2], [sflag:$0x1], $0x80, s17, s3, $0xb8;
	[tilespmem:$0x1A080] =	vst v63  }
0x70: {  	_ =	swait.ge [sflag:s4], $0x2800  }
0x71: {  	[sflag:s4] =	ssyncset.done $0x0  }
0x72: {  	[sflag:s4] =	ssyncadd.s32 $0xFFFFD800  }
0x73: {  	_ =	swait.ge [sflag:s5], $0x2800  }
0x74: {  	[sflag:s5] =	ssyncset.done $0x0  }
0x75: {  	[sflag:s5] =	ssyncadd.s32 $0xFFFFD800  }
0x76: {  	[bflag:$0x0] =	sbarrier.arrive $0xFFFF  }
0x77: {  	s16 =	rddreg [dreg:$0xe]  }
0x78: {  	[hbm:s16], [sflag:s24] =	dma.local [spmem:s7], $0x500  }
0x79: {  	_ =	swait.ge [sflag:s0], $0x500  }
0x7a: {  	[sflag:s0] =	ssyncset.done $0x0  }
0x7b: {  	s19 =	rddreg [dreg:$0xf];
	[sflag:s0] =	ssyncadd.s32 $0xFFFFFB00  }
0x7c: {  	[hbm:s19], [sflag:s24] =	dma.local [spmem:s8], $0x500  }
0x7d: {  	_ =	swait.ge [sflag:s0], $0x500  }
0x7e: {  	[sflag:s0] =	ssyncset.done $0x0  }
0x7f: {  	s8 =	rddreg [dreg:$0x10];
	[sflag:s0] =	ssyncadd.s32 $0xFFFFFB00  }
0x80: {  	[hbm:s8], [sflag:s24] =	dma.local [spmem:s9], $0x500  }
0x81: {  	_ =	swait.ge [sflag:s0], $0x500  }
0x82: {  	[sflag:s0] =	ssyncset.done $0x0  }
0x83: {  	s9 =	rddreg [dreg:$0x11];
	[sflag:s0] =	ssyncadd.s32 $0xFFFFFB00  }
0x84: {  	[hbm:s9], [sflag:s24] =	dma.local [spmem:s10], $0x500  }
0x85: {  	_ =	swait.ge [sflag:s0], $0x500  }
0x86: {  	[sflag:s0] =	ssyncset.done $0x0  }
0x87: {  	s16 =	rddreg [dreg:$0x12];
	[sflag:s0] =	ssyncadd.s32 $0xFFFFFB00  }
0x88: {  	[hbm:s16], [sflag:s24] =	dma.local [spmem:s11], $0x500  }
0x89: {  	_ =	swait.ge [sflag:s0], $0x500  }
0x8a: {  	[sflag:s0] =	ssyncset.done $0x0  }
0x8b: {  	s17 =	rddreg [dreg:$0x13];
	[sflag:s0] =	ssyncadd.s32 $0xFFFFFB00  }
0x8c: {  	[hbm:s17], [sflag:s24] =	dma.local [spmem:s12], $0x500  }
0x8d: {  	_ =	swait.ge [sflag:s0], $0x500  }
0x8e: {  	[sflag:s0] =	ssyncset.done $0x0  }
0x8f: {  	s19 =	rddreg [dreg:$0x14];
	[sflag:s0] =	ssyncadd.s32 $0xFFFFFB00  }
0x90: {  	[hbm:s19], [sflag:s24] =	dma.local [spmem:s13], $0x500  }
0x91: {  	s6 =	sadd.s32 $0x1, s6;
	_ =	swait.ge [sflag:s0], $0x500  }
0x92: {  	p1 =	sne.s32 s6, s22;
	[sflag:s0] =	ssyncset.done $0x0  }
.Ltmp1:
0x93: {  	s7 =	simm.s32 @!p0 $0x3;
	[sflag:s0] =	ssyncadd.s32 $0xFFFFFB00;
	(pc) =	sbr.rel @p1 .LBB2_1-.Ltmp1, $4  }
0x94: {  	[hbm:s20], [sflag:s24] =	dma.local @!p0 [spmem:s14], $0x500  }
0x95: {  	_ =	swait.ge @!p0 [sflag:s7], $0x500  }
0x96: {  	[sflag:s7] =	ssyncset.done @!p0 $0x0  }
0x97: {  	[sflag:s7] =	ssyncadd.s32 @!p0 $0xFFFFFB00  }
0x98: {  	_ =	sfence.sel $0x180000  }
0x99: {  	[bflag:$0x0] =	sbarrier.arrive $0xFFFF  }
0x9a: {  	_ =	strace $0x90000047  }
0x9b: {  	s0 =	stileid.u32;
	[bflag:$0x2] =	sbarrier.arrive $0xFFFF  }
0x9c: {  	p0 =	sne.s32 s0, $0x0;
	s0 =	rddreg [dreg:$0x4]  }
0x9d: {  	s0 =	sadd.s32 @!p0 $0x100000, s0  }
0x9e: {  	[sflag:s0] =	ssyncadd.tile.s32 @!p0 $0x1;
	_ =	shalt  }
.Lfunc_end2:
_tile_overlayer_lowered:
.L_overlay_start_2:
0x9f: {  	(tag) =	ssettag $0x2  }
0xa0: {  	s0 =	rddreg [dreg:$0x0];
	s2 =	stileid.u32  }
0xa1: {  	s1 =	rddreg [dreg:$0x1];
	p0 =	sne.s32 s2, $0x0  }
0xa2: {  	s3 =	rddreg [dreg:$0x2];
	[bflag:$0x3] =	sbarrier.arrive $0xFFFF;
	s2 =	simm.s32 @!p0 $0x1C03  }
0xa3: {  	[timem:s3], [sflag:s2] =	dma.local @!p0 [hbm:s0], s1  }
0xa4: {  	s0 =	simm.s32 @!p0 $0x3  }
0xa5: {  	_ =	swait.ge @!p0 [sflag:s0], s1  }
0xa6: {  	s1 =	ssub.s32 @!p0 $0x0, s1;
	[sflag:s0] =	ssyncset.done @!p0 $0x0  }
0xa7: {  	[sflag:s0] =	ssyncadd.s32 @!p0 s1  }
0xa8: {  	[bflag:$0x3] =	sbarrier.arrive $0xFFFF  }
0xa9: {  	_ =	shalt  }

// kernel: kernel.15.cloned.1.call-start
scs
__scs_entry_jumppad:
0x0: {  	(pc) =	sbr.rel $0x88, $3  }
0x1: {  	(tag) =	ssettag $0x0;
	lr =	simm.s32 $0x1  }
0x2: {  	[smem:$0x3F95] =	sst lr;
	_ =	strace $0xD0000000  }
0x3: {  	_ = 	snop  }
0x4: {  	_ = 	snop  }
0x5: {  	_ = 	snop  }
0x6: {  	_ = 	snop  }
0x7: {  	_ = 	snop  }
__scs_overlays_trampoline_lowered:
0x8: {  	[smem:$0x3FA4] =	sst s0  }
0x9: {  	[smem:$0x3FA5] =	sst s1  }
0xa: {  	[smem:$0x3FA6] =	sst s2  }
0xb: {  	[smem:$0x3FA7] =	sst s3  }
0xc: {  	[smem:$0x3FA8] =	sst s4  }
0xd: {  	[smem:$0x3FA9] =	sst s5  }
0xe: {  	[smem:$0x3FAA] =	sst s6  }
0xf: {  	[smem:$0x3FAB] =	sst s7  }
0x10: {  	[smem:$0x3FAC] =	sst s8  }
0x11: {  	[smem:$0x3FAD] =	sst s9;
	s0 =	simm.s32 @!p0 $0x0  }
0x12: {  	s1 =	sld [smem:$0x3F93];
	s0 =	simm.s32 @p0 $0x1  }
0x13: {  	[smem:$0x3FAE] =	sst s0;
	s0 =	simm.s32 @!p1 $0x0  }
0x14: {  	s2 =	sld [smem:$0x3F92];
	s0 =	simm.s32 @p1 $0x1  }
0x15: {  	[smem:$0x3FAF] =	sst s0;
	s0 =	simm.s32 @!p2 $0x0  }
0x16: {  	s3 =	sld [smem:$0x3FDB];
	s0 =	simm.s32 @p2 $0x1  }
0x17: {  	s4 =	simm.s32 $0x1BF5;
	[smem:$0x3FB1] =	sst s0  }
0x18: {  	s0 =	sld [smem:$0x3F94];
	_ =	swait.ge [sflag:s4], $0x0  }
0x19: {  	s7 =	sld [smem:$0x3F95]  }
0x1a: {  	s8 =	sadd.s32 $0xFFFFE003, lr  }
0x1b: {  	s9 =	sadd.s32 $0xFFFFFEF7, lr;
	s5 =	simm.s32 $0xFFFFFFFF;
	p2 =	slt.u32 s8, $0xFFFFF086  }
0x1c: {  	p1 =	slt.u32 s9, $0xF7A;
	s5 =	simm.s32 @!p2 $0x0  }
0x1d: {  	s5 =	simm.s32 @p1 $0x1;
	p0 =	seq.s32 s7, s2  }
0x1e: {  	s7 =	smul.u32 @!p0 $0xF7A, s2;
	p2 =	seq.s32 @!p0 s5, $0x0  }
0x1f: {  	s9 =	smul.u32 $0xF7A, s1;
	s8 =	simm.s32 @!p0 $0x1BF5;
	p2 =	por !p2, p0  }
0x20: {  	[sflag:s8] =	ssyncset.s32 @!p0 $0xFFFFF086;
	s6 =	sadd.s32 @!p0 s3, s7;
	s7 =	simm.s32 @!p0 $0x108  }
0x21: {  	s3 =	sadd.s32 s3, s9;
	s6 =	sadd.s32 @!p0 $0x88, s6;
	s7 =	simm.s32 @p2 $0x1082  }
0x22: {  	[simem:s7], [sflag:s8] =	dma.local @!p0 [hbm:s6], $0xF7A  }
0x23: {  	s9 =	sor.u32 $0xD0000000, s2;
	s6 =	simm.s32 $0x108;
	_ =	swait.ge @!p0 [sflag:s8], $0x0  }
0x24: {  	s3 =	sadd.s32 $0x88, s3;
	s6 =	simm.s32 @!p1 $0x1082;
	[sflag:s4] =	ssyncset.s32 $0xFFFFF086  }
0x25: {  	[simem:s6], [sflag:s4] =	dma.local [hbm:s3], $0xF7A  }
0x26: {  	[smem:$0x3F95] =	sst s1;
	(tag) =	ssettag s2;
	_ =	strace s9  }
0x27: {  	s1 =	sld [smem:$0x3FA5]  }
0x28: {  	s2 =	sld [smem:$0x3FA6]  }
0x29: {  	s4 =	sld [smem:$0x3FA8]  }
0x2a: {  	p0 =	seq.s32 s5, $0x0;
	s5 =	sld [smem:$0x3FA9]  }
0x2b: {  	s6 =	sld [smem:$0x3FAA]  }
0x2c: {  	s7 =	sld [smem:$0x3FAB]  }
0x2d: {  	s3 =	simm.s32 $0x108;
	s8 =	sld [smem:$0x3FAC]  }
0x2e: {  	s3 =	simm.s32 @!p0 $0x1082;
	s9 =	sld [smem:$0x3FAD]  }
0x2f: {  	lr =	sadd.s32 s0, s3;
	s0 =	sld [smem:$0x3FA4]  }
0x30: {  	s3 =	sld [smem:$0x3FA7]  }
0x31: {  	[smem:$0x3FB0] =	sst s10  }
0x32: {  	s10 =	sld [smem:$0x3FAE];
	_ =	sdelay $0x3  }
0x33: {  	p0 =	seq.s32 s10, $0x1;
	s10 =	sld [smem:$0x3FB0];
	_ =	sdelay $0x3  }
0x34: {  	[smem:$0x3FB0] =	sst s10  }
0x35: {  	s10 =	sld [smem:$0x3FAF];
	_ =	sdelay $0x3  }
0x36: {  	p1 =	seq.s32 s10, $0x1;
	s10 =	sld [smem:$0x3FB0];
	_ =	sdelay $0x3  }
0x37: {  	[smem:$0x3FB0] =	sst s10  }
0x38: {  	s10 =	sld [smem:$0x3FB1]  }
0x39: {  	_ = 	snop;
	(pc) =	sbr.ind lr, $3  }
0x3a: {  	_ = 	snop  }
0x3b: {  	_ = 	snop  }
0x3c: {  	p2 =	seq.s32 s10, $0x1;
	s10 =	sld [smem:$0x3FB0]  }
0x3d: {  	_ =	shalt  }
0x3e: {  	_ =	shalt  }
0x3f: {  	_ =	shalt  }
0x40: {  	_ =	shalt  }
0x41: {  	_ =	shalt  }
0x42: {  	_ =	shalt  }
0x43: {  	_ =	shalt  }
0x44: {  	_ =	shalt  }
0x45: {  	_ =	shalt  }
0x46: {  	_ =	shalt  }
0x47: {  	_ =	shalt  }
0x48: {  	_ =	shalt  }
0x49: {  	_ =	shalt  }
0x4a: {  	_ =	shalt  }
0x4b: {  	_ =	shalt  }
0x4c: {  	_ =	shalt  }
0x4d: {  	_ =	shalt  }
0x4e: {  	_ =	shalt  }
0x4f: {  	_ =	shalt  }
0x50: {  	_ =	shalt  }
0x51: {  	_ =	shalt  }
0x52: {  	_ =	shalt  }
0x53: {  	_ =	shalt  }
0x54: {  	_ =	shalt  }
0x55: {  	_ =	shalt  }
0x56: {  	_ =	shalt  }
0x57: {  	_ =	shalt  }
0x58: {  	_ =	shalt  }
0x59: {  	_ =	shalt  }
0x5a: {  	_ =	shalt  }
0x5b: {  	_ =	shalt  }
0x5c: {  	_ =	shalt  }
0x5d: {  	_ =	shalt  }
0x5e: {  	_ =	shalt  }
0x5f: {  	_ =	shalt  }
0x60: {  	_ =	shalt  }
0x61: {  	_ =	shalt  }
0x62: {  	_ =	shalt  }
0x63: {  	_ =	shalt  }
0x64: {  	_ =	shalt  }
0x65: {  	_ =	shalt  }
0x66: {  	_ =	shalt  }
0x67: {  	_ =	shalt  }
0x68: {  	_ =	shalt  }
0x69: {  	_ =	shalt  }
0x6a: {  	_ =	shalt  }
0x6b: {  	_ =	shalt  }
0x6c: {  	_ =	shalt  }
0x6d: {  	_ =	shalt  }
0x6e: {  	_ =	shalt  }
0x6f: {  	_ =	shalt  }
0x70: {  	_ =	shalt  }
0x71: {  	_ =	shalt  }
0x72: {  	_ =	shalt  }
0x73: {  	_ =	shalt  }
0x74: {  	_ =	shalt  }
0x75: {  	_ =	shalt  }
0x76: {  	_ =	shalt  }
0x77: {  	_ =	shalt  }
0x78: {  	_ =	shalt  }
0x79: {  	_ =	shalt  }
0x7a: {  	_ =	shalt  }
0x7b: {  	_ =	shalt  }
0x7c: {  	_ =	shalt  }
0x7d: {  	_ =	shalt  }
0x7e: {  	_ =	shalt  }
0x7f: {  	_ =	shalt  }
0x80: {  	_ =	shalt  }
0x81: {  	_ =	shalt  }
0x82: {  	_ =	shalt  }
0x83: {  	_ =	shalt  }
0x84: {  	_ =	shalt  }
0x85: {  	_ =	shalt  }
0x86: {  	_ =	shalt  }
0x87: {  	_ =	shalt  }
.Lfunc_end0:
.L_simem_size_0:
called_computation.1_lowered:
.L_overlay_start_0:
0x88: {  	s2 =	sld [smem:$0x3FD9]  }
0x89: {  	s3 =	sld [smem:$0x3FFE];
	_ =	sdelay $0x1  }
0x8a: {  	s1 =	srdreg.scid  }
0x8b: {  	s0 =	sand.u32 $0x1, s1  }
0x8c: {  	s14 =	sshll.u32 s0, $0xA;
	s2 =	sadd.s32 s3, s2  }
0x8d: {  	s2 =	sadd.s32 s2, s14  }
0x8e: {  	[smem:$0x3FBC] =	sst s2  }
0x8f: {  	_ = 	snop  }
0x90: {  	s2 =	sld [smem:$0x3FD0];
	_ =	sdelay $0x2  }
0x91: {  	s15 =	simm.s32 $0xA;
	s4 =	simm.s32 $0x10  }
0x92: {  	[smem:s4], [sflag:s15] =	dma.local [hbm:s2], $0x1  }
0x93: {  	_ =	swait.eq [sflag:s15], $0x1  }
0x94: {  	[sflag:s15] =	ssyncset.done $0x0  }
0x95: {  	[sflag:s15] =	ssyncadd.s32 $0xFFFFFFFF  }
0x96: {  	s16 =	sld [smem:$0x10];
	(tm) =	ssettm $0x1  }
0x97: {  	s17 =	sld [smem:$0x3FFB];
	_ =	sdelay $0x3  }
0x98: {  	_ =	strace s17  }
0x99: {  	s3 =	sld [smem:$0x3FFC];
	_ =	sdelay $0x3  }
0x9a: {  	_ =	strace s3  }
0x9b: {  	s3 =	sld [smem:$0x3FFD];
	_ =	sdelay $0x3  }
0x9c: {  	_ =	strace s3  }
0x9d: {  	_ =	strace $0x8FFFFFFF  }
0x9e: {  	s18 =	sld [smem:$0x3FDB];
	_ =	sdelay $0x1  }
0x9f: {  	s19 =	simm.s32 $_scs_section_size  }
0xa0: {  	s5 =	simm.s32 $_size__tile_overlayer_lowered;
	s6 =	simm.s32 $_tile_overlayer_lowered  }
0xa1: {  	s22 =	simm.s32 $0x1BFF;
	s21 =	sshll.u32 s6, $0x1;
	s3 =	sadd.s32 s19, s18  }
0xa2: {  	s7 =	simm.s32 $0x0;
	s20 =	sshll.u32 s5, $0x1;
	s5 =	sadd.s32 s21, s3  }
0xa3: {  	[timem:s7], [sflag:s22] =	dma.local [hbm:s5], s20  }
0xa4: {  	_ =	swait.ge [sflag:s22], s20  }
0xa5: {  	s4 =	ssub.s32 $0x0, s20;
	[sflag:s22] =	ssyncset.done $0x0  }
0xa6: {  	[sflag:s22] =	ssyncadd.s32 s4;
	_ =	sdelay $0x1  }
0xa7: {  	s23 =	simm.s32 $0x1B8B  }
0xa8: {  	_ =	swait.ge [sflag:s23], $0x1  }
0xa9: {  	[sflag:s23] =	ssyncset.done $0x0  }
0xaa: {  	s25 =	simm.s32 $0x1B8E;
	s24 =	sld [smem:$0x3FFE];
	[sflag:s23] =	ssyncadd.s32 $0xFFFFFFFF  }
0xab: {  	s26 =	simm.s32 $execute0_lowered;
	[smem:$0x3FD2] =	sst s25  }
0xac: {  	s5 =	sshll.u32 s26, $0x1;
	_ =	strace $0x80000049;
	[dreg:$0x1] =	wrdreg $0xFFFFFFFF  }
0xad: {  	s28 =	simm.s32 $_size_execute0_lowered;
	s3 =	sadd.s32 s3, s5;
	[dreg:$0x0] =	wrdreg $0x0  }
0xae: {  	s5 =	sshll.u32 s28, $0x1;
	[dreg:$0x2] =	wrdreg s3  }
0xaf: {  	[dreg:$0x3] =	wrdreg s5  }
0xb0: {  	[dreg:$0x4] =	wrdreg $0xC0  }
0xb1: {  	_ =	task [dreg:s7], $0x5FFFF  }
0xb2: {  	[dreg:$0x1] =	wrdreg $0xFFFFFFFF  }
0xb3: {  	[dreg:$0x0] =	wrdreg $0x60  }
0xb4: {  	[dreg:$0x2] =	wrdreg s24  }
0xb5: {  	[dreg:$0x3] =	wrdreg s16  }
0xb6: {  	[dreg:$0x4] =	wrdreg $0x54000  }
0xb7: {  	[dreg:$0x5] =	wrdreg $0x9  }
0xb8: {  	_ =	task.clear_ibuf [dreg:s7], $0x6FFFF;
	_ =	strace $0x90000049  }
0xb9: {  	s29 =	simm.s32 $0x9;
	_ =	strace $0x8000004B  }
0xba: {  	_ =	swait.ge [sflag:s29], $0x1  }
0xbb: {  	[sflag:s29] =	ssyncadd.s32 $0xFFFFFFFF  }
0xbc: {  	_ =	strace $0x9000004B  }
0xbd: {  	_ =	sfence  }
0xbe: {  	s30 =	sld [smem:$0x0];
	_ =	sdelay $0x2  }
0xbf: {  	s31 =	sshll.u32 s1, $0xD;
	s1 =	sshrl.u32 s1, $0x2  }
0xc0: {  	s3 =	sand.u32 $0x4000, s31;
	s1 =	sadd.s32 s1, s30  }
0xc1: {  	s0 =	sor.u32 s3, s0;
	s1 =	sshll.u32 s1, $0x11  }
0xc2: {  	s0 =	sor.u32 s1, s0  }
0xc3: {  	s0 =	sadd.s32 $0x8F2B, s0  }
0xc4: {  	[sflag:s0] =	ssyncadd.remote.s32 $0x1  }
0xc5: {  	_ =	sfence.sel $0xFFFF  }
0xc6: {  	[dreg:$0x0] =	wrdreg $0xFFFFFFFF;
	(pc) =	sbr.abs _section_cstart, $3  }
0xc7: {  	[dreg:$0x1] =	wrdreg $0xFFFFFFFF  }
0xc8: {  	_ =	task.clear_ibuf [dreg:s7], $0x2FFFF;
	_ =	strace $0x9FFFFFFF  }
0xc9: {  	(tm) =	ssettm $0x7FFFFFFF  }
tec
execute0_lowered:
.L_overlay_start_1:
0x0: {  	(tag) =	ssettag $0x1  }
0x1: {  	s26 =	stileid.u32  }
0x2: {  	s0 =	srdreg.scid;
	s9 =	smul.u32 $0x500, s26  }
0x3: {  	s1 =	sand.u32 $0x1, s0;
	s21 =	smul.u32 $0x2800, s26  }
0x4: {  	s7 =	sor.u32 $0x10, s26;
	s8 =	smul.u32 $0x138800, s1  }
0x5: {  	s5 =	sor.u32 $0x20, s26;
	s10 =	smul.u32 $0x500, s7  }
0x6: {  	s6 =	sor.u32 $0x30, s26;
	s11 =	smul.u32 $0x500, s5  }
0x7: {  	s4 =	sor.u32 $0x40, s26;
	s12 =	smul.u32 $0x500, s6  }
0x8: {  	s3 =	sor.u32 $0x50, s26;
	s13 =	smul.u32 $0x500, s4  }
0x9: {  	s2 =	sor.u32 $0x60, s26;
	s14 =	smul.u32 $0x500, s3  }
0xa: {  	s17 =	rddreg [dreg:$0x1];
	s0 =	sor.u32 $0x70, s26;
	s16 =	smul.u32 $0x500, s2  }
0xb: {  	s28 =	simm.s32 $0x3;
	s29 =	simm.s32 $0x6;
	s19 =	smul.u32 $0x500, s0  }
0xc: {  	s30 =	simm.s32 $0x180;
	s20 =	sshll.u32 s26, $0xF;
	s25 =	smul.u32 $0x2800, s6  }
0xd: {  	s15 =	ssub.s32 $0x2, s1;
	s1 =	sshll.u32 s1, $0xE;
	s6 =	smul.u32 $0xA000, s6  }
0xe: {  	p0 =	sgt.u32 s0, $0x7C;
	s1 =	sor.u32 s1, s20;
	s20 =	smul.u32 $0x2800, s3  }
0xf: {  	s18 =	sshrl.u32 s15, $0x1;
	s9 =	sadd.s32 s17, s9;
	s3 =	smul.u32 $0xA000, s3  }
0x10: {  	s15 =	ssub.s32 s15, s18;
	s18 =	smul.u32 $0x2800, s7;
	[dreg:$0x4] =	wrdreg s9  }
0x11: {  	s22 =	sadd.s32 s17, s10;
	s9 =	smul.u32 $0x2800, s5;
	s23 =	sadd.s32 s17, s11  }
0x12: {  	s24 =	sadd.s32 s17, s12;
	s12 =	sadd.s32 s17, s13;
	[dreg:$0x5] =	wrdreg s22  }
0x13: {  	s13 =	sadd.s32 s17, s14;
	s14 =	smul.u32 $0x2800, s4;
	[dreg:$0x6] =	wrdreg s23  }
0x14: {  	s16 =	sadd.s32 s17, s16;
	s19 =	sadd.s32 s17, s19;
	[dreg:$0x7] =	wrdreg s24  }
0x15: {  	s21 =	sadd.s32 s8, s21;
	s7 =	smul.u32 $0xA000, s7;
	[dreg:$0x8] =	wrdreg s12  }
0x16: {  	s10 =	simm.s32 $0x0;
	s5 =	smul.u32 $0xA000, s5;
	[dreg:$0x9] =	wrdreg s13  }
0x17: {  	s4 =	smul.u32 $0xA000, s4;
	s6 =	sshrl.u32 s6, $0x2;
	[dreg:$0xa] =	wrdreg s16  }
0x18: {  	[dreg:$0xb] =	wrdreg s19;
	s23 =	smul.u32 $0x2800, s2;
	s24 =	sadd.s32 s8, s25  }
0x19: {  	s25 =	smul.u32 $0x2800, s0;
	s12 =	sadd.s32 s8, s20;
	s19 =	rddreg [dreg:$0x0]  }
0x1a: {  	[smem:$0x7FF] =	sst s10;
	s13 =	sshrl.u32 s21, $0x3;
	s2 =	smul.u32 $0xA000, s2  }
0x1b: {  	s0 =	smul.u32 $0xA000, s0;
	s3 =	sshrl.u32 s3, $0x2;
	s22 =	sadd.s32 s8, s18  }
0x1c: {  	s9 =	sadd.s32 s8, s9;
	s11 =	sadd.s32 s8, s14;
	s20 =	sadd.s32 $0x72400, s19  }
0x1d: {  	s21 =	sshrl.u32 s24, $0x3;
	s7 =	sshrl.u32 s7, $0x2;
	s5 =	sshrl.u32 s5, $0x2  }
0x1e: {  	s4 =	sshrl.u32 s4, $0x2;
	s16 =	sadd.s32 s8, s23;
	s8 =	sadd.s32 s8, s25  }
0x1f: {  	s13 =	sadd.s32 s20, s13;
	s18 =	sshrl.u32 s22, $0x3;
	s9 =	sshrl.u32 s9, $0x3  }
0x20: {  	s22 =	sshrl.u32 s11, $0x3;
	s23 =	sshrl.u32 s12, $0x3;
	s11 =	sshrl.u32 s1, $0x3  }
0x21: {  	s2 =	sshrl.u32 s2, $0x2;
	s0 =	sshrl.u32 s0, $0x2;
	[dreg:$0xc] =	wrdreg s13  }
0x22: {  	s13 =	sadd.s32 s20, s18;
	s9 =	sadd.s32 s20, s9;
	s18 =	rddreg [dreg:$0x2]  }
0x23: {  	s24 =	sadd.s32 s20, s23;
	s25 =	sshrl.u32 s16, $0x3;
	[dreg:$0xd] =	wrdreg s13  }
0x24: {  	s8 =	sshrl.u32 s8, $0x3;
	s23 =	sadd.s32 $0x52400, s19;
	[dreg:$0xe] =	wrdreg s9  }
0x25: {  	s12 =	sor.u32 $0x10, s11;
	s9 =	sadd.s32 s20, s21;
	[dreg:$0x11] =	wrdreg s24  }
0x26: {  	s8 =	sadd.s32 s20, s8;
	s21 =	sadd.s32 $0x3C00, s19;
	s13 =	smul.u32 $0xA000, s26  }
0x27: {  	s16 =	sadd.s32 s23, s12;
	s7 =	sadd.s32 s7, s18;
	[dreg:$0xf] =	wrdreg s9  }
0x28: {  	s5 =	sadd.s32 s5, s18;
	s9 =	sadd.s32 s20, s22;
	[dreg:$0x13] =	wrdreg s8  }
0x29: {  	s22 =	sadd.s32 $0x62400, s19;
	[dreg:$0x10] =	wrdreg s9;
	s9 =	sadd.s32 s20, s25  }
0x2a: {  	s4 =	sadd.s32 s4, s18;
	s14 =	sadd.s32 s22, s12;
	[dreg:$0x12] =	wrdreg s9  }
0x2b: {  	s3 =	sadd.s32 s3, s18;
	_ =	strace $0x8000004A;
	[dreg:$0x14] =	wrdreg s14  }
0x2c: {  	s19 =	smax.u32 s15, $0x1;
	s17 =	sshrl.u32 s13, $0x2;
	[dreg:$0x15] =	wrdreg s16  }
0x2d: {  	s2 =	sadd.s32 s2, s18;
	s8 =	sadd.s32 s17, s18;
	[dreg:$0x16] =	wrdreg s19  }
0x2e: {  	s0 =	sadd.s32 s0, s18;
	s15 =	simm.s32 $0x380;
	[dreg:$0x17] =	wrdreg s8  }
0x2f: {  	s24 =	sadd.s32 s11, s22;
	s25 =	sadd.s32 s11, s23;
	[dreg:$0x19] =	wrdreg s7  }
0x30: {  	s20 =	sshll.u32 s26, $0x6;
	s26 =	sadd.s32 s6, s18;
	[dreg:$0x1a] =	wrdreg s5  }
0x31: {  	s6 =	simm.s32 $0x9;
	s11 =	simm.s32 $0x1;
	[dreg:$0x1b] =	wrdreg s26  }
0x32: {  	s12 =	simm.s32 $0x50;
	s13 =	simm.s32 $0x400;
	[dreg:$0x1c] =	wrdreg s4  }
0x33: {  	s31 =	sor.u32 $0x1C09, s20;
	s9 =	simm.s32 $0x80;
	[dreg:$0x1d] =	wrdreg s3  }
.Ltmp0:
0x34: {  	s17 =	simm.s32 $0x5;
	[dreg:$0x1e] =	wrdreg s2;
	(pc) =	sbr.rel .LBB2_1-.Ltmp0, $4  }
0x35: {  	s20 =	simm.s32 $0x300;
	[dreg:$0x1f] =	wrdreg s0;
	s8 =	simm.s32 $0x200  }
0x36: {  	s14 =	simm.s32 $0x2;
	s16 =	simm.s32 $0x2C00;
	s19 =	simm.s32 $0x100  }
0x37: {  	s26 =	simm.s32 $0x7;
	s0 =	simm.s32 $0x280;
	s2 =	simm.s32 $0x8  }
0x38: {  	s3 =	simm.s32 $0x4;
	s7 =	simm.s32 $0x0;
	[dreg:$0x18] =	wrdreg s31  }
.LBB2_4:
0x39: {  	[spmem:s18] =	stream.indirect.scatter.add.f32 [tilespmem:s13], [sflag:$0x7], $0x80, s20, s12, $0xb8;
	[tilespmem:$0x18D00] =	vst v63  }
0x3a: {  	_ =	swait.ge [sflag:s29], $0x2800  }
0x3b: {  	[sflag:s29] =	ssyncset.done $0x0  }
0x3c: {  	[sflag:s29] =	ssyncadd.s32 $0xFFFFD800  }
0x3d: {  	[spmem:s18] =	stream.indirect.scatter.add.f32 [tilespmem:s16], [sflag:$0x8], $0x80, s15, s12, $0xb8;
	[tilespmem:$0x18D00] =	vst v63  }
0x3e: {  	_ =	swait.ge [sflag:s26], $0x2800  }
0x3f: {  	[sflag:s26] =	ssyncset.done $0x0  }
0x40: {  	[sflag:s26] =	ssyncadd.s32 $0xFFFFD800  }
0x41: {  	_ =	swait.ge [sflag:s2], $0x2800  }
0x42: {  	[sflag:s2] =	ssyncset.done $0x0  }
0x43: {  	[sflag:s2] =	ssyncadd.s32 $0xFFFFD800  }
0x44: {  	[bflag:$0x0] =	sbarrier.arrive $0xFFFF  }
0x45: {  	s5 =	sld [smem:$0x7F6]  }
0x46: {  	s4 =	rddreg [dreg:$0xc]  }
0x47: {  	s6 =	simm.s32 $0x9;
	s31 =	rddreg [dreg:$0x18]  }
0x48: {  	[hbm:s4], [sflag:s31] =	dma.local [spmem:s5], $0x500  }
0x49: {  	_ =	swait.ge [sflag:s6], $0x500  }
0x4a: {  	s7 =	sld [smem:$0x7F7]  }
0x4b: {  	[sflag:s6] =	ssyncset.done $0x0  }
0x4c: {  	s5 =	rddreg [dreg:$0xd];
	[sflag:s6] =	ssyncadd.s32 $0xFFFFFB00  }
0x4d: {  	[hbm:s5], [sflag:s31] =	dma.local [spmem:s7], $0x500  }
0x4e: {  	_ =	swait.ge [sflag:s6], $0x500  }
0x4f: {  	s7 =	sld [smem:$0x7F8]  }
0x50: {  	[sflag:s6] =	ssyncset.done $0x0  }
0x51: {  	s5 =	rddreg [dreg:$0xe];
	[sflag:s6] =	ssyncadd.s32 $0xFFFFFB00  }
0x52: {  	[hbm:s5], [sflag:s31] =	dma.local [spmem:s7], $0x500  }
0x53: {  	_ =	swait.ge [sflag:s6], $0x500  }
0x54: {  	s7 =	sld [smem:$0x7F9]  }
0x55: {  	[sflag:s6] =	ssyncset.done $0x0  }
0x56: {  	s5 =	rddreg [dreg:$0xf];
	[sflag:s6] =	ssyncadd.s32 $0xFFFFFB00  }
0x57: {  	[hbm:s5], [sflag:s31] =	dma.local [spmem:s7], $0x500  }
0x58: {  	_ =	swait.ge [sflag:s6], $0x500  }
0x59: {  	s7 =	sld [smem:$0x7FA]  }
0x5a: {  	[sflag:s6] =	ssyncset.done $0x0  }
0x5b: {  	s5 =	rddreg [dreg:$0x10];
	[sflag:s6] =	ssyncadd.s32 $0xFFFFFB00  }
0x5c: {  	[hbm:s5], [sflag:s31] =	dma.local [spmem:s7], $0x500  }
0x5d: {  	_ =	swait.ge [sflag:s6], $0x500  }
0x5e: {  	s7 =	sld [smem:$0x7FB]  }
0x5f: {  	[sflag:s6] =	ssyncset.done $0x0  }
0x60: {  	s5 =	rddreg [dreg:$0x11];
	[sflag:s6] =	ssyncadd.s32 $0xFFFFFB00  }
0x61: {  	[hbm:s5], [sflag:s31] =	dma.local [spmem:s7], $0x500  }
0x62: {  	_ =	swait.ge [sflag:s6], $0x500  }
0x63: {  	s7 =	sld [smem:$0x7FC]  }
0x64: {  	[sflag:s6] =	ssyncset.done $0x0  }
0x65: {  	s5 =	rddreg [dreg:$0x12];
	[sflag:s6] =	ssyncadd.s32 $0xFFFFFB00  }
0x66: {  	[hbm:s5], [sflag:s31] =	dma.local [spmem:s7], $0x500  }
0x67: {  	_ =	swait.ge [sflag:s6], $0x500  }
0x68: {  	s5 =	sld [smem:$0x7FD]  }
0x69: {  	[sflag:s6] =	ssyncset.done $0x0  }
0x6a: {  	s4 =	rddreg [dreg:$0x13];
	[sflag:s6] =	ssyncadd.s32 $0xFFFFFB00  }
0x6b: {  	[hbm:s4], [sflag:s31] =	dma.local @!p0 [spmem:s5], $0x500  }
0x6c: {  	s4 =	simm.s32 @!p0 $0x9  }
0x6d: {  	_ =	swait.ge @!p0 [sflag:s4], $0x500  }
0x6e: {  	s7 =	sld [smem:$0x7F5];
	_ =	sdelay $0x2  }
0x6f: {  	s5 =	rddreg [dreg:$0x16];
	s7 =	sadd.s32 $0x1, s7  }
0x70: {  	p1 =	sne.s32 s7, s5  }
.Ltmp1:
0x71: {  	_ = 	snop;
	(pc) =	sbr.rel @!p1 .LBB2_5-.Ltmp1, $3  }
0x72: {  	_ =	sdelay $0x1  }
0x73: {  	[sflag:s4] =	ssyncset.done @!p0 $0x0  }
0x74: {  	[sflag:s4] =	ssyncadd.s32 @!p0 $0xFFFFFB00  }
.LBB2_1:
0x75: {  	[smem:$0x7F5] =	sst s7  }
0x76: {  	s4 =	rddreg [dreg:$0x17]  }
0x77: {  	s7 =	rddreg [dreg:$0x4];
	s5 =	sshrl.u32 s4, $0x3  }
0x78: {  	[smem:$0x7F6] =	sst s5  }
0x79: {  	[spmem:s5], [sflag:s31] =	dma.local [hbm:s7], $0x500  }
0x7a: {  	_ =	swait.ge [sflag:s6], $0x500  }
0x7b: {  	s7 =	rddreg [dreg:$0x19]  }
0x7c: {  	[sflag:s6] =	ssyncset.done $0x0;
	s4 =	sshrl.u32 s7, $0x3;
	s7 =	rddreg [dreg:$0x5]  }
0x7d: {  	[sflag:s6] =	ssyncadd.s32 $0xFFFFFB00;
	[smem:$0x7F7] =	sst s4  }
0x7e: {  	[spmem:s4], [sflag:s31] =	dma.local [hbm:s7], $0x500  }
0x7f: {  	_ =	swait.ge [sflag:s6], $0x500  }
0x80: {  	s7 =	rddreg [dreg:$0x1a]  }
0x81: {  	[sflag:s6] =	ssyncset.done $0x0;
	s4 =	sshrl.u32 s7, $0x3;
	s7 =	rddreg [dreg:$0x6]  }
0x82: {  	[sflag:s6] =	ssyncadd.s32 $0xFFFFFB00;
	[smem:$0x7F8] =	sst s4  }
0x83: {  	[spmem:s4], [sflag:s31] =	dma.local [hbm:s7], $0x500  }
0x84: {  	_ =	swait.ge [sflag:s6], $0x500  }
0x85: {  	s7 =	rddreg [dreg:$0x1b]  }
0x86: {  	[sflag:s6] =	ssyncset.done $0x0;
	s4 =	sshrl.u32 s7, $0x3;
	s7 =	rddreg [dreg:$0x7]  }
0x87: {  	[sflag:s6] =	ssyncadd.s32 $0xFFFFFB00;
	[smem:$0x7F9] =	sst s4  }
0x88: {  	[spmem:s4], [sflag:s31] =	dma.local [hbm:s7], $0x500  }
0x89: {  	_ =	swait.ge [sflag:s6], $0x500  }
0x8a: {  	s7 =	rddreg [dreg:$0x1c]  }
0x8b: {  	[sflag:s6] =	ssyncset.done $0x0;
	s4 =	sshrl.u32 s7, $0x3;
	s7 =	rddreg [dreg:$0x8]  }
0x8c: {  	[sflag:s6] =	ssyncadd.s32 $0xFFFFFB00;
	[smem:$0x7FA] =	sst s4  }
0x8d: {  	[spmem:s4], [sflag:s31] =	dma.local [hbm:s7], $0x500  }
0x8e: {  	_ =	swait.ge [sflag:s6], $0x500  }
0x8f: {  	s7 =	rddreg [dreg:$0x1d]  }
0x90: {  	[sflag:s6] =	ssyncset.done $0x0;
	s4 =	sshrl.u32 s7, $0x3;
	s7 =	rddreg [dreg:$0x9]  }
0x91: {  	[sflag:s6] =	ssyncadd.s32 $0xFFFFFB00;
	[smem:$0x7FB] =	sst s4  }
0x92: {  	[spmem:s4], [sflag:s31] =	dma.local [hbm:s7], $0x500  }
0x93: {  	_ =	swait.ge [sflag:s6], $0x500  }
0x94: {  	s7 =	rddreg [dreg:$0x1e]  }
0x95: {  	[sflag:s6] =	ssyncset.done $0x0;
	s4 =	sshrl.u32 s7, $0x3;
	s7 =	rddreg [dreg:$0xa]  }
0x96: {  	[sflag:s6] =	ssyncadd.s32 $0xFFFFFB00;
	[smem:$0x7FC] =	sst s4  }
0x97: {  	[spmem:s4], [sflag:s31] =	dma.local [hbm:s7], $0x500  }
0x98: {  	_ =	swait.ge [sflag:s6], $0x500  }
0x99: {  	s4 =	rddreg [dreg:$0x1f]  }
0x9a: {  	[sflag:s6] =	ssyncset.done $0x0;
	s5 =	sshrl.u32 @!p0 s4, $0x3;
	s4 =	rddreg [dreg:$0xb]  }
0x9b: {  	[sflag:s6] =	ssyncadd.s32 $0xFFFFFB00;
	[smem:$0x7FD] =	sst s5  }
0x9c: {  	[spmem:s5], [sflag:s31] =	dma.local @!p0 [hbm:s4], $0x500  }
0x9d: {  	s5 =	simm.s32 @!p0 $0x9  }
0x9e: {  	_ =	swait.ge @!p0 [sflag:s5], $0x500  }
0x9f: {  	[sflag:s5] =	ssyncset.done @!p0 $0x0  }
0xa0: {  	[sflag:s5] =	ssyncadd.s32 @!p0 $0xFFFFFB00  }
0xa1: {  	[bflag:$0x0] =	sbarrier.arrive $0xFFFF  }
0xa2: {  	[tilespmem:s10], [sflag:$0x1] =	stream.linear.gather [hbm4b:s24+s10], $0x80, $0x38;
	[tilespmem:$0x18D00] =	vst v63  }
0xa3: {  	_ = 	snop  }
0xa4: {  	[tilespmem:s8], [sflag:$0x1] =	stream.linear.gather [hbm4b:s25+s10], $0x80, $0x38;
	[tilespmem:$0x18D00] =	vst v63  }
0xa5: {  	s7 =	rddreg [dreg:$0x14]  }
0xa6: {  	[tilespmem:s9], [sflag:$0x2] =	stream.linear.gather [hbm4b:s7+s10], $0x80, $0x38;
	[tilespmem:$0x18D00] =	vst v63  }
0xa7: {  	s31 =	rddreg [dreg:$0x15]  }
0xa8: {  	[tilespmem:s0], [sflag:$0x2] =	stream.linear.gather [hbm4b:s31+s10], $0x80, $0x38;
	[tilespmem:$0x18D00] =	vst v63  }
0xa9: {  	_ =	swait.ge [sflag:s11], $0x80  }
0xaa: {  	[sflag:s11] =	ssyncset.done $0x0  }
0xab: {  	[sflag:s11] =	ssyncadd.s32 $0xFFFFFF80  }
0xac: {  	_ =	swait.ge [sflag:s11], $0x80  }
0xad: {  	[sflag:s11] =	ssyncset.done $0x0  }
0xae: {  	s6 =	simm.s32 $0x0;
	s5 =	simm.s32 $0x280;
	[sflag:s11] =	ssyncadd.s32 $0xFFFFFF80  }
0xaf: {  	[tilespmem:s13], [sflag:$0x5] =	stream.indirect.gather [hbm4b:s21+s12], $0x80, s10, s12, $0xb8;
	[tilespmem:$0x18D00] =	vst v63  }
.LBB2_2:
0xb0: {  	p1 =	seq.s32 s6, $0x0  }
0xb1: {  	s4 =	simm.s32 @!p1 $0x8  }
0xb2: {  	_ =	swait.ge @!p1 [sflag:s4], $0x2800  }
0xb3: {  	[sflag:s4] =	ssyncset.done @!p1 $0x0  }
0xb4: {  	[sflag:s4] =	ssyncadd.s32 @!p1 $0xFFFFD800  }
0xb5: {  	_ =	swait.ge [sflag:s14], $0x80  }
0xb6: {  	[sflag:s14] =	ssyncset.done $0x0  }
0xb7: {  	[sflag:s14] =	ssyncadd.s32 $0xFFFFFF80  }
0xb8: {  	_ =	swait.ge [sflag:s14], $0x80  }
0xb9: {  	[sflag:s14] =	ssyncset.done $0x0  }
0xba: {  	[sflag:s14] =	ssyncadd.s32 $0xFFFFFF80  }
0xbb: {  	[tilespmem:s16], [sflag:$0x6] =	stream.indirect.gather [hbm4b:s21+s12], $0x80, s9, s12, $0xb8;
	[tilespmem:$0x18D00] =	vst v63  }
0xbc: {  	_ =	swait.ge [sflag:s17], $0x2800  }
0xbd: {  	s4 =	sadd.s32 s6, s24;
	[sflag:s17] =	ssyncset.done $0x0  }
0xbe: {  	s31 =	sadd.s32 $0x20, s4;
	[sflag:s17] =	ssyncadd.s32 $0xFFFFD800  }
0xbf: {  	[tilespmem:s19], [sflag:$0x3] =	stream.linear.gather [hbm4b:s31+s10], $0x80, $0x38;
	[tilespmem:$0x18D00] =	vst v63  }
0xc0: {  	s31 =	sadd.s32 s6, s25  }
0xc1: {  	s7 =	sadd.s32 $0x20, s31  }
0xc2: {  	[tilespmem:s20], [sflag:$0x3] =	stream.linear.gather [hbm4b:s7+s10], $0x80, $0x38;
	[tilespmem:$0x18D00] =	vst v63  }
0xc3: {  	_ = 	snop  }
0xc4: {  	[spmem:s18] =	stream.indirect.scatter.add.f32 [tilespmem:s13], [sflag:$0x7], $0x80, s8, s12, $0xb8;
	[tilespmem:$0x18D00] =	vst v63  }
0xc5: {  	_ =	swait.ge [sflag:s26], $0x2800  }
0xc6: {  	[sflag:s26] =	ssyncset.done $0x0  }
0xc7: {  	[sflag:s26] =	ssyncadd.s32 $0xFFFFD800  }
0xc8: {  	_ =	swait.ge [sflag:s28], $0x80  }
0xc9: {  	[sflag:s28] =	ssyncset.done $0x0  }
0xca: {  	[sflag:s28] =	ssyncadd.s32 $0xFFFFFF80  }
0xcb: {  	_ =	swait.ge [sflag:s28], $0x80  }
0xcc: {  	[sflag:s28] =	ssyncset.done $0x0  }
0xcd: {  	[sflag:s28] =	ssyncadd.s32 $0xFFFFFF80  }
0xce: {  	[tilespmem:s13], [sflag:$0x5] =	stream.indirect.gather [hbm4b:s21+s12], $0x80, s19, s12, $0xb8;
	[tilespmem:$0x18D00] =	vst v63  }
0xcf: {  	_ =	swait.ge [sflag:s29], $0x2800  }
0xd0: {  	[sflag:s29] =	ssyncset.done $0x0  }
0xd1: {  	s4 =	sadd.s32 $0x30, s4;
	[sflag:s29] =	ssyncadd.s32 $0xFFFFD800  }
0xd2: {  	[tilespmem:s30], [sflag:$0x4] =	stream.linear.gather [hbm4b:s4+s10], $0x80, $0x38;
	[tilespmem:$0x18D00] =	vst v63  }
0xd3: {  	s31 =	sadd.s32 $0x30, s31  }
0xd4: {  	[tilespmem:s15], [sflag:$0x4] =	stream.linear.gather [hbm4b:s31+s10], $0x80, $0x38;
	[tilespmem:$0x18D00] =	vst v63  }
0xd5: {  	_ = 	snop  }
0xd6: {  	[spmem:s18] =	stream.indirect.scatter.add.f32 [tilespmem:s16], [sflag:$0x8], $0x80, s0, s12, $0xb8;
	[tilespmem:$0x18D00] =	vst v63  }
0xd7: {  	_ =	swait.ge [sflag:s2], $0x2800  }
0xd8: {  	[sflag:s2] =	ssyncset.done $0x0  }
0xd9: {  	[sflag:s2] =	ssyncadd.s32 $0xFFFFD800  }
0xda: {  	_ =	swait.ge [sflag:s3], $0x80  }
0xdb: {  	[sflag:s3] =	ssyncset.done $0x0  }
0xdc: {  	[sflag:s3] =	ssyncadd.s32 $0xFFFFFF80  }
0xdd: {  	_ =	swait.ge [sflag:s3], $0x80  }
0xde: {  	p1 =	seq.s32 s6, $0x7C0;
	[sflag:s3] =	ssyncset.done $0x0  }
.Ltmp2:
0xdf: {  	[sflag:s3] =	ssyncadd.s32 $0xFFFFFF80;
	(pc) =	sbr.rel @p1 .LBB2_4-.Ltmp2, $4  }
0xe0: {  	[tilespmem:s16], [sflag:$0x6] =	stream.indirect.gather [hbm4b:s21+s12], $0x80, s30, s12, $0xb8;
	[tilespmem:$0x18D00] =	vst v63  }
0xe1: {  	_ =	swait.ge [sflag:s17], $0x2800  }
0xe2: {  	[sflag:s17] =	ssyncset.done $0x0  }
0xe3: {  	[sflag:s17] =	ssyncadd.s32 $0xFFFFD800  }
0xe4: {  	s4 =	sadd.s32 $0xFFFFFF80, s5  }
0xe5: {  	s7 =	sand.u32 $0x7C00, s4  }
0xe6: {  	s4 =	sand.u32 $0x200, s4;
	s7 =	sadd.s32 s1, s7  }
0xe7: {  	s4 =	sor.u32 s4, s7  }
0xe8: {  	s4 =	sshrl.u32 s4, $0x3  }
0xe9: {  	s31 =	sadd.s32 s22, s4  }
0xea: {  	[tilespmem:s10], [sflag:$0x1] =	stream.linear.gather [hbm4b:s31+s10], $0x80, $0x38;
	[tilespmem:$0x18D00] =	vst v63  }
0xeb: {  	s4 =	sadd.s32 s23, s4  }
0xec: {  	[tilespmem:s8], [sflag:$0x1] =	stream.linear.gather [hbm4b:s4+s10], $0x80, $0x38;
	[tilespmem:$0x18D00] =	vst v63  }
0xed: {  	_ = 	snop  }
0xee: {  	[spmem:s18] =	stream.indirect.scatter.add.f32 [tilespmem:s13], [sflag:$0x7], $0x80, s20, s12, $0xb8;
	[tilespmem:$0x18D00] =	vst v63  }
0xef: {  	_ =	swait.ge [sflag:s26], $0x2800  }
0xf0: {  	[sflag:s26] =	ssyncset.done $0x0  }
0xf1: {  	[sflag:s26] =	ssyncadd.s32 $0xFFFFD800  }
0xf2: {  	_ =	swait.ge [sflag:s11], $0x80  }
0xf3: {  	[sflag:s11] =	ssyncset.done $0x0  }
0xf4: {  	[sflag:s11] =	ssyncadd.s32 $0xFFFFFF80  }
0xf5: {  	_ =	swait.ge [sflag:s11], $0x80  }
0xf6: {  	s7 =	sand.u32 $0x7C00, s5;
	[sflag:s11] =	ssyncset.done $0x0  }
0xf7: {  	s31 =	sand.u32 $0x280, s5;
	s4 =	sadd.s32 s1, s7;
	[sflag:s11] =	ssyncadd.s32 $0xFFFFFF80  }
0xf8: {  	[tilespmem:s13], [sflag:$0x5] =	stream.indirect.gather [hbm4b:s21+s12], $0x80, s10, s12, $0xb8;
	[tilespmem:$0x18D00] =	vst v63  }
0xf9: {  	s4 =	sor.u32 s31, s4;
	_ =	swait.ge [sflag:s29], $0x2800  }
0xfa: {  	s4 =	sshrl.u32 s4, $0x3;
	[sflag:s29] =	ssyncset.done $0x0  }
0xfb: {  	s31 =	sadd.s32 s22, s4;
	[sflag:s29] =	ssyncadd.s32 $0xFFFFD800  }
0xfc: {  	[tilespmem:s9], [sflag:$0x2] =	stream.linear.gather [hbm4b:s31+s10], $0x80, $0x38;
	[tilespmem:$0x18D00] =	vst v63  }
.Ltmp3:
0xfd: {  	_ = 	snop;
	(pc) =	sbr.rel .LBB2_2-.Ltmp3, $4  }
0xfe: {  	s4 =	sadd.s32 s23, s4  }
0xff: {  	[tilespmem:s0], [sflag:$0x2] =	stream.linear.gather [hbm4b:s4+s10], $0x80, $0x38;
	[tilespmem:$0x18D00] =	vst v63  }
0x100: {  	s6 =	sadd.s32 $0x40, s6;
	s5 =	sadd.s32 $0x200, s5  }
0x101: {  	[spmem:s18] =	stream.indirect.scatter.add.f32 [tilespmem:s16], [sflag:$0x8], $0x80, s15, s12, $0xb8;
	[tilespmem:$0x18D00] =	vst v63  }
.LBB2_5:
0x102: {  	_ =	sfence.sel $0x180000  }
0x103: {  	[bflag:$0x0] =	sbarrier.arrive $0xFFFF  }
0x104: {  	_ =	strace $0x9000004A  }
0x105: {  	s0 =	stileid.u32;
	[bflag:$0x2] =	sbarrier.arrive $0xFFFF  }
0x106: {  	p0 =	sne.s32 s0, $0x0;
	s0 =	rddreg [dreg:$0x3]  }
0x107: {  	s0 =	sadd.s32 @!p0 $0x100000, s0  }
0x108: {  	[sflag:s0] =	ssyncadd.tile.s32 @!p0 $0x1;
	_ =	shalt  }
.Lfunc_end2:
_tile_overlayer_lowered:
.L_overlay_start_2:
0x109: {  	(tag) =	ssettag $0x2  }
0x10a: {  	s0 =	rddreg [dreg:$0x0];
	s2 =	stileid.u32  }
0x10b: {  	s1 =	rddreg [dreg:$0x1];
	p0 =	sne.s32 s2, $0x0  }
0x10c: {  	s3 =	rddreg [dreg:$0x2];
	[bflag:$0x3] =	sbarrier.arrive $0xFFFF;
	s2 =	simm.s32 @!p0 $0x1C09  }
0x10d: {  	[timem:s3], [sflag:s2] =	dma.local @!p0 [hbm:s0], s1  }
0x10e: {  	s0 =	simm.s32 @!p0 $0x9  }
0x10f: {  	_ =	swait.ge @!p0 [sflag:s0], s1  }
0x110: {  	s1 =	ssub.s32 @!p0 $0x0, s1;
	[sflag:s0] =	ssyncset.done @!p0 $0x0  }
0x111: {  	[sflag:s0] =	ssyncadd.s32 @!p0 s1  }
0x112: {  	[bflag:$0x3] =	sbarrier.arrive $0xFFFF  }
0x113: {  	_ =	shalt  }

// kernel: kernel.18.cloned.1.call-start
scs
__scs_entry_jumppad:
0x0: {  	(pc) =	sbr.rel $0x88, $3  }
0x1: {  	(tag) =	ssettag $0x0;
	lr =	simm.s32 $0x1  }
0x2: {  	[smem:$0x3F95] =	sst lr;
	_ =	strace $0xD0000000  }
0x3: {  	_ = 	snop  }
0x4: {  	_ = 	snop  }
0x5: {  	_ = 	snop  }
0x6: {  	_ = 	snop  }
0x7: {  	_ = 	snop  }
__scs_overlays_trampoline_lowered:
0x8: {  	[smem:$0x3FA4] =	sst s0  }
0x9: {  	[smem:$0x3FA5] =	sst s1  }
0xa: {  	[smem:$0x3FA6] =	sst s2  }
0xb: {  	[smem:$0x3FA7] =	sst s3  }
0xc: {  	[smem:$0x3FA8] =	sst s4  }
0xd: {  	[smem:$0x3FA9] =	sst s5  }
0xe: {  	[smem:$0x3FAA] =	sst s6  }
0xf: {  	[smem:$0x3FAB] =	sst s7  }
0x10: {  	[smem:$0x3FAC] =	sst s8  }
0x11: {  	[smem:$0x3FAD] =	sst s9;
	s0 =	simm.s32 @!p0 $0x0  }
0x12: {  	s1 =	sld [smem:$0x3F93];
	s0 =	simm.s32 @p0 $0x1  }
0x13: {  	[smem:$0x3FAE] =	sst s0;
	s0 =	simm.s32 @!p1 $0x0  }
0x14: {  	s2 =	sld [smem:$0x3F92];
	s0 =	simm.s32 @p1 $0x1  }
0x15: {  	[smem:$0x3FAF] =	sst s0;
	s0 =	simm.s32 @!p2 $0x0  }
0x16: {  	s3 =	sld [smem:$0x3FDB];
	s0 =	simm.s32 @p2 $0x1  }
0x17: {  	s4 =	simm.s32 $0x1BF5;
	[smem:$0x3FB1] =	sst s0  }
0x18: {  	s0 =	sld [smem:$0x3F94];
	_ =	swait.ge [sflag:s4], $0x0  }
0x19: {  	s7 =	sld [smem:$0x3F95]  }
0x1a: {  	s8 =	sadd.s32 $0xFFFFE003, lr  }
0x1b: {  	s9 =	sadd.s32 $0xFFFFFEF7, lr;
	s5 =	simm.s32 $0xFFFFFFFF;
	p2 =	slt.u32 s8, $0xFFFFF086  }
0x1c: {  	p1 =	slt.u32 s9, $0xF7A;
	s5 =	simm.s32 @!p2 $0x0  }
0x1d: {  	s5 =	simm.s32 @p1 $0x1;
	p0 =	seq.s32 s7, s2  }
0x1e: {  	s7 =	smul.u32 @!p0 $0xF7A, s2;
	p2 =	seq.s32 @!p0 s5, $0x0  }
0x1f: {  	s9 =	smul.u32 $0xF7A, s1;
	s8 =	simm.s32 @!p0 $0x1BF5;
	p2 =	por !p2, p0  }
0x20: {  	[sflag:s8] =	ssyncset.s32 @!p0 $0xFFFFF086;
	s6 =	sadd.s32 @!p0 s3, s7;
	s7 =	simm.s32 @!p0 $0x108  }
0x21: {  	s3 =	sadd.s32 s3, s9;
	s6 =	sadd.s32 @!p0 $0x88, s6;
	s7 =	simm.s32 @p2 $0x1082  }
0x22: {  	[simem:s7], [sflag:s8] =	dma.local @!p0 [hbm:s6], $0xF7A  }
0x23: {  	s9 =	sor.u32 $0xD0000000, s2;
	s6 =	simm.s32 $0x108;
	_ =	swait.ge @!p0 [sflag:s8], $0x0  }
0x24: {  	s3 =	sadd.s32 $0x88, s3;
	s6 =	simm.s32 @!p1 $0x1082;
	[sflag:s4] =	ssyncset.s32 $0xFFFFF086  }
0x25: {  	[simem:s6], [sflag:s4] =	dma.local [hbm:s3], $0xF7A  }
0x26: {  	[smem:$0x3F95] =	sst s1;
	(tag) =	ssettag s2;
	_ =	strace s9  }
0x27: {  	s1 =	sld [smem:$0x3FA5]  }
0x28: {  	s2 =	sld [smem:$0x3FA6]  }
0x29: {  	s4 =	sld [smem:$0x3FA8]  }
0x2a: {  	p0 =	seq.s32 s5, $0x0;
	s5 =	sld [smem:$0x3FA9]  }
0x2b: {  	s6 =	sld [smem:$0x3FAA]  }
0x2c: {  	s7 =	sld [smem:$0x3FAB]  }
0x2d: {  	s3 =	simm.s32 $0x108;
	s8 =	sld [smem:$0x3FAC]  }
0x2e: {  	s3 =	simm.s32 @!p0 $0x1082;
	s9 =	sld [smem:$0x3FAD]  }
0x2f: {  	lr =	sadd.s32 s0, s3;
	s0 =	sld [smem:$0x3FA4]  }
0x30: {  	s3 =	sld [smem:$0x3FA7]  }
0x31: {  	[smem:$0x3FB0] =	sst s10  }
0x32: {  	s10 =	sld [smem:$0x3FAE];
	_ =	sdelay $0x3  }
0x33: {  	p0 =	seq.s32 s10, $0x1;
	s10 =	sld [smem:$0x3FB0];
	_ =	sdelay $0x3  }
0x34: {  	[smem:$0x3FB0] =	sst s10  }
0x35: {  	s10 =	sld [smem:$0x3FAF];
	_ =	sdelay $0x3  }
0x36: {  	p1 =	seq.s32 s10, $0x1;
	s10 =	sld [smem:$0x3FB0];
	_ =	sdelay $0x3  }
0x37: {  	[smem:$0x3FB0] =	sst s10  }
0x38: {  	s10 =	sld [smem:$0x3FB1]  }
0x39: {  	_ = 	snop;
	(pc) =	sbr.ind lr, $3  }
0x3a: {  	_ = 	snop  }
0x3b: {  	_ = 	snop  }
0x3c: {  	p2 =	seq.s32 s10, $0x1;
	s10 =	sld [smem:$0x3FB0]  }
0x3d: {  	_ =	shalt  }
0x3e: {  	_ =	shalt  }
0x3f: {  	_ =	shalt  }
0x40: {  	_ =	shalt  }
0x41: {  	_ =	shalt  }
0x42: {  	_ =	shalt  }
0x43: {  	_ =	shalt  }
0x44: {  	_ =	shalt  }
0x45: {  	_ =	shalt  }
0x46: {  	_ =	shalt  }
0x47: {  	_ =	shalt  }
0x48: {  	_ =	shalt  }
0x49: {  	_ =	shalt  }
0x4a: {  	_ =	shalt  }
0x4b: {  	_ =	shalt  }
0x4c: {  	_ =	shalt  }
0x4d: {  	_ =	shalt  }
0x4e: {  	_ =	shalt  }
0x4f: {  	_ =	shalt  }
0x50: {  	_ =	shalt  }
0x51: {  	_ =	shalt  }
0x52: {  	_ =	shalt  }
0x53: {  	_ =	shalt  }
0x54: {  	_ =	shalt  }
0x55: {  	_ =	shalt  }
0x56: {  	_ =	shalt  }
0x57: {  	_ =	shalt  }
0x58: {  	_ =	shalt  }
0x59: {  	_ =	shalt  }
0x5a: {  	_ =	shalt  }
0x5b: {  	_ =	shalt  }
0x5c: {  	_ =	shalt  }
0x5d: {  	_ =	shalt  }
0x5e: {  	_ =	shalt  }
0x5f: {  	_ =	shalt  }
0x60: {  	_ =	shalt  }
0x61: {  	_ =	shalt  }
0x62: {  	_ =	shalt  }
0x63: {  	_ =	shalt  }
0x64: {  	_ =	shalt  }
0x65: {  	_ =	shalt  }
0x66: {  	_ =	shalt  }
0x67: {  	_ =	shalt  }
0x68: {  	_ =	shalt  }
0x69: {  	_ =	shalt  }
0x6a: {  	_ =	shalt  }
0x6b: {  	_ =	shalt  }
0x6c: {  	_ =	shalt  }
0x6d: {  	_ =	shalt  }
0x6e: {  	_ =	shalt  }
0x6f: {  	_ =	shalt  }
0x70: {  	_ =	shalt  }
0x71: {  	_ =	shalt  }
0x72: {  	_ =	shalt  }
0x73: {  	_ =	shalt  }
0x74: {  	_ =	shalt  }
0x75: {  	_ =	shalt  }
0x76: {  	_ =	shalt  }
0x77: {  	_ =	shalt  }
0x78: {  	_ =	shalt  }
0x79: {  	_ =	shalt  }
0x7a: {  	_ =	shalt  }
0x7b: {  	_ =	shalt  }
0x7c: {  	_ =	shalt  }
0x7d: {  	_ =	shalt  }
0x7e: {  	_ =	shalt  }
0x7f: {  	_ =	shalt  }
0x80: {  	_ =	shalt  }
0x81: {  	_ =	shalt  }
0x82: {  	_ =	shalt  }
0x83: {  	_ =	shalt  }
0x84: {  	_ =	shalt  }
0x85: {  	_ =	shalt  }
0x86: {  	_ =	shalt  }
0x87: {  	_ =	shalt  }
.Lfunc_end0:
.L_simem_size_0:
called_computation.2_lowered:
.L_overlay_start_0:
0x88: {  	s2 =	sld [smem:$0x3FD9]  }
0x89: {  	s3 =	sld [smem:$0x3FFE];
	_ =	sdelay $0x1  }
0x8a: {  	s1 =	srdreg.scid  }
0x8b: {  	s0 =	sand.u32 $0x1, s1  }
0x8c: {  	s14 =	sshll.u32 s0, $0xA;
	s2 =	sadd.s32 s3, s2  }
0x8d: {  	s2 =	sadd.s32 s2, s14  }
0x8e: {  	[smem:$0x3FBC] =	sst s2  }
0x8f: {  	_ = 	snop  }
0x90: {  	s2 =	sld [smem:$0x3FD0];
	_ =	sdelay $0x2  }
0x91: {  	s15 =	simm.s32 $0xA;
	s4 =	simm.s32 $0x10  }
0x92: {  	[smem:s4], [sflag:s15] =	dma.local [hbm:s2], $0x1  }
0x93: {  	_ =	swait.eq [sflag:s15], $0x1  }
0x94: {  	[sflag:s15] =	ssyncset.done $0x0  }
0x95: {  	[sflag:s15] =	ssyncadd.s32 $0xFFFFFFFF  }
0x96: {  	s16 =	sld [smem:$0x10];
	(tm) =	ssettm $0x1  }
0x97: {  	s17 =	sld [smem:$0x3FFB];
	_ =	sdelay $0x3  }
0x98: {  	_ =	strace s17  }
0x99: {  	s3 =	sld [smem:$0x3FFC];
	_ =	sdelay $0x3  }
0x9a: {  	_ =	strace s3  }
0x9b: {  	s3 =	sld [smem:$0x3FFD];
	_ =	sdelay $0x3  }
0x9c: {  	_ =	strace s3  }
0x9d: {  	_ =	strace $0x8FFFFFFF  }
0x9e: {  	s18 =	sld [smem:$0x3FDB];
	_ =	sdelay $0x1  }
0x9f: {  	s19 =	simm.s32 $_scs_section_size  }
0xa0: {  	s5 =	simm.s32 $_size__tile_overlayer_lowered;
	s6 =	simm.s32 $_tile_overlayer_lowered  }
0xa1: {  	s22 =	simm.s32 $0x1BFF;
	s21 =	sshll.u32 s6, $0x1;
	s3 =	sadd.s32 s19, s18  }
0xa2: {  	s7 =	simm.s32 $0x0;
	s20 =	sshll.u32 s5, $0x1;
	s5 =	sadd.s32 s21, s3  }
0xa3: {  	[timem:s7], [sflag:s22] =	dma.local [hbm:s5], s20  }
0xa4: {  	_ =	swait.ge [sflag:s22], s20  }
0xa5: {  	s4 =	ssub.s32 $0x0, s20;
	[sflag:s22] =	ssyncset.done $0x0  }
0xa6: {  	[sflag:s22] =	ssyncadd.s32 s4;
	_ =	sdelay $0x1  }
0xa7: {  	s23 =	simm.s32 $0x1B8B  }
0xa8: {  	_ =	swait.ge [sflag:s23], $0x1  }
0xa9: {  	[sflag:s23] =	ssyncset.done $0x0  }
0xaa: {  	s25 =	simm.s32 $0x1B8E;
	s24 =	sld [smem:$0x3FFE];
	[sflag:s23] =	ssyncadd.s32 $0xFFFFFFFF  }
0xab: {  	s26 =	simm.s32 $execute0_lowered;
	[smem:$0x3FD2] =	sst s25  }
0xac: {  	s5 =	sshll.u32 s26, $0x1;
	_ =	strace $0x8000004C;
	[dreg:$0x1] =	wrdreg $0xFFFFFFFF  }
0xad: {  	s28 =	simm.s32 $_size_execute0_lowered;
	s3 =	sadd.s32 s3, s5;
	[dreg:$0x0] =	wrdreg $0x0  }
0xae: {  	s5 =	sshll.u32 s28, $0x1;
	[dreg:$0x2] =	wrdreg s3  }
0xaf: {  	[dreg:$0x3] =	wrdreg s5  }
0xb0: {  	[dreg:$0x4] =	wrdreg $0xC0  }
0xb1: {  	_ =	task [dreg:s7], $0x5FFFF  }
0xb2: {  	[dreg:$0x1] =	wrdreg $0xFFFFFFFF  }
0xb3: {  	[dreg:$0x0] =	wrdreg $0x60  }
0xb4: {  	[dreg:$0x2] =	wrdreg s24  }
0xb5: {  	[dreg:$0x3] =	wrdreg s16  }
0xb6: {  	[dreg:$0x4] =	wrdreg $0x54000  }
0xb7: {  	[dreg:$0x5] =	wrdreg $0x9  }
0xb8: {  	_ =	task.clear_ibuf [dreg:s7], $0x6FFFF;
	_ =	strace $0x9000004C  }
0xb9: {  	s29 =	simm.s32 $0x9;
	_ =	strace $0x8000004E  }
0xba: {  	_ =	swait.ge [sflag:s29], $0x1  }
0xbb: {  	[sflag:s29] =	ssyncadd.s32 $0xFFFFFFFF  }
0xbc: {  	_ =	strace $0x9000004E  }
0xbd: {  	_ =	sfence  }
0xbe: {  	s30 =	sld [smem:$0x0];
	_ =	sdelay $0x2  }
0xbf: {  	s31 =	sshll.u32 s1, $0xD;
	s1 =	sshrl.u32 s1, $0x2  }
0xc0: {  	s3 =	sand.u32 $0x4000, s31;
	s1 =	sadd.s32 s1, s30  }
0xc1: {  	s0 =	sor.u32 s3, s0;
	s1 =	sshll.u32 s1, $0x11  }
0xc2: {  	s0 =	sor.u32 s1, s0  }
0xc3: {  	s0 =	sadd.s32 $0x8F2B, s0  }
0xc4: {  	[sflag:s0] =	ssyncadd.remote.s32 $0x1  }
0xc5: {  	_ =	sfence.sel $0xFFFF  }
0xc6: {  	[dreg:$0x0] =	wrdreg $0xFFFFFFFF;
	(pc) =	sbr.abs _section_cstart, $3  }
0xc7: {  	[dreg:$0x1] =	wrdreg $0xFFFFFFFF  }
0xc8: {  	_ =	task.clear_ibuf [dreg:s7], $0x2FFFF;
	_ =	strace $0x9FFFFFFF  }
0xc9: {  	(tm) =	ssettm $0x7FFFFFFF  }
tec
execute0_lowered:
.L_overlay_start_1:
0x0: {  	(tag) =	ssettag $0x1  }
0x1: {  	s26 =	stileid.u32  }
0x2: {  	s0 =	srdreg.scid;
	s9 =	smul.u32 $0x500, s26  }
0x3: {  	s1 =	sand.u32 $0x1, s0;
	s21 =	smul.u32 $0x2800, s26  }
0x4: {  	s7 =	sor.u32 $0x10, s26;
	s8 =	smul.u32 $0x138800, s1  }
0x5: {  	s5 =	sor.u32 $0x20, s26;
	s10 =	smul.u32 $0x500, s7  }
0x6: {  	s6 =	sor.u32 $0x30, s26;
	s11 =	smul.u32 $0x500, s5  }
0x7: {  	s4 =	sor.u32 $0x40, s26;
	s12 =	smul.u32 $0x500, s6  }
0x8: {  	s3 =	sor.u32 $0x50, s26;
	s13 =	smul.u32 $0x500, s4  }
0x9: {  	s2 =	sor.u32 $0x60, s26;
	s14 =	smul.u32 $0x500, s3  }
0xa: {  	s17 =	rddreg [dreg:$0x1];
	s0 =	sor.u32 $0x70, s26;
	s16 =	smul.u32 $0x500, s2  }
0xb: {  	s28 =	simm.s32 $0x3;
	s29 =	simm.s32 $0x6;
	s19 =	smul.u32 $0x500, s0  }
0xc: {  	s30 =	simm.s32 $0x180;
	s20 =	sshll.u32 s26, $0xF;
	s25 =	smul.u32 $0x2800, s6  }
0xd: {  	s15 =	ssub.s32 $0x2, s1;
	s1 =	sshll.u32 s1, $0xE;
	s6 =	smul.u32 $0xA000, s6  }
0xe: {  	p0 =	sgt.u32 s0, $0x7C;
	s1 =	sor.u32 s1, s20;
	s20 =	smul.u32 $0x2800, s3  }
0xf: {  	s18 =	sshrl.u32 s15, $0x1;
	s9 =	sadd.s32 s17, s9;
	s3 =	smul.u32 $0xA000, s3  }
0x10: {  	s15 =	ssub.s32 s15, s18;
	s18 =	smul.u32 $0x2800, s7;
	[dreg:$0x4] =	wrdreg s9  }
0x11: {  	s22 =	sadd.s32 s17, s10;
	s9 =	smul.u32 $0x2800, s5;
	s23 =	sadd.s32 s17, s11  }
0x12: {  	s24 =	sadd.s32 s17, s12;
	s12 =	sadd.s32 s17, s13;
	[dreg:$0x5] =	wrdreg s22  }
0x13: {  	s13 =	sadd.s32 s17, s14;
	s14 =	smul.u32 $0x2800, s4;
	[dreg:$0x6] =	wrdreg s23  }
0x14: {  	s16 =	sadd.s32 s17, s16;
	s19 =	sadd.s32 s17, s19;
	[dreg:$0x7] =	wrdreg s24  }
0x15: {  	s21 =	sadd.s32 s8, s21;
	s7 =	smul.u32 $0xA000, s7;
	[dreg:$0x8] =	wrdreg s12  }
0x16: {  	s10 =	simm.s32 $0x0;
	s5 =	smul.u32 $0xA000, s5;
	[dreg:$0x9] =	wrdreg s13  }
0x17: {  	s4 =	smul.u32 $0xA000, s4;
	s6 =	sshrl.u32 s6, $0x2;
	[dreg:$0xa] =	wrdreg s16  }
0x18: {  	[dreg:$0xb] =	wrdreg s19;
	s23 =	smul.u32 $0x2800, s2;
	s24 =	sadd.s32 s8, s25  }
0x19: {  	s25 =	smul.u32 $0x2800, s0;
	s12 =	sadd.s32 s8, s20;
	s19 =	rddreg [dreg:$0x0]  }
0x1a: {  	[smem:$0x7FF] =	sst s10;
	s13 =	sshrl.u32 s21, $0x3;
	s2 =	smul.u32 $0xA000, s2  }
0x1b: {  	s0 =	smul.u32 $0xA000, s0;
	s3 =	sshrl.u32 s3, $0x2;
	s22 =	sadd.s32 s8, s18  }
0x1c: {  	s9 =	sadd.s32 s8, s9;
	s11 =	sadd.s32 s8, s14;
	s20 =	sadd.s32 $0x72400, s19  }
0x1d: {  	s21 =	sshrl.u32 s24, $0x3;
	s7 =	sshrl.u32 s7, $0x2;
	s5 =	sshrl.u32 s5, $0x2  }
0x1e: {  	s4 =	sshrl.u32 s4, $0x2;
	s16 =	sadd.s32 s8, s23;
	s8 =	sadd.s32 s8, s25  }
0x1f: {  	s13 =	sadd.s32 s20, s13;
	s18 =	sshrl.u32 s22, $0x3;
	s9 =	sshrl.u32 s9, $0x3  }
0x20: {  	s22 =	sshrl.u32 s11, $0x3;
	s23 =	sshrl.u32 s12, $0x3;
	s11 =	sshrl.u32 s1, $0x3  }
0x21: {  	s2 =	sshrl.u32 s2, $0x2;
	s0 =	sshrl.u32 s0, $0x2;
	[dreg:$0xc] =	wrdreg s13  }
0x22: {  	s13 =	sadd.s32 s20, s18;
	s9 =	sadd.s32 s20, s9;
	s18 =	rddreg [dreg:$0x2]  }
0x23: {  	s24 =	sadd.s32 s20, s23;
	s25 =	sshrl.u32 s16, $0x3;
	[dreg:$0xd] =	wrdreg s13  }
0x24: {  	s8 =	sshrl.u32 s8, $0x3;
	s23 =	sadd.s32 $0x52400, s19;
	[dreg:$0xe] =	wrdreg s9  }
0x25: {  	s12 =	sor.u32 $0x10, s11;
	s9 =	sadd.s32 s20, s21;
	[dreg:$0x11] =	wrdreg s24  }
0x26: {  	s8 =	sadd.s32 s20, s8;
	s21 =	sadd.s32 $0x3C00, s19;
	s13 =	smul.u32 $0xA000, s26  }
0x27: {  	s16 =	sadd.s32 s23, s12;
	s7 =	sadd.s32 s7, s18;
	[dreg:$0xf] =	wrdreg s9  }
0x28: {  	s5 =	sadd.s32 s5, s18;
	s9 =	sadd.s32 s20, s22;
	[dreg:$0x13] =	wrdreg s8  }
0x29: {  	s22 =	sadd.s32 $0x62400, s19;
	[dreg:$0x10] =	wrdreg s9;
	s9 =	sadd.s32 s20, s25  }
0x2a: {  	s4 =	sadd.s32 s4, s18;
	s14 =	sadd.s32 s22, s12;
	[dreg:$0x12] =	wrdreg s9  }
0x2b: {  	s3 =	sadd.s32 s3, s18;
	_ =	strace $0x8000004D;
	[dreg:$0x14] =	wrdreg s14  }
0x2c: {  	s19 =	smax.u32 s15, $0x1;
	s17 =	sshrl.u32 s13, $0x2;
	[dreg:$0x15] =	wrdreg s16  }
0x2d: {  	s2 =	sadd.s32 s2, s18;
	s8 =	sadd.s32 s17, s18;
	[dreg:$0x16] =	wrdreg s19  }
0x2e: {  	s0 =	sadd.s32 s0, s18;
	s15 =	simm.s32 $0x380;
	[dreg:$0x17] =	wrdreg s8  }
0x2f: {  	s24 =	sadd.s32 s11, s22;
	s25 =	sadd.s32 s11, s23;
	[dreg:$0x19] =	wrdreg s7  }
0x30: {  	s20 =	sshll.u32 s26, $0x6;
	s26 =	sadd.s32 s6, s18;
	[dreg:$0x1a] =	wrdreg s5  }
0x31: {  	s6 =	simm.s32 $0x9;
	s11 =	simm.s32 $0x1;
	[dreg:$0x1b] =	wrdreg s26  }
0x32: {  	s12 =	simm.s32 $0x50;
	s13 =	simm.s32 $0x400;
	[dreg:$0x1c] =	wrdreg s4  }
0x33: {  	s31 =	sor.u32 $0x1C09, s20;
	s9 =	simm.s32 $0x80;
	[dreg:$0x1d] =	wrdreg s3  }
.Ltmp0:
0x34: {  	s17 =	simm.s32 $0x5;
	[dreg:$0x1e] =	wrdreg s2;
	(pc) =	sbr.rel .LBB2_1-.Ltmp0, $4  }
0x35: {  	s20 =	simm.s32 $0x300;
	[dreg:$0x1f] =	wrdreg s0;
	s8 =	simm.s32 $0x200  }
0x36: {  	s14 =	simm.s32 $0x2;
	s16 =	simm.s32 $0x2C00;
	s19 =	simm.s32 $0x100  }
0x37: {  	s26 =	simm.s32 $0x7;
	s0 =	simm.s32 $0x280;
	s2 =	simm.s32 $0x8  }
0x38: {  	s3 =	simm.s32 $0x4;
	s7 =	simm.s32 $0x0;
	[dreg:$0x18] =	wrdreg s31  }
.LBB2_4:
0x39: {  	[spmem:s18] =	stream.indirect.scatter.add.f32 [tilespmem:s13], [sflag:$0x7], $0x80, s20, s12, $0xb8;
	[tilespmem:$0x18D00] =	vst v63  }
0x3a: {  	_ =	swait.ge [sflag:s29], $0x2800  }
0x3b: {  	[sflag:s29] =	ssyncset.done $0x0  }
0x3c: {  	[sflag:s29] =	ssyncadd.s32 $0xFFFFD800  }
0x3d: {  	[spmem:s18] =	stream.indirect.scatter.add.f32 [tilespmem:s16], [sflag:$0x8], $0x80, s15, s12, $0xb8;
	[tilespmem:$0x18D00] =	vst v63  }
0x3e: {  	_ =	swait.ge [sflag:s26], $0x2800  }
0x3f: {  	[sflag:s26] =	ssyncset.done $0x0  }
0x40: {  	[sflag:s26] =	ssyncadd.s32 $0xFFFFD800  }
0x41: {  	_ =	swait.ge [sflag:s2], $0x2800  }
0x42: {  	[sflag:s2] =	ssyncset.done $0x0  }
0x43: {  	[sflag:s2] =	ssyncadd.s32 $0xFFFFD800  }
0x44: {  	[bflag:$0x0] =	sbarrier.arrive $0xFFFF  }
0x45: {  	s5 =	sld [smem:$0x7F6]  }
0x46: {  	s4 =	rddreg [dreg:$0xc]  }
0x47: {  	s6 =	simm.s32 $0x9;
	s31 =	rddreg [dreg:$0x18]  }
0x48: {  	[hbm:s4], [sflag:s31] =	dma.local [spmem:s5], $0x500  }
0x49: {  	_ =	swait.ge [sflag:s6], $0x500  }
0x4a: {  	s7 =	sld [smem:$0x7F7]  }
0x4b: {  	[sflag:s6] =	ssyncset.done $0x0  }
0x4c: {  	s5 =	rddreg [dreg:$0xd];
	[sflag:s6] =	ssyncadd.s32 $0xFFFFFB00  }
0x4d: {  	[hbm:s5], [sflag:s31] =	dma.local [spmem:s7], $0x500  }
0x4e: {  	_ =	swait.ge [sflag:s6], $0x500  }
0x4f: {  	s7 =	sld [smem:$0x7F8]  }
0x50: {  	[sflag:s6] =	ssyncset.done $0x0  }
0x51: {  	s5 =	rddreg [dreg:$0xe];
	[sflag:s6] =	ssyncadd.s32 $0xFFFFFB00  }
0x52: {  	[hbm:s5], [sflag:s31] =	dma.local [spmem:s7], $0x500  }
0x53: {  	_ =	swait.ge [sflag:s6], $0x500  }
0x54: {  	s7 =	sld [smem:$0x7F9]  }
0x55: {  	[sflag:s6] =	ssyncset.done $0x0  }
0x56: {  	s5 =	rddreg [dreg:$0xf];
	[sflag:s6] =	ssyncadd.s32 $0xFFFFFB00  }
0x57: {  	[hbm:s5], [sflag:s31] =	dma.local [spmem:s7], $0x500  }
0x58: {  	_ =	swait.ge [sflag:s6], $0x500  }
0x59: {  	s7 =	sld [smem:$0x7FA]  }
0x5a: {  	[sflag:s6] =	ssyncset.done $0x0  }
0x5b: {  	s5 =	rddreg [dreg:$0x10];
	[sflag:s6] =	ssyncadd.s32 $0xFFFFFB00  }
0x5c: {  	[hbm:s5], [sflag:s31] =	dma.local [spmem:s7], $0x500  }
0x5d: {  	_ =	swait.ge [sflag:s6], $0x500  }
0x5e: {  	s7 =	sld [smem:$0x7FB]  }
0x5f: {  	[sflag:s6] =	ssyncset.done $0x0  }
0x60: {  	s5 =	rddreg [dreg:$0x11];
	[sflag:s6] =	ssyncadd.s32 $0xFFFFFB00  }
0x61: {  	[hbm:s5], [sflag:s31] =	dma.local [spmem:s7], $0x500  }
0x62: {  	_ =	swait.ge [sflag:s6], $0x500  }
0x63: {  	s7 =	sld [smem:$0x7FC]  }
0x64: {  	[sflag:s6] =	ssyncset.done $0x0  }
0x65: {  	s5 =	rddreg [dreg:$0x12];
	[sflag:s6] =	ssyncadd.s32 $0xFFFFFB00  }
0x66: {  	[hbm:s5], [sflag:s31] =	dma.local [spmem:s7], $0x500  }
0x67: {  	_ =	swait.ge [sflag:s6], $0x500  }
0x68: {  	s5 =	sld [smem:$0x7FD]  }
0x69: {  	[sflag:s6] =	ssyncset.done $0x0  }
0x6a: {  	s4 =	rddreg [dreg:$0x13];
	[sflag:s6] =	ssyncadd.s32 $0xFFFFFB00  }
0x6b: {  	[hbm:s4], [sflag:s31] =	dma.local @!p0 [spmem:s5], $0x500  }
0x6c: {  	s4 =	simm.s32 @!p0 $0x9  }
0x6d: {  	_ =	swait.ge @!p0 [sflag:s4], $0x500  }
0x6e: {  	s7 =	sld [smem:$0x7F5];
	_ =	sdelay $0x2  }
0x6f: {  	s5 =	rddreg [dreg:$0x16];
	s7 =	sadd.s32 $0x1, s7  }
0x70: {  	p1 =	sne.s32 s7, s5  }
.Ltmp1:
0x71: {  	_ = 	snop;
	(pc) =	sbr.rel @!p1 .LBB2_5-.Ltmp1, $3  }
0x72: {  	_ =	sdelay $0x1  }
0x73: {  	[sflag:s4] =	ssyncset.done @!p0 $0x0  }
0x74: {  	[sflag:s4] =	ssyncadd.s32 @!p0 $0xFFFFFB00  }
.LBB2_1:
0x75: {  	[smem:$0x7F5] =	sst s7  }
0x76: {  	s4 =	rddreg [dreg:$0x17]  }
0x77: {  	s7 =	rddreg [dreg:$0x4];
	s5 =	sshrl.u32 s4, $0x3  }
0x78: {  	[smem:$0x7F6] =	sst s5  }
0x79: {  	[spmem:s5], [sflag:s31] =	dma.local [hbm:s7], $0x500  }
0x7a: {  	_ =	swait.ge [sflag:s6], $0x500  }
0x7b: {  	s7 =	rddreg [dreg:$0x19]  }
0x7c: {  	[sflag:s6] =	ssyncset.done $0x0;
	s4 =	sshrl.u32 s7, $0x3;
	s7 =	rddreg [dreg:$0x5]  }
0x7d: {  	[sflag:s6] =	ssyncadd.s32 $0xFFFFFB00;
	[smem:$0x7F7] =	sst s4  }
0x7e: {  	[spmem:s4], [sflag:s31] =	dma.local [hbm:s7], $0x500  }
0x7f: {  	_ =	swait.ge [sflag:s6], $0x500  }
0x80: {  	s7 =	rddreg [dreg:$0x1a]  }
0x81: {  	[sflag:s6] =	ssyncset.done $0x0;
	s4 =	sshrl.u32 s7, $0x3;
	s7 =	rddreg [dreg:$0x6]  }
0x82: {  	[sflag:s6] =	ssyncadd.s32 $0xFFFFFB00;
	[smem:$0x7F8] =	sst s4  }
0x83: {  	[spmem:s4], [sflag:s31] =	dma.local [hbm:s7], $0x500  }
0x84: {  	_ =	swait.ge [sflag:s6], $0x500  }
0x85: {  	s7 =	rddreg [dreg:$0x1b]  }
0x86: {  	[sflag:s6] =	ssyncset.done $0x0;
	s4 =	sshrl.u32 s7, $0x3;
	s7 =	rddreg [dreg:$0x7]  }
0x87: {  	[sflag:s6] =	ssyncadd.s32 $0xFFFFFB00;
	[smem:$0x7F9] =	sst s4  }
0x88: {  	[spmem:s4], [sflag:s31] =	dma.local [hbm:s7], $0x500  }
0x89: {  	_ =	swait.ge [sflag:s6], $0x500  }
0x8a: {  	s7 =	rddreg [dreg:$0x1c]  }
0x8b: {  	[sflag:s6] =	ssyncset.done $0x0;
	s4 =	sshrl.u32 s7, $0x3;
	s7 =	rddreg [dreg:$0x8]  }
0x8c: {  	[sflag:s6] =	ssyncadd.s32 $0xFFFFFB00;
	[smem:$0x7FA] =	sst s4  }
0x8d: {  	[spmem:s4], [sflag:s31] =	dma.local [hbm:s7], $0x500  }
0x8e: {  	_ =	swait.ge [sflag:s6], $0x500  }
0x8f: {  	s7 =	rddreg [dreg:$0x1d]  }
0x90: {  	[sflag:s6] =	ssyncset.done $0x0;
	s4 =	sshrl.u32 s7, $0x3;
	s7 =	rddreg [dreg:$0x9]  }
0x91: {  	[sflag:s6] =	ssyncadd.s32 $0xFFFFFB00;
	[smem:$0x7FB] =	sst s4  }
0x92: {  	[spmem:s4], [sflag:s31] =	dma.local [hbm:s7], $0x500  }
0x93: {  	_ =	swait.ge [sflag:s6], $0x500  }
0x94: {  	s7 =	rddreg [dreg:$0x1e]  }
0x95: {  	[sflag:s6] =	ssyncset.done $0x0;
	s4 =	sshrl.u32 s7, $0x3;
	s7 =	rddreg [dreg:$0xa]  }
0x96: {  	[sflag:s6] =	ssyncadd.s32 $0xFFFFFB00;
	[smem:$0x7FC] =	sst s4  }
0x97: {  	[spmem:s4], [sflag:s31] =	dma.local [hbm:s7], $0x500  }
0x98: {  	_ =	swait.ge [sflag:s6], $0x500  }
0x99: {  	s4 =	rddreg [dreg:$0x1f]  }
0x9a: {  	[sflag:s6] =	ssyncset.done $0x0;
	s5 =	sshrl.u32 @!p0 s4, $0x3;
	s4 =	rddreg [dreg:$0xb]  }
0x9b: {  	[sflag:s6] =	ssyncadd.s32 $0xFFFFFB00;
	[smem:$0x7FD] =	sst s5  }
0x9c: {  	[spmem:s5], [sflag:s31] =	dma.local @!p0 [hbm:s4], $0x500  }
0x9d: {  	s5 =	simm.s32 @!p0 $0x9  }
0x9e: {  	_ =	swait.ge @!p0 [sflag:s5], $0x500  }
0x9f: {  	[sflag:s5] =	ssyncset.done @!p0 $0x0  }
0xa0: {  	[sflag:s5] =	ssyncadd.s32 @!p0 $0xFFFFFB00  }
0xa1: {  	[bflag:$0x0] =	sbarrier.arrive $0xFFFF  }
0xa2: {  	[tilespmem:s10], [sflag:$0x1] =	stream.linear.gather [hbm4b:s24+s10], $0x80, $0x38;
	[tilespmem:$0x18D00] =	vst v63  }
0xa3: {  	_ = 	snop  }
0xa4: {  	[tilespmem:s8], [sflag:$0x1] =	stream.linear.gather [hbm4b:s25+s10], $0x80, $0x38;
	[tilespmem:$0x18D00] =	vst v63  }
0xa5: {  	s7 =	rddreg [dreg:$0x14]  }
0xa6: {  	[tilespmem:s9], [sflag:$0x2] =	stream.linear.gather [hbm4b:s7+s10], $0x80, $0x38;
	[tilespmem:$0x18D00] =	vst v63  }
0xa7: {  	s31 =	rddreg [dreg:$0x15]  }
0xa8: {  	[tilespmem:s0], [sflag:$0x2] =	stream.linear.gather [hbm4b:s31+s10], $0x80, $0x38;
	[tilespmem:$0x18D00] =	vst v63  }
0xa9: {  	_ =	swait.ge [sflag:s11], $0x80  }
0xaa: {  	[sflag:s11] =	ssyncset.done $0x0  }
0xab: {  	[sflag:s11] =	ssyncadd.s32 $0xFFFFFF80  }
0xac: {  	_ =	swait.ge [sflag:s11], $0x80  }
0xad: {  	[sflag:s11] =	ssyncset.done $0x0  }
0xae: {  	s6 =	simm.s32 $0x0;
	s5 =	simm.s32 $0x280;
	[sflag:s11] =	ssyncadd.s32 $0xFFFFFF80  }
0xaf: {  	[tilespmem:s13], [sflag:$0x5] =	stream.indirect.gather [hbm4b:s21+s12], $0x80, s10, s12, $0xb8;
	[tilespmem:$0x18D00] =	vst v63  }
.LBB2_2:
0xb0: {  	p1 =	seq.s32 s6, $0x0  }
0xb1: {  	s4 =	simm.s32 @!p1 $0x8  }
0xb2: {  	_ =	swait.ge @!p1 [sflag:s4], $0x2800  }
0xb3: {  	[sflag:s4] =	ssyncset.done @!p1 $0x0  }
0xb4: {  	[sflag:s4] =	ssyncadd.s32 @!p1 $0xFFFFD800  }
0xb5: {  	_ =	swait.ge [sflag:s14], $0x80  }
0xb6: {  	[sflag:s14] =	ssyncset.done $0x0  }
0xb7: {  	[sflag:s14] =	ssyncadd.s32 $0xFFFFFF80  }
0xb8: {  	_ =	swait.ge [sflag:s14], $0x80  }
0xb9: {  	[sflag:s14] =	ssyncset.done $0x0  }
0xba: {  	[sflag:s14] =	ssyncadd.s32 $0xFFFFFF80  }
0xbb: {  	[tilespmem:s16], [sflag:$0x6] =	stream.indirect.gather [hbm4b:s21+s12], $0x80, s9, s12, $0xb8;
	[tilespmem:$0x18D00] =	vst v63  }
0xbc: {  	_ =	swait.ge [sflag:s17], $0x2800  }
0xbd: {  	s4 =	sadd.s32 s6, s24;
	[sflag:s17] =	ssyncset.done $0x0  }
0xbe: {  	s31 =	sadd.s32 $0x20, s4;
	[sflag:s17] =	ssyncadd.s32 $0xFFFFD800  }
0xbf: {  	[tilespmem:s19], [sflag:$0x3] =	stream.linear.gather [hbm4b:s31+s10], $0x80, $0x38;
	[tilespmem:$0x18D00] =	vst v63  }
0xc0: {  	s31 =	sadd.s32 s6, s25  }
0xc1: {  	s7 =	sadd.s32 $0x20, s31  }
0xc2: {  	[tilespmem:s20], [sflag:$0x3] =	stream.linear.gather [hbm4b:s7+s10], $0x80, $0x38;
	[tilespmem:$0x18D00] =	vst v63  }
0xc3: {  	_ = 	snop  }
0xc4: {  	[spmem:s18] =	stream.indirect.scatter.add.f32 [tilespmem:s13], [sflag:$0x7], $0x80, s8, s12, $0xb8;
	[tilespmem:$0x18D00] =	vst v63  }
0xc5: {  	_ =	swait.ge [sflag:s26], $0x2800  }
0xc6: {  	[sflag:s26] =	ssyncset.done $0x0  }
0xc7: {  	[sflag:s26] =	ssyncadd.s32 $0xFFFFD800  }
0xc8: {  	_ =	swait.ge [sflag:s28], $0x80  }
0xc9: {  	[sflag:s28] =	ssyncset.done $0x0  }
0xca: {  	[sflag:s28] =	ssyncadd.s32 $0xFFFFFF80  }
0xcb: {  	_ =	swait.ge [sflag:s28], $0x80  }
0xcc: {  	[sflag:s28] =	ssyncset.done $0x0  }
0xcd: {  	[sflag:s28] =	ssyncadd.s32 $0xFFFFFF80  }
0xce: {  	[tilespmem:s13], [sflag:$0x5] =	stream.indirect.gather [hbm4b:s21+s12], $0x80, s19, s12, $0xb8;
	[tilespmem:$0x18D00] =	vst v63  }
0xcf: {  	_ =	swait.ge [sflag:s29], $0x2800  }
0xd0: {  	[sflag:s29] =	ssyncset.done $0x0  }
0xd1: {  	s4 =	sadd.s32 $0x30, s4;
	[sflag:s29] =	ssyncadd.s32 $0xFFFFD800  }
0xd2: {  	[tilespmem:s30], [sflag:$0x4] =	stream.linear.gather [hbm4b:s4+s10], $0x80, $0x38;
	[tilespmem:$0x18D00] =	vst v63  }
0xd3: {  	s31 =	sadd.s32 $0x30, s31  }
0xd4: {  	[tilespmem:s15], [sflag:$0x4] =	stream.linear.gather [hbm4b:s31+s10], $0x80, $0x38;
	[tilespmem:$0x18D00] =	vst v63  }
0xd5: {  	_ = 	snop  }
0xd6: {  	[spmem:s18] =	stream.indirect.scatter.add.f32 [tilespmem:s16], [sflag:$0x8], $0x80, s0, s12, $0xb8;
	[tilespmem:$0x18D00] =	vst v63  }
0xd7: {  	_ =	swait.ge [sflag:s2], $0x2800  }
0xd8: {  	[sflag:s2] =	ssyncset.done $0x0  }
0xd9: {  	[sflag:s2] =	ssyncadd.s32 $0xFFFFD800  }
0xda: {  	_ =	swait.ge [sflag:s3], $0x80  }
0xdb: {  	[sflag:s3] =	ssyncset.done $0x0  }
0xdc: {  	[sflag:s3] =	ssyncadd.s32 $0xFFFFFF80  }
0xdd: {  	_ =	swait.ge [sflag:s3], $0x80  }
0xde: {  	p1 =	seq.s32 s6, $0x7C0;
	[sflag:s3] =	ssyncset.done $0x0  }
.Ltmp2:
0xdf: {  	[sflag:s3] =	ssyncadd.s32 $0xFFFFFF80;
	(pc) =	sbr.rel @p1 .LBB2_4-.Ltmp2, $4  }
0xe0: {  	[tilespmem:s16], [sflag:$0x6] =	stream.indirect.gather [hbm4b:s21+s12], $0x80, s30, s12, $0xb8;
	[tilespmem:$0x18D00] =	vst v63  }
0xe1: {  	_ =	swait.ge [sflag:s17], $0x2800  }
0xe2: {  	[sflag:s17] =	ssyncset.done $0x0  }
0xe3: {  	[sflag:s17] =	ssyncadd.s32 $0xFFFFD800  }
0xe4: {  	s4 =	sadd.s32 $0xFFFFFF80, s5  }
0xe5: {  	s7 =	sand.u32 $0x7C00, s4  }
0xe6: {  	s4 =	sand.u32 $0x200, s4;
	s7 =	sadd.s32 s1, s7  }
0xe7: {  	s4 =	sor.u32 s4, s7  }
0xe8: {  	s4 =	sshrl.u32 s4, $0x3  }
0xe9: {  	s31 =	sadd.s32 s22, s4  }
0xea: {  	[tilespmem:s10], [sflag:$0x1] =	stream.linear.gather [hbm4b:s31+s10], $0x80, $0x38;
	[tilespmem:$0x18D00] =	vst v63  }
0xeb: {  	s4 =	sadd.s32 s23, s4  }
0xec: {  	[tilespmem:s8], [sflag:$0x1] =	stream.linear.gather [hbm4b:s4+s10], $0x80, $0x38;
	[tilespmem:$0x18D00] =	vst v63  }
0xed: {  	_ = 	snop  }
0xee: {  	[spmem:s18] =	stream.indirect.scatter.add.f32 [tilespmem:s13], [sflag:$0x7], $0x80, s20, s12, $0xb8;
	[tilespmem:$0x18D00] =	vst v63  }
0xef: {  	_ =	swait.ge [sflag:s26], $0x2800  }
0xf0: {  	[sflag:s26] =	ssyncset.done $0x0  }
0xf1: {  	[sflag:s26] =	ssyncadd.s32 $0xFFFFD800  }
0xf2: {  	_ =	swait.ge [sflag:s11], $0x80  }
0xf3: {  	[sflag:s11] =	ssyncset.done $0x0  }
0xf4: {  	[sflag:s11] =	ssyncadd.s32 $0xFFFFFF80  }
0xf5: {  	_ =	swait.ge [sflag:s11], $0x80  }
0xf6: {  	s7 =	sand.u32 $0x7C00, s5;
	[sflag:s11] =	ssyncset.done $0x0  }
0xf7: {  	s31 =	sand.u32 $0x280, s5;
	s4 =	sadd.s32 s1, s7;
	[sflag:s11] =	ssyncadd.s32 $0xFFFFFF80  }
0xf8: {  	[tilespmem:s13], [sflag:$0x5] =	stream.indirect.gather [hbm4b:s21+s12], $0x80, s10, s12, $0xb8;
	[tilespmem:$0x18D00] =	vst v63  }
0xf9: {  	s4 =	sor.u32 s31, s4;
	_ =	swait.ge [sflag:s29], $0x2800  }
0xfa: {  	s4 =	sshrl.u32 s4, $0x3;
	[sflag:s29] =	ssyncset.done $0x0  }
0xfb: {  	s31 =	sadd.s32 s22, s4;
	[sflag:s29] =	ssyncadd.s32 $0xFFFFD800  }
0xfc: {  	[tilespmem:s9], [sflag:$0x2] =	stream.linear.gather [hbm4b:s31+s10], $0x80, $0x38;
	[tilespmem:$0x18D00] =	vst v63  }
.Ltmp3:
0xfd: {  	_ = 	snop;
	(pc) =	sbr.rel .LBB2_2-.Ltmp3, $4  }
0xfe: {  	s4 =	sadd.s32 s23, s4  }
0xff: {  	[tilespmem:s0], [sflag:$0x2] =	stream.linear.gather [hbm4b:s4+s10], $0x80, $0x38;
	[tilespmem:$0x18D00] =	vst v63  }
0x100: {  	s6 =	sadd.s32 $0x40, s6;
	s5 =	sadd.s32 $0x200, s5  }
0x101: {  	[spmem:s18] =	stream.indirect.scatter.add.f32 [tilespmem:s16], [sflag:$0x8], $0x80, s15, s12, $0xb8;
	[tilespmem:$0x18D00] =	vst v63  }
.LBB2_5:
0x102: {  	_ =	sfence.sel $0x180000  }
0x103: {  	[bflag:$0x0] =	sbarrier.arrive $0xFFFF  }
0x104: {  	_ =	strace $0x9000004D  }
0x105: {  	s0 =	stileid.u32;
	[bflag:$0x2] =	sbarrier.arrive $0xFFFF  }
0x106: {  	p0 =	sne.s32 s0, $0x0;
	s0 =	rddreg [dreg:$0x3]  }
0x107: {  	s0 =	sadd.s32 @!p0 $0x100000, s0  }
0x108: {  	[sflag:s0] =	ssyncadd.tile.s32 @!p0 $0x1;
	_ =	shalt  }
.Lfunc_end2:
_tile_overlayer_lowered:
.L_overlay_start_2:
0x109: {  	(tag) =	ssettag $0x2  }
0x10a: {  	s0 =	rddreg [dreg:$0x0];
	s2 =	stileid.u32  }
0x10b: {  	s1 =	rddreg [dreg:$0x1];
	p0 =	sne.s32 s2, $0x0  }
0x10c: {  	s3 =	rddreg [dreg:$0x2];
	[bflag:$0x3] =	sbarrier.arrive $0xFFFF;
	s2 =	simm.s32 @!p0 $0x1C09  }
0x10d: {  	[timem:s3], [sflag:s2] =	dma.local @!p0 [hbm:s0], s1  }
0x10e: {  	s0 =	simm.s32 @!p0 $0x9  }
0x10f: {  	_ =	swait.ge @!p0 [sflag:s0], s1  }
0x110: {  	s1 =	ssub.s32 @!p0 $0x0, s1;
	[sflag:s0] =	ssyncset.done @!p0 $0x0  }
0x111: {  	[sflag:s0] =	ssyncadd.s32 @!p0 s1  }
0x112: {  	[bflag:$0x3] =	sbarrier.arrive $0xFFFF  }
0x113: {  	_ =	shalt  }

// kernel: kernel.21.cloned.1.call-start
scs
__scs_entry_jumppad:
0x0: {  	(pc) =	sbr.rel $0x88, $3  }
0x1: {  	(tag) =	ssettag $0x0;
	lr =	simm.s32 $0x1  }
0x2: {  	[smem:$0x3F95] =	sst lr;
	_ =	strace $0xD0000000  }
0x3: {  	_ = 	snop  }
0x4: {  	_ = 	snop  }
0x5: {  	_ = 	snop  }
0x6: {  	_ = 	snop  }
0x7: {  	_ = 	snop  }
__scs_overlays_trampoline_lowered:
0x8: {  	[smem:$0x3FA4] =	sst s0  }
0x9: {  	[smem:$0x3FA5] =	sst s1  }
0xa: {  	[smem:$0x3FA6] =	sst s2  }
0xb: {  	[smem:$0x3FA7] =	sst s3  }
0xc: {  	[smem:$0x3FA8] =	sst s4  }
0xd: {  	[smem:$0x3FA9] =	sst s5  }
0xe: {  	[smem:$0x3FAA] =	sst s6  }
0xf: {  	[smem:$0x3FAB] =	sst s7  }
0x10: {  	[smem:$0x3FAC] =	sst s8  }
0x11: {  	[smem:$0x3FAD] =	sst s9;
	s0 =	simm.s32 @!p0 $0x0  }
0x12: {  	s1 =	sld [smem:$0x3F93];
	s0 =	simm.s32 @p0 $0x1  }
0x13: {  	[smem:$0x3FAE] =	sst s0;
	s0 =	simm.s32 @!p1 $0x0  }
0x14: {  	s2 =	sld [smem:$0x3F92];
	s0 =	simm.s32 @p1 $0x1  }
0x15: {  	[smem:$0x3FAF] =	sst s0;
	s0 =	simm.s32 @!p2 $0x0  }
0x16: {  	s3 =	sld [smem:$0x3FDB];
	s0 =	simm.s32 @p2 $0x1  }
0x17: {  	s4 =	simm.s32 $0x1BF5;
	[smem:$0x3FB1] =	sst s0  }
0x18: {  	s0 =	sld [smem:$0x3F94];
	_ =	swait.ge [sflag:s4], $0x0  }
0x19: {  	s7 =	sld [smem:$0x3F95]  }
0x1a: {  	s8 =	sadd.s32 $0xFFFFE003, lr  }
0x1b: {  	s9 =	sadd.s32 $0xFFFFFEF7, lr;
	s5 =	simm.s32 $0xFFFFFFFF;
	p2 =	slt.u32 s8, $0xFFFFF086  }
0x1c: {  	p1 =	slt.u32 s9, $0xF7A;
	s5 =	simm.s32 @!p2 $0x0  }
0x1d: {  	s5 =	simm.s32 @p1 $0x1;
	p0 =	seq.s32 s7, s2  }
0x1e: {  	s7 =	smul.u32 @!p0 $0xF7A, s2;
	p2 =	seq.s32 @!p0 s5, $0x0  }
0x1f: {  	s9 =	smul.u32 $0xF7A, s1;
	s8 =	simm.s32 @!p0 $0x1BF5;
	p2 =	por !p2, p0  }
0x20: {  	[sflag:s8] =	ssyncset.s32 @!p0 $0xFFFFF086;
	s6 =	sadd.s32 @!p0 s3, s7;
	s7 =	simm.s32 @!p0 $0x108  }
0x21: {  	s3 =	sadd.s32 s3, s9;
	s6 =	sadd.s32 @!p0 $0x88, s6;
	s7 =	simm.s32 @p2 $0x1082  }
0x22: {  	[simem:s7], [sflag:s8] =	dma.local @!p0 [hbm:s6], $0xF7A  }
0x23: {  	s9 =	sor.u32 $0xD0000000, s2;
	s6 =	simm.s32 $0x108;
	_ =	swait.ge @!p0 [sflag:s8], $0x0  }
0x24: {  	s3 =	sadd.s32 $0x88, s3;
	s6 =	simm.s32 @!p1 $0x1082;
	[sflag:s4] =	ssyncset.s32 $0xFFFFF086  }
0x25: {  	[simem:s6], [sflag:s4] =	dma.local [hbm:s3], $0xF7A  }
0x26: {  	[smem:$0x3F95] =	sst s1;
	(tag) =	ssettag s2;
	_ =	strace s9  }
0x27: {  	s1 =	sld [smem:$0x3FA5]  }
0x28: {  	s2 =	sld [smem:$0x3FA6]  }
0x29: {  	s4 =	sld [smem:$0x3FA8]  }
0x2a: {  	p0 =	seq.s32 s5, $0x0;
	s5 =	sld [smem:$0x3FA9]  }
0x2b: {  	s6 =	sld [smem:$0x3FAA]  }
0x2c: {  	s7 =	sld [smem:$0x3FAB]  }
0x2d: {  	s3 =	simm.s32 $0x108;
	s8 =	sld [smem:$0x3FAC]  }
0x2e: {  	s3 =	simm.s32 @!p0 $0x1082;
	s9 =	sld [smem:$0x3FAD]  }
0x2f: {  	lr =	sadd.s32 s0, s3;
	s0 =	sld [smem:$0x3FA4]  }
0x30: {  	s3 =	sld [smem:$0x3FA7]  }
0x31: {  	[smem:$0x3FB0] =	sst s10  }
0x32: {  	s10 =	sld [smem:$0x3FAE];
	_ =	sdelay $0x3  }
0x33: {  	p0 =	seq.s32 s10, $0x1;
	s10 =	sld [smem:$0x3FB0];
	_ =	sdelay $0x3  }
0x34: {  	[smem:$0x3FB0] =	sst s10  }
0x35: {  	s10 =	sld [smem:$0x3FAF];
	_ =	sdelay $0x3  }
0x36: {  	p1 =	seq.s32 s10, $0x1;
	s10 =	sld [smem:$0x3FB0];
	_ =	sdelay $0x3  }
0x37: {  	[smem:$0x3FB0] =	sst s10  }
0x38: {  	s10 =	sld [smem:$0x3FB1]  }
0x39: {  	_ = 	snop;
	(pc) =	sbr.ind lr, $3  }
0x3a: {  	_ = 	snop  }
0x3b: {  	_ = 	snop  }
0x3c: {  	p2 =	seq.s32 s10, $0x1;
	s10 =	sld [smem:$0x3FB0]  }
0x3d: {  	_ =	shalt  }
0x3e: {  	_ =	shalt  }
0x3f: {  	_ =	shalt  }
0x40: {  	_ =	shalt  }
0x41: {  	_ =	shalt  }
0x42: {  	_ =	shalt  }
0x43: {  	_ =	shalt  }
0x44: {  	_ =	shalt  }
0x45: {  	_ =	shalt  }
0x46: {  	_ =	shalt  }
0x47: {  	_ =	shalt  }
0x48: {  	_ =	shalt  }
0x49: {  	_ =	shalt  }
0x4a: {  	_ =	shalt  }
0x4b: {  	_ =	shalt  }
0x4c: {  	_ =	shalt  }
0x4d: {  	_ =	shalt  }
0x4e: {  	_ =	shalt  }
0x4f: {  	_ =	shalt  }
0x50: {  	_ =	shalt  }
0x51: {  	_ =	shalt  }
0x52: {  	_ =	shalt  }
0x53: {  	_ =	shalt  }
0x54: {  	_ =	shalt  }
0x55: {  	_ =	shalt  }
0x56: {  	_ =	shalt  }
0x57: {  	_ =	shalt  }
0x58: {  	_ =	shalt  }
0x59: {  	_ =	shalt  }
0x5a: {  	_ =	shalt  }
0x5b: {  	_ =	shalt  }
0x5c: {  	_ =	shalt  }
0x5d: {  	_ =	shalt  }
0x5e: {  	_ =	shalt  }
0x5f: {  	_ =	shalt  }
0x60: {  	_ =	shalt  }
0x61: {  	_ =	shalt  }
0x62: {  	_ =	shalt  }
0x63: {  	_ =	shalt  }
0x64: {  	_ =	shalt  }
0x65: {  	_ =	shalt  }
0x66: {  	_ =	shalt  }
0x67: {  	_ =	shalt  }
0x68: {  	_ =	shalt  }
0x69: {  	_ =	shalt  }
0x6a: {  	_ =	shalt  }
0x6b: {  	_ =	shalt  }
0x6c: {  	_ =	shalt  }
0x6d: {  	_ =	shalt  }
0x6e: {  	_ =	shalt  }
0x6f: {  	_ =	shalt  }
0x70: {  	_ =	shalt  }
0x71: {  	_ =	shalt  }
0x72: {  	_ =	shalt  }
0x73: {  	_ =	shalt  }
0x74: {  	_ =	shalt  }
0x75: {  	_ =	shalt  }
0x76: {  	_ =	shalt  }
0x77: {  	_ =	shalt  }
0x78: {  	_ =	shalt  }
0x79: {  	_ =	shalt  }
0x7a: {  	_ =	shalt  }
0x7b: {  	_ =	shalt  }
0x7c: {  	_ =	shalt  }
0x7d: {  	_ =	shalt  }
0x7e: {  	_ =	shalt  }
0x7f: {  	_ =	shalt  }
0x80: {  	_ =	shalt  }
0x81: {  	_ =	shalt  }
0x82: {  	_ =	shalt  }
0x83: {  	_ =	shalt  }
0x84: {  	_ =	shalt  }
0x85: {  	_ =	shalt  }
0x86: {  	_ =	shalt  }
0x87: {  	_ =	shalt  }
.Lfunc_end0:
.L_simem_size_0:
called_computation.3_lowered:
.L_overlay_start_0:
0x88: {  	s2 =	sld [smem:$0x3FD9]  }
0x89: {  	s3 =	sld [smem:$0x3FFE];
	_ =	sdelay $0x1  }
0x8a: {  	s1 =	srdreg.scid  }
0x8b: {  	s0 =	sand.u32 $0x1, s1  }
0x8c: {  	s14 =	sshll.u32 s0, $0xA;
	s2 =	sadd.s32 s3, s2  }
0x8d: {  	s2 =	sadd.s32 s2, s14  }
0x8e: {  	[smem:$0x3FBC] =	sst s2  }
0x8f: {  	_ = 	snop  }
0x90: {  	s2 =	sld [smem:$0x3FD0];
	_ =	sdelay $0x2  }
0x91: {  	s15 =	simm.s32 $0xA;
	s4 =	simm.s32 $0x10  }
0x92: {  	[smem:s4], [sflag:s15] =	dma.local [hbm:s2], $0x1  }
0x93: {  	_ =	swait.eq [sflag:s15], $0x1  }
0x94: {  	[sflag:s15] =	ssyncset.done $0x0  }
0x95: {  	[sflag:s15] =	ssyncadd.s32 $0xFFFFFFFF  }
0x96: {  	s16 =	sld [smem:$0x10];
	(tm) =	ssettm $0x1  }
0x97: {  	s17 =	sld [smem:$0x3FFB];
	_ =	sdelay $0x3  }
0x98: {  	_ =	strace s17  }
0x99: {  	s3 =	sld [smem:$0x3FFC];
	_ =	sdelay $0x3  }
0x9a: {  	_ =	strace s3  }
0x9b: {  	s3 =	sld [smem:$0x3FFD];
	_ =	sdelay $0x3  }
0x9c: {  	_ =	strace s3  }
0x9d: {  	_ =	strace $0x8FFFFFFF  }
0x9e: {  	s18 =	sld [smem:$0x3FDB];
	_ =	sdelay $0x1  }
0x9f: {  	s19 =	simm.s32 $_scs_section_size  }
0xa0: {  	s5 =	simm.s32 $_size__tile_overlayer_lowered;
	s6 =	simm.s32 $_tile_overlayer_lowered  }
0xa1: {  	s22 =	simm.s32 $0x1BFF;
	s21 =	sshll.u32 s6, $0x1;
	s3 =	sadd.s32 s19, s18  }
0xa2: {  	s7 =	simm.s32 $0x0;
	s20 =	sshll.u32 s5, $0x1;
	s5 =	sadd.s32 s21, s3  }
0xa3: {  	[timem:s7], [sflag:s22] =	dma.local [hbm:s5], s20  }
0xa4: {  	_ =	swait.ge [sflag:s22], s20  }
0xa5: {  	s4 =	ssub.s32 $0x0, s20;
	[sflag:s22] =	ssyncset.done $0x0  }
0xa6: {  	[sflag:s22] =	ssyncadd.s32 s4;
	_ =	sdelay $0x1  }
0xa7: {  	s23 =	simm.s32 $0x1B8B  }
0xa8: {  	_ =	swait.ge [sflag:s23], $0x1  }
0xa9: {  	[sflag:s23] =	ssyncset.done $0x0  }
0xaa: {  	s25 =	simm.s32 $0x1B8E;
	s24 =	sld [smem:$0x3FFE];
	[sflag:s23] =	ssyncadd.s32 $0xFFFFFFFF  }
0xab: {  	s26 =	simm.s32 $execute0_lowered;
	[smem:$0x3FD2] =	sst s25  }
0xac: {  	s5 =	sshll.u32 s26, $0x1;
	_ =	strace $0x8000004F;
	[dreg:$0x1] =	wrdreg $0xFFFFFFFF  }
0xad: {  	s28 =	simm.s32 $_size_execute0_lowered;
	s3 =	sadd.s32 s3, s5;
	[dreg:$0x0] =	wrdreg $0x0  }
0xae: {  	s5 =	sshll.u32 s28, $0x1;
	[dreg:$0x2] =	wrdreg s3  }
0xaf: {  	[dreg:$0x3] =	wrdreg s5  }
0xb0: {  	[dreg:$0x4] =	wrdreg $0xC0  }
0xb1: {  	_ =	task [dreg:s7], $0x5FFFF  }
0xb2: {  	[dreg:$0x1] =	wrdreg $0xFFFFFFFF  }
0xb3: {  	[dreg:$0x0] =	wrdreg $0x60  }
0xb4: {  	[dreg:$0x2] =	wrdreg s24  }
0xb5: {  	[dreg:$0x3] =	wrdreg s16  }
0xb6: {  	[dreg:$0x4] =	wrdreg $0x54000  }
0xb7: {  	[dreg:$0x5] =	wrdreg $0x9  }
0xb8: {  	_ =	task.clear_ibuf [dreg:s7], $0x6FFFF;
	_ =	strace $0x9000004F  }
0xb9: {  	s29 =	simm.s32 $0x9;
	_ =	strace $0x80000051  }
0xba: {  	_ =	swait.ge [sflag:s29], $0x1  }
0xbb: {  	[sflag:s29] =	ssyncadd.s32 $0xFFFFFFFF  }
0xbc: {  	_ =	strace $0x90000051  }
0xbd: {  	_ =	sfence  }
0xbe: {  	s30 =	sld [smem:$0x0];
	_ =	sdelay $0x2  }
0xbf: {  	s31 =	sshll.u32 s1, $0xD;
	s1 =	sshrl.u32 s1, $0x2  }
0xc0: {  	s3 =	sand.u32 $0x4000, s31;
	s1 =	sadd.s32 s1, s30  }
0xc1: {  	s0 =	sor.u32 s3, s0;
	s1 =	sshll.u32 s1, $0x11  }
0xc2: {  	s0 =	sor.u32 s1, s0  }
0xc3: {  	s0 =	sadd.s32 $0x8F2B, s0  }
0xc4: {  	[sflag:s0] =	ssyncadd.remote.s32 $0x1  }
0xc5: {  	_ =	sfence.sel $0xFFFF  }
0xc6: {  	[dreg:$0x0] =	wrdreg $0xFFFFFFFF;
	(pc) =	sbr.abs _section_cstart, $3  }
0xc7: {  	[dreg:$0x1] =	wrdreg $0xFFFFFFFF  }
0xc8: {  	_ =	task.clear_ibuf [dreg:s7], $0x2FFFF;
	_ =	strace $0x9FFFFFFF  }
0xc9: {  	(tm) =	ssettm $0x7FFFFFFF  }
tec
execute0_lowered:
.L_overlay_start_1:
0x0: {  	(tag) =	ssettag $0x1  }
0x1: {  	s26 =	stileid.u32  }
0x2: {  	s0 =	srdreg.scid;
	s9 =	smul.u32 $0x500, s26  }
0x3: {  	s1 =	sand.u32 $0x1, s0;
	s21 =	smul.u32 $0x2800, s26  }
0x4: {  	s7 =	sor.u32 $0x10, s26;
	s8 =	smul.u32 $0x138800, s1  }
0x5: {  	s5 =	sor.u32 $0x20, s26;
	s10 =	smul.u32 $0x500, s7  }
0x6: {  	s6 =	sor.u32 $0x30, s26;
	s11 =	smul.u32 $0x500, s5  }
0x7: {  	s4 =	sor.u32 $0x40, s26;
	s12 =	smul.u32 $0x500, s6  }
0x8: {  	s3 =	sor.u32 $0x50, s26;
	s13 =	smul.u32 $0x500, s4  }
0x9: {  	s2 =	sor.u32 $0x60, s26;
	s14 =	smul.u32 $0x500, s3  }
0xa: {  	s17 =	rddreg [dreg:$0x1];
	s0 =	sor.u32 $0x70, s26;
	s16 =	smul.u32 $0x500, s2  }
0xb: {  	s28 =	simm.s32 $0x3;
	s29 =	simm.s32 $0x6;
	s19 =	smul.u32 $0x500, s0  }
0xc: {  	s30 =	simm.s32 $0x180;
	s20 =	sshll.u32 s26, $0xF;
	s25 =	smul.u32 $0x2800, s6  }
0xd: {  	s15 =	ssub.s32 $0x2, s1;
	s1 =	sshll.u32 s1, $0xE;
	s6 =	smul.u32 $0xA000, s6  }
0xe: {  	p0 =	sgt.u32 s0, $0x7C;
	s1 =	sor.u32 s1, s20;
	s20 =	smul.u32 $0x2800, s3  }
0xf: {  	s18 =	sshrl.u32 s15, $0x1;
	s9 =	sadd.s32 s17, s9;
	s3 =	smul.u32 $0xA000, s3  }
0x10: {  	s15 =	ssub.s32 s15, s18;
	s18 =	smul.u32 $0x2800, s7;
	[dreg:$0x4] =	wrdreg s9  }
0x11: {  	s22 =	sadd.s32 s17, s10;
	s9 =	smul.u32 $0x2800, s5;
	s23 =	sadd.s32 s17, s11  }
0x12: {  	s24 =	sadd.s32 s17, s12;
	s12 =	sadd.s32 s17, s13;
	[dreg:$0x5] =	wrdreg s22  }
0x13: {  	s13 =	sadd.s32 s17, s14;
	s14 =	smul.u32 $0x2800, s4;
	[dreg:$0x6] =	wrdreg s23  }
0x14: {  	s16 =	sadd.s32 s17, s16;
	s19 =	sadd.s32 s17, s19;
	[dreg:$0x7] =	wrdreg s24  }
0x15: {  	s21 =	sadd.s32 s8, s21;
	s7 =	smul.u32 $0xA000, s7;
	[dreg:$0x8] =	wrdreg s12  }
0x16: {  	s10 =	simm.s32 $0x0;
	s5 =	smul.u32 $0xA000, s5;
	[dreg:$0x9] =	wrdreg s13  }
0x17: {  	s4 =	smul.u32 $0xA000, s4;
	s6 =	sshrl.u32 s6, $0x2;
	[dreg:$0xa] =	wrdreg s16  }
0x18: {  	[dreg:$0xb] =	wrdreg s19;
	s23 =	smul.u32 $0x2800, s2;
	s24 =	sadd.s32 s8, s25  }
0x19: {  	s25 =	smul.u32 $0x2800, s0;
	s12 =	sadd.s32 s8, s20;
	s19 =	rddreg [dreg:$0x0]  }
0x1a: {  	[smem:$0x7FF] =	sst s10;
	s13 =	sshrl.u32 s21, $0x3;
	s2 =	smul.u32 $0xA000, s2  }
0x1b: {  	s0 =	smul.u32 $0xA000, s0;
	s3 =	sshrl.u32 s3, $0x2;
	s22 =	sadd.s32 s8, s18  }
0x1c: {  	s9 =	sadd.s32 s8, s9;
	s11 =	sadd.s32 s8, s14;
	s20 =	sadd.s32 $0x72400, s19  }
0x1d: {  	s21 =	sshrl.u32 s24, $0x3;
	s7 =	sshrl.u32 s7, $0x2;
	s5 =	sshrl.u32 s5, $0x2  }
0x1e: {  	s4 =	sshrl.u32 s4, $0x2;
	s16 =	sadd.s32 s8, s23;
	s8 =	sadd.s32 s8, s25  }
0x1f: {  	s13 =	sadd.s32 s20, s13;
	s18 =	sshrl.u32 s22, $0x3;
	s9 =	sshrl.u32 s9, $0x3  }
0x20: {  	s22 =	sshrl.u32 s11, $0x3;
	s23 =	sshrl.u32 s12, $0x3;
	s11 =	sshrl.u32 s1, $0x3  }
0x21: {  	s2 =	sshrl.u32 s2, $0x2;
	s0 =	sshrl.u32 s0, $0x2;
	[dreg:$0xc] =	wrdreg s13  }
0x22: {  	s13 =	sadd.s32 s20, s18;
	s9 =	sadd.s32 s20, s9;
	s18 =	rddreg [dreg:$0x2]  }
0x23: {  	s24 =	sadd.s32 s20, s23;
	s25 =	sshrl.u32 s16, $0x3;
	[dreg:$0xd] =	wrdreg s13  }
0x24: {  	s8 =	sshrl.u32 s8, $0x3;
	s23 =	sadd.s32 $0x52400, s19;
	[dreg:$0xe] =	wrdreg s9  }
0x25: {  	s12 =	sor.u32 $0x10, s11;
	s9 =	sadd.s32 s20, s21;
	[dreg:$0x11] =	wrdreg s24  }
0x26: {  	s8 =	sadd.s32 s20, s8;
	s21 =	sadd.s32 $0x3C00, s19;
	s13 =	smul.u32 $0xA000, s26  }
0x27: {  	s16 =	sadd.s32 s23, s12;
	s7 =	sadd.s32 s7, s18;
	[dreg:$0xf] =	wrdreg s9  }
0x28: {  	s5 =	sadd.s32 s5, s18;
	s9 =	sadd.s32 s20, s22;
	[dreg:$0x13] =	wrdreg s8  }
0x29: {  	s22 =	sadd.s32 $0x62400, s19;
	[dreg:$0x10] =	wrdreg s9;
	s9 =	sadd.s32 s20, s25  }
0x2a: {  	s4 =	sadd.s32 s4, s18;
	s14 =	sadd.s32 s22, s12;
	[dreg:$0x12] =	wrdreg s9  }
0x2b: {  	s3 =	sadd.s32 s3, s18;
	_ =	strace $0x80000050;
	[dreg:$0x14] =	wrdreg s14  }
0x2c: {  	s19 =	smax.u32 s15, $0x1;
	s17 =	sshrl.u32 s13, $0x2;
	[dreg:$0x15] =	wrdreg s16  }
0x2d: {  	s2 =	sadd.s32 s2, s18;
	s8 =	sadd.s32 s17, s18;
	[dreg:$0x16] =	wrdreg s19  }
0x2e: {  	s0 =	sadd.s32 s0, s18;
	s15 =	simm.s32 $0x380;
	[dreg:$0x17] =	wrdreg s8  }
0x2f: {  	s24 =	sadd.s32 s11, s22;
	s25 =	sadd.s32 s11, s23;
	[dreg:$0x19] =	wrdreg s7  }
0x30: {  	s20 =	sshll.u32 s26, $0x6;
	s26 =	sadd.s32 s6, s18;
	[dreg:$0x1a] =	wrdreg s5  }
0x31: {  	s6 =	simm.s32 $0x9;
	s11 =	simm.s32 $0x1;
	[dreg:$0x1b] =	wrdreg s26  }
0x32: {  	s12 =	simm.s32 $0x50;
	s13 =	simm.s32 $0x400;
	[dreg:$0x1c] =	wrdreg s4  }
0x33: {  	s31 =	sor.u32 $0x1C09, s20;
	s9 =	simm.s32 $0x80;
	[dreg:$0x1d] =	wrdreg s3  }
.Ltmp0:
0x34: {  	s17 =	simm.s32 $0x5;
	[dreg:$0x1e] =	wrdreg s2;
	(pc) =	sbr.rel .LBB2_1-.Ltmp0, $4  }
0x35: {  	s20 =	simm.s32 $0x300;
	[dreg:$0x1f] =	wrdreg s0;
	s8 =	simm.s32 $0x200  }
0x36: {  	s14 =	simm.s32 $0x2;
	s16 =	simm.s32 $0x2C00;
	s19 =	simm.s32 $0x100  }
0x37: {  	s26 =	simm.s32 $0x7;
	s0 =	simm.s32 $0x280;
	s2 =	simm.s32 $0x8  }
0x38: {  	s3 =	simm.s32 $0x4;
	s7 =	simm.s32 $0x0;
	[dreg:$0x18] =	wrdreg s31  }
.LBB2_4:
0x39: {  	[spmem:s18] =	stream.indirect.scatter.add.f32 [tilespmem:s13], [sflag:$0x7], $0x80, s20, s12, $0xb8;
	[tilespmem:$0x18D00] =	vst v63  }
0x3a: {  	_ =	swait.ge [sflag:s29], $0x2800  }
0x3b: {  	[sflag:s29] =	ssyncset.done $0x0  }
0x3c: {  	[sflag:s29] =	ssyncadd.s32 $0xFFFFD800  }
0x3d: {  	[spmem:s18] =	stream.indirect.scatter.add.f32 [tilespmem:s16], [sflag:$0x8], $0x80, s15, s12, $0xb8;
	[tilespmem:$0x18D00] =	vst v63  }
0x3e: {  	_ =	swait.ge [sflag:s26], $0x2800  }
0x3f: {  	[sflag:s26] =	ssyncset.done $0x0  }
0x40: {  	[sflag:s26] =	ssyncadd.s32 $0xFFFFD800  }
0x41: {  	_ =	swait.ge [sflag:s2], $0x2800  }
0x42: {  	[sflag:s2] =	ssyncset.done $0x0  }
0x43: {  	[sflag:s2] =	ssyncadd.s32 $0xFFFFD800  }
0x44: {  	[bflag:$0x0] =	sbarrier.arrive $0xFFFF  }
0x45: {  	s5 =	sld [smem:$0x7F6]  }
0x46: {  	s4 =	rddreg [dreg:$0xc]  }
0x47: {  	s6 =	simm.s32 $0x9;
	s31 =	rddreg [dreg:$0x18]  }
0x48: {  	[hbm:s4], [sflag:s31] =	dma.local [spmem:s5], $0x500  }
0x49: {  	_ =	swait.ge [sflag:s6], $0x500  }
0x4a: {  	s7 =	sld [smem:$0x7F7]  }
0x4b: {  	[sflag:s6] =	ssyncset.done $0x0  }
0x4c: {  	s5 =	rddreg [dreg:$0xd];
	[sflag:s6] =	ssyncadd.s32 $0xFFFFFB00  }
0x4d: {  	[hbm:s5], [sflag:s31] =	dma.local [spmem:s7], $0x500  }
0x4e: {  	_ =	swait.ge [sflag:s6], $0x500  }
0x4f: {  	s7 =	sld [smem:$0x7F8]  }
0x50: {  	[sflag:s6] =	ssyncset.done $0x0  }
0x51: {  	s5 =	rddreg [dreg:$0xe];
	[sflag:s6] =	ssyncadd.s32 $0xFFFFFB00  }
0x52: {  	[hbm:s5], [sflag:s31] =	dma.local [spmem:s7], $0x500  }
0x53: {  	_ =	swait.ge [sflag:s6], $0x500  }
0x54: {  	s7 =	sld [smem:$0x7F9]  }
0x55: {  	[sflag:s6] =	ssyncset.done $0x0  }
0x56: {  	s5 =	rddreg [dreg:$0xf];
	[sflag:s6] =	ssyncadd.s32 $0xFFFFFB00  }
0x57: {  	[hbm:s5], [sflag:s31] =	dma.local [spmem:s7], $0x500  }
0x58: {  	_ =	swait.ge [sflag:s6], $0x500  }
0x59: {  	s7 =	sld [smem:$0x7FA]  }
0x5a: {  	[sflag:s6] =	ssyncset.done $0x0  }
0x5b: {  	s5 =	rddreg [dreg:$0x10];
	[sflag:s6] =	ssyncadd.s32 $0xFFFFFB00  }
0x5c: {  	[hbm:s5], [sflag:s31] =	dma.local [spmem:s7], $0x500  }
0x5d: {  	_ =	swait.ge [sflag:s6], $0x500  }
0x5e: {  	s7 =	sld [smem:$0x7FB]  }
0x5f: {  	[sflag:s6] =	ssyncset.done $0x0  }
0x60: {  	s5 =	rddreg [dreg:$0x11];
	[sflag:s6] =	ssyncadd.s32 $0xFFFFFB00  }
0x61: {  	[hbm:s5], [sflag:s31] =	dma.local [spmem:s7], $0x500  }
0x62: {  	_ =	swait.ge [sflag:s6], $0x500  }
0x63: {  	s7 =	sld [smem:$0x7FC]  }
0x64: {  	[sflag:s6] =	ssyncset.done $0x0  }
0x65: {  	s5 =	rddreg [dreg:$0x12];
	[sflag:s6] =	ssyncadd.s32 $0xFFFFFB00  }
0x66: {  	[hbm:s5], [sflag:s31] =	dma.local [spmem:s7], $0x500  }
0x67: {  	_ =	swait.ge [sflag:s6], $0x500  }
0x68: {  	s5 =	sld [smem:$0x7FD]  }
0x69: {  	[sflag:s6] =	ssyncset.done $0x0  }
0x6a: {  	s4 =	rddreg [dreg:$0x13];
	[sflag:s6] =	ssyncadd.s32 $0xFFFFFB00  }
0x6b: {  	[hbm:s4], [sflag:s31] =	dma.local @!p0 [spmem:s5], $0x500  }
0x6c: {  	s4 =	simm.s32 @!p0 $0x9  }
0x6d: {  	_ =	swait.ge @!p0 [sflag:s4], $0x500  }
0x6e: {  	s7 =	sld [smem:$0x7F5];
	_ =	sdelay $0x2  }
0x6f: {  	s5 =	rddreg [dreg:$0x16];
	s7 =	sadd.s32 $0x1, s7  }
0x70: {  	p1 =	sne.s32 s7, s5  }
.Ltmp1:
0x71: {  	_ = 	snop;
	(pc) =	sbr.rel @!p1 .LBB2_5-.Ltmp1, $3  }
0x72: {  	_ =	sdelay $0x1  }
0x73: {  	[sflag:s4] =	ssyncset.done @!p0 $0x0  }
0x74: {  	[sflag:s4] =	ssyncadd.s32 @!p0 $0xFFFFFB00  }
.LBB2_1:
0x75: {  	[smem:$0x7F5] =	sst s7  }
0x76: {  	s4 =	rddreg [dreg:$0x17]  }
0x77: {  	s7 =	rddreg [dreg:$0x4];
	s5 =	sshrl.u32 s4, $0x3  }
0x78: {  	[smem:$0x7F6] =	sst s5  }
0x79: {  	[spmem:s5], [sflag:s31] =	dma.local [hbm:s7], $0x500  }
0x7a: {  	_ =	swait.ge [sflag:s6], $0x500  }
0x7b: {  	s7 =	rddreg [dreg:$0x19]  }
0x7c: {  	[sflag:s6] =	ssyncset.done $0x0;
	s4 =	sshrl.u32 s7, $0x3;
	s7 =	rddreg [dreg:$0x5]  }
0x7d: {  	[sflag:s6] =	ssyncadd.s32 $0xFFFFFB00;
	[smem:$0x7F7] =	sst s4  }
0x7e: {  	[spmem:s4], [sflag:s31] =	dma.local [hbm:s7], $0x500  }
0x7f: {  	_ =	swait.ge [sflag:s6], $0x500  }
0x80: {  	s7 =	rddreg [dreg:$0x1a]  }
0x81: {  	[sflag:s6] =	ssyncset.done $0x0;
	s4 =	sshrl.u32 s7, $0x3;
	s7 =	rddreg [dreg:$0x6]  }
0x82: {  	[sflag:s6] =	ssyncadd.s32 $0xFFFFFB00;
	[smem:$0x7F8] =	sst s4  }
0x83: {  	[spmem:s4], [sflag:s31] =	dma.local [hbm:s7], $0x500  }
0x84: {  	_ =	swait.ge [sflag:s6], $0x500  }
0x85: {  	s7 =	rddreg [dreg:$0x1b]  }
0x86: {  	[sflag:s6] =	ssyncset.done $0x0;
	s4 =	sshrl.u32 s7, $0x3;
	s7 =	rddreg [dreg:$0x7]  }
0x87: {  	[sflag:s6] =	ssyncadd.s32 $0xFFFFFB00;
	[smem:$0x7F9] =	sst s4  }
0x88: {  	[spmem:s4], [sflag:s31] =	dma.local [hbm:s7], $0x500  }
0x89: {  	_ =	swait.ge [sflag:s6], $0x500  }
0x8a: {  	s7 =	rddreg [dreg:$0x1c]  }
0x8b: {  	[sflag:s6] =	ssyncset.done $0x0;
	s4 =	sshrl.u32 s7, $0x3;
	s7 =	rddreg [dreg:$0x8]  }
0x8c: {  	[sflag:s6] =	ssyncadd.s32 $0xFFFFFB00;
	[smem:$0x7FA] =	sst s4  }
0x8d: {  	[spmem:s4], [sflag:s31] =	dma.local [hbm:s7], $0x500  }
0x8e: {  	_ =	swait.ge [sflag:s6], $0x500  }
0x8f: {  	s7 =	rddreg [dreg:$0x1d]  }
0x90: {  	[sflag:s6] =	ssyncset.done $0x0;
	s4 =	sshrl.u32 s7, $0x3;
	s7 =	rddreg [dreg:$0x9]  }
0x91: {  	[sflag:s6] =	ssyncadd.s32 $0xFFFFFB00;
	[smem:$0x7FB] =	sst s4  }
0x92: {  	[spmem:s4], [sflag:s31] =	dma.local [hbm:s7], $0x500  }
0x93: {  	_ =	swait.ge [sflag:s6], $0x500  }
0x94: {  	s7 =	rddreg [dreg:$0x1e]  }
0x95: {  	[sflag:s6] =	ssyncset.done $0x0;
	s4 =	sshrl.u32 s7, $0x3;
	s7 =	rddreg [dreg:$0xa]  }
0x96: {  	[sflag:s6] =	ssyncadd.s32 $0xFFFFFB00;
	[smem:$0x7FC] =	sst s4  }
0x97: {  	[spmem:s4], [sflag:s31] =	dma.local [hbm:s7], $0x500  }
0x98: {  	_ =	swait.ge [sflag:s6], $0x500  }
0x99: {  	s4 =	rddreg [dreg:$0x1f]  }
0x9a: {  	[sflag:s6] =	ssyncset.done $0x0;
	s5 =	sshrl.u32 @!p0 s4, $0x3;
	s4 =	rddreg [dreg:$0xb]  }
0x9b: {  	[sflag:s6] =	ssyncadd.s32 $0xFFFFFB00;
	[smem:$0x7FD] =	sst s5  }
0x9c: {  	[spmem:s5], [sflag:s31] =	dma.local @!p0 [hbm:s4], $0x500  }
0x9d: {  	s5 =	simm.s32 @!p0 $0x9  }
0x9e: {  	_ =	swait.ge @!p0 [sflag:s5], $0x500  }
0x9f: {  	[sflag:s5] =	ssyncset.done @!p0 $0x0  }
0xa0: {  	[sflag:s5] =	ssyncadd.s32 @!p0 $0xFFFFFB00  }
0xa1: {  	[bflag:$0x0] =	sbarrier.arrive $0xFFFF  }
0xa2: {  	[tilespmem:s10], [sflag:$0x1] =	stream.linear.gather [hbm4b:s24+s10], $0x80, $0x38;
	[tilespmem:$0x18D00] =	vst v63  }
0xa3: {  	_ = 	snop  }
0xa4: {  	[tilespmem:s8], [sflag:$0x1] =	stream.linear.gather [hbm4b:s25+s10], $0x80, $0x38;
	[tilespmem:$0x18D00] =	vst v63  }
0xa5: {  	s7 =	rddreg [dreg:$0x14]  }
0xa6: {  	[tilespmem:s9], [sflag:$0x2] =	stream.linear.gather [hbm4b:s7+s10], $0x80, $0x38;
	[tilespmem:$0x18D00] =	vst v63  }
0xa7: {  	s31 =	rddreg [dreg:$0x15]  }
0xa8: {  	[tilespmem:s0], [sflag:$0x2] =	stream.linear.gather [hbm4b:s31+s10], $0x80, $0x38;
	[tilespmem:$0x18D00] =	vst v63  }
0xa9: {  	_ =	swait.ge [sflag:s11], $0x80  }
0xaa: {  	[sflag:s11] =	ssyncset.done $0x0  }
0xab: {  	[sflag:s11] =	ssyncadd.s32 $0xFFFFFF80  }
0xac: {  	_ =	swait.ge [sflag:s11], $0x80  }
0xad: {  	[sflag:s11] =	ssyncset.done $0x0  }
0xae: {  	s6 =	simm.s32 $0x0;
	s5 =	simm.s32 $0x280;
	[sflag:s11] =	ssyncadd.s32 $0xFFFFFF80  }
0xaf: {  	[tilespmem:s13], [sflag:$0x5] =	stream.indirect.gather [hbm4b:s21+s12], $0x80, s10, s12, $0xb8;
	[tilespmem:$0x18D00] =	vst v63  }
.LBB2_2:
0xb0: {  	p1 =	seq.s32 s6, $0x0  }
0xb1: {  	s4 =	simm.s32 @!p1 $0x8  }
0xb2: {  	_ =	swait.ge @!p1 [sflag:s4], $0x2800  }
0xb3: {  	[sflag:s4] =	ssyncset.done @!p1 $0x0  }
0xb4: {  	[sflag:s4] =	ssyncadd.s32 @!p1 $0xFFFFD800  }
0xb5: {  	_ =	swait.ge [sflag:s14], $0x80  }
0xb6: {  	[sflag:s14] =	ssyncset.done $0x0  }
0xb7: {  	[sflag:s14] =	ssyncadd.s32 $0xFFFFFF80  }
0xb8: {  	_ =	swait.ge [sflag:s14], $0x80  }
0xb9: {  	[sflag:s14] =	ssyncset.done $0x0  }
0xba: {  	[sflag:s14] =	ssyncadd.s32 $0xFFFFFF80  }
0xbb: {  	[tilespmem:s16], [sflag:$0x6] =	stream.indirect.gather [hbm4b:s21+s12], $0x80, s9, s12, $0xb8;
	[tilespmem:$0x18D00] =	vst v63  }
0xbc: {  	_ =	swait.ge [sflag:s17], $0x2800  }
0xbd: {  	s4 =	sadd.s32 s6, s24;
	[sflag:s17] =	ssyncset.done $0x0  }
0xbe: {  	s31 =	sadd.s32 $0x20, s4;
	[sflag:s17] =	ssyncadd.s32 $0xFFFFD800  }
0xbf: {  	[tilespmem:s19], [sflag:$0x3] =	stream.linear.gather [hbm4b:s31+s10], $0x80, $0x38;
	[tilespmem:$0x18D00] =	vst v63  }
0xc0: {  	s31 =	sadd.s32 s6, s25  }
0xc1: {  	s7 =	sadd.s32 $0x20, s31  }
0xc2: {  	[tilespmem:s20], [sflag:$0x3] =	stream.linear.gather [hbm4b:s7+s10], $0x80, $0x38;
	[tilespmem:$0x18D00] =	vst v63  }
0xc3: {  	_ = 	snop  }
0xc4: {  	[spmem:s18] =	stream.indirect.scatter.add.f32 [tilespmem:s13], [sflag:$0x7], $0x80, s8, s12, $0xb8;
	[tilespmem:$0x18D00] =	vst v63  }
0xc5: {  	_ =	swait.ge [sflag:s26], $0x2800  }
0xc6: {  	[sflag:s26] =	ssyncset.done $0x0  }
0xc7: {  	[sflag:s26] =	ssyncadd.s32 $0xFFFFD800  }
0xc8: {  	_ =	swait.ge [sflag:s28], $0x80  }
0xc9: {  	[sflag:s28] =	ssyncset.done $0x0  }
0xca: {  	[sflag:s28] =	ssyncadd.s32 $0xFFFFFF80  }
0xcb: {  	_ =	swait.ge [sflag:s28], $0x80  }
0xcc: {  	[sflag:s28] =	ssyncset.done $0x0  }
0xcd: {  	[sflag:s28] =	ssyncadd.s32 $0xFFFFFF80  }
0xce: {  	[tilespmem:s13], [sflag:$0x5] =	stream.indirect.gather [hbm4b:s21+s12], $0x80, s19, s12, $0xb8;
	[tilespmem:$0x18D00] =	vst v63  }
0xcf: {  	_ =	swait.ge [sflag:s29], $0x2800  }
0xd0: {  	[sflag:s29] =	ssyncset.done $0x0  }
0xd1: {  	s4 =	sadd.s32 $0x30, s4;
	[sflag:s29] =	ssyncadd.s32 $0xFFFFD800  }
0xd2: {  	[tilespmem:s30], [sflag:$0x4] =	stream.linear.gather [hbm4b:s4+s10], $0x80, $0x38;
	[tilespmem:$0x18D00] =	vst v63  }
0xd3: {  	s31 =	sadd.s32 $0x30, s31  }
0xd4: {  	[tilespmem:s15], [sflag:$0x4] =	stream.linear.gather [hbm4b:s31+s10], $0x80, $0x38;
	[tilespmem:$0x18D00] =	vst v63  }
0xd5: {  	_ = 	snop  }
0xd6: {  	[spmem:s18] =	stream.indirect.scatter.add.f32 [tilespmem:s16], [sflag:$0x8], $0x80, s0, s12, $0xb8;
	[tilespmem:$0x18D00] =	vst v63  }
0xd7: {  	_ =	swait.ge [sflag:s2], $0x2800  }
0xd8: {  	[sflag:s2] =	ssyncset.done $0x0  }
0xd9: {  	[sflag:s2] =	ssyncadd.s32 $0xFFFFD800  }
0xda: {  	_ =	swait.ge [sflag:s3], $0x80  }
0xdb: {  	[sflag:s3] =	ssyncset.done $0x0  }
0xdc: {  	[sflag:s3] =	ssyncadd.s32 $0xFFFFFF80  }
0xdd: {  	_ =	swait.ge [sflag:s3], $0x80  }
0xde: {  	p1 =	seq.s32 s6, $0x7C0;
	[sflag:s3] =	ssyncset.done $0x0  }
.Ltmp2:
0xdf: {  	[sflag:s3] =	ssyncadd.s32 $0xFFFFFF80;
	(pc) =	sbr.rel @p1 .LBB2_4-.Ltmp2, $4  }
0xe0: {  	[tilespmem:s16], [sflag:$0x6] =	stream.indirect.gather [hbm4b:s21+s12], $0x80, s30, s12, $0xb8;
	[tilespmem:$0x18D00] =	vst v63  }
0xe1: {  	_ =	swait.ge [sflag:s17], $0x2800  }
0xe2: {  	[sflag:s17] =	ssyncset.done $0x0  }
0xe3: {  	[sflag:s17] =	ssyncadd.s32 $0xFFFFD800  }
0xe4: {  	s4 =	sadd.s32 $0xFFFFFF80, s5  }
0xe5: {  	s7 =	sand.u32 $0x7C00, s4  }
0xe6: {  	s4 =	sand.u32 $0x200, s4;
	s7 =	sadd.s32 s1, s7  }
0xe7: {  	s4 =	sor.u32 s4, s7  }
0xe8: {  	s4 =	sshrl.u32 s4, $0x3  }
0xe9: {  	s31 =	sadd.s32 s22, s4  }
0xea: {  	[tilespmem:s10], [sflag:$0x1] =	stream.linear.gather [hbm4b:s31+s10], $0x80, $0x38;
	[tilespmem:$0x18D00] =	vst v63  }
0xeb: {  	s4 =	sadd.s32 s23, s4  }
0xec: {  	[tilespmem:s8], [sflag:$0x1] =	stream.linear.gather [hbm4b:s4+s10], $0x80, $0x38;
	[tilespmem:$0x18D00] =	vst v63  }
0xed: {  	_ = 	snop  }
0xee: {  	[spmem:s18] =	stream.indirect.scatter.add.f32 [tilespmem:s13], [sflag:$0x7], $0x80, s20, s12, $0xb8;
	[tilespmem:$0x18D00] =	vst v63  }
0xef: {  	_ =	swait.ge [sflag:s26], $0x2800  }
0xf0: {  	[sflag:s26] =	ssyncset.done $0x0  }
0xf1: {  	[sflag:s26] =	ssyncadd.s32 $0xFFFFD800  }
0xf2: {  	_ =	swait.ge [sflag:s11], $0x80  }
0xf3: {  	[sflag:s11] =	ssyncset.done $0x0  }
0xf4: {  	[sflag:s11] =	ssyncadd.s32 $0xFFFFFF80  }
0xf5: {  	_ =	swait.ge [sflag:s11], $0x80  }
0xf6: {  	s7 =	sand.u32 $0x7C00, s5;
	[sflag:s11] =	ssyncset.done $0x0  }
0xf7: {  	s31 =	sand.u32 $0x280, s5;
	s4 =	sadd.s32 s1, s7;
	[sflag:s11] =	ssyncadd.s32 $0xFFFFFF80  }
0xf8: {  	[tilespmem:s13], [sflag:$0x5] =	stream.indirect.gather [hbm4b:s21+s12], $0x80, s10, s12, $0xb8;
	[tilespmem:$0x18D00] =	vst v63  }
0xf9: {  	s4 =	sor.u32 s31, s4;
	_ =	swait.ge [sflag:s29], $0x2800  }
0xfa: {  	s4 =	sshrl.u32 s4, $0x3;
	[sflag:s29] =	ssyncset.done $0x0  }
0xfb: {  	s31 =	sadd.s32 s22, s4;
	[sflag:s29] =	ssyncadd.s32 $0xFFFFD800  }
0xfc: {  	[tilespmem:s9], [sflag:$0x2] =	stream.linear.gather [hbm4b:s31+s10], $0x80, $0x38;
	[tilespmem:$0x18D00] =	vst v63  }
.Ltmp3:
0xfd: {  	_ = 	snop;
	(pc) =	sbr.rel .LBB2_2-.Ltmp3, $4  }
0xfe: {  	s4 =	sadd.s32 s23, s4  }
0xff: {  	[tilespmem:s0], [sflag:$0x2] =	stream.linear.gather [hbm4b:s4+s10], $0x80, $0x38;
	[tilespmem:$0x18D00] =	vst v63  }
0x100: {  	s6 =	sadd.s32 $0x40, s6;
	s5 =	sadd.s32 $0x200, s5  }
0x101: {  	[spmem:s18] =	stream.indirect.scatter.add.f32 [tilespmem:s16], [sflag:$0x8], $0x80, s15, s12, $0xb8;
	[tilespmem:$0x18D00] =	vst v63  }
.LBB2_5:
0x102: {  	_ =	sfence.sel $0x180000  }
0x103: {  	[bflag:$0x0] =	sbarrier.arrive $0xFFFF  }
0x104: {  	_ =	strace $0x90000050  }
0x105: {  	s0 =	stileid.u32;
	[bflag:$0x2] =	sbarrier.arrive $0xFFFF  }
0x106: {  	p0 =	sne.s32 s0, $0x0;
	s0 =	rddreg [dreg:$0x3]  }
0x107: {  	s0 =	sadd.s32 @!p0 $0x100000, s0  }
0x108: {  	[sflag:s0] =	ssyncadd.tile.s32 @!p0 $0x1;
	_ =	shalt  }
.Lfunc_end2:
_tile_overlayer_lowered:
.L_overlay_start_2:
0x109: {  	(tag) =	ssettag $0x2  }
0x10a: {  	s0 =	rddreg [dreg:$0x0];
	s2 =	stileid.u32  }
0x10b: {  	s1 =	rddreg [dreg:$0x1];
	p0 =	sne.s32 s2, $0x0  }
0x10c: {  	s3 =	rddreg [dreg:$0x2];
	[bflag:$0x3] =	sbarrier.arrive $0xFFFF;
	s2 =	simm.s32 @!p0 $0x1C09  }
0x10d: {  	[timem:s3], [sflag:s2] =	dma.local @!p0 [hbm:s0], s1  }
0x10e: {  	s0 =	simm.s32 @!p0 $0x9  }
0x10f: {  	_ =	swait.ge @!p0 [sflag:s0], s1  }
0x110: {  	s1 =	ssub.s32 @!p0 $0x0, s1;
	[sflag:s0] =	ssyncset.done @!p0 $0x0  }
0x111: {  	[sflag:s0] =	ssyncadd.s32 @!p0 s1  }
0x112: {  	[bflag:$0x3] =	sbarrier.arrive $0xFFFF  }
0x113: {  	_ =	shalt  }

// kernel: kernel.24.cloned.1.call-start
scs
__scs_entry_jumppad:
0x0: {  	(pc) =	sbr.rel $0x88, $3  }
0x1: {  	(tag) =	ssettag $0x0;
	lr =	simm.s32 $0x1  }
0x2: {  	[smem:$0x3F95] =	sst lr;
	_ =	strace $0xD0000000  }
0x3: {  	_ = 	snop  }
0x4: {  	_ = 	snop  }
0x5: {  	_ = 	snop  }
0x6: {  	_ = 	snop  }
0x7: {  	_ = 	snop  }
__scs_overlays_trampoline_lowered:
0x8: {  	[smem:$0x3FA4] =	sst s0  }
0x9: {  	[smem:$0x3FA5] =	sst s1  }
0xa: {  	[smem:$0x3FA6] =	sst s2  }
0xb: {  	[smem:$0x3FA7] =	sst s3  }
0xc: {  	[smem:$0x3FA8] =	sst s4  }
0xd: {  	[smem:$0x3FA9] =	sst s5  }
0xe: {  	[smem:$0x3FAA] =	sst s6  }
0xf: {  	[smem:$0x3FAB] =	sst s7  }
0x10: {  	[smem:$0x3FAC] =	sst s8  }
0x11: {  	[smem:$0x3FAD] =	sst s9;
	s0 =	simm.s32 @!p0 $0x0  }
0x12: {  	s1 =	sld [smem:$0x3F93];
	s0 =	simm.s32 @p0 $0x1  }
0x13: {  	[smem:$0x3FAE] =	sst s0;
	s0 =	simm.s32 @!p1 $0x0  }
0x14: {  	s2 =	sld [smem:$0x3F92];
	s0 =	simm.s32 @p1 $0x1  }
0x15: {  	[smem:$0x3FAF] =	sst s0;
	s0 =	simm.s32 @!p2 $0x0  }
0x16: {  	s3 =	sld [smem:$0x3FDB];
	s0 =	simm.s32 @p2 $0x1  }
0x17: {  	s4 =	simm.s32 $0x1BF5;
	[smem:$0x3FB1] =	sst s0  }
0x18: {  	s0 =	sld [smem:$0x3F94];
	_ =	swait.ge [sflag:s4], $0x0  }
0x19: {  	s7 =	sld [smem:$0x3F95]  }
0x1a: {  	s8 =	sadd.s32 $0xFFFFE003, lr  }
0x1b: {  	s9 =	sadd.s32 $0xFFFFFEF7, lr;
	s5 =	simm.s32 $0xFFFFFFFF;
	p2 =	slt.u32 s8, $0xFFFFF086  }
0x1c: {  	p1 =	slt.u32 s9, $0xF7A;
	s5 =	simm.s32 @!p2 $0x0  }
0x1d: {  	s5 =	simm.s32 @p1 $0x1;
	p0 =	seq.s32 s7, s2  }
0x1e: {  	s7 =	smul.u32 @!p0 $0xF7A, s2;
	p2 =	seq.s32 @!p0 s5, $0x0  }
0x1f: {  	s9 =	smul.u32 $0xF7A, s1;
	s8 =	simm.s32 @!p0 $0x1BF5;
	p2 =	por !p2, p0  }
0x20: {  	[sflag:s8] =	ssyncset.s32 @!p0 $0xFFFFF086;
	s6 =	sadd.s32 @!p0 s3, s7;
	s7 =	simm.s32 @!p0 $0x108  }
0x21: {  	s3 =	sadd.s32 s3, s9;
	s6 =	sadd.s32 @!p0 $0x88, s6;
	s7 =	simm.s32 @p2 $0x1082  }
0x22: {  	[simem:s7], [sflag:s8] =	dma.local @!p0 [hbm:s6], $0xF7A  }
0x23: {  	s9 =	sor.u32 $0xD0000000, s2;
	s6 =	simm.s32 $0x108;
	_ =	swait.ge @!p0 [sflag:s8], $0x0  }
0x24: {  	s3 =	sadd.s32 $0x88, s3;
	s6 =	simm.s32 @!p1 $0x1082;
	[sflag:s4] =	ssyncset.s32 $0xFFFFF086  }
0x25: {  	[simem:s6], [sflag:s4] =	dma.local [hbm:s3], $0xF7A  }
0x26: {  	[smem:$0x3F95] =	sst s1;
	(tag) =	ssettag s2;
	_ =	strace s9  }
0x27: {  	s1 =	sld [smem:$0x3FA5]  }
0x28: {  	s2 =	sld [smem:$0x3FA6]  }
0x29: {  	s4 =	sld [smem:$0x3FA8]  }
0x2a: {  	p0 =	seq.s32 s5, $0x0;
	s5 =	sld [smem:$0x3FA9]  }
0x2b: {  	s6 =	sld [smem:$0x3FAA]  }
0x2c: {  	s7 =	sld [smem:$0x3FAB]  }
0x2d: {  	s3 =	simm.s32 $0x108;
	s8 =	sld [smem:$0x3FAC]  }
0x2e: {  	s3 =	simm.s32 @!p0 $0x1082;
	s9 =	sld [smem:$0x3FAD]  }
0x2f: {  	lr =	sadd.s32 s0, s3;
	s0 =	sld [smem:$0x3FA4]  }
0x30: {  	s3 =	sld [smem:$0x3FA7]  }
0x31: {  	[smem:$0x3FB0] =	sst s10  }
0x32: {  	s10 =	sld [smem:$0x3FAE];
	_ =	sdelay $0x3  }
0x33: {  	p0 =	seq.s32 s10, $0x1;
	s10 =	sld [smem:$0x3FB0];
	_ =	sdelay $0x3  }
0x34: {  	[smem:$0x3FB0] =	sst s10  }
0x35: {  	s10 =	sld [smem:$0x3FAF];
	_ =	sdelay $0x3  }
0x36: {  	p1 =	seq.s32 s10, $0x1;
	s10 =	sld [smem:$0x3FB0];
	_ =	sdelay $0x3  }
0x37: {  	[smem:$0x3FB0] =	sst s10  }
0x38: {  	s10 =	sld [smem:$0x3FB1]  }
0x39: {  	_ = 	snop;
	(pc) =	sbr.ind lr, $3  }
0x3a: {  	_ = 	snop  }
0x3b: {  	_ = 	snop  }
0x3c: {  	p2 =	seq.s32 s10, $0x1;
	s10 =	sld [smem:$0x3FB0]  }
0x3d: {  	_ =	shalt  }
0x3e: {  	_ =	shalt  }
0x3f: {  	_ =	shalt  }
0x40: {  	_ =	shalt  }
0x41: {  	_ =	shalt  }
0x42: {  	_ =	shalt  }
0x43: {  	_ =	shalt  }
0x44: {  	_ =	shalt  }
0x45: {  	_ =	shalt  }
0x46: {  	_ =	shalt  }
0x47: {  	_ =	shalt  }
0x48: {  	_ =	shalt  }
0x49: {  	_ =	shalt  }
0x4a: {  	_ =	shalt  }
0x4b: {  	_ =	shalt  }
0x4c: {  	_ =	shalt  }
0x4d: {  	_ =	shalt  }
0x4e: {  	_ =	shalt  }
0x4f: {  	_ =	shalt  }
0x50: {  	_ =	shalt  }
0x51: {  	_ =	shalt  }
0x52: {  	_ =	shalt  }
0x53: {  	_ =	shalt  }
0x54: {  	_ =	shalt  }
0x55: {  	_ =	shalt  }
0x56: {  	_ =	shalt  }
0x57: {  	_ =	shalt  }
0x58: {  	_ =	shalt  }
0x59: {  	_ =	shalt  }
0x5a: {  	_ =	shalt  }
0x5b: {  	_ =	shalt  }
0x5c: {  	_ =	shalt  }
0x5d: {  	_ =	shalt  }
0x5e: {  	_ =	shalt  }
0x5f: {  	_ =	shalt  }
0x60: {  	_ =	shalt  }
0x61: {  	_ =	shalt  }
0x62: {  	_ =	shalt  }
0x63: {  	_ =	shalt  }
0x64: {  	_ =	shalt  }
0x65: {  	_ =	shalt  }
0x66: {  	_ =	shalt  }
0x67: {  	_ =	shalt  }
0x68: {  	_ =	shalt  }
0x69: {  	_ =	shalt  }
0x6a: {  	_ =	shalt  }
0x6b: {  	_ =	shalt  }
0x6c: {  	_ =	shalt  }
0x6d: {  	_ =	shalt  }
0x6e: {  	_ =	shalt  }
0x6f: {  	_ =	shalt  }
0x70: {  	_ =	shalt  }
0x71: {  	_ =	shalt  }
0x72: {  	_ =	shalt  }
0x73: {  	_ =	shalt  }
0x74: {  	_ =	shalt  }
0x75: {  	_ =	shalt  }
0x76: {  	_ =	shalt  }
0x77: {  	_ =	shalt  }
0x78: {  	_ =	shalt  }
0x79: {  	_ =	shalt  }
0x7a: {  	_ =	shalt  }
0x7b: {  	_ =	shalt  }
0x7c: {  	_ =	shalt  }
0x7d: {  	_ =	shalt  }
0x7e: {  	_ =	shalt  }
0x7f: {  	_ =	shalt  }
0x80: {  	_ =	shalt  }
0x81: {  	_ =	shalt  }
0x82: {  	_ =	shalt  }
0x83: {  	_ =	shalt  }
0x84: {  	_ =	shalt  }
0x85: {  	_ =	shalt  }
0x86: {  	_ =	shalt  }
0x87: {  	_ =	shalt  }
.Lfunc_end0:
.L_simem_size_0:
called_computation.4_lowered:
.L_overlay_start_0:
0x88: {  	s2 =	sld [smem:$0x3FD9]  }
0x89: {  	s3 =	sld [smem:$0x3FFE];
	_ =	sdelay $0x1  }
0x8a: {  	s1 =	srdreg.scid  }
0x8b: {  	s0 =	sand.u32 $0x1, s1  }
0x8c: {  	s14 =	sshll.u32 s0, $0xA;
	s2 =	sadd.s32 s3, s2  }
0x8d: {  	s2 =	sadd.s32 s2, s14  }
0x8e: {  	[smem:$0x3FBC] =	sst s2  }
0x8f: {  	_ = 	snop  }
0x90: {  	s2 =	sld [smem:$0x3FD0];
	_ =	sdelay $0x2  }
0x91: {  	s15 =	simm.s32 $0xA;
	s4 =	simm.s32 $0x10  }
0x92: {  	[smem:s4], [sflag:s15] =	dma.local [hbm:s2], $0x1  }
0x93: {  	_ =	swait.eq [sflag:s15], $0x1  }
0x94: {  	[sflag:s15] =	ssyncset.done $0x0  }
0x95: {  	[sflag:s15] =	ssyncadd.s32 $0xFFFFFFFF  }
0x96: {  	s16 =	sld [smem:$0x10];
	(tm) =	ssettm $0x1  }
0x97: {  	s17 =	sld [smem:$0x3FFB];
	_ =	sdelay $0x3  }
0x98: {  	_ =	strace s17  }
0x99: {  	s3 =	sld [smem:$0x3FFC];
	_ =	sdelay $0x3  }
0x9a: {  	_ =	strace s3  }
0x9b: {  	s3 =	sld [smem:$0x3FFD];
	_ =	sdelay $0x3  }
0x9c: {  	_ =	strace s3  }
0x9d: {  	_ =	strace $0x8FFFFFFF  }
0x9e: {  	s18 =	sld [smem:$0x3FDB];
	_ =	sdelay $0x1  }
0x9f: {  	s19 =	simm.s32 $_scs_section_size  }
0xa0: {  	s5 =	simm.s32 $_size__tile_overlayer_lowered;
	s6 =	simm.s32 $_tile_overlayer_lowered  }
0xa1: {  	s22 =	simm.s32 $0x1BFF;
	s21 =	sshll.u32 s6, $0x1;
	s3 =	sadd.s32 s19, s18  }
0xa2: {  	s7 =	simm.s32 $0x0;
	s20 =	sshll.u32 s5, $0x1;
	s5 =	sadd.s32 s21, s3  }
0xa3: {  	[timem:s7], [sflag:s22] =	dma.local [hbm:s5], s20  }
0xa4: {  	_ =	swait.ge [sflag:s22], s20  }
0xa5: {  	s4 =	ssub.s32 $0x0, s20;
	[sflag:s22] =	ssyncset.done $0x0  }
0xa6: {  	[sflag:s22] =	ssyncadd.s32 s4;
	_ =	sdelay $0x1  }
0xa7: {  	s23 =	simm.s32 $0x1B8B  }
0xa8: {  	_ =	swait.ge [sflag:s23], $0x1  }
0xa9: {  	[sflag:s23] =	ssyncset.done $0x0  }
0xaa: {  	s25 =	simm.s32 $0x1B8E;
	s24 =	sld [smem:$0x3FFE];
	[sflag:s23] =	ssyncadd.s32 $0xFFFFFFFF  }
0xab: {  	s26 =	simm.s32 $execute0_lowered;
	[smem:$0x3FD2] =	sst s25  }
0xac: {  	s5 =	sshll.u32 s26, $0x1;
	_ =	strace $0x80000052;
	[dreg:$0x1] =	wrdreg $0xFFFFFFFF  }
0xad: {  	s28 =	simm.s32 $_size_execute0_lowered;
	s3 =	sadd.s32 s3, s5;
	[dreg:$0x0] =	wrdreg $0x0  }
0xae: {  	s5 =	sshll.u32 s28, $0x1;
	[dreg:$0x2] =	wrdreg s3  }
0xaf: {  	[dreg:$0x3] =	wrdreg s5  }
0xb0: {  	[dreg:$0x4] =	wrdreg $0xC0  }
0xb1: {  	_ =	task [dreg:s7], $0x5FFFF  }
0xb2: {  	[dreg:$0x1] =	wrdreg $0xFFFFFFFF  }
0xb3: {  	[dreg:$0x0] =	wrdreg $0x60  }
0xb4: {  	[dreg:$0x2] =	wrdreg s24  }
0xb5: {  	[dreg:$0x3] =	wrdreg s16  }
0xb6: {  	[dreg:$0x4] =	wrdreg $0x54000  }
0xb7: {  	[dreg:$0x5] =	wrdreg $0x9  }
0xb8: {  	_ =	task.clear_ibuf [dreg:s7], $0x6FFFF;
	_ =	strace $0x90000052  }
0xb9: {  	s29 =	simm.s32 $0x9;
	_ =	strace $0x80000054  }
0xba: {  	_ =	swait.ge [sflag:s29], $0x1  }
0xbb: {  	[sflag:s29] =	ssyncadd.s32 $0xFFFFFFFF  }
0xbc: {  	_ =	strace $0x90000054  }
0xbd: {  	_ =	sfence  }
0xbe: {  	s30 =	sld [smem:$0x0];
	_ =	sdelay $0x2  }
0xbf: {  	s31 =	sshll.u32 s1, $0xD;
	s1 =	sshrl.u32 s1, $0x2  }
0xc0: {  	s3 =	sand.u32 $0x4000, s31;
	s1 =	sadd.s32 s1, s30  }
0xc1: {  	s0 =	sor.u32 s3, s0;
	s1 =	sshll.u32 s1, $0x11  }
0xc2: {  	s0 =	sor.u32 s1, s0  }
0xc3: {  	s0 =	sadd.s32 $0x8F2B, s0  }
0xc4: {  	[sflag:s0] =	ssyncadd.remote.s32 $0x1  }
0xc5: {  	_ =	sfence.sel $0xFFFF  }
0xc6: {  	[dreg:$0x0] =	wrdreg $0xFFFFFFFF;
	(pc) =	sbr.abs _section_cstart, $3  }
0xc7: {  	[dreg:$0x1] =	wrdreg $0xFFFFFFFF  }
0xc8: {  	_ =	task.clear_ibuf [dreg:s7], $0x2FFFF;
	_ =	strace $0x9FFFFFFF  }
0xc9: {  	(tm) =	ssettm $0x7FFFFFFF  }
tec
execute0_lowered:
.L_overlay_start_1:
0x0: {  	(tag) =	ssettag $0x1  }
0x1: {  	s26 =	stileid.u32  }
0x2: {  	s0 =	srdreg.scid;
	s9 =	smul.u32 $0x500, s26  }
0x3: {  	s1 =	sand.u32 $0x1, s0;
	s21 =	smul.u32 $0x2800, s26  }
0x4: {  	s7 =	sor.u32 $0x10, s26;
	s8 =	smul.u32 $0x138800, s1  }
0x5: {  	s5 =	sor.u32 $0x20, s26;
	s10 =	smul.u32 $0x500, s7  }
0x6: {  	s6 =	sor.u32 $0x30, s26;
	s11 =	smul.u32 $0x500, s5  }
0x7: {  	s4 =	sor.u32 $0x40, s26;
	s12 =	smul.u32 $0x500, s6  }
0x8: {  	s3 =	sor.u32 $0x50, s26;
	s13 =	smul.u32 $0x500, s4  }
0x9: {  	s2 =	sor.u32 $0x60, s26;
	s14 =	smul.u32 $0x500, s3  }
0xa: {  	s17 =	rddreg [dreg:$0x1];
	s0 =	sor.u32 $0x70, s26;
	s16 =	smul.u32 $0x500, s2  }
0xb: {  	s28 =	simm.s32 $0x3;
	s29 =	simm.s32 $0x6;
	s19 =	smul.u32 $0x500, s0  }
0xc: {  	s30 =	simm.s32 $0x180;
	s20 =	sshll.u32 s26, $0xF;
	s25 =	smul.u32 $0x2800, s6  }
0xd: {  	s15 =	ssub.s32 $0x2, s1;
	s1 =	sshll.u32 s1, $0xE;
	s6 =	smul.u32 $0xA000, s6  }
0xe: {  	p0 =	sgt.u32 s0, $0x7C;
	s1 =	sor.u32 s1, s20;
	s20 =	smul.u32 $0x2800, s3  }
0xf: {  	s18 =	sshrl.u32 s15, $0x1;
	s9 =	sadd.s32 s17, s9;
	s3 =	smul.u32 $0xA000, s3  }
0x10: {  	s15 =	ssub.s32 s15, s18;
	s18 =	smul.u32 $0x2800, s7;
	[dreg:$0x4] =	wrdreg s9  }
0x11: {  	s22 =	sadd.s32 s17, s10;
	s9 =	smul.u32 $0x2800, s5;
	s23 =	sadd.s32 s17, s11  }
0x12: {  	s24 =	sadd.s32 s17, s12;
	s12 =	sadd.s32 s17, s13;
	[dreg:$0x5] =	wrdreg s22  }
0x13: {  	s13 =	sadd.s32 s17, s14;
	s14 =	smul.u32 $0x2800, s4;
	[dreg:$0x6] =	wrdreg s23  }
0x14: {  	s16 =	sadd.s32 s17, s16;
	s19 =	sadd.s32 s17, s19;
	[dreg:$0x7] =	wrdreg s24  }
0x15: {  	s21 =	sadd.s32 s8, s21;
	s7 =	smul.u32 $0xA000, s7;
	[dreg:$0x8] =	wrdreg s12  }
0x16: {  	s10 =	simm.s32 $0x0;
	s5 =	smul.u32 $0xA000, s5;
	[dreg:$0x9] =	wrdreg s13  }
0x17: {  	s4 =	smul.u32 $0xA000, s4;
	s6 =	sshrl.u32 s6, $0x2;
	[dreg:$0xa] =	wrdreg s16  }
0x18: {  	[dreg:$0xb] =	wrdreg s19;
	s23 =	smul.u32 $0x2800, s2;
	s24 =	sadd.s32 s8, s25  }
0x19: {  	s25 =	smul.u32 $0x2800, s0;
	s12 =	sadd.s32 s8, s20;
	s19 =	rddreg [dreg:$0x0]  }
0x1a: {  	[smem:$0x7FF] =	sst s10;
	s13 =	sshrl.u32 s21, $0x3;
	s2 =	smul.u32 $0xA000, s2  }
0x1b: {  	s0 =	smul.u32 $0xA000, s0;
	s3 =	sshrl.u32 s3, $0x2;
	s22 =	sadd.s32 s8, s18  }
0x1c: {  	s9 =	sadd.s32 s8, s9;
	s11 =	sadd.s32 s8, s14;
	s20 =	sadd.s32 $0x72400, s19  }
0x1d: {  	s21 =	sshrl.u32 s24, $0x3;
	s7 =	sshrl.u32 s7, $0x2;
	s5 =	sshrl.u32 s5, $0x2  }
0x1e: {  	s4 =	sshrl.u32 s4, $0x2;
	s16 =	sadd.s32 s8, s23;
	s8 =	sadd.s32 s8, s25  }
0x1f: {  	s13 =	sadd.s32 s20, s13;
	s18 =	sshrl.u32 s22, $0x3;
	s9 =	sshrl.u32 s9, $0x3  }
0x20: {  	s22 =	sshrl.u32 s11, $0x3;
	s23 =	sshrl.u32 s12, $0x3;
	s11 =	sshrl.u32 s1, $0x3  }
0x21: {  	s2 =	sshrl.u32 s2, $0x2;
	s0 =	sshrl.u32 s0, $0x2;
	[dreg:$0xc] =	wrdreg s13  }
0x22: {  	s13 =	sadd.s32 s20, s18;
	s9 =	sadd.s32 s20, s9;
	s18 =	rddreg [dreg:$0x2]  }
0x23: {  	s24 =	sadd.s32 s20, s23;
	s25 =	sshrl.u32 s16, $0x3;
	[dreg:$0xd] =	wrdreg s13  }
0x24: {  	s8 =	sshrl.u32 s8, $0x3;
	s23 =	sadd.s32 $0x52400, s19;
	[dreg:$0xe] =	wrdreg s9  }
0x25: {  	s12 =	sor.u32 $0x10, s11;
	s9 =	sadd.s32 s20, s21;
	[dreg:$0x11] =	wrdreg s24  }
0x26: {  	s8 =	sadd.s32 s20, s8;
	s21 =	sadd.s32 $0x3C00, s19;
	s13 =	smul.u32 $0xA000, s26  }
0x27: {  	s16 =	sadd.s32 s23, s12;
	s7 =	sadd.s32 s7, s18;
	[dreg:$0xf] =	wrdreg s9  }
0x28: {  	s5 =	sadd.s32 s5, s18;
	s9 =	sadd.s32 s20, s22;
	[dreg:$0x13] =	wrdreg s8  }
0x29: {  	s22 =	sadd.s32 $0x62400, s19;
	[dreg:$0x10] =	wrdreg s9;
	s9 =	sadd.s32 s20, s25  }
0x2a: {  	s4 =	sadd.s32 s4, s18;
	s14 =	sadd.s32 s22, s12;
	[dreg:$0x12] =	wrdreg s9  }
0x2b: {  	s3 =	sadd.s32 s3, s18;
	_ =	strace $0x80000053;
	[dreg:$0x14] =	wrdreg s14  }
0x2c: {  	s19 =	smax.u32 s15, $0x1;
	s17 =	sshrl.u32 s13, $0x2;
	[dreg:$0x15] =	wrdreg s16  }
0x2d: {  	s2 =	sadd.s32 s2, s18;
	s8 =	sadd.s32 s17, s18;
	[dreg:$0x16] =	wrdreg s19  }
0x2e: {  	s0 =	sadd.s32 s0, s18;
	s15 =	simm.s32 $0x380;
	[dreg:$0x17] =	wrdreg s8  }
0x2f: {  	s24 =	sadd.s32 s11, s22;
	s25 =	sadd.s32 s11, s23;
	[dreg:$0x19] =	wrdreg s7  }
0x30: {  	s20 =	sshll.u32 s26, $0x6;
	s26 =	sadd.s32 s6, s18;
	[dreg:$0x1a] =	wrdreg s5  }
0x31: {  	s6 =	simm.s32 $0x9;
	s11 =	simm.s32 $0x1;
	[dreg:$0x1b] =	wrdreg s26  }
0x32: {  	s12 =	simm.s32 $0x50;
	s13 =	simm.s32 $0x400;
	[dreg:$0x1c] =	wrdreg s4  }
0x33: {  	s31 =	sor.u32 $0x1C09, s20;
	s9 =	simm.s32 $0x80;
	[dreg:$0x1d] =	wrdreg s3  }
.Ltmp0:
0x34: {  	s17 =	simm.s32 $0x5;
	[dreg:$0x1e] =	wrdreg s2;
	(pc) =	sbr.rel .LBB2_1-.Ltmp0, $4  }
0x35: {  	s20 =	simm.s32 $0x300;
	[dreg:$0x1f] =	wrdreg s0;
	s8 =	simm.s32 $0x200  }
0x36: {  	s14 =	simm.s32 $0x2;
	s16 =	simm.s32 $0x2C00;
	s19 =	simm.s32 $0x100  }
0x37: {  	s26 =	simm.s32 $0x7;
	s0 =	simm.s32 $0x280;
	s2 =	simm.s32 $0x8  }
0x38: {  	s3 =	simm.s32 $0x4;
	s7 =	simm.s32 $0x0;
	[dreg:$0x18] =	wrdreg s31  }
.LBB2_4:
0x39: {  	[spmem:s18] =	stream.indirect.scatter.add.f32 [tilespmem:s13], [sflag:$0x7], $0x80, s20, s12, $0xb8;
	[tilespmem:$0x18D00] =	vst v63  }
0x3a: {  	_ =	swait.ge [sflag:s29], $0x2800  }
0x3b: {  	[sflag:s29] =	ssyncset.done $0x0  }
0x3c: {  	[sflag:s29] =	ssyncadd.s32 $0xFFFFD800  }
0x3d: {  	[spmem:s18] =	stream.indirect.scatter.add.f32 [tilespmem:s16], [sflag:$0x8], $0x80, s15, s12, $0xb8;
	[tilespmem:$0x18D00] =	vst v63  }
0x3e: {  	_ =	swait.ge [sflag:s26], $0x2800  }
0x3f: {  	[sflag:s26] =	ssyncset.done $0x0  }
0x40: {  	[sflag:s26] =	ssyncadd.s32 $0xFFFFD800  }
0x41: {  	_ =	swait.ge [sflag:s2], $0x2800  }
0x42: {  	[sflag:s2] =	ssyncset.done $0x0  }
0x43: {  	[sflag:s2] =	ssyncadd.s32 $0xFFFFD800  }
0x44: {  	[bflag:$0x0] =	sbarrier.arrive $0xFFFF  }
0x45: {  	s5 =	sld [smem:$0x7F6]  }
0x46: {  	s4 =	rddreg [dreg:$0xc]  }
0x47: {  	s6 =	simm.s32 $0x9;
	s31 =	rddreg [dreg:$0x18]  }
0x48: {  	[hbm:s4], [sflag:s31] =	dma.local [spmem:s5], $0x500  }
0x49: {  	_ =	swait.ge [sflag:s6], $0x500  }
0x4a: {  	s7 =	sld [smem:$0x7F7]  }
0x4b: {  	[sflag:s6] =	ssyncset.done $0x0  }
0x4c: {  	s5 =	rddreg [dreg:$0xd];
	[sflag:s6] =	ssyncadd.s32 $0xFFFFFB00  }
0x4d: {  	[hbm:s5], [sflag:s31] =	dma.local [spmem:s7], $0x500  }
0x4e: {  	_ =	swait.ge [sflag:s6], $0x500  }
0x4f: {  	s7 =	sld [smem:$0x7F8]  }
0x50: {  	[sflag:s6] =	ssyncset.done $0x0  }
0x51: {  	s5 =	rddreg [dreg:$0xe];
	[sflag:s6] =	ssyncadd.s32 $0xFFFFFB00  }
0x52: {  	[hbm:s5], [sflag:s31] =	dma.local [spmem:s7], $0x500  }
0x53: {  	_ =	swait.ge [sflag:s6], $0x500  }
0x54: {  	s7 =	sld [smem:$0x7F9]  }
0x55: {  	[sflag:s6] =	ssyncset.done $0x0  }
0x56: {  	s5 =	rddreg [dreg:$0xf];
	[sflag:s6] =	ssyncadd.s32 $0xFFFFFB00  }
0x57: {  	[hbm:s5], [sflag:s31] =	dma.local [spmem:s7], $0x500  }
0x58: {  	_ =	swait.ge [sflag:s6], $0x500  }
0x59: {  	s7 =	sld [smem:$0x7FA]  }
0x5a: {  	[sflag:s6] =	ssyncset.done $0x0  }
0x5b: {  	s5 =	rddreg [dreg:$0x10];
	[sflag:s6] =	ssyncadd.s32 $0xFFFFFB00  }
0x5c: {  	[hbm:s5], [sflag:s31] =	dma.local [spmem:s7], $0x500  }
0x5d: {  	_ =	swait.ge [sflag:s6], $0x500  }
0x5e: {  	s7 =	sld [smem:$0x7FB]  }
0x5f: {  	[sflag:s6] =	ssyncset.done $0x0  }
0x60: {  	s5 =	rddreg [dreg:$0x11];
	[sflag:s6] =	ssyncadd.s32 $0xFFFFFB00  }
0x61: {  	[hbm:s5], [sflag:s31] =	dma.local [spmem:s7], $0x500  }
0x62: {  	_ =	swait.ge [sflag:s6], $0x500  }
0x63: {  	s7 =	sld [smem:$0x7FC]  }
0x64: {  	[sflag:s6] =	ssyncset.done $0x0  }
0x65: {  	s5 =	rddreg [dreg:$0x12];
	[sflag:s6] =	ssyncadd.s32 $0xFFFFFB00  }
0x66: {  	[hbm:s5], [sflag:s31] =	dma.local [spmem:s7], $0x500  }
0x67: {  	_ =	swait.ge [sflag:s6], $0x500  }
0x68: {  	s5 =	sld [smem:$0x7FD]  }
0x69: {  	[sflag:s6] =	ssyncset.done $0x0  }
0x6a: {  	s4 =	rddreg [dreg:$0x13];
	[sflag:s6] =	ssyncadd.s32 $0xFFFFFB00  }
0x6b: {  	[hbm:s4], [sflag:s31] =	dma.local @!p0 [spmem:s5], $0x500  }
0x6c: {  	s4 =	simm.s32 @!p0 $0x9  }
0x6d: {  	_ =	swait.ge @!p0 [sflag:s4], $0x500  }
0x6e: {  	s7 =	sld [smem:$0x7F5];
	_ =	sdelay $0x2  }
0x6f: {  	s5 =	rddreg [dreg:$0x16];
	s7 =	sadd.s32 $0x1, s7  }
0x70: {  	p1 =	sne.s32 s7, s5  }
.Ltmp1:
0x71: {  	_ = 	snop;
	(pc) =	sbr.rel @!p1 .LBB2_5-.Ltmp1, $3  }
0x72: {  	_ =	sdelay $0x1  }
0x73: {  	[sflag:s4] =	ssyncset.done @!p0 $0x0  }
0x74: {  	[sflag:s4] =	ssyncadd.s32 @!p0 $0xFFFFFB00  }
.LBB2_1:
0x75: {  	[smem:$0x7F5] =	sst s7  }
0x76: {  	s4 =	rddreg [dreg:$0x17]  }
0x77: {  	s7 =	rddreg [dreg:$0x4];
	s5 =	sshrl.u32 s4, $0x3  }
0x78: {  	[smem:$0x7F6] =	sst s5  }
0x79: {  	[spmem:s5], [sflag:s31] =	dma.local [hbm:s7], $0x500  }
0x7a: {  	_ =	swait.ge [sflag:s6], $0x500  }
0x7b: {  	s7 =	rddreg [dreg:$0x19]  }
0x7c: {  	[sflag:s6] =	ssyncset.done $0x0;
	s4 =	sshrl.u32 s7, $0x3;
	s7 =	rddreg [dreg:$0x5]  }
0x7d: {  	[sflag:s6] =	ssyncadd.s32 $0xFFFFFB00;
	[smem:$0x7F7] =	sst s4  }
0x7e: {  	[spmem:s4], [sflag:s31] =	dma.local [hbm:s7], $0x500  }
0x7f: {  	_ =	swait.ge [sflag:s6], $0x500  }
0x80: {  	s7 =	rddreg [dreg:$0x1a]  }
0x81: {  	[sflag:s6] =	ssyncset.done $0x0;
	s4 =	sshrl.u32 s7, $0x3;
	s7 =	rddreg [dreg:$0x6]  }
0x82: {  	[sflag:s6] =	ssyncadd.s32 $0xFFFFFB00;
	[smem:$0x7F8] =	sst s4  }
0x83: {  	[spmem:s4], [sflag:s31] =	dma.local [hbm:s7], $0x500  }
0x84: {  	_ =	swait.ge [sflag:s6], $0x500  }
0x85: {  	s7 =	rddreg [dreg:$0x1b]  }
0x86: {  	[sflag:s6] =	ssyncset.done $0x0;
	s4 =	sshrl.u32 s7, $0x3;
	s7 =	rddreg [dreg:$0x7]  }
0x87: {  	[sflag:s6] =	ssyncadd.s32 $0xFFFFFB00;
	[smem:$0x7F9] =	sst s4  }
0x88: {  	[spmem:s4], [sflag:s31] =	dma.local [hbm:s7], $0x500  }
0x89: {  	_ =	swait.ge [sflag:s6], $0x500  }
0x8a: {  	s7 =	rddreg [dreg:$0x1c]  }
0x8b: {  	[sflag:s6] =	ssyncset.done $0x0;
	s4 =	sshrl.u32 s7, $0x3;
	s7 =	rddreg [dreg:$0x8]  }
0x8c: {  	[sflag:s6] =	ssyncadd.s32 $0xFFFFFB00;
	[smem:$0x7FA] =	sst s4  }
0x8d: {  	[spmem:s4], [sflag:s31] =	dma.local [hbm:s7], $0x500  }
0x8e: {  	_ =	swait.ge [sflag:s6], $0x500  }
0x8f: {  	s7 =	rddreg [dreg:$0x1d]  }
0x90: {  	[sflag:s6] =	ssyncset.done $0x0;
	s4 =	sshrl.u32 s7, $0x3;
	s7 =	rddreg [dreg:$0x9]  }
0x91: {  	[sflag:s6] =	ssyncadd.s32 $0xFFFFFB00;
	[smem:$0x7FB] =	sst s4  }
0x92: {  	[spmem:s4], [sflag:s31] =	dma.local [hbm:s7], $0x500  }
0x93: {  	_ =	swait.ge [sflag:s6], $0x500  }
0x94: {  	s7 =	rddreg [dreg:$0x1e]  }
0x95: {  	[sflag:s6] =	ssyncset.done $0x0;
	s4 =	sshrl.u32 s7, $0x3;
	s7 =	rddreg [dreg:$0xa]  }
0x96: {  	[sflag:s6] =	ssyncadd.s32 $0xFFFFFB00;
	[smem:$0x7FC] =	sst s4  }
0x97: {  	[spmem:s4], [sflag:s31] =	dma.local [hbm:s7], $0x500  }
0x98: {  	_ =	swait.ge [sflag:s6], $0x500  }
0x99: {  	s4 =	rddreg [dreg:$0x1f]  }
0x9a: {  	[sflag:s6] =	ssyncset.done $0x0;
	s5 =	sshrl.u32 @!p0 s4, $0x3;
	s4 =	rddreg [dreg:$0xb]  }
0x9b: {  	[sflag:s6] =	ssyncadd.s32 $0xFFFFFB00;
	[smem:$0x7FD] =	sst s5  }
0x9c: {  	[spmem:s5], [sflag:s31] =	dma.local @!p0 [hbm:s4], $0x500  }
0x9d: {  	s5 =	simm.s32 @!p0 $0x9  }
0x9e: {  	_ =	swait.ge @!p0 [sflag:s5], $0x500  }
0x9f: {  	[sflag:s5] =	ssyncset.done @!p0 $0x0  }
0xa0: {  	[sflag:s5] =	ssyncadd.s32 @!p0 $0xFFFFFB00  }
0xa1: {  	[bflag:$0x0] =	sbarrier.arrive $0xFFFF  }
0xa2: {  	[tilespmem:s10], [sflag:$0x1] =	stream.linear.gather [hbm4b:s24+s10], $0x80, $0x38;
	[tilespmem:$0x18D00] =	vst v63  }
0xa3: {  	_ = 	snop  }
0xa4: {  	[tilespmem:s8], [sflag:$0x1] =	stream.linear.gather [hbm4b:s25+s10], $0x80, $0x38;
	[tilespmem:$0x18D00] =	vst v63  }
0xa5: {  	s7 =	rddreg [dreg:$0x14]  }
0xa6: {  	[tilespmem:s9], [sflag:$0x2] =	stream.linear.gather [hbm4b:s7+s10], $0x80, $0x38;
	[tilespmem:$0x18D00] =	vst v63  }
0xa7: {  	s31 =	rddreg [dreg:$0x15]  }
0xa8: {  	[tilespmem:s0], [sflag:$0x2] =	stream.linear.gather [hbm4b:s31+s10], $0x80, $0x38;
	[tilespmem:$0x18D00] =	vst v63  }
0xa9: {  	_ =	swait.ge [sflag:s11], $0x80  }
0xaa: {  	[sflag:s11] =	ssyncset.done $0x0  }
0xab: {  	[sflag:s11] =	ssyncadd.s32 $0xFFFFFF80  }
0xac: {  	_ =	swait.ge [sflag:s11], $0x80  }
0xad: {  	[sflag:s11] =	ssyncset.done $0x0  }
0xae: {  	s6 =	simm.s32 $0x0;
	s5 =	simm.s32 $0x280;
	[sflag:s11] =	ssyncadd.s32 $0xFFFFFF80  }
0xaf: {  	[tilespmem:s13], [sflag:$0x5] =	stream.indirect.gather [hbm4b:s21+s12], $0x80, s10, s12, $0xb8;
	[tilespmem:$0x18D00] =	vst v63  }
.LBB2_2:
0xb0: {  	p1 =	seq.s32 s6, $0x0  }
0xb1: {  	s4 =	simm.s32 @!p1 $0x8  }
0xb2: {  	_ =	swait.ge @!p1 [sflag:s4], $0x2800  }
0xb3: {  	[sflag:s4] =	ssyncset.done @!p1 $0x0  }
0xb4: {  	[sflag:s4] =	ssyncadd.s32 @!p1 $0xFFFFD800  }
0xb5: {  	_ =	swait.ge [sflag:s14], $0x80  }
0xb6: {  	[sflag:s14] =	ssyncset.done $0x0  }
0xb7: {  	[sflag:s14] =	ssyncadd.s32 $0xFFFFFF80  }
0xb8: {  	_ =	swait.ge [sflag:s14], $0x80  }
0xb9: {  	[sflag:s14] =	ssyncset.done $0x0  }
0xba: {  	[sflag:s14] =	ssyncadd.s32 $0xFFFFFF80  }
0xbb: {  	[tilespmem:s16], [sflag:$0x6] =	stream.indirect.gather [hbm4b:s21+s12], $0x80, s9, s12, $0xb8;
	[tilespmem:$0x18D00] =	vst v63  }
0xbc: {  	_ =	swait.ge [sflag:s17], $0x2800  }
0xbd: {  	s4 =	sadd.s32 s6, s24;
	[sflag:s17] =	ssyncset.done $0x0  }
0xbe: {  	s31 =	sadd.s32 $0x20, s4;
	[sflag:s17] =	ssyncadd.s32 $0xFFFFD800  }
0xbf: {  	[tilespmem:s19], [sflag:$0x3] =	stream.linear.gather [hbm4b:s31+s10], $0x80, $0x38;
	[tilespmem:$0x18D00] =	vst v63  }
0xc0: {  	s31 =	sadd.s32 s6, s25  }
0xc1: {  	s7 =	sadd.s32 $0x20, s31  }
0xc2: {  	[tilespmem:s20], [sflag:$0x3] =	stream.linear.gather [hbm4b:s7+s10], $0x80, $0x38;
	[tilespmem:$0x18D00] =	vst v63  }
0xc3: {  	_ = 	snop  }
0xc4: {  	[spmem:s18] =	stream.indirect.scatter.add.f32 [tilespmem:s13], [sflag:$0x7], $0x80, s8, s12, $0xb8;
	[tilespmem:$0x18D00] =	vst v63  }
0xc5: {  	_ =	swait.ge [sflag:s26], $0x2800  }
0xc6: {  	[sflag:s26] =	ssyncset.done $0x0  }
0xc7: {  	[sflag:s26] =	ssyncadd.s32 $0xFFFFD800  }
0xc8: {  	_ =	swait.ge [sflag:s28], $0x80  }
0xc9: {  	[sflag:s28] =	ssyncset.done $0x0  }
0xca: {  	[sflag:s28] =	ssyncadd.s32 $0xFFFFFF80  }
0xcb: {  	_ =	swait.ge [sflag:s28], $0x80  }
0xcc: {  	[sflag:s28] =	ssyncset.done $0x0  }
0xcd: {  	[sflag:s28] =	ssyncadd.s32 $0xFFFFFF80  }
0xce: {  	[tilespmem:s13], [sflag:$0x5] =	stream.indirect.gather [hbm4b:s21+s12], $0x80, s19, s12, $0xb8;
	[tilespmem:$0x18D00] =	vst v63  }
0xcf: {  	_ =	swait.ge [sflag:s29], $0x2800  }
0xd0: {  	[sflag:s29] =	ssyncset.done $0x0  }
0xd1: {  	s4 =	sadd.s32 $0x30, s4;
	[sflag:s29] =	ssyncadd.s32 $0xFFFFD800  }
0xd2: {  	[tilespmem:s30], [sflag:$0x4] =	stream.linear.gather [hbm4b:s4+s10], $0x80, $0x38;
	[tilespmem:$0x18D00] =	vst v63  }
0xd3: {  	s31 =	sadd.s32 $0x30, s31  }
0xd4: {  	[tilespmem:s15], [sflag:$0x4] =	stream.linear.gather [hbm4b:s31+s10], $0x80, $0x38;
	[tilespmem:$0x18D00] =	vst v63  }
0xd5: {  	_ = 	snop  }
0xd6: {  	[spmem:s18] =	stream.indirect.scatter.add.f32 [tilespmem:s16], [sflag:$0x8], $0x80, s0, s12, $0xb8;
	[tilespmem:$0x18D00] =	vst v63  }
0xd7: {  	_ =	swait.ge [sflag:s2], $0x2800  }
0xd8: {  	[sflag:s2] =	ssyncset.done $0x0  }
0xd9: {  	[sflag:s2] =	ssyncadd.s32 $0xFFFFD800  }
0xda: {  	_ =	swait.ge [sflag:s3], $0x80  }
0xdb: {  	[sflag:s3] =	ssyncset.done $0x0  }
0xdc: {  	[sflag:s3] =	ssyncadd.s32 $0xFFFFFF80  }
0xdd: {  	_ =	swait.ge [sflag:s3], $0x80  }
0xde: {  	p1 =	seq.s32 s6, $0x7C0;
	[sflag:s3] =	ssyncset.done $0x0  }
.Ltmp2:
0xdf: {  	[sflag:s3] =	ssyncadd.s32 $0xFFFFFF80;
	(pc) =	sbr.rel @p1 .LBB2_4-.Ltmp2, $4  }
0xe0: {  	[tilespmem:s16], [sflag:$0x6] =	stream.indirect.gather [hbm4b:s21+s12], $0x80, s30, s12, $0xb8;
	[tilespmem:$0x18D00] =	vst v63  }
0xe1: {  	_ =	swait.ge [sflag:s17], $0x2800  }
0xe2: {  	[sflag:s17] =	ssyncset.done $0x0  }
0xe3: {  	[sflag:s17] =	ssyncadd.s32 $0xFFFFD800  }
0xe4: {  	s4 =	sadd.s32 $0xFFFFFF80, s5  }
0xe5: {  	s7 =	sand.u32 $0x7C00, s4  }
0xe6: {  	s4 =	sand.u32 $0x200, s4;
	s7 =	sadd.s32 s1, s7  }
0xe7: {  	s4 =	sor.u32 s4, s7  }
0xe8: {  	s4 =	sshrl.u32 s4, $0x3  }
0xe9: {  	s31 =	sadd.s32 s22, s4  }
0xea: {  	[tilespmem:s10], [sflag:$0x1] =	stream.linear.gather [hbm4b:s31+s10], $0x80, $0x38;
	[tilespmem:$0x18D00] =	vst v63  }
0xeb: {  	s4 =	sadd.s32 s23, s4  }
0xec: {  	[tilespmem:s8], [sflag:$0x1] =	stream.linear.gather [hbm4b:s4+s10], $0x80, $0x38;
	[tilespmem:$0x18D00] =	vst v63  }
0xed: {  	_ = 	snop  }
0xee: {  	[spmem:s18] =	stream.indirect.scatter.add.f32 [tilespmem:s13], [sflag:$0x7], $0x80, s20, s12, $0xb8;
	[tilespmem:$0x18D00] =	vst v63  }
0xef: {  	_ =	swait.ge [sflag:s26], $0x2800  }
0xf0: {  	[sflag:s26] =	ssyncset.done $0x0  }
0xf1: {  	[sflag:s26] =	ssyncadd.s32 $0xFFFFD800  }
0xf2: {  	_ =	swait.ge [sflag:s11], $0x80  }
0xf3: {  	[sflag:s11] =	ssyncset.done $0x0  }
0xf4: {  	[sflag:s11] =	ssyncadd.s32 $0xFFFFFF80  }
0xf5: {  	_ =	swait.ge [sflag:s11], $0x80  }
0xf6: {  	s7 =	sand.u32 $0x7C00, s5;
	[sflag:s11] =	ssyncset.done $0x0  }
0xf7: {  	s31 =	sand.u32 $0x280, s5;
	s4 =	sadd.s32 s1, s7;
	[sflag:s11] =	ssyncadd.s32 $0xFFFFFF80  }
0xf8: {  	[tilespmem:s13], [sflag:$0x5] =	stream.indirect.gather [hbm4b:s21+s12], $0x80, s10, s12, $0xb8;
	[tilespmem:$0x18D00] =	vst v63  }
0xf9: {  	s4 =	sor.u32 s31, s4;
	_ =	swait.ge [sflag:s29], $0x2800  }
0xfa: {  	s4 =	sshrl.u32 s4, $0x3;
	[sflag:s29] =	ssyncset.done $0x0  }
0xfb: {  	s31 =	sadd.s32 s22, s4;
	[sflag:s29] =	ssyncadd.s32 $0xFFFFD800  }
0xfc: {  	[tilespmem:s9], [sflag:$0x2] =	stream.linear.gather [hbm4b:s31+s10], $0x80, $0x38;
	[tilespmem:$0x18D00] =	vst v63  }
.Ltmp3:
0xfd: {  	_ = 	snop;
	(pc) =	sbr.rel .LBB2_2-.Ltmp3, $4  }
0xfe: {  	s4 =	sadd.s32 s23, s4  }
0xff: {  	[tilespmem:s0], [sflag:$0x2] =	stream.linear.gather [hbm4b:s4+s10], $0x80, $0x38;
	[tilespmem:$0x18D00] =	vst v63  }
0x100: {  	s6 =	sadd.s32 $0x40, s6;
	s5 =	sadd.s32 $0x200, s5  }
0x101: {  	[spmem:s18] =	stream.indirect.scatter.add.f32 [tilespmem:s16], [sflag:$0x8], $0x80, s15, s12, $0xb8;
	[tilespmem:$0x18D00] =	vst v63  }
.LBB2_5:
0x102: {  	_ =	sfence.sel $0x180000  }
0x103: {  	[bflag:$0x0] =	sbarrier.arrive $0xFFFF  }
0x104: {  	_ =	strace $0x90000053  }
0x105: {  	s0 =	stileid.u32;
	[bflag:$0x2] =	sbarrier.arrive $0xFFFF  }
0x106: {  	p0 =	sne.s32 s0, $0x0;
	s0 =	rddreg [dreg:$0x3]  }
0x107: {  	s0 =	sadd.s32 @!p0 $0x100000, s0  }
0x108: {  	[sflag:s0] =	ssyncadd.tile.s32 @!p0 $0x1;
	_ =	shalt  }
.Lfunc_end2:
_tile_overlayer_lowered:
.L_overlay_start_2:
0x109: {  	(tag) =	ssettag $0x2  }
0x10a: {  	s0 =	rddreg [dreg:$0x0];
	s2 =	stileid.u32  }
0x10b: {  	s1 =	rddreg [dreg:$0x1];
	p0 =	sne.s32 s2, $0x0  }
0x10c: {  	s3 =	rddreg [dreg:$0x2];
	[bflag:$0x3] =	sbarrier.arrive $0xFFFF;
	s2 =	simm.s32 @!p0 $0x1C09  }
0x10d: {  	[timem:s3], [sflag:s2] =	dma.local @!p0 [hbm:s0], s1  }
0x10e: {  	s0 =	simm.s32 @!p0 $0x9  }
0x10f: {  	_ =	swait.ge @!p0 [sflag:s0], s1  }
0x110: {  	s1 =	ssub.s32 @!p0 $0x0, s1;
	[sflag:s0] =	ssyncset.done @!p0 $0x0  }
0x111: {  	[sflag:s0] =	ssyncadd.s32 @!p0 s1  }
0x112: {  	[bflag:$0x3] =	sbarrier.arrive $0xFFFF  }
0x113: {  	_ =	shalt  }

</sc_bundles>
